<compile_context>
chip_gen: v7x
topology: tpu7x:2x2x1
jax: 0.10.2.dev20260603
libtpu: 0.0.44.dev20260713+nightly
codegen_flags: <defaults>
</compile_context>

<pallas_src>
import functools

import jax
import jax.numpy as jnp
from jax import lax
from jax.experimental import pallas as pl
from jax.experimental.pallas import tpu as pltpu
from jax.experimental.pallas import tpu_sc as plsc

N = 10000
E = 320000
D = 128
EPS = 1e-5

NC = 2
NS = 16
NW = NC * NS
EW = E // NW
C = 100
NCHUNK = EW // C
NP = 10240
RPT = NP // NS
RZ = 80
NRW = RPT // RZ
WZ = 128
NWB = RPT // WZ


def _sc_agg_body(x_hbm, e2_hbm, out_hbm,
                 idx0_v, idx1_v, idx2_v, idx3_v, idx4_v, idx5_v,
                 rows0_v, rows1_v, rows2_v, acc_sh, *sems):
    idx = ((idx0_v, idx1_v), (idx2_v, idx3_v), (idx4_v, idx5_v))
    rows = (rows0_v, rows1_v, rows2_v)
    gsem = sems[0:3]
    ssem = sems[3:6]
    isem = ((sems[6], sems[7]), (sems[8], sems[9]), (sems[10], sems[11]))
    c = lax.axis_index("c")
    s = lax.axis_index("s")
    wid = s * NC + c
    cbase = wid * NCHUNK

    def zfill(i, carry):
        rows0_v[i // 8, pl.ds((i % 8) * 16, 16)] = jnp.zeros((16,), jnp.float32)
        return carry

    lax.fori_loop(0, RZ * 8, zfill, 0)
    for k in range(NRW):
        pltpu.sync_copy(rows0_v.at[pl.ds(0, RZ)],
                        acc_sh.at[pl.ds(s * RPT + k * RZ, RZ)])

    def idxload(t, S, k):
        pltpu.async_copy(e2_hbm.at[cbase + t], idx[S][k], isem[S][k])

    def iwait(S, k):
        pltpu.make_async_copy(e2_hbm.at[cbase], idx[S][k], isem[S][k]).wait()

    def gather(t, S, k):
        del t
        pltpu.async_copy(x_hbm.at[idx[S][k].at[0]], rows[S], gsem[S])

    def gwait(S):
        pltpu.make_async_copy(x_hbm.at[idx[S][0].at[0]], rows[S], gsem[S]).wait()

    def scatter(t, S, k):
        del t
        pltpu.async_copy(rows[S], acc_sh.at[idx[S][k].at[1]], ssem[S], add=True)

    def swait(S):
        pltpu.make_async_copy(rows[S], acc_sh.at[idx[S][0].at[1]], ssem[S]).wait()

    def step(t, u, a, b_, f):
        S = u % 3
        k = (u // 3) % 2
        if a:
            swait(S)
        if b_:
            ub = (u + 2) % 6
            idxload(t + 2, ub % 3, (ub // 3) % 2)
        iwait(S, k)
        gather(t, S, k)
        if f:
            uo = (u + 5) % 6
            gwait(uo % 3)
            scatter(t - 1, uo % 3, (uo // 3) % 2)

    for j in range(6):
        idxload(j, j % 3, j // 3)
    plsc.subcore_barrier()

    step(0, 0, False, False, False)
    step(1, 1, False, False, True)
    step(2, 2, False, False, True)
    step(3, 3, True, False, True)
    step(4, 4, True, True, True)
    step(5, 5, True, True, True)

    def grp(g, carry):
        for u in range(6):
            t = 6 + g * 6 + u
            step(t, u, True, True, True)
        return carry

    NMAIN = ((NCHUNK - 6 - 4) // 6) * 6
    lax.fori_loop(0, NMAIN // 6, grp, 0)
    for t in range(6 + NMAIN, NCHUNK):
        step(t, t % 6, True, t + 2 < NCHUNK, True)
    uL = (NCHUNK - 1) % 6
    gwait(uL % 3)
    scatter(NCHUNK - 1, uL % 3, (uL // 3) % 2)
    for S in range(3):
        swait(S)
    plsc.subcore_barrier()

    for k in range(NWB):
        r = s * RPT + k * WZ
        pltpu.sync_copy(acc_sh.at[pl.ds(r, WZ)], out_hbm.at[pl.ds(c * NP + r, WZ)])


@functools.lru_cache(maxsize=None)
def _get_sc_agg():
    return pl.kernel(
        _sc_agg_body,
        mesh=plsc.VectorSubcoreMesh(core_axis_name="c", subcore_axis_name="s"),
        out_type=jax.ShapeDtypeStruct((2 * NP, D), jnp.float32),
        scratch_types=[
            pltpu.VMEM((2, C), jnp.int32),
            pltpu.VMEM((2, C), jnp.int32),
            pltpu.VMEM((2, C), jnp.int32),
            pltpu.VMEM((2, C), jnp.int32),
            pltpu.VMEM((2, C), jnp.int32),
            pltpu.VMEM((2, C), jnp.int32),
            pltpu.VMEM((C, D), jnp.float32),
            pltpu.VMEM((C, D), jnp.float32),
            pltpu.VMEM((C, D), jnp.float32),
            pltpu.VMEM_SHARED((NP, D), jnp.float32),
        ] + [pltpu.SemaphoreType.DMA] * 12,
    )


def _tc_layer_body(p_ref, W_ref, b_ref, g_ref, be_ref, o_ref):
    a = p_ref[:N, :] + p_ref[NP:NP + N, :]
    y = jnp.dot(a, W_ref[...], preferred_element_type=jnp.float32,
                precision=lax.Precision.HIGHEST) + b_ref[...]
    mu = jnp.mean(y, axis=0, keepdims=True)
    d = y - mu
    var = jnp.mean(d * d, axis=0, keepdims=True)
    yn = d * lax.rsqrt(var + EPS) * g_ref[...] + be_ref[...]
    o_ref[...] = jnp.maximum(yn, 0.0)


def _tc_layer(parts, W, b, g, be):
    return pl.pallas_call(
        _tc_layer_body,
        out_shape=jax.ShapeDtypeStruct((N, D), jnp.float32),
    )(parts, W, b.reshape(1, D), g.reshape(1, D), be.reshape(1, D))


def kernel(x, edge_index, W1, b1, g1, be1, W2, b2, g2, be2):
    ei = edge_index.astype(jnp.int32)
    e2 = jnp.stack([ei[0].reshape(NW * NCHUNK, C),
                    ei[1].reshape(NW * NCHUNK, C)], axis=1)
    sc_agg = _get_sc_agg()
    p1 = sc_agg(x, e2)
    h1 = _tc_layer(p1, W1, b1, g1, be1)
    p2 = sc_agg(h1, e2)
    return _tc_layer(p2, W2, b2, g2, be2)

# --- scband reference (transcript-rebuilt; emitter-appended) ---
"""Pipeline reference for scband-convolution-layers-46273977647516 (READ-ONLY COPY).

The authoritative reference and input builder live on the scoring server;
editing this copy changes nothing except your own understanding.
"""

import jax, jax.numpy as jnp
import numpy as np

N = 10000
E = 320000
D = 128
EPS = 1e-5


def setup_inputs(seed: int = 0) -> dict:
    key = jax.random.key(seed)
    ks = jax.random.split(key, 12)
    x = jax.random.normal(ks[0], (N, D), dtype=jnp.float32)
    edge_index = jax.random.randint(ks[1], (2, E), 0, N, dtype=jnp.int64)
    # GCNConv layer 1 params (weight stored [in, out]), bias
    W1 = jax.random.normal(ks[2], (D, D), dtype=jnp.float32) * (1.0 / np.sqrt(D))
    b1 = jnp.zeros((D,), dtype=jnp.float32)
    # BatchNorm1d layer 1 params
    g1 = jnp.ones((D,), dtype=jnp.float32)
    be1 = jnp.zeros((D,), dtype=jnp.float32)
    # GCNConv layer 2
    W2 = jax.random.normal(ks[3], (D, D), dtype=jnp.float32) * (1.0 / np.sqrt(D))
    b2 = jnp.zeros((D,), dtype=jnp.float32)
    g2 = jnp.ones((D,), dtype=jnp.float32)
    be2 = jnp.zeros((D,), dtype=jnp.float32)
    return {"x": x, "edge_index": edge_index, "W1": W1, "b1": b1, "g1": g1,
            "be1": be1, "W2": W2, "b2": b2, "g2": g2, "be2": be2}


def _gcn_conv(x, edge_index, W, b):
    # PyG GCNConv with normalize=False: linear transform then sum-aggregate over edges
    h = x @ W
    src = edge_index[0]
    dst = edge_index[1]
    msgs = jnp.take(h, src, axis=0)
    agg = jnp.zeros_like(h).at[dst].add(msgs)
    return agg + b


def _batch_norm(x, gamma, beta):
    # BatchNorm1d in training mode: batch statistics over node dimension
    mean = jnp.mean(x, axis=0)
    var = jnp.var(x, axis=0)
    return (x - mean) / jnp.sqrt(var + EPS) * gamma + beta


def reference(x, edge_index, W1, b1, g1, be1, W2, b2, g2, be2):
    # layer 1: conv -> batch_norm -> act -> dropout(p=0.0, identity)
    h = _gcn_conv(x, edge_index, W1, b1)
    h = _batch_norm(h, g1, be1)
    h = jax.nn.relu(h)
    # layer 2
    h = _gcn_conv(h, edge_index, W2, b2)
    h = _batch_norm(h, g2, be2)
    h = jax.nn.relu(h)
    return h

if __name__ == "__main__":
    import jax
    _d = setup_inputs()
    print(jax.jit(kernel)(*tuple(_d.values())))

</pallas_src>

<mosaic_0001>
#map = affine_map<(d0, d1) -> (0, 0)>
#map1 = affine_map<(d0, d1) -> (0, 0, 0)>
module attributes {stable_mosaic.version = 14 : i64} {
  func.func @_sc_agg_body(%arg0: i32, %arg1: i32, %arg2: memref<10000x128xf32, #tpu.memory_space<hbm>>, %arg3: memref<3200x2x100xi32, #tpu.memory_space<hbm>>, %arg4: memref<20480x128xf32, #tpu.memory_space<hbm>>, %arg5: memref<2x100xi32, #tpu.memory_space<vmem>>, %arg6: memref<2x100xi32, #tpu.memory_space<vmem>>, %arg7: memref<2x100xi32, #tpu.memory_space<vmem>>, %arg8: memref<2x100xi32, #tpu.memory_space<vmem>>, %arg9: memref<2x100xi32, #tpu.memory_space<vmem>>, %arg10: memref<2x100xi32, #tpu.memory_space<vmem>>, %arg11: memref<100x128xf32, #tpu.memory_space<vmem>>, %arg12: memref<100x128xf32, #tpu.memory_space<vmem>>, %arg13: memref<100x128xf32, #tpu.memory_space<vmem>>, %arg14: memref<10240x128xf32, #tpu.memory_space<vmem_shared>>, %arg15: memref<!tpu.dma_semaphore, #tpu.memory_space<semaphore_mem>>, %arg16: memref<!tpu.dma_semaphore, #tpu.memory_space<semaphore_mem>>, %arg17: memref<!tpu.dma_semaphore, #tpu.memory_space<semaphore_mem>>, %arg18: memref<!tpu.dma_semaphore, #tpu.memory_space<semaphore_mem>>, %arg19: memref<!tpu.dma_semaphore, #tpu.memory_space<semaphore_mem>>, %arg20: memref<!tpu.dma_semaphore, #tpu.memory_space<semaphore_mem>>, %arg21: memref<!tpu.dma_semaphore, #tpu.memory_space<semaphore_mem>>, %arg22: memref<!tpu.dma_semaphore, #tpu.memory_space<semaphore_mem>>, %arg23: memref<!tpu.dma_semaphore, #tpu.memory_space<semaphore_mem>>, %arg24: memref<!tpu.dma_semaphore, #tpu.memory_space<semaphore_mem>>, %arg25: memref<!tpu.dma_semaphore, #tpu.memory_space<semaphore_mem>>, %arg26: memref<!tpu.dma_semaphore, #tpu.memory_space<semaphore_mem>>) attributes {dimension_semantics = [#tpu.dimension_semantics<core_parallel>, #tpu.dimension_semantics<subcore_parallel>], iteration_bounds = array<i64: 2, 16>, scalar_prefetch = 0 : i64, scratch_operands = 22 : i64, tpu.core_type = #tpu.core_type<sc_vector_subcore>, window_params = [{transform_indices = #map}, {transform_indices = #map1}, {transform_indices = #map}]} {
    %mul3A = arith.constant 2 : i32
    %mul3A_0 = arith.muli %arg1, %mul3A : i32
    %add3A = arith.addi %mul3A_0, %arg0 : i32
    %mul3A_1 = arith.constant 100 : i32
    %mul3A_2 = arith.muli %add3A, %mul3A_1 : i32
    %scan3A = arith.constant 0 : i32
    %scan3A_3 = arith.constant 0 : i32
    %scan3A_4 = arith.constant 640 : i32
    %scan3A_5 = arith.addi %scan3A_3, %scan3A_4 : i32
    %scan3A_6 = arith.constant 1 : i32
    scf.for %scan3A_540 = %scan3A_3 to %scan3A_5 step %scan3A_6  : i32 {
      %broadcast_in_dim3A = arith.constant 0.000000e+00 : f32
      %broadcast_in_dim3A_541 = vector.broadcast %broadcast_in_dim3A : f32 to vector<16xf32>
      %jit3A = arith.constant 8 : i32
      %div3A = arith.divsi %scan3A_540, %jit3A : i32
      %sign3A = arith.constant 0 : i32
      %sign3A_542 = arith.cmpi sgt, %scan3A_540, %sign3A : i32
      %sign3A_543 = arith.extui %sign3A_542 : i1 to i32
      %sign3A_544 = arith.constant 0 : i32
      %sign3A_545 = arith.cmpi slt, %scan3A_540, %sign3A_544 : i32
      %sign3A_546 = arith.extui %sign3A_545 : i1 to i32
      %sign3A_547 = arith.subi %sign3A_543, %sign3A_546 : i32
      %sign3A_548 = arith.constant 0 : i32
      %sign3A_549 = arith.cmpi sgt, %jit3A, %sign3A_548 : i32
      %sign3A_550 = arith.extui %sign3A_549 : i1 to i32
      %sign3A_551 = arith.constant 0 : i32
      %sign3A_552 = arith.cmpi slt, %jit3A, %sign3A_551 : i32
      %sign3A_553 = arith.extui %sign3A_552 : i1 to i32
      %sign3A_554 = arith.subi %sign3A_550, %sign3A_553 : i32
      %ne3A = arith.cmpi ne, %sign3A_547, %sign3A_554 : i32
      %rem3A = arith.remsi %scan3A_540, %jit3A : i32
      %ne3A_555 = arith.constant 0 : i32
      %ne3A_556 = arith.cmpi ne, %rem3A, %ne3A_555 : i32
      %and3A = arith.andi %ne3A, %ne3A_556 : i1
      %sub3A = arith.constant 1 : i32
      %sub3A_557 = arith.subi %div3A, %sub3A : i32
      %select_n3A = arith.select %and3A, %sub3A_557, %div3A : i32
      %jit3A_558 = arith.constant 8 : i32
      %eq3A = arith.constant 0 : i32
      %eq3A_559 = arith.cmpi eq, %jit3A_558, %eq3A : i32
      %jit3A_560 = arith.constant 1 : i32
      %select_n3A_561 = arith.select %eq3A_559, %jit3A_560, %jit3A_558 : i32
      %rem3A_562 = arith.remsi %scan3A_540, %select_n3A_561 : i32
      %ne3A_563 = arith.constant 0 : i32
      %ne3A_564 = arith.cmpi ne, %rem3A_562, %ne3A_563 : i32
      %lt3A = arith.constant 0 : i32
      %lt3A_565 = arith.cmpi slt, %rem3A_562, %lt3A : i32
      %lt3A_566 = arith.constant 0 : i32
      %lt3A_567 = arith.cmpi slt, %select_n3A_561, %lt3A_566 : i32
      %ne3A_568 = arith.xori %lt3A_565, %lt3A_567 : i1
      %and3A_569 = arith.andi %ne3A_568, %ne3A_564 : i1
      %add3A_570 = arith.addi %rem3A_562, %select_n3A_561 : i32
      %select_n3A_571 = arith.select %and3A_569, %add3A_570, %rem3A_562 : i32
      %mul3A_572 = arith.constant 16 : i32
      %mul3A_573 = arith.muli %select_n3A_571, %mul3A_572 : i32
      %swap3A = arith.index_cast %select_n3A : i32 to index
      %swap3A_574 = arith.index_cast %mul3A_573 : i32 to index
      %swap3A_575 = tpu.vector_load %arg11[%swap3A, %swap3A_574] {strides = array<i32>} : memref<100x128xf32, #tpu.memory_space<vmem>>, vector<1x16xf32>,
      %swap3A_576 = vector.shape_cast %swap3A_575 : vector<1x16xf32> to vector<16xf32>
      %swap3A_577 = vector.shape_cast %broadcast_in_dim3A_541 : vector<16xf32> to vector<1x16xf32>
      tpu.vector_store %arg11[%swap3A, %swap3A_574], %swap3A_577 {strides = array<i32>} : memref<100x128xf32, #tpu.memory_space<vmem>>, vector<1x16xf32>,
    }
    %scan3A_7 = arith.constant 640 : i32
    %mul3A_8 = arith.constant 640 : i32
    %mul3A_9 = arith.muli %arg1, %mul3A_8 : i32
    %add3A_10 = arith.constant 0 : i32
    %add3A_11 = arith.addi %mul3A_9, %add3A_10 : i32
    "tpu.region"() ({
      %run_scoped3A = tpu.sem_alloc : memref<!tpu.dma_semaphore, #tpu.memory_space<semaphore_mem>>
      %dma_start3A_540 = arith.constant 0 : i32
      %dma_start3A_541 = arith.constant 0 : i32
      %dma_start3A_542 = tpu.memref_slice %arg11[%dma_start3A_540, %dma_start3A_541] : memref<100x128xf32, #tpu.memory_space<vmem>> -> memref<80x128xf32, #tpu.memory_space<vmem>>
      %dma_start3A_543 = arith.constant 0 : i32
      %dma_start3A_544 = tpu.memref_slice %arg14[%add3A_11, %dma_start3A_543] : memref<10240x128xf32, #tpu.memory_space<vmem_shared>> -> memref<80x128xf32, #tpu.memory_space<vmem_shared>>
      %dma_start3A_545 = arith.constant 0 : i32
      %dma_start3A_546 = tpu.memref_slice %arg14[%add3A_11, %dma_start3A_545] : memref<10240x128xf32, #tpu.memory_space<vmem_shared>> -> memref<80x128xf32, #tpu.memory_space<vmem_shared>>
      %dma_start3A_547 = arith.constant 0 : i32
      %dma_start3A_548 = arith.constant 0 : i32
      %dma_start3A_549 = tpu.memref_slice %arg11[%dma_start3A_547, %dma_start3A_548] : memref<100x128xf32, #tpu.memory_space<vmem>> -> memref<80x128xf32, #tpu.memory_space<vmem>>
      tpu.enqueue_dma source(%dma_start3A_549 : memref<80x128xf32, #tpu.memory_space<vmem>>) target(%dma_start3A_546 : memref<80x128xf32, #tpu.memory_space<vmem_shared>>) target_semaphore(%run_scoped3A : memref<!tpu.dma_semaphore, #tpu.memory_space<semaphore_mem>>)
      %dma_wait3A_550 = arith.constant 0 : i32
      %dma_wait3A_551 = arith.constant 0 : i32
      %dma_wait3A_552 = tpu.memref_slice %arg11[%dma_wait3A_550, %dma_wait3A_551] : memref<100x128xf32, #tpu.memory_space<vmem>> -> memref<80x128xf32, #tpu.memory_space<vmem>>
      %dma_wait3A_553 = arith.constant 0 : i32
      %dma_wait3A_554 = tpu.memref_slice %arg14[%add3A_11, %dma_wait3A_553] : memref<10240x128xf32, #tpu.memory_space<vmem_shared>> -> memref<80x128xf32, #tpu.memory_space<vmem_shared>>
      %dma_wait3A_555 = arith.constant 0 : i32
      %dma_wait3A_556 = tpu.memref_slice %arg14[%add3A_11, %dma_wait3A_555] : memref<10240x128xf32, #tpu.memory_space<vmem_shared>> -> memref<80x128xf32, #tpu.memory_space<vmem_shared>>
      %dma_wait3A_557 = arith.constant 0 : i32
      %dma_wait3A_558 = arith.constant 0 : i32
      %dma_wait3A_559 = tpu.memref_slice %arg11[%dma_wait3A_557, %dma_wait3A_558] : memref<100x128xf32, #tpu.memory_space<vmem>> -> memref<80x128xf32, #tpu.memory_space<vmem>>
      tpu.wait_dma2 semaphore(%run_scoped3A : memref<!tpu.dma_semaphore, #tpu.memory_space<semaphore_mem>>) src(%dma_wait3A_559 : memref<80x128xf32, #tpu.memory_space<vmem>>) dst(%dma_wait3A_556 : memref<80x128xf32, #tpu.memory_space<vmem_shared>>)
      tpu.yield
    }) : () -> ()
    %mul3A_12 = arith.constant 640 : i32
    %mul3A_13 = arith.muli %arg1, %mul3A_12 : i32
    %add3A_14 = arith.constant 80 : i32
    %add3A_15 = arith.addi %mul3A_13, %add3A_14 : i32
    "tpu.region"() ({
      %run_scoped3A = tpu.sem_alloc : memref<!tpu.dma_semaphore, #tpu.memory_space<semaphore_mem>>
      %dma_start3A_540 = arith.constant 0 : i32
      %dma_start3A_541 = arith.constant 0 : i32
      %dma_start3A_542 = tpu.memref_slice %arg11[%dma_start3A_540, %dma_start3A_541] : memref<100x128xf32, #tpu.memory_space<vmem>> -> memref<80x128xf32, #tpu.memory_space<vmem>>
      %dma_start3A_543 = arith.constant 0 : i32
      %dma_start3A_544 = tpu.memref_slice %arg14[%add3A_15, %dma_start3A_543] : memref<10240x128xf32, #tpu.memory_space<vmem_shared>> -> memref<80x128xf32, #tpu.memory_space<vmem_shared>>
      %dma_start3A_545 = arith.constant 0 : i32
      %dma_start3A_546 = tpu.memref_slice %arg14[%add3A_15, %dma_start3A_545] : memref<10240x128xf32, #tpu.memory_space<vmem_shared>> -> memref<80x128xf32, #tpu.memory_space<vmem_shared>>
      %dma_start3A_547 = arith.constant 0 : i32
      %dma_start3A_548 = arith.constant 0 : i32
      %dma_start3A_549 = tpu.memref_slice %arg11[%dma_start3A_547, %dma_start3A_548] : memref<100x128xf32, #tpu.memory_space<vmem>> -> memref<80x128xf32, #tpu.memory_space<vmem>>
      tpu.enqueue_dma source(%dma_start3A_549 : memref<80x128xf32, #tpu.memory_space<vmem>>) target(%dma_start3A_546 : memref<80x128xf32, #tpu.memory_space<vmem_shared>>) target_semaphore(%run_scoped3A : memref<!tpu.dma_semaphore, #tpu.memory_space<semaphore_mem>>)
      %dma_wait3A_550 = arith.constant 0 : i32
      %dma_wait3A_551 = arith.constant 0 : i32
      %dma_wait3A_552 = tpu.memref_slice %arg11[%dma_wait3A_550, %dma_wait3A_551] : memref<100x128xf32, #tpu.memory_space<vmem>> -> memref<80x128xf32, #tpu.memory_space<vmem>>
      %dma_wait3A_553 = arith.constant 0 : i32
      %dma_wait3A_554 = tpu.memref_slice %arg14[%add3A_15, %dma_wait3A_553] : memref<10240x128xf32, #tpu.memory_space<vmem_shared>> -> memref<80x128xf32, #tpu.memory_space<vmem_shared>>
      %dma_wait3A_555 = arith.constant 0 : i32
      %dma_wait3A_556 = tpu.memref_slice %arg14[%add3A_15, %dma_wait3A_555] : memref<10240x128xf32, #tpu.memory_space<vmem_shared>> -> memref<80x128xf32, #tpu.memory_space<vmem_shared>>
      %dma_wait3A_557 = arith.constant 0 : i32
      %dma_wait3A_558 = arith.constant 0 : i32
      %dma_wait3A_559 = tpu.memref_slice %arg11[%dma_wait3A_557, %dma_wait3A_558] : memref<100x128xf32, #tpu.memory_space<vmem>> -> memref<80x128xf32, #tpu.memory_space<vmem>>
      tpu.wait_dma2 semaphore(%run_scoped3A : memref<!tpu.dma_semaphore, #tpu.memory_space<semaphore_mem>>) src(%dma_wait3A_559 : memref<80x128xf32, #tpu.memory_space<vmem>>) dst(%dma_wait3A_556 : memref<80x128xf32, #tpu.memory_space<vmem_shared>>)
      tpu.yield
    }) : () -> ()
    %mul3A_16 = arith.constant 640 : i32
    %mul3A_17 = arith.muli %arg1, %mul3A_16 : i32
    %add3A_18 = arith.constant 160 : i32
    %add3A_19 = arith.addi %mul3A_17, %add3A_18 : i32
    "tpu.region"() ({
      %run_scoped3A = tpu.sem_alloc : memref<!tpu.dma_semaphore, #tpu.memory_space<semaphore_mem>>
      %dma_start3A_540 = arith.constant 0 : i32
      %dma_start3A_541 = arith.constant 0 : i32
      %dma_start3A_542 = tpu.memref_slice %arg11[%dma_start3A_540, %dma_start3A_541] : memref<100x128xf32, #tpu.memory_space<vmem>> -> memref<80x128xf32, #tpu.memory_space<vmem>>
      %dma_start3A_543 = arith.constant 0 : i32
      %dma_start3A_544 = tpu.memref_slice %arg14[%add3A_19, %dma_start3A_543] : memref<10240x128xf32, #tpu.memory_space<vmem_shared>> -> memref<80x128xf32, #tpu.memory_space<vmem_shared>>
      %dma_start3A_545 = arith.constant 0 : i32
      %dma_start3A_546 = tpu.memref_slice %arg14[%add3A_19, %dma_start3A_545] : memref<10240x128xf32, #tpu.memory_space<vmem_shared>> -> memref<80x128xf32, #tpu.memory_space<vmem_shared>>
      %dma_start3A_547 = arith.constant 0 : i32
      %dma_start3A_548 = arith.constant 0 : i32
      %dma_start3A_549 = tpu.memref_slice %arg11[%dma_start3A_547, %dma_start3A_548] : memref<100x128xf32, #tpu.memory_space<vmem>> -> memref<80x128xf32, #tpu.memory_space<vmem>>
      tpu.enqueue_dma source(%dma_start3A_549 : memref<80x128xf32, #tpu.memory_space<vmem>>) target(%dma_start3A_546 : memref<80x128xf32, #tpu.memory_space<vmem_shared>>) target_semaphore(%run_scoped3A : memref<!tpu.dma_semaphore, #tpu.memory_space<semaphore_mem>>)
      %dma_wait3A_550 = arith.constant 0 : i32
      %dma_wait3A_551 = arith.constant 0 : i32
      %dma_wait3A_552 = tpu.memref_slice %arg11[%dma_wait3A_550, %dma_wait3A_551] : memref<100x128xf32, #tpu.memory_space<vmem>> -> memref<80x128xf32, #tpu.memory_space<vmem>>
      %dma_wait3A_553 = arith.constant 0 : i32
      %dma_wait3A_554 = tpu.memref_slice %arg14[%add3A_19, %dma_wait3A_553] : memref<10240x128xf32, #tpu.memory_space<vmem_shared>> -> memref<80x128xf32, #tpu.memory_space<vmem_shared>>
      %dma_wait3A_555 = arith.constant 0 : i32
      %dma_wait3A_556 = tpu.memref_slice %arg14[%add3A_19, %dma_wait3A_555] : memref<10240x128xf32, #tpu.memory_space<vmem_shared>> -> memref<80x128xf32, #tpu.memory_space<vmem_shared>>
      %dma_wait3A_557 = arith.constant 0 : i32
      %dma_wait3A_558 = arith.constant 0 : i32
      %dma_wait3A_559 = tpu.memref_slice %arg11[%dma_wait3A_557, %dma_wait3A_558] : memref<100x128xf32, #tpu.memory_space<vmem>> -> memref<80x128xf32, #tpu.memory_space<vmem>>
      tpu.wait_dma2 semaphore(%run_scoped3A : memref<!tpu.dma_semaphore, #tpu.memory_space<semaphore_mem>>) src(%dma_wait3A_559 : memref<80x128xf32, #tpu.memory_space<vmem>>) dst(%dma_wait3A_556 : memref<80x128xf32, #tpu.memory_space<vmem_shared>>)
      tpu.yield
    }) : () -> ()
    %mul3A_20 = arith.constant 640 : i32
    %mul3A_21 = arith.muli %arg1, %mul3A_20 : i32
    %add3A_22 = arith.constant 240 : i32
    %add3A_23 = arith.addi %mul3A_21, %add3A_22 : i32
    "tpu.region"() ({
      %run_scoped3A = tpu.sem_alloc : memref<!tpu.dma_semaphore, #tpu.memory_space<semaphore_mem>>
      %dma_start3A_540 = arith.constant 0 : i32
      %dma_start3A_541 = arith.constant 0 : i32
      %dma_start3A_542 = tpu.memref_slice %arg11[%dma_start3A_540, %dma_start3A_541] : memref<100x128xf32, #tpu.memory_space<vmem>> -> memref<80x128xf32, #tpu.memory_space<vmem>>
      %dma_start3A_543 = arith.constant 0 : i32
      %dma_start3A_544 = tpu.memref_slice %arg14[%add3A_23, %dma_start3A_543] : memref<10240x128xf32, #tpu.memory_space<vmem_shared>> -> memref<80x128xf32, #tpu.memory_space<vmem_shared>>
      %dma_start3A_545 = arith.constant 0 : i32
      %dma_start3A_546 = tpu.memref_slice %arg14[%add3A_23, %dma_start3A_545] : memref<10240x128xf32, #tpu.memory_space<vmem_shared>> -> memref<80x128xf32, #tpu.memory_space<vmem_shared>>
      %dma_start3A_547 = arith.constant 0 : i32
      %dma_start3A_548 = arith.constant 0 : i32
      %dma_start3A_549 = tpu.memref_slice %arg11[%dma_start3A_547, %dma_start3A_548] : memref<100x128xf32, #tpu.memory_space<vmem>> -> memref<80x128xf32, #tpu.memory_space<vmem>>
      tpu.enqueue_dma source(%dma_start3A_549 : memref<80x128xf32, #tpu.memory_space<vmem>>) target(%dma_start3A_546 : memref<80x128xf32, #tpu.memory_space<vmem_shared>>) target_semaphore(%run_scoped3A : memref<!tpu.dma_semaphore, #tpu.memory_space<semaphore_mem>>)
      %dma_wait3A_550 = arith.constant 0 : i32
      %dma_wait3A_551 = arith.constant 0 : i32
      %dma_wait3A_552 = tpu.memref_slice %arg11[%dma_wait3A_550, %dma_wait3A_551] : memref<100x128xf32, #tpu.memory_space<vmem>> -> memref<80x128xf32, #tpu.memory_space<vmem>>
      %dma_wait3A_553 = arith.constant 0 : i32
      %dma_wait3A_554 = tpu.memref_slice %arg14[%add3A_23, %dma_wait3A_553] : memref<10240x128xf32, #tpu.memory_space<vmem_shared>> -> memref<80x128xf32, #tpu.memory_space<vmem_shared>>
      %dma_wait3A_555 = arith.constant 0 : i32
      %dma_wait3A_556 = tpu.memref_slice %arg14[%add3A_23, %dma_wait3A_555] : memref<10240x128xf32, #tpu.memory_space<vmem_shared>> -> memref<80x128xf32, #tpu.memory_space<vmem_shared>>
      %dma_wait3A_557 = arith.constant 0 : i32
      %dma_wait3A_558 = arith.constant 0 : i32
      %dma_wait3A_559 = tpu.memref_slice %arg11[%dma_wait3A_557, %dma_wait3A_558] : memref<100x128xf32, #tpu.memory_space<vmem>> -> memref<80x128xf32, #tpu.memory_space<vmem>>
      tpu.wait_dma2 semaphore(%run_scoped3A : memref<!tpu.dma_semaphore, #tpu.memory_space<semaphore_mem>>) src(%dma_wait3A_559 : memref<80x128xf32, #tpu.memory_space<vmem>>) dst(%dma_wait3A_556 : memref<80x128xf32, #tpu.memory_space<vmem_shared>>)
      tpu.yield
    }) : () -> ()
    %mul3A_24 = arith.constant 640 : i32
    %mul3A_25 = arith.muli %arg1, %mul3A_24 : i32
    %add3A_26 = arith.constant 320 : i32
    %add3A_27 = arith.addi %mul3A_25, %add3A_26 : i32
    "tpu.region"() ({
      %run_scoped3A = tpu.sem_alloc : memref<!tpu.dma_semaphore, #tpu.memory_space<semaphore_mem>>
      %dma_start3A_540 = arith.constant 0 : i32
      %dma_start3A_541 = arith.constant 0 : i32
      %dma_start3A_542 = tpu.memref_slice %arg11[%dma_start3A_540, %dma_start3A_541] : memref<100x128xf32, #tpu.memory_space<vmem>> -> memref<80x128xf32, #tpu.memory_space<vmem>>
      %dma_start3A_543 = arith.constant 0 : i32
      %dma_start3A_544 = tpu.memref_slice %arg14[%add3A_27, %dma_start3A_543] : memref<10240x128xf32, #tpu.memory_space<vmem_shared>> -> memref<80x128xf32, #tpu.memory_space<vmem_shared>>
      %dma_start3A_545 = arith.constant 0 : i32
      %dma_start3A_546 = tpu.memref_slice %arg14[%add3A_27, %dma_start3A_545] : memref<10240x128xf32, #tpu.memory_space<vmem_shared>> -> memref<80x128xf32, #tpu.memory_space<vmem_shared>>
      %dma_start3A_547 = arith.constant 0 : i32
      %dma_start3A_548 = arith.constant 0 : i32
      %dma_start3A_549 = tpu.memref_slice %arg11[%dma_start3A_547, %dma_start3A_548] : memref<100x128xf32, #tpu.memory_space<vmem>> -> memref<80x128xf32, #tpu.memory_space<vmem>>
      tpu.enqueue_dma source(%dma_start3A_549 : memref<80x128xf32, #tpu.memory_space<vmem>>) target(%dma_start3A_546 : memref<80x128xf32, #tpu.memory_space<vmem_shared>>) target_semaphore(%run_scoped3A : memref<!tpu.dma_semaphore, #tpu.memory_space<semaphore_mem>>)
      %dma_wait3A_550 = arith.constant 0 : i32
      %dma_wait3A_551 = arith.constant 0 : i32
      %dma_wait3A_552 = tpu.memref_slice %arg11[%dma_wait3A_550, %dma_wait3A_551] : memref<100x128xf32, #tpu.memory_space<vmem>> -> memref<80x128xf32, #tpu.memory_space<vmem>>
      %dma_wait3A_553 = arith.constant 0 : i32
      %dma_wait3A_554 = tpu.memref_slice %arg14[%add3A_27, %dma_wait3A_553] : memref<10240x128xf32, #tpu.memory_space<vmem_shared>> -> memref<80x128xf32, #tpu.memory_space<vmem_shared>>
      %dma_wait3A_555 = arith.constant 0 : i32
      %dma_wait3A_556 = tpu.memref_slice %arg14[%add3A_27, %dma_wait3A_555] : memref<10240x128xf32, #tpu.memory_space<vmem_shared>> -> memref<80x128xf32, #tpu.memory_space<vmem_shared>>
      %dma_wait3A_557 = arith.constant 0 : i32
      %dma_wait3A_558 = arith.constant 0 : i32
      %dma_wait3A_559 = tpu.memref_slice %arg11[%dma_wait3A_557, %dma_wait3A_558] : memref<100x128xf32, #tpu.memory_space<vmem>> -> memref<80x128xf32, #tpu.memory_space<vmem>>
      tpu.wait_dma2 semaphore(%run_scoped3A : memref<!tpu.dma_semaphore, #tpu.memory_space<semaphore_mem>>) src(%dma_wait3A_559 : memref<80x128xf32, #tpu.memory_space<vmem>>) dst(%dma_wait3A_556 : memref<80x128xf32, #tpu.memory_space<vmem_shared>>)
      tpu.yield
    }) : () -> ()
    %mul3A_28 = arith.constant 640 : i32
    %mul3A_29 = arith.muli %arg1, %mul3A_28 : i32
    %add3A_30 = arith.constant 400 : i32
    %add3A_31 = arith.addi %mul3A_29, %add3A_30 : i32
    "tpu.region"() ({
      %run_scoped3A = tpu.sem_alloc : memref<!tpu.dma_semaphore, #tpu.memory_space<semaphore_mem>>
      %dma_start3A_540 = arith.constant 0 : i32
      %dma_start3A_541 = arith.constant 0 : i32
      %dma_start3A_542 = tpu.memref_slice %arg11[%dma_start3A_540, %dma_start3A_541] : memref<100x128xf32, #tpu.memory_space<vmem>> -> memref<80x128xf32, #tpu.memory_space<vmem>>
      %dma_start3A_543 = arith.constant 0 : i32
      %dma_start3A_544 = tpu.memref_slice %arg14[%add3A_31, %dma_start3A_543] : memref<10240x128xf32, #tpu.memory_space<vmem_shared>> -> memref<80x128xf32, #tpu.memory_space<vmem_shared>>
      %dma_start3A_545 = arith.constant 0 : i32
      %dma_start3A_546 = tpu.memref_slice %arg14[%add3A_31, %dma_start3A_545] : memref<10240x128xf32, #tpu.memory_space<vmem_shared>> -> memref<80x128xf32, #tpu.memory_space<vmem_shared>>
      %dma_start3A_547 = arith.constant 0 : i32
      %dma_start3A_548 = arith.constant 0 : i32
      %dma_start3A_549 = tpu.memref_slice %arg11[%dma_start3A_547, %dma_start3A_548] : memref<100x128xf32, #tpu.memory_space<vmem>> -> memref<80x128xf32, #tpu.memory_space<vmem>>
      tpu.enqueue_dma source(%dma_start3A_549 : memref<80x128xf32, #tpu.memory_space<vmem>>) target(%dma_start3A_546 : memref<80x128xf32, #tpu.memory_space<vmem_shared>>) target_semaphore(%run_scoped3A : memref<!tpu.dma_semaphore, #tpu.memory_space<semaphore_mem>>)
      %dma_wait3A_550 = arith.constant 0 : i32
      %dma_wait3A_551 = arith.constant 0 : i32
      %dma_wait3A_552 = tpu.memref_slice %arg11[%dma_wait3A_550, %dma_wait3A_551] : memref<100x128xf32, #tpu.memory_space<vmem>> -> memref<80x128xf32, #tpu.memory_space<vmem>>
      %dma_wait3A_553 = arith.constant 0 : i32
      %dma_wait3A_554 = tpu.memref_slice %arg14[%add3A_31, %dma_wait3A_553] : memref<10240x128xf32, #tpu.memory_space<vmem_shared>> -> memref<80x128xf32, #tpu.memory_space<vmem_shared>>
      %dma_wait3A_555 = arith.constant 0 : i32
      %dma_wait3A_556 = tpu.memref_slice %arg14[%add3A_31, %dma_wait3A_555] : memref<10240x128xf32, #tpu.memory_space<vmem_shared>> -> memref<80x128xf32, #tpu.memory_space<vmem_shared>>
      %dma_wait3A_557 = arith.constant 0 : i32
      %dma_wait3A_558 = arith.constant 0 : i32
      %dma_wait3A_559 = tpu.memref_slice %arg11[%dma_wait3A_557, %dma_wait3A_558] : memref<100x128xf32, #tpu.memory_space<vmem>> -> memref<80x128xf32, #tpu.memory_space<vmem>>
      tpu.wait_dma2 semaphore(%run_scoped3A : memref<!tpu.dma_semaphore, #tpu.memory_space<semaphore_mem>>) src(%dma_wait3A_559 : memref<80x128xf32, #tpu.memory_space<vmem>>) dst(%dma_wait3A_556 : memref<80x128xf32, #tpu.memory_space<vmem_shared>>)
      tpu.yield
    }) : () -> ()
    %mul3A_32 = arith.constant 640 : i32
    %mul3A_33 = arith.muli %arg1, %mul3A_32 : i32
    %add3A_34 = arith.constant 480 : i32
    %add3A_35 = arith.addi %mul3A_33, %add3A_34 : i32
    "tpu.region"() ({
      %run_scoped3A = tpu.sem_alloc : memref<!tpu.dma_semaphore, #tpu.memory_space<semaphore_mem>>
      %dma_start3A_540 = arith.constant 0 : i32
      %dma_start3A_541 = arith.constant 0 : i32
      %dma_start3A_542 = tpu.memref_slice %arg11[%dma_start3A_540, %dma_start3A_541] : memref<100x128xf32, #tpu.memory_space<vmem>> -> memref<80x128xf32, #tpu.memory_space<vmem>>
      %dma_start3A_543 = arith.constant 0 : i32
      %dma_start3A_544 = tpu.memref_slice %arg14[%add3A_35, %dma_start3A_543] : memref<10240x128xf32, #tpu.memory_space<vmem_shared>> -> memref<80x128xf32, #tpu.memory_space<vmem_shared>>
      %dma_start3A_545 = arith.constant 0 : i32
      %dma_start3A_546 = tpu.memref_slice %arg14[%add3A_35, %dma_start3A_545] : memref<10240x128xf32, #tpu.memory_space<vmem_shared>> -> memref<80x128xf32, #tpu.memory_space<vmem_shared>>
      %dma_start3A_547 = arith.constant 0 : i32
      %dma_start3A_548 = arith.constant 0 : i32
      %dma_start3A_549 = tpu.memref_slice %arg11[%dma_start3A_547, %dma_start3A_548] : memref<100x128xf32, #tpu.memory_space<vmem>> -> memref<80x128xf32, #tpu.memory_space<vmem>>
      tpu.enqueue_dma source(%dma_start3A_549 : memref<80x128xf32, #tpu.memory_space<vmem>>) target(%dma_start3A_546 : memref<80x128xf32, #tpu.memory_space<vmem_shared>>) target_semaphore(%run_scoped3A : memref<!tpu.dma_semaphore, #tpu.memory_space<semaphore_mem>>)
      %dma_wait3A_550 = arith.constant 0 : i32
      %dma_wait3A_551 = arith.constant 0 : i32
      %dma_wait3A_552 = tpu.memref_slice %arg11[%dma_wait3A_550, %dma_wait3A_551] : memref<100x128xf32, #tpu.memory_space<vmem>> -> memref<80x128xf32, #tpu.memory_space<vmem>>
      %dma_wait3A_553 = arith.constant 0 : i32
      %dma_wait3A_554 = tpu.memref_slice %arg14[%add3A_35, %dma_wait3A_553] : memref<10240x128xf32, #tpu.memory_space<vmem_shared>> -> memref<80x128xf32, #tpu.memory_space<vmem_shared>>
      %dma_wait3A_555 = arith.constant 0 : i32
      %dma_wait3A_556 = tpu.memref_slice %arg14[%add3A_35, %dma_wait3A_555] : memref<10240x128xf32, #tpu.memory_space<vmem_shared>> -> memref<80x128xf32, #tpu.memory_space<vmem_shared>>
      %dma_wait3A_557 = arith.constant 0 : i32
      %dma_wait3A_558 = arith.constant 0 : i32
      %dma_wait3A_559 = tpu.memref_slice %arg11[%dma_wait3A_557, %dma_wait3A_558] : memref<100x128xf32, #tpu.memory_space<vmem>> -> memref<80x128xf32, #tpu.memory_space<vmem>>
      tpu.wait_dma2 semaphore(%run_scoped3A : memref<!tpu.dma_semaphore, #tpu.memory_space<semaphore_mem>>) src(%dma_wait3A_559 : memref<80x128xf32, #tpu.memory_space<vmem>>) dst(%dma_wait3A_556 : memref<80x128xf32, #tpu.memory_space<vmem_shared>>)
      tpu.yield
    }) : () -> ()
    %mul3A_36 = arith.constant 640 : i32
    %mul3A_37 = arith.muli %arg1, %mul3A_36 : i32
    %add3A_38 = arith.constant 560 : i32
    %add3A_39 = arith.addi %mul3A_37, %add3A_38 : i32
    "tpu.region"() ({
      %run_scoped3A = tpu.sem_alloc : memref<!tpu.dma_semaphore, #tpu.memory_space<semaphore_mem>>
      %dma_start3A_540 = arith.constant 0 : i32
      %dma_start3A_541 = arith.constant 0 : i32
      %dma_start3A_542 = tpu.memref_slice %arg11[%dma_start3A_540, %dma_start3A_541] : memref<100x128xf32, #tpu.memory_space<vmem>> -> memref<80x128xf32, #tpu.memory_space<vmem>>
      %dma_start3A_543 = arith.constant 0 : i32
      %dma_start3A_544 = tpu.memref_slice %arg14[%add3A_39, %dma_start3A_543] : memref<10240x128xf32, #tpu.memory_space<vmem_shared>> -> memref<80x128xf32, #tpu.memory_space<vmem_shared>>
      %dma_start3A_545 = arith.constant 0 : i32
      %dma_start3A_546 = tpu.memref_slice %arg14[%add3A_39, %dma_start3A_545] : memref<10240x128xf32, #tpu.memory_space<vmem_shared>> -> memref<80x128xf32, #tpu.memory_space<vmem_shared>>
      %dma_start3A_547 = arith.constant 0 : i32
      %dma_start3A_548 = arith.constant 0 : i32
      %dma_start3A_549 = tpu.memref_slice %arg11[%dma_start3A_547, %dma_start3A_548] : memref<100x128xf32, #tpu.memory_space<vmem>> -> memref<80x128xf32, #tpu.memory_space<vmem>>
      tpu.enqueue_dma source(%dma_start3A_549 : memref<80x128xf32, #tpu.memory_space<vmem>>) target(%dma_start3A_546 : memref<80x128xf32, #tpu.memory_space<vmem_shared>>) target_semaphore(%run_scoped3A : memref<!tpu.dma_semaphore, #tpu.memory_space<semaphore_mem>>)
      %dma_wait3A_550 = arith.constant 0 : i32
      %dma_wait3A_551 = arith.constant 0 : i32
      %dma_wait3A_552 = tpu.memref_slice %arg11[%dma_wait3A_550, %dma_wait3A_551] : memref<100x128xf32, #tpu.memory_space<vmem>> -> memref<80x128xf32, #tpu.memory_space<vmem>>
      %dma_wait3A_553 = arith.constant 0 : i32
      %dma_wait3A_554 = tpu.memref_slice %arg14[%add3A_39, %dma_wait3A_553] : memref<10240x128xf32, #tpu.memory_space<vmem_shared>> -> memref<80x128xf32, #tpu.memory_space<vmem_shared>>
      %dma_wait3A_555 = arith.constant 0 : i32
      %dma_wait3A_556 = tpu.memref_slice %arg14[%add3A_39, %dma_wait3A_555] : memref<10240x128xf32, #tpu.memory_space<vmem_shared>> -> memref<80x128xf32, #tpu.memory_space<vmem_shared>>
      %dma_wait3A_557 = arith.constant 0 : i32
      %dma_wait3A_558 = arith.constant 0 : i32
      %dma_wait3A_559 = tpu.memref_slice %arg11[%dma_wait3A_557, %dma_wait3A_558] : memref<100x128xf32, #tpu.memory_space<vmem>> -> memref<80x128xf32, #tpu.memory_space<vmem>>
      tpu.wait_dma2 semaphore(%run_scoped3A : memref<!tpu.dma_semaphore, #tpu.memory_space<semaphore_mem>>) src(%dma_wait3A_559 : memref<80x128xf32, #tpu.memory_space<vmem>>) dst(%dma_wait3A_556 : memref<80x128xf32, #tpu.memory_space<vmem_shared>>)
      tpu.yield
    }) : () -> ()
    %add3A_40 = arith.constant 0 : i32
    %add3A_41 = arith.addi %mul3A_2, %add3A_40 : i32
    %dma_start3A = arith.constant 0 : i32
    %dma_start3A_42 = arith.constant 0 : i32
    %dma_start3A_43 = tpu.memref_slice %arg3[%add3A_41, %dma_start3A, %dma_start3A_42] : memref<3200x2x100xi32, #tpu.memory_space<hbm>> -> memref<1x2x100xi32, #tpu.memory_space<hbm>>
    %dma_start3A_44 = tpu.memref_squeeze %dma_start3A_43 : memref<1x2x100xi32, #tpu.memory_space<hbm>> -> memref<2x100xi32, #tpu.memory_space<hbm>>
    %dma_start3A_45 = arith.constant 0 : i32
    %dma_start3A_46 = arith.constant 0 : i32
    %dma_start3A_47 = tpu.memref_slice %arg3[%add3A_41, %dma_start3A_45, %dma_start3A_46] : memref<3200x2x100xi32, #tpu.memory_space<hbm>> -> memref<1x2x100xi32, #tpu.memory_space<hbm>>
    %dma_start3A_48 = tpu.memref_squeeze %dma_start3A_47 : memref<1x2x100xi32, #tpu.memory_space<hbm>> -> memref<2x100xi32, #tpu.memory_space<hbm>>
    tpu.enqueue_dma source(%dma_start3A_48 : memref<2x100xi32, #tpu.memory_space<hbm>>) target(%arg5 : memref<2x100xi32, #tpu.memory_space<vmem>>) target_semaphore(%arg21 : memref<!tpu.dma_semaphore, #tpu.memory_space<semaphore_mem>>)
    %add3A_49 = arith.constant 1 : i32
    %add3A_50 = arith.addi %mul3A_2, %add3A_49 : i32
    %dma_start3A_51 = arith.constant 0 : i32
    %dma_start3A_52 = arith.constant 0 : i32
    %dma_start3A_53 = tpu.memref_slice %arg3[%add3A_50, %dma_start3A_51, %dma_start3A_52] : memref<3200x2x100xi32, #tpu.memory_space<hbm>> -> memref<1x2x100xi32, #tpu.memory_space<hbm>>
    %dma_start3A_54 = tpu.memref_squeeze %dma_start3A_53 : memref<1x2x100xi32, #tpu.memory_space<hbm>> -> memref<2x100xi32, #tpu.memory_space<hbm>>
    %dma_start3A_55 = arith.constant 0 : i32
    %dma_start3A_56 = arith.constant 0 : i32
    %dma_start3A_57 = tpu.memref_slice %arg3[%add3A_50, %dma_start3A_55, %dma_start3A_56] : memref<3200x2x100xi32, #tpu.memory_space<hbm>> -> memref<1x2x100xi32, #tpu.memory_space<hbm>>
    %dma_start3A_58 = tpu.memref_squeeze %dma_start3A_57 : memref<1x2x100xi32, #tpu.memory_space<hbm>> -> memref<2x100xi32, #tpu.memory_space<hbm>>
    tpu.enqueue_dma source(%dma_start3A_58 : memref<2x100xi32, #tpu.memory_space<hbm>>) target(%arg7 : memref<2x100xi32, #tpu.memory_space<vmem>>) target_semaphore(%arg23 : memref<!tpu.dma_semaphore, #tpu.memory_space<semaphore_mem>>)
    %add3A_59 = arith.constant 2 : i32
    %add3A_60 = arith.addi %mul3A_2, %add3A_59 : i32
    %dma_start3A_61 = arith.constant 0 : i32
    %dma_start3A_62 = arith.constant 0 : i32
    %dma_start3A_63 = tpu.memref_slice %arg3[%add3A_60, %dma_start3A_61, %dma_start3A_62] : memref<3200x2x100xi32, #tpu.memory_space<hbm>> -> memref<1x2x100xi32, #tpu.memory_space<hbm>>
    %dma_start3A_64 = tpu.memref_squeeze %dma_start3A_63 : memref<1x2x100xi32, #tpu.memory_space<hbm>> -> memref<2x100xi32, #tpu.memory_space<hbm>>
    %dma_start3A_65 = arith.constant 0 : i32
    %dma_start3A_66 = arith.constant 0 : i32
    %dma_start3A_67 = tpu.memref_slice %arg3[%add3A_60, %dma_start3A_65, %dma_start3A_66] : memref<3200x2x100xi32, #tpu.memory_space<hbm>> -> memref<1x2x100xi32, #tpu.memory_space<hbm>>
    %dma_start3A_68 = tpu.memref_squeeze %dma_start3A_67 : memref<1x2x100xi32, #tpu.memory_space<hbm>> -> memref<2x100xi32, #tpu.memory_space<hbm>>
    tpu.enqueue_dma source(%dma_start3A_68 : memref<2x100xi32, #tpu.memory_space<hbm>>) target(%arg9 : memref<2x100xi32, #tpu.memory_space<vmem>>) target_semaphore(%arg25 : memref<!tpu.dma_semaphore, #tpu.memory_space<semaphore_mem>>)
    %add3A_69 = arith.constant 3 : i32
    %add3A_70 = arith.addi %mul3A_2, %add3A_69 : i32
    %dma_start3A_71 = arith.constant 0 : i32
    %dma_start3A_72 = arith.constant 0 : i32
    %dma_start3A_73 = tpu.memref_slice %arg3[%add3A_70, %dma_start3A_71, %dma_start3A_72] : memref<3200x2x100xi32, #tpu.memory_space<hbm>> -> memref<1x2x100xi32, #tpu.memory_space<hbm>>
    %dma_start3A_74 = tpu.memref_squeeze %dma_start3A_73 : memref<1x2x100xi32, #tpu.memory_space<hbm>> -> memref<2x100xi32, #tpu.memory_space<hbm>>
    %dma_start3A_75 = arith.constant 0 : i32
    %dma_start3A_76 = arith.constant 0 : i32
    %dma_start3A_77 = tpu.memref_slice %arg3[%add3A_70, %dma_start3A_75, %dma_start3A_76] : memref<3200x2x100xi32, #tpu.memory_space<hbm>> -> memref<1x2x100xi32, #tpu.memory_space<hbm>>
    %dma_start3A_78 = tpu.memref_squeeze %dma_start3A_77 : memref<1x2x100xi32, #tpu.memory_space<hbm>> -> memref<2x100xi32, #tpu.memory_space<hbm>>
    tpu.enqueue_dma source(%dma_start3A_78 : memref<2x100xi32, #tpu.memory_space<hbm>>) target(%arg6 : memref<2x100xi32, #tpu.memory_space<vmem>>) target_semaphore(%arg22 : memref<!tpu.dma_semaphore, #tpu.memory_space<semaphore_mem>>)
    %add3A_79 = arith.constant 4 : i32
    %add3A_80 = arith.addi %mul3A_2, %add3A_79 : i32
    %dma_start3A_81 = arith.constant 0 : i32
    %dma_start3A_82 = arith.constant 0 : i32
    %dma_start3A_83 = tpu.memref_slice %arg3[%add3A_80, %dma_start3A_81, %dma_start3A_82] : memref<3200x2x100xi32, #tpu.memory_space<hbm>> -> memref<1x2x100xi32, #tpu.memory_space<hbm>>
    %dma_start3A_84 = tpu.memref_squeeze %dma_start3A_83 : memref<1x2x100xi32, #tpu.memory_space<hbm>> -> memref<2x100xi32, #tpu.memory_space<hbm>>
    %dma_start3A_85 = arith.constant 0 : i32
    %dma_start3A_86 = arith.constant 0 : i32
    %dma_start3A_87 = tpu.memref_slice %arg3[%add3A_80, %dma_start3A_85, %dma_start3A_86] : memref<3200x2x100xi32, #tpu.memory_space<hbm>> -> memref<1x2x100xi32, #tpu.memory_space<hbm>>
    %dma_start3A_88 = tpu.memref_squeeze %dma_start3A_87 : memref<1x2x100xi32, #tpu.memory_space<hbm>> -> memref<2x100xi32, #tpu.memory_space<hbm>>
    tpu.enqueue_dma source(%dma_start3A_88 : memref<2x100xi32, #tpu.memory_space<hbm>>) target(%arg8 : memref<2x100xi32, #tpu.memory_space<vmem>>) target_semaphore(%arg24 : memref<!tpu.dma_semaphore, #tpu.memory_space<semaphore_mem>>)
    %add3A_89 = arith.constant 5 : i32
    %add3A_90 = arith.addi %mul3A_2, %add3A_89 : i32
    %dma_start3A_91 = arith.constant 0 : i32
    %dma_start3A_92 = arith.constant 0 : i32
    %dma_start3A_93 = tpu.memref_slice %arg3[%add3A_90, %dma_start3A_91, %dma_start3A_92] : memref<3200x2x100xi32, #tpu.memory_space<hbm>> -> memref<1x2x100xi32, #tpu.memory_space<hbm>>
    %dma_start3A_94 = tpu.memref_squeeze %dma_start3A_93 : memref<1x2x100xi32, #tpu.memory_space<hbm>> -> memref<2x100xi32, #tpu.memory_space<hbm>>
    %dma_start3A_95 = arith.constant 0 : i32
    %dma_start3A_96 = arith.constant 0 : i32
    %dma_start3A_97 = tpu.memref_slice %arg3[%add3A_90, %dma_start3A_95, %dma_start3A_96] : memref<3200x2x100xi32, #tpu.memory_space<hbm>> -> memref<1x2x100xi32, #tpu.memory_space<hbm>>
    %dma_start3A_98 = tpu.memref_squeeze %dma_start3A_97 : memref<1x2x100xi32, #tpu.memory_space<hbm>> -> memref<2x100xi32, #tpu.memory_space<hbm>>
    tpu.enqueue_dma source(%dma_start3A_98 : memref<2x100xi32, #tpu.memory_space<hbm>>) target(%arg10 : memref<2x100xi32, #tpu.memory_space<vmem>>) target_semaphore(%arg26 : memref<!tpu.dma_semaphore, #tpu.memory_space<semaphore_mem>>)
    %barrier3A = arith.constant 0 : index
    tpu.barrier barrier_id(%barrier3A)
    %dma_wait3A = arith.constant 0 : i32
    %dma_wait3A_99 = arith.constant 0 : i32
    %dma_wait3A_100 = tpu.memref_slice %arg3[%mul3A_2, %dma_wait3A, %dma_wait3A_99] : memref<3200x2x100xi32, #tpu.memory_space<hbm>> -> memref<1x2x100xi32, #tpu.memory_space<hbm>>
    %dma_wait3A_101 = tpu.memref_squeeze %dma_wait3A_100 : memref<1x2x100xi32, #tpu.memory_space<hbm>> -> memref<2x100xi32, #tpu.memory_space<hbm>>
    %dma_wait3A_102 = arith.constant 0 : i32
    %dma_wait3A_103 = arith.constant 0 : i32
    %dma_wait3A_104 = tpu.memref_slice %arg3[%mul3A_2, %dma_wait3A_102, %dma_wait3A_103] : memref<3200x2x100xi32, #tpu.memory_space<hbm>> -> memref<1x2x100xi32, #tpu.memory_space<hbm>>
    %dma_wait3A_105 = tpu.memref_squeeze %dma_wait3A_104 : memref<1x2x100xi32, #tpu.memory_space<hbm>> -> memref<2x100xi32, #tpu.memory_space<hbm>>
    tpu.wait_dma2 semaphore(%arg21 : memref<!tpu.dma_semaphore, #tpu.memory_space<semaphore_mem>>) src(%dma_wait3A_105 : memref<2x100xi32, #tpu.memory_space<hbm>>) dst(%arg5 : memref<2x100xi32, #tpu.memory_space<vmem>>)
    %dma_start3A_106 = arith.constant 0 : i32
    %dma_start3A_107 = arith.constant 0 : i32
    %dma_start3A_108 = tpu.memref_slice %arg5[%dma_start3A_106, %dma_start3A_107] : memref<2x100xi32, #tpu.memory_space<vmem>> -> memref<1x100xi32, #tpu.memory_space<vmem>>
    %dma_start3A_109 = tpu.memref_squeeze %dma_start3A_108 : memref<1x100xi32, #tpu.memory_space<vmem>> -> memref<100xi32, #tpu.memory_space<vmem>>
    %dma_start3A_110 = arith.constant 0 : i32
    %dma_start3A_111 = arith.constant 0 : i32
    %dma_start3A_112 = tpu.memref_slice %arg2[%dma_start3A_110, %dma_start3A_111] : memref<10000x128xf32, #tpu.memory_space<hbm>> -> memref<10000x128xf32, #tpu.memory_space<hbm>>
    tpu.enqueue_indirect_dma source(%dma_start3A_112 : memref<10000x128xf32, #tpu.memory_space<hbm>>) target(%arg11 : memref<100x128xf32, #tpu.memory_space<vmem>>) offsets(%dma_start3A_109 : memref<100xi32, #tpu.memory_space<vmem>>) semaphore(%arg15 : memref<!tpu.dma_semaphore, #tpu.memory_space<semaphore_mem>>)
    %dma_wait3A_113 = arith.constant 0 : i32
    %dma_wait3A_114 = arith.constant 0 : i32
    %dma_wait3A_115 = tpu.memref_slice %arg3[%mul3A_2, %dma_wait3A_113, %dma_wait3A_114] : memref<3200x2x100xi32, #tpu.memory_space<hbm>> -> memref<1x2x100xi32, #tpu.memory_space<hbm>>
    %dma_wait3A_116 = tpu.memref_squeeze %dma_wait3A_115 : memref<1x2x100xi32, #tpu.memory_space<hbm>> -> memref<2x100xi32, #tpu.memory_space<hbm>>
    %dma_wait3A_117 = arith.constant 0 : i32
    %dma_wait3A_118 = arith.constant 0 : i32
    %dma_wait3A_119 = tpu.memref_slice %arg3[%mul3A_2, %dma_wait3A_117, %dma_wait3A_118] : memref<3200x2x100xi32, #tpu.memory_space<hbm>> -> memref<1x2x100xi32, #tpu.memory_space<hbm>>
    %dma_wait3A_120 = tpu.memref_squeeze %dma_wait3A_119 : memref<1x2x100xi32, #tpu.memory_space<hbm>> -> memref<2x100xi32, #tpu.memory_space<hbm>>
    tpu.wait_dma2 semaphore(%arg23 : memref<!tpu.dma_semaphore, #tpu.memory_space<semaphore_mem>>) src(%dma_wait3A_120 : memref<2x100xi32, #tpu.memory_space<hbm>>) dst(%arg7 : memref<2x100xi32, #tpu.memory_space<vmem>>)
    %dma_start3A_121 = arith.constant 0 : i32
    %dma_start3A_122 = arith.constant 0 : i32
    %dma_start3A_123 = tpu.memref_slice %arg7[%dma_start3A_121, %dma_start3A_122] : memref<2x100xi32, #tpu.memory_space<vmem>> -> memref<1x100xi32, #tpu.memory_space<vmem>>
    %dma_start3A_124 = tpu.memref_squeeze %dma_start3A_123 : memref<1x100xi32, #tpu.memory_space<vmem>> -> memref<100xi32, #tpu.memory_space<vmem>>
    %dma_start3A_125 = arith.constant 0 : i32
    %dma_start3A_126 = arith.constant 0 : i32
    %dma_start3A_127 = tpu.memref_slice %arg2[%dma_start3A_125, %dma_start3A_126] : memref<10000x128xf32, #tpu.memory_space<hbm>> -> memref<10000x128xf32, #tpu.memory_space<hbm>>
    tpu.enqueue_indirect_dma source(%dma_start3A_127 : memref<10000x128xf32, #tpu.memory_space<hbm>>) target(%arg12 : memref<100x128xf32, #tpu.memory_space<vmem>>) offsets(%dma_start3A_124 : memref<100xi32, #tpu.memory_space<vmem>>) semaphore(%arg16 : memref<!tpu.dma_semaphore, #tpu.memory_space<semaphore_mem>>)
    %dma_wait3A_128 = arith.constant 0 : i32
    %dma_wait3A_129 = arith.constant 0 : i32
    %dma_wait3A_130 = tpu.memref_slice %arg5[%dma_wait3A_128, %dma_wait3A_129] : memref<2x100xi32, #tpu.memory_space<vmem>> -> memref<1x100xi32, #tpu.memory_space<vmem>>
    %dma_wait3A_131 = tpu.memref_squeeze %dma_wait3A_130 : memref<1x100xi32, #tpu.memory_space<vmem>> -> memref<100xi32, #tpu.memory_space<vmem>>
    %dma_wait3A_132 = arith.constant 0 : i32
    %dma_wait3A_133 = arith.constant 0 : i32
    %dma_wait3A_134 = tpu.memref_slice %arg2[%dma_wait3A_132, %dma_wait3A_133] : memref<10000x128xf32, #tpu.memory_space<hbm>> -> memref<10000x128xf32, #tpu.memory_space<hbm>>
    tpu.wait_indirect_dma semaphore(%arg15 : memref<!tpu.dma_semaphore, #tpu.memory_space<semaphore_mem>>) src(%dma_wait3A_134 : memref<10000x128xf32, #tpu.memory_space<hbm>>) dst(%arg11 : memref<100x128xf32, #tpu.memory_space<vmem>>)
    %dma_start3A_135 = arith.constant 1 : i32
    %dma_start3A_136 = arith.constant 0 : i32
    %dma_start3A_137 = tpu.memref_slice %arg5[%dma_start3A_135, %dma_start3A_136] : memref<2x100xi32, #tpu.memory_space<vmem>> -> memref<1x100xi32, #tpu.memory_space<vmem>>
    %dma_start3A_138 = tpu.memref_squeeze %dma_start3A_137 : memref<1x100xi32, #tpu.memory_space<vmem>> -> memref<100xi32, #tpu.memory_space<vmem>>
    %dma_start3A_139 = arith.constant 0 : i32
    %dma_start3A_140 = arith.constant 0 : i32
    %dma_start3A_141 = tpu.memref_slice %arg14[%dma_start3A_139, %dma_start3A_140] : memref<10240x128xf32, #tpu.memory_space<vmem_shared>> -> memref<10240x128xf32, #tpu.memory_space<vmem_shared>>
    tpu.enqueue_indirect_dma source(%arg11 : memref<100x128xf32, #tpu.memory_space<vmem>>) target(%dma_start3A_141 : memref<10240x128xf32, #tpu.memory_space<vmem_shared>>) offsets(%dma_start3A_138 : memref<100xi32, #tpu.memory_space<vmem>>) semaphore(%arg18 : memref<!tpu.dma_semaphore, #tpu.memory_space<semaphore_mem>>) {add = true}
    %dma_wait3A_142 = arith.constant 0 : i32
    %dma_wait3A_143 = arith.constant 0 : i32
    %dma_wait3A_144 = tpu.memref_slice %arg3[%mul3A_2, %dma_wait3A_142, %dma_wait3A_143] : memref<3200x2x100xi32, #tpu.memory_space<hbm>> -> memref<1x2x100xi32, #tpu.memory_space<hbm>>
    %dma_wait3A_145 = tpu.memref_squeeze %dma_wait3A_144 : memref<1x2x100xi32, #tpu.memory_space<hbm>> -> memref<2x100xi32, #tpu.memory_space<hbm>>
    %dma_wait3A_146 = arith.constant 0 : i32
    %dma_wait3A_147 = arith.constant 0 : i32
    %dma_wait3A_148 = tpu.memref_slice %arg3[%mul3A_2, %dma_wait3A_146, %dma_wait3A_147] : memref<3200x2x100xi32, #tpu.memory_space<hbm>> -> memref<1x2x100xi32, #tpu.memory_space<hbm>>
    %dma_wait3A_149 = tpu.memref_squeeze %dma_wait3A_148 : memref<1x2x100xi32, #tpu.memory_space<hbm>> -> memref<2x100xi32, #tpu.memory_space<hbm>>
    tpu.wait_dma2 semaphore(%arg25 : memref<!tpu.dma_semaphore, #tpu.memory_space<semaphore_mem>>) src(%dma_wait3A_149 : memref<2x100xi32, #tpu.memory_space<hbm>>) dst(%arg9 : memref<2x100xi32, #tpu.memory_space<vmem>>)
    %dma_start3A_150 = arith.constant 0 : i32
    %dma_start3A_151 = arith.constant 0 : i32
    %dma_start3A_152 = tpu.memref_slice %arg9[%dma_start3A_150, %dma_start3A_151] : memref<2x100xi32, #tpu.memory_space<vmem>> -> memref<1x100xi32, #tpu.memory_space<vmem>>
    %dma_start3A_153 = tpu.memref_squeeze %dma_start3A_152 : memref<1x100xi32, #tpu.memory_space<vmem>> -> memref<100xi32, #tpu.memory_space<vmem>>
    %dma_start3A_154 = arith.constant 0 : i32
    %dma_start3A_155 = arith.constant 0 : i32
    %dma_start3A_156 = tpu.memref_slice %arg2[%dma_start3A_154, %dma_start3A_155] : memref<10000x128xf32, #tpu.memory_space<hbm>> -> memref<10000x128xf32, #tpu.memory_space<hbm>>
    tpu.enqueue_indirect_dma source(%dma_start3A_156 : memref<10000x128xf32, #tpu.memory_space<hbm>>) target(%arg13 : memref<100x128xf32, #tpu.memory_space<vmem>>) offsets(%dma_start3A_153 : memref<100xi32, #tpu.memory_space<vmem>>) semaphore(%arg17 : memref<!tpu.dma_semaphore, #tpu.memory_space<semaphore_mem>>)
    %dma_wait3A_157 = arith.constant 0 : i32
    %dma_wait3A_158 = arith.constant 0 : i32
    %dma_wait3A_159 = tpu.memref_slice %arg7[%dma_wait3A_157, %dma_wait3A_158] : memref<2x100xi32, #tpu.memory_space<vmem>> -> memref<1x100xi32, #tpu.memory_space<vmem>>
    %dma_wait3A_160 = tpu.memref_squeeze %dma_wait3A_159 : memref<1x100xi32, #tpu.memory_space<vmem>> -> memref<100xi32, #tpu.memory_space<vmem>>
    %dma_wait3A_161 = arith.constant 0 : i32
    %dma_wait3A_162 = arith.constant 0 : i32
    %dma_wait3A_163 = tpu.memref_slice %arg2[%dma_wait3A_161, %dma_wait3A_162] : memref<10000x128xf32, #tpu.memory_space<hbm>> -> memref<10000x128xf32, #tpu.memory_space<hbm>>
    tpu.wait_indirect_dma semaphore(%arg16 : memref<!tpu.dma_semaphore, #tpu.memory_space<semaphore_mem>>) src(%dma_wait3A_163 : memref<10000x128xf32, #tpu.memory_space<hbm>>) dst(%arg12 : memref<100x128xf32, #tpu.memory_space<vmem>>)
    %dma_start3A_164 = arith.constant 1 : i32
    %dma_start3A_165 = arith.constant 0 : i32
    %dma_start3A_166 = tpu.memref_slice %arg7[%dma_start3A_164, %dma_start3A_165] : memref<2x100xi32, #tpu.memory_space<vmem>> -> memref<1x100xi32, #tpu.memory_space<vmem>>
    %dma_start3A_167 = tpu.memref_squeeze %dma_start3A_166 : memref<1x100xi32, #tpu.memory_space<vmem>> -> memref<100xi32, #tpu.memory_space<vmem>>
    %dma_start3A_168 = arith.constant 0 : i32
    %dma_start3A_169 = arith.constant 0 : i32
    %dma_start3A_170 = tpu.memref_slice %arg14[%dma_start3A_168, %dma_start3A_169] : memref<10240x128xf32, #tpu.memory_space<vmem_shared>> -> memref<10240x128xf32, #tpu.memory_space<vmem_shared>>
    tpu.enqueue_indirect_dma source(%arg12 : memref<100x128xf32, #tpu.memory_space<vmem>>) target(%dma_start3A_170 : memref<10240x128xf32, #tpu.memory_space<vmem_shared>>) offsets(%dma_start3A_167 : memref<100xi32, #tpu.memory_space<vmem>>) semaphore(%arg19 : memref<!tpu.dma_semaphore, #tpu.memory_space<semaphore_mem>>) {add = true}
    %dma_wait3A_171 = arith.constant 1 : i32
    %dma_wait3A_172 = arith.constant 0 : i32
    %dma_wait3A_173 = tpu.memref_slice %arg5[%dma_wait3A_171, %dma_wait3A_172] : memref<2x100xi32, #tpu.memory_space<vmem>> -> memref<1x100xi32, #tpu.memory_space<vmem>>
    %dma_wait3A_174 = tpu.memref_squeeze %dma_wait3A_173 : memref<1x100xi32, #tpu.memory_space<vmem>> -> memref<100xi32, #tpu.memory_space<vmem>>
    %dma_wait3A_175 = arith.constant 0 : i32
    %dma_wait3A_176 = arith.constant 0 : i32
    %dma_wait3A_177 = tpu.memref_slice %arg14[%dma_wait3A_175, %dma_wait3A_176] : memref<10240x128xf32, #tpu.memory_space<vmem_shared>> -> memref<10240x128xf32, #tpu.memory_space<vmem_shared>>
    tpu.wait_indirect_dma semaphore(%arg18 : memref<!tpu.dma_semaphore, #tpu.memory_space<semaphore_mem>>) src(%arg11 : memref<100x128xf32, #tpu.memory_space<vmem>>) dst(%dma_wait3A_177 : memref<10240x128xf32, #tpu.memory_space<vmem_shared>>)
    %dma_wait3A_178 = arith.constant 0 : i32
    %dma_wait3A_179 = arith.constant 0 : i32
    %dma_wait3A_180 = tpu.memref_slice %arg3[%mul3A_2, %dma_wait3A_178, %dma_wait3A_179] : memref<3200x2x100xi32, #tpu.memory_space<hbm>> -> memref<1x2x100xi32, #tpu.memory_space<hbm>>
    %dma_wait3A_181 = tpu.memref_squeeze %dma_wait3A_180 : memref<1x2x100xi32, #tpu.memory_space<hbm>> -> memref<2x100xi32, #tpu.memory_space<hbm>>
    %dma_wait3A_182 = arith.constant 0 : i32
    %dma_wait3A_183 = arith.constant 0 : i32
    %dma_wait3A_184 = tpu.memref_slice %arg3[%mul3A_2, %dma_wait3A_182, %dma_wait3A_183] : memref<3200x2x100xi32, #tpu.memory_space<hbm>> -> memref<1x2x100xi32, #tpu.memory_space<hbm>>
    %dma_wait3A_185 = tpu.memref_squeeze %dma_wait3A_184 : memref<1x2x100xi32, #tpu.memory_space<hbm>> -> memref<2x100xi32, #tpu.memory_space<hbm>>
    tpu.wait_dma2 semaphore(%arg22 : memref<!tpu.dma_semaphore, #tpu.memory_space<semaphore_mem>>) src(%dma_wait3A_185 : memref<2x100xi32, #tpu.memory_space<hbm>>) dst(%arg6 : memref<2x100xi32, #tpu.memory_space<vmem>>)
    %dma_start3A_186 = arith.constant 0 : i32
    %dma_start3A_187 = arith.constant 0 : i32
    %dma_start3A_188 = tpu.memref_slice %arg6[%dma_start3A_186, %dma_start3A_187] : memref<2x100xi32, #tpu.memory_space<vmem>> -> memref<1x100xi32, #tpu.memory_space<vmem>>
    %dma_start3A_189 = tpu.memref_squeeze %dma_start3A_188 : memref<1x100xi32, #tpu.memory_space<vmem>> -> memref<100xi32, #tpu.memory_space<vmem>>
    %dma_start3A_190 = arith.constant 0 : i32
    %dma_start3A_191 = arith.constant 0 : i32
    %dma_start3A_192 = tpu.memref_slice %arg2[%dma_start3A_190, %dma_start3A_191] : memref<10000x128xf32, #tpu.memory_space<hbm>> -> memref<10000x128xf32, #tpu.memory_space<hbm>>
    tpu.enqueue_indirect_dma source(%dma_start3A_192 : memref<10000x128xf32, #tpu.memory_space<hbm>>) target(%arg11 : memref<100x128xf32, #tpu.memory_space<vmem>>) offsets(%dma_start3A_189 : memref<100xi32, #tpu.memory_space<vmem>>) semaphore(%arg15 : memref<!tpu.dma_semaphore, #tpu.memory_space<semaphore_mem>>)
    %dma_wait3A_193 = arith.constant 0 : i32
    %dma_wait3A_194 = arith.constant 0 : i32
    %dma_wait3A_195 = tpu.memref_slice %arg9[%dma_wait3A_193, %dma_wait3A_194] : memref<2x100xi32, #tpu.memory_space<vmem>> -> memref<1x100xi32, #tpu.memory_space<vmem>>
    %dma_wait3A_196 = tpu.memref_squeeze %dma_wait3A_195 : memref<1x100xi32, #tpu.memory_space<vmem>> -> memref<100xi32, #tpu.memory_space<vmem>>
    %dma_wait3A_197 = arith.constant 0 : i32
    %dma_wait3A_198 = arith.constant 0 : i32
    %dma_wait3A_199 = tpu.memref_slice %arg2[%dma_wait3A_197, %dma_wait3A_198] : memref<10000x128xf32, #tpu.memory_space<hbm>> -> memref<10000x128xf32, #tpu.memory_space<hbm>>
    tpu.wait_indirect_dma semaphore(%arg17 : memref<!tpu.dma_semaphore, #tpu.memory_space<semaphore_mem>>) src(%dma_wait3A_199 : memref<10000x128xf32, #tpu.memory_space<hbm>>) dst(%arg13 : memref<100x128xf32, #tpu.memory_space<vmem>>)
    %dma_start3A_200 = arith.constant 1 : i32
    %dma_start3A_201 = arith.constant 0 : i32
    %dma_start3A_202 = tpu.memref_slice %arg9[%dma_start3A_200, %dma_start3A_201] : memref<2x100xi32, #tpu.memory_space<vmem>> -> memref<1x100xi32, #tpu.memory_space<vmem>>
    %dma_start3A_203 = tpu.memref_squeeze %dma_start3A_202 : memref<1x100xi32, #tpu.memory_space<vmem>> -> memref<100xi32, #tpu.memory_space<vmem>>
    %dma_start3A_204 = arith.constant 0 : i32
    %dma_start3A_205 = arith.constant 0 : i32
    %dma_start3A_206 = tpu.memref_slice %arg14[%dma_start3A_204, %dma_start3A_205] : memref<10240x128xf32, #tpu.memory_space<vmem_shared>> -> memref<10240x128xf32, #tpu.memory_space<vmem_shared>>
    tpu.enqueue_indirect_dma source(%arg13 : memref<100x128xf32, #tpu.memory_space<vmem>>) target(%dma_start3A_206 : memref<10240x128xf32, #tpu.memory_space<vmem_shared>>) offsets(%dma_start3A_203 : memref<100xi32, #tpu.memory_space<vmem>>) semaphore(%arg20 : memref<!tpu.dma_semaphore, #tpu.memory_space<semaphore_mem>>) {add = true}
    %dma_wait3A_207 = arith.constant 1 : i32
    %dma_wait3A_208 = arith.constant 0 : i32
    %dma_wait3A_209 = tpu.memref_slice %arg7[%dma_wait3A_207, %dma_wait3A_208] : memref<2x100xi32, #tpu.memory_space<vmem>> -> memref<1x100xi32, #tpu.memory_space<vmem>>
    %dma_wait3A_210 = tpu.memref_squeeze %dma_wait3A_209 : memref<1x100xi32, #tpu.memory_space<vmem>> -> memref<100xi32, #tpu.memory_space<vmem>>
    %dma_wait3A_211 = arith.constant 0 : i32
    %dma_wait3A_212 = arith.constant 0 : i32
    %dma_wait3A_213 = tpu.memref_slice %arg14[%dma_wait3A_211, %dma_wait3A_212] : memref<10240x128xf32, #tpu.memory_space<vmem_shared>> -> memref<10240x128xf32, #tpu.memory_space<vmem_shared>>
    tpu.wait_indirect_dma semaphore(%arg19 : memref<!tpu.dma_semaphore, #tpu.memory_space<semaphore_mem>>) src(%arg12 : memref<100x128xf32, #tpu.memory_space<vmem>>) dst(%dma_wait3A_213 : memref<10240x128xf32, #tpu.memory_space<vmem_shared>>)
    %add3A_214 = arith.constant 6 : i32
    %add3A_215 = arith.addi %mul3A_2, %add3A_214 : i32
    %dma_start3A_216 = arith.constant 0 : i32
    %dma_start3A_217 = arith.constant 0 : i32
    %dma_start3A_218 = tpu.memref_slice %arg3[%add3A_215, %dma_start3A_216, %dma_start3A_217] : memref<3200x2x100xi32, #tpu.memory_space<hbm>> -> memref<1x2x100xi32, #tpu.memory_space<hbm>>
    %dma_start3A_219 = tpu.memref_squeeze %dma_start3A_218 : memref<1x2x100xi32, #tpu.memory_space<hbm>> -> memref<2x100xi32, #tpu.memory_space<hbm>>
    %dma_start3A_220 = arith.constant 0 : i32
    %dma_start3A_221 = arith.constant 0 : i32
    %dma_start3A_222 = tpu.memref_slice %arg3[%add3A_215, %dma_start3A_220, %dma_start3A_221] : memref<3200x2x100xi32, #tpu.memory_space<hbm>> -> memref<1x2x100xi32, #tpu.memory_space<hbm>>
    %dma_start3A_223 = tpu.memref_squeeze %dma_start3A_222 : memref<1x2x100xi32, #tpu.memory_space<hbm>> -> memref<2x100xi32, #tpu.memory_space<hbm>>
    tpu.enqueue_dma source(%dma_start3A_223 : memref<2x100xi32, #tpu.memory_space<hbm>>) target(%arg5 : memref<2x100xi32, #tpu.memory_space<vmem>>) target_semaphore(%arg21 : memref<!tpu.dma_semaphore, #tpu.memory_space<semaphore_mem>>)
    %dma_wait3A_224 = arith.constant 0 : i32
    %dma_wait3A_225 = arith.constant 0 : i32
    %dma_wait3A_226 = tpu.memref_slice %arg3[%mul3A_2, %dma_wait3A_224, %dma_wait3A_225] : memref<3200x2x100xi32, #tpu.memory_space<hbm>> -> memref<1x2x100xi32, #tpu.memory_space<hbm>>
    %dma_wait3A_227 = tpu.memref_squeeze %dma_wait3A_226 : memref<1x2x100xi32, #tpu.memory_space<hbm>> -> memref<2x100xi32, #tpu.memory_space<hbm>>
    %dma_wait3A_228 = arith.constant 0 : i32
    %dma_wait3A_229 = arith.constant 0 : i32
    %dma_wait3A_230 = tpu.memref_slice %arg3[%mul3A_2, %dma_wait3A_228, %dma_wait3A_229] : memref<3200x2x100xi32, #tpu.memory_space<hbm>> -> memref<1x2x100xi32, #tpu.memory_space<hbm>>
    %dma_wait3A_231 = tpu.memref_squeeze %dma_wait3A_230 : memref<1x2x100xi32, #tpu.memory_space<hbm>> -> memref<2x100xi32, #tpu.memory_space<hbm>>
    tpu.wait_dma2 semaphore(%arg24 : memref<!tpu.dma_semaphore, #tpu.memory_space<semaphore_mem>>) src(%dma_wait3A_231 : memref<2x100xi32, #tpu.memory_space<hbm>>) dst(%arg8 : memref<2x100xi32, #tpu.memory_space<vmem>>)
    %dma_start3A_232 = arith.constant 0 : i32
    %dma_start3A_233 = arith.constant 0 : i32
    %dma_start3A_234 = tpu.memref_slice %arg8[%dma_start3A_232, %dma_start3A_233] : memref<2x100xi32, #tpu.memory_space<vmem>> -> memref<1x100xi32, #tpu.memory_space<vmem>>
    %dma_start3A_235 = tpu.memref_squeeze %dma_start3A_234 : memref<1x100xi32, #tpu.memory_space<vmem>> -> memref<100xi32, #tpu.memory_space<vmem>>
    %dma_start3A_236 = arith.constant 0 : i32
    %dma_start3A_237 = arith.constant 0 : i32
    %dma_start3A_238 = tpu.memref_slice %arg2[%dma_start3A_236, %dma_start3A_237] : memref<10000x128xf32, #tpu.memory_space<hbm>> -> memref<10000x128xf32, #tpu.memory_space<hbm>>
    tpu.enqueue_indirect_dma source(%dma_start3A_238 : memref<10000x128xf32, #tpu.memory_space<hbm>>) target(%arg12 : memref<100x128xf32, #tpu.memory_space<vmem>>) offsets(%dma_start3A_235 : memref<100xi32, #tpu.memory_space<vmem>>) semaphore(%arg16 : memref<!tpu.dma_semaphore, #tpu.memory_space<semaphore_mem>>)
    %dma_wait3A_239 = arith.constant 0 : i32
    %dma_wait3A_240 = arith.constant 0 : i32
    %dma_wait3A_241 = tpu.memref_slice %arg5[%dma_wait3A_239, %dma_wait3A_240] : memref<2x100xi32, #tpu.memory_space<vmem>> -> memref<1x100xi32, #tpu.memory_space<vmem>>
    %dma_wait3A_242 = tpu.memref_squeeze %dma_wait3A_241 : memref<1x100xi32, #tpu.memory_space<vmem>> -> memref<100xi32, #tpu.memory_space<vmem>>
    %dma_wait3A_243 = arith.constant 0 : i32
    %dma_wait3A_244 = arith.constant 0 : i32
    %dma_wait3A_245 = tpu.memref_slice %arg2[%dma_wait3A_243, %dma_wait3A_244] : memref<10000x128xf32, #tpu.memory_space<hbm>> -> memref<10000x128xf32, #tpu.memory_space<hbm>>
    tpu.wait_indirect_dma semaphore(%arg15 : memref<!tpu.dma_semaphore, #tpu.memory_space<semaphore_mem>>) src(%dma_wait3A_245 : memref<10000x128xf32, #tpu.memory_space<hbm>>) dst(%arg11 : memref<100x128xf32, #tpu.memory_space<vmem>>)
    %dma_start3A_246 = arith.constant 1 : i32
    %dma_start3A_247 = arith.constant 0 : i32
    %dma_start3A_248 = tpu.memref_slice %arg6[%dma_start3A_246, %dma_start3A_247] : memref<2x100xi32, #tpu.memory_space<vmem>> -> memref<1x100xi32, #tpu.memory_space<vmem>>
    %dma_start3A_249 = tpu.memref_squeeze %dma_start3A_248 : memref<1x100xi32, #tpu.memory_space<vmem>> -> memref<100xi32, #tpu.memory_space<vmem>>
    %dma_start3A_250 = arith.constant 0 : i32
    %dma_start3A_251 = arith.constant 0 : i32
    %dma_start3A_252 = tpu.memref_slice %arg14[%dma_start3A_250, %dma_start3A_251] : memref<10240x128xf32, #tpu.memory_space<vmem_shared>> -> memref<10240x128xf32, #tpu.memory_space<vmem_shared>>
    tpu.enqueue_indirect_dma source(%arg11 : memref<100x128xf32, #tpu.memory_space<vmem>>) target(%dma_start3A_252 : memref<10240x128xf32, #tpu.memory_space<vmem_shared>>) offsets(%dma_start3A_249 : memref<100xi32, #tpu.memory_space<vmem>>) semaphore(%arg18 : memref<!tpu.dma_semaphore, #tpu.memory_space<semaphore_mem>>) {add = true}
    %dma_wait3A_253 = arith.constant 1 : i32
    %dma_wait3A_254 = arith.constant 0 : i32
    %dma_wait3A_255 = tpu.memref_slice %arg9[%dma_wait3A_253, %dma_wait3A_254] : memref<2x100xi32, #tpu.memory_space<vmem>> -> memref<1x100xi32, #tpu.memory_space<vmem>>
    %dma_wait3A_256 = tpu.memref_squeeze %dma_wait3A_255 : memref<1x100xi32, #tpu.memory_space<vmem>> -> memref<100xi32, #tpu.memory_space<vmem>>
    %dma_wait3A_257 = arith.constant 0 : i32
    %dma_wait3A_258 = arith.constant 0 : i32
    %dma_wait3A_259 = tpu.memref_slice %arg14[%dma_wait3A_257, %dma_wait3A_258] : memref<10240x128xf32, #tpu.memory_space<vmem_shared>> -> memref<10240x128xf32, #tpu.memory_space<vmem_shared>>
    tpu.wait_indirect_dma semaphore(%arg20 : memref<!tpu.dma_semaphore, #tpu.memory_space<semaphore_mem>>) src(%arg13 : memref<100x128xf32, #tpu.memory_space<vmem>>) dst(%dma_wait3A_259 : memref<10240x128xf32, #tpu.memory_space<vmem_shared>>)
    %add3A_260 = arith.constant 7 : i32
    %add3A_261 = arith.addi %mul3A_2, %add3A_260 : i32
    %dma_start3A_262 = arith.constant 0 : i32
    %dma_start3A_263 = arith.constant 0 : i32
    %dma_start3A_264 = tpu.memref_slice %arg3[%add3A_261, %dma_start3A_262, %dma_start3A_263] : memref<3200x2x100xi32, #tpu.memory_space<hbm>> -> memref<1x2x100xi32, #tpu.memory_space<hbm>>
    %dma_start3A_265 = tpu.memref_squeeze %dma_start3A_264 : memref<1x2x100xi32, #tpu.memory_space<hbm>> -> memref<2x100xi32, #tpu.memory_space<hbm>>
    %dma_start3A_266 = arith.constant 0 : i32
    %dma_start3A_267 = arith.constant 0 : i32
    %dma_start3A_268 = tpu.memref_slice %arg3[%add3A_261, %dma_start3A_266, %dma_start3A_267] : memref<3200x2x100xi32, #tpu.memory_space<hbm>> -> memref<1x2x100xi32, #tpu.memory_space<hbm>>
    %dma_start3A_269 = tpu.memref_squeeze %dma_start3A_268 : memref<1x2x100xi32, #tpu.memory_space<hbm>> -> memref<2x100xi32, #tpu.memory_space<hbm>>
    tpu.enqueue_dma source(%dma_start3A_269 : memref<2x100xi32, #tpu.memory_space<hbm>>) target(%arg7 : memref<2x100xi32, #tpu.memory_space<vmem>>) target_semaphore(%arg23 : memref<!tpu.dma_semaphore, #tpu.memory_space<semaphore_mem>>)
    %dma_wait3A_270 = arith.constant 0 : i32
    %dma_wait3A_271 = arith.constant 0 : i32
    %dma_wait3A_272 = tpu.memref_slice %arg3[%mul3A_2, %dma_wait3A_270, %dma_wait3A_271] : memref<3200x2x100xi32, #tpu.memory_space<hbm>> -> memref<1x2x100xi32, #tpu.memory_space<hbm>>
    %dma_wait3A_273 = tpu.memref_squeeze %dma_wait3A_272 : memref<1x2x100xi32, #tpu.memory_space<hbm>> -> memref<2x100xi32, #tpu.memory_space<hbm>>
    %dma_wait3A_274 = arith.constant 0 : i32
    %dma_wait3A_275 = arith.constant 0 : i32
    %dma_wait3A_276 = tpu.memref_slice %arg3[%mul3A_2, %dma_wait3A_274, %dma_wait3A_275] : memref<3200x2x100xi32, #tpu.memory_space<hbm>> -> memref<1x2x100xi32, #tpu.memory_space<hbm>>
    %dma_wait3A_277 = tpu.memref_squeeze %dma_wait3A_276 : memref<1x2x100xi32, #tpu.memory_space<hbm>> -> memref<2x100xi32, #tpu.memory_space<hbm>>
    tpu.wait_dma2 semaphore(%arg26 : memref<!tpu.dma_semaphore, #tpu.memory_space<semaphore_mem>>) src(%dma_wait3A_277 : memref<2x100xi32, #tpu.memory_space<hbm>>) dst(%arg10 : memref<2x100xi32, #tpu.memory_space<vmem>>)
    %dma_start3A_278 = arith.constant 0 : i32
    %dma_start3A_279 = arith.constant 0 : i32
    %dma_start3A_280 = tpu.memref_slice %arg10[%dma_start3A_278, %dma_start3A_279] : memref<2x100xi32, #tpu.memory_space<vmem>> -> memref<1x100xi32, #tpu.memory_space<vmem>>
    %dma_start3A_281 = tpu.memref_squeeze %dma_start3A_280 : memref<1x100xi32, #tpu.memory_space<vmem>> -> memref<100xi32, #tpu.memory_space<vmem>>
    %dma_start3A_282 = arith.constant 0 : i32
    %dma_start3A_283 = arith.constant 0 : i32
    %dma_start3A_284 = tpu.memref_slice %arg2[%dma_start3A_282, %dma_start3A_283] : memref<10000x128xf32, #tpu.memory_space<hbm>> -> memref<10000x128xf32, #tpu.memory_space<hbm>>
    tpu.enqueue_indirect_dma source(%dma_start3A_284 : memref<10000x128xf32, #tpu.memory_space<hbm>>) target(%arg13 : memref<100x128xf32, #tpu.memory_space<vmem>>) offsets(%dma_start3A_281 : memref<100xi32, #tpu.memory_space<vmem>>) semaphore(%arg17 : memref<!tpu.dma_semaphore, #tpu.memory_space<semaphore_mem>>)
    %dma_wait3A_285 = arith.constant 0 : i32
    %dma_wait3A_286 = arith.constant 0 : i32
    %dma_wait3A_287 = tpu.memref_slice %arg7[%dma_wait3A_285, %dma_wait3A_286] : memref<2x100xi32, #tpu.memory_space<vmem>> -> memref<1x100xi32, #tpu.memory_space<vmem>>
    %dma_wait3A_288 = tpu.memref_squeeze %dma_wait3A_287 : memref<1x100xi32, #tpu.memory_space<vmem>> -> memref<100xi32, #tpu.memory_space<vmem>>
    %dma_wait3A_289 = arith.constant 0 : i32
    %dma_wait3A_290 = arith.constant 0 : i32
    %dma_wait3A_291 = tpu.memref_slice %arg2[%dma_wait3A_289, %dma_wait3A_290] : memref<10000x128xf32, #tpu.memory_space<hbm>> -> memref<10000x128xf32, #tpu.memory_space<hbm>>
    tpu.wait_indirect_dma semaphore(%arg16 : memref<!tpu.dma_semaphore, #tpu.memory_space<semaphore_mem>>) src(%dma_wait3A_291 : memref<10000x128xf32, #tpu.memory_space<hbm>>) dst(%arg12 : memref<100x128xf32, #tpu.memory_space<vmem>>)
    %dma_start3A_292 = arith.constant 1 : i32
    %dma_start3A_293 = arith.constant 0 : i32
    %dma_start3A_294 = tpu.memref_slice %arg8[%dma_start3A_292, %dma_start3A_293] : memref<2x100xi32, #tpu.memory_space<vmem>> -> memref<1x100xi32, #tpu.memory_space<vmem>>
    %dma_start3A_295 = tpu.memref_squeeze %dma_start3A_294 : memref<1x100xi32, #tpu.memory_space<vmem>> -> memref<100xi32, #tpu.memory_space<vmem>>
    %dma_start3A_296 = arith.constant 0 : i32
    %dma_start3A_297 = arith.constant 0 : i32
    %dma_start3A_298 = tpu.memref_slice %arg14[%dma_start3A_296, %dma_start3A_297] : memref<10240x128xf32, #tpu.memory_space<vmem_shared>> -> memref<10240x128xf32, #tpu.memory_space<vmem_shared>>
    tpu.enqueue_indirect_dma source(%arg12 : memref<100x128xf32, #tpu.memory_space<vmem>>) target(%dma_start3A_298 : memref<10240x128xf32, #tpu.memory_space<vmem_shared>>) offsets(%dma_start3A_295 : memref<100xi32, #tpu.memory_space<vmem>>) semaphore(%arg19 : memref<!tpu.dma_semaphore, #tpu.memory_space<semaphore_mem>>) {add = true}
    %scan3A_299 = arith.constant 0 : i32
    %scan3A_300 = arith.constant 0 : i32
    %scan3A_301 = arith.constant 15 : i32
    %scan3A_302 = arith.addi %scan3A_300, %scan3A_301 : i32
    %scan3A_303 = arith.constant 1 : i32
    scf.for %scan3A_540 = %scan3A_300 to %scan3A_302 step %scan3A_303  : i32 {
      %mul3A_541 = arith.constant 6 : i32
      %mul3A_542 = arith.muli %scan3A_540, %mul3A_541 : i32
      %add3A_543 = arith.constant 6 : i32
      %add3A_544 = arith.addi %add3A_543, %mul3A_542 : i32
      %add3A_545 = arith.constant 0 : i32
      %add3A_546 = arith.addi %add3A_544, %add3A_545 : i32
      %dma_wait3A_547 = arith.constant 1 : i32
      %dma_wait3A_548 = arith.constant 0 : i32
      %dma_wait3A_549 = tpu.memref_slice %arg5[%dma_wait3A_547, %dma_wait3A_548] : memref<2x100xi32, #tpu.memory_space<vmem>> -> memref<1x100xi32, #tpu.memory_space<vmem>>
      %dma_wait3A_550 = tpu.memref_squeeze %dma_wait3A_549 : memref<1x100xi32, #tpu.memory_space<vmem>> -> memref<100xi32, #tpu.memory_space<vmem>>
      %dma_wait3A_551 = arith.constant 0 : i32
      %dma_wait3A_552 = arith.constant 0 : i32
      %dma_wait3A_553 = tpu.memref_slice %arg14[%dma_wait3A_551, %dma_wait3A_552] : memref<10240x128xf32, #tpu.memory_space<vmem_shared>> -> memref<10240x128xf32, #tpu.memory_space<vmem_shared>>
      tpu.wait_indirect_dma semaphore(%arg18 : memref<!tpu.dma_semaphore, #tpu.memory_space<semaphore_mem>>) src(%arg11 : memref<100x128xf32, #tpu.memory_space<vmem>>) dst(%dma_wait3A_553 : memref<10240x128xf32, #tpu.memory_space<vmem_shared>>)
      %add3A_554 = arith.constant 2 : i32
      %add3A_555 = arith.addi %add3A_546, %add3A_554 : i32
      %add3A_556 = arith.addi %mul3A_2, %add3A_555 : i32
      %dma_start3A_557 = arith.constant 0 : i32
      %dma_start3A_558 = arith.constant 0 : i32
      %dma_start3A_559 = tpu.memref_slice %arg3[%add3A_556, %dma_start3A_557, %dma_start3A_558] : memref<3200x2x100xi32, #tpu.memory_space<hbm>> -> memref<1x2x100xi32, #tpu.memory_space<hbm>>
      %dma_start3A_560 = tpu.memref_squeeze %dma_start3A_559 : memref<1x2x100xi32, #tpu.memory_space<hbm>> -> memref<2x100xi32, #tpu.memory_space<hbm>>
      %dma_start3A_561 = arith.constant 0 : i32
      %dma_start3A_562 = arith.constant 0 : i32
      %dma_start3A_563 = tpu.memref_slice %arg3[%add3A_556, %dma_start3A_561, %dma_start3A_562] : memref<3200x2x100xi32, #tpu.memory_space<hbm>> -> memref<1x2x100xi32, #tpu.memory_space<hbm>>
      %dma_start3A_564 = tpu.memref_squeeze %dma_start3A_563 : memref<1x2x100xi32, #tpu.memory_space<hbm>> -> memref<2x100xi32, #tpu.memory_space<hbm>>
      tpu.enqueue_dma source(%dma_start3A_564 : memref<2x100xi32, #tpu.memory_space<hbm>>) target(%arg9 : memref<2x100xi32, #tpu.memory_space<vmem>>) target_semaphore(%arg25 : memref<!tpu.dma_semaphore, #tpu.memory_space<semaphore_mem>>)
      %dma_wait3A_565 = arith.constant 0 : i32
      %dma_wait3A_566 = arith.constant 0 : i32
      %dma_wait3A_567 = tpu.memref_slice %arg3[%mul3A_2, %dma_wait3A_565, %dma_wait3A_566] : memref<3200x2x100xi32, #tpu.memory_space<hbm>> -> memref<1x2x100xi32, #tpu.memory_space<hbm>>
      %dma_wait3A_568 = tpu.memref_squeeze %dma_wait3A_567 : memref<1x2x100xi32, #tpu.memory_space<hbm>> -> memref<2x100xi32, #tpu.memory_space<hbm>>
      %dma_wait3A_569 = arith.constant 0 : i32
      %dma_wait3A_570 = arith.constant 0 : i32
      %dma_wait3A_571 = tpu.memref_slice %arg3[%mul3A_2, %dma_wait3A_569, %dma_wait3A_570] : memref<3200x2x100xi32, #tpu.memory_space<hbm>> -> memref<1x2x100xi32, #tpu.memory_space<hbm>>
      %dma_wait3A_572 = tpu.memref_squeeze %dma_wait3A_571 : memref<1x2x100xi32, #tpu.memory_space<hbm>> -> memref<2x100xi32, #tpu.memory_space<hbm>>
      tpu.wait_dma2 semaphore(%arg21 : memref<!tpu.dma_semaphore, #tpu.memory_space<semaphore_mem>>) src(%dma_wait3A_572 : memref<2x100xi32, #tpu.memory_space<hbm>>) dst(%arg5 : memref<2x100xi32, #tpu.memory_space<vmem>>)
      %dma_start3A_573 = arith.constant 0 : i32
      %dma_start3A_574 = arith.constant 0 : i32
      %dma_start3A_575 = tpu.memref_slice %arg5[%dma_start3A_573, %dma_start3A_574] : memref<2x100xi32, #tpu.memory_space<vmem>> -> memref<1x100xi32, #tpu.memory_space<vmem>>
      %dma_start3A_576 = tpu.memref_squeeze %dma_start3A_575 : memref<1x100xi32, #tpu.memory_space<vmem>> -> memref<100xi32, #tpu.memory_space<vmem>>
      %dma_start3A_577 = arith.constant 0 : i32
      %dma_start3A_578 = arith.constant 0 : i32
      %dma_start3A_579 = tpu.memref_slice %arg2[%dma_start3A_577, %dma_start3A_578] : memref<10000x128xf32, #tpu.memory_space<hbm>> -> memref<10000x128xf32, #tpu.memory_space<hbm>>
      tpu.enqueue_indirect_dma source(%dma_start3A_579 : memref<10000x128xf32, #tpu.memory_space<hbm>>) target(%arg11 : memref<100x128xf32, #tpu.memory_space<vmem>>) offsets(%dma_start3A_576 : memref<100xi32, #tpu.memory_space<vmem>>) semaphore(%arg15 : memref<!tpu.dma_semaphore, #tpu.memory_space<semaphore_mem>>)
      %dma_wait3A_580 = arith.constant 0 : i32
      %dma_wait3A_581 = arith.constant 0 : i32
      %dma_wait3A_582 = tpu.memref_slice %arg9[%dma_wait3A_580, %dma_wait3A_581] : memref<2x100xi32, #tpu.memory_space<vmem>> -> memref<1x100xi32, #tpu.memory_space<vmem>>
      %dma_wait3A_583 = tpu.memref_squeeze %dma_wait3A_582 : memref<1x100xi32, #tpu.memory_space<vmem>> -> memref<100xi32, #tpu.memory_space<vmem>>
      %dma_wait3A_584 = arith.constant 0 : i32
      %dma_wait3A_585 = arith.constant 0 : i32
      %dma_wait3A_586 = tpu.memref_slice %arg2[%dma_wait3A_584, %dma_wait3A_585] : memref<10000x128xf32, #tpu.memory_space<hbm>> -> memref<10000x128xf32, #tpu.memory_space<hbm>>
      tpu.wait_indirect_dma semaphore(%arg17 : memref<!tpu.dma_semaphore, #tpu.memory_space<semaphore_mem>>) src(%dma_wait3A_586 : memref<10000x128xf32, #tpu.memory_space<hbm>>) dst(%arg13 : memref<100x128xf32, #tpu.memory_space<vmem>>)
      %sub3A = arith.constant 1 : i32
      %sub3A_587 = arith.subi %add3A_546, %sub3A : i32
      %dma_start3A_588 = arith.constant 1 : i32
      %dma_start3A_589 = arith.constant 0 : i32
      %dma_start3A_590 = tpu.memref_slice %arg10[%dma_start3A_588, %dma_start3A_589] : memref<2x100xi32, #tpu.memory_space<vmem>> -> memref<1x100xi32, #tpu.memory_space<vmem>>
      %dma_start3A_591 = tpu.memref_squeeze %dma_start3A_590 : memref<1x100xi32, #tpu.memory_space<vmem>> -> memref<100xi32, #tpu.memory_space<vmem>>
      %dma_start3A_592 = arith.constant 0 : i32
      %dma_start3A_593 = arith.constant 0 : i32
      %dma_start3A_594 = tpu.memref_slice %arg14[%dma_start3A_592, %dma_start3A_593] : memref<10240x128xf32, #tpu.memory_space<vmem_shared>> -> memref<10240x128xf32, #tpu.memory_space<vmem_shared>>
      tpu.enqueue_indirect_dma source(%arg13 : memref<100x128xf32, #tpu.memory_space<vmem>>) target(%dma_start3A_594 : memref<10240x128xf32, #tpu.memory_space<vmem_shared>>) offsets(%dma_start3A_591 : memref<100xi32, #tpu.memory_space<vmem>>) semaphore(%arg20 : memref<!tpu.dma_semaphore, #tpu.memory_space<semaphore_mem>>) {add = true}
      %mul3A_595 = arith.constant 6 : i32
      %mul3A_596 = arith.muli %scan3A_540, %mul3A_595 : i32
      %add3A_597 = arith.constant 6 : i32
      %add3A_598 = arith.addi %add3A_597, %mul3A_596 : i32
      %add3A_599 = arith.constant 1 : i32
      %add3A_600 = arith.addi %add3A_598, %add3A_599 : i32
      %dma_wait3A_601 = arith.constant 1 : i32
      %dma_wait3A_602 = arith.constant 0 : i32
      %dma_wait3A_603 = tpu.memref_slice %arg7[%dma_wait3A_601, %dma_wait3A_602] : memref<2x100xi32, #tpu.memory_space<vmem>> -> memref<1x100xi32, #tpu.memory_space<vmem>>
      %dma_wait3A_604 = tpu.memref_squeeze %dma_wait3A_603 : memref<1x100xi32, #tpu.memory_space<vmem>> -> memref<100xi32, #tpu.memory_space<vmem>>
      %dma_wait3A_605 = arith.constant 0 : i32
      %dma_wait3A_606 = arith.constant 0 : i32
      %dma_wait3A_607 = tpu.memref_slice %arg14[%dma_wait3A_605, %dma_wait3A_606] : memref<10240x128xf32, #tpu.memory_space<vmem_shared>> -> memref<10240x128xf32, #tpu.memory_space<vmem_shared>>
      tpu.wait_indirect_dma semaphore(%arg19 : memref<!tpu.dma_semaphore, #tpu.memory_space<semaphore_mem>>) src(%arg12 : memref<100x128xf32, #tpu.memory_space<vmem>>) dst(%dma_wait3A_607 : memref<10240x128xf32, #tpu.memory_space<vmem_shared>>)
      %add3A_608 = arith.constant 2 : i32
      %add3A_609 = arith.addi %add3A_600, %add3A_608 : i32
      %add3A_610 = arith.addi %mul3A_2, %add3A_609 : i32
      %dma_start3A_611 = arith.constant 0 : i32
      %dma_start3A_612 = arith.constant 0 : i32
      %dma_start3A_613 = tpu.memref_slice %arg3[%add3A_610, %dma_start3A_611, %dma_start3A_612] : memref<3200x2x100xi32, #tpu.memory_space<hbm>> -> memref<1x2x100xi32, #tpu.memory_space<hbm>>
      %dma_start3A_614 = tpu.memref_squeeze %dma_start3A_613 : memref<1x2x100xi32, #tpu.memory_space<hbm>> -> memref<2x100xi32, #tpu.memory_space<hbm>>
      %dma_start3A_615 = arith.constant 0 : i32
      %dma_start3A_616 = arith.constant 0 : i32
      %dma_start3A_617 = tpu.memref_slice %arg3[%add3A_610, %dma_start3A_615, %dma_start3A_616] : memref<3200x2x100xi32, #tpu.memory_space<hbm>> -> memref<1x2x100xi32, #tpu.memory_space<hbm>>
      %dma_start3A_618 = tpu.memref_squeeze %dma_start3A_617 : memref<1x2x100xi32, #tpu.memory_space<hbm>> -> memref<2x100xi32, #tpu.memory_space<hbm>>
      tpu.enqueue_dma source(%dma_start3A_618 : memref<2x100xi32, #tpu.memory_space<hbm>>) target(%arg6 : memref<2x100xi32, #tpu.memory_space<vmem>>) target_semaphore(%arg22 : memref<!tpu.dma_semaphore, #tpu.memory_space<semaphore_mem>>)
      %dma_wait3A_619 = arith.constant 0 : i32
      %dma_wait3A_620 = arith.constant 0 : i32
      %dma_wait3A_621 = tpu.memref_slice %arg3[%mul3A_2, %dma_wait3A_619, %dma_wait3A_620] : memref<3200x2x100xi32, #tpu.memory_space<hbm>> -> memref<1x2x100xi32, #tpu.memory_space<hbm>>
      %dma_wait3A_622 = tpu.memref_squeeze %dma_wait3A_621 : memref<1x2x100xi32, #tpu.memory_space<hbm>> -> memref<2x100xi32, #tpu.memory_space<hbm>>
      %dma_wait3A_623 = arith.constant 0 : i32
      %dma_wait3A_624 = arith.constant 0 : i32
      %dma_wait3A_625 = tpu.memref_slice %arg3[%mul3A_2, %dma_wait3A_623, %dma_wait3A_624] : memref<3200x2x100xi32, #tpu.memory_space<hbm>> -> memref<1x2x100xi32, #tpu.memory_space<hbm>>
      %dma_wait3A_626 = tpu.memref_squeeze %dma_wait3A_625 : memref<1x2x100xi32, #tpu.memory_space<hbm>> -> memref<2x100xi32, #tpu.memory_space<hbm>>
      tpu.wait_dma2 semaphore(%arg23 : memref<!tpu.dma_semaphore, #tpu.memory_space<semaphore_mem>>) src(%dma_wait3A_626 : memref<2x100xi32, #tpu.memory_space<hbm>>) dst(%arg7 : memref<2x100xi32, #tpu.memory_space<vmem>>)
      %dma_start3A_627 = arith.constant 0 : i32
      %dma_start3A_628 = arith.constant 0 : i32
      %dma_start3A_629 = tpu.memref_slice %arg7[%dma_start3A_627, %dma_start3A_628] : memref<2x100xi32, #tpu.memory_space<vmem>> -> memref<1x100xi32, #tpu.memory_space<vmem>>
      %dma_start3A_630 = tpu.memref_squeeze %dma_start3A_629 : memref<1x100xi32, #tpu.memory_space<vmem>> -> memref<100xi32, #tpu.memory_space<vmem>>
      %dma_start3A_631 = arith.constant 0 : i32
      %dma_start3A_632 = arith.constant 0 : i32
      %dma_start3A_633 = tpu.memref_slice %arg2[%dma_start3A_631, %dma_start3A_632] : memref<10000x128xf32, #tpu.memory_space<hbm>> -> memref<10000x128xf32, #tpu.memory_space<hbm>>
      tpu.enqueue_indirect_dma source(%dma_start3A_633 : memref<10000x128xf32, #tpu.memory_space<hbm>>) target(%arg12 : memref<100x128xf32, #tpu.memory_space<vmem>>) offsets(%dma_start3A_630 : memref<100xi32, #tpu.memory_space<vmem>>) semaphore(%arg16 : memref<!tpu.dma_semaphore, #tpu.memory_space<semaphore_mem>>)
      %dma_wait3A_634 = arith.constant 0 : i32
      %dma_wait3A_635 = arith.constant 0 : i32
      %dma_wait3A_636 = tpu.memref_slice %arg5[%dma_wait3A_634, %dma_wait3A_635] : memref<2x100xi32, #tpu.memory_space<vmem>> -> memref<1x100xi32, #tpu.memory_space<vmem>>
      %dma_wait3A_637 = tpu.memref_squeeze %dma_wait3A_636 : memref<1x100xi32, #tpu.memory_space<vmem>> -> memref<100xi32, #tpu.memory_space<vmem>>
      %dma_wait3A_638 = arith.constant 0 : i32
      %dma_wait3A_639 = arith.constant 0 : i32
      %dma_wait3A_640 = tpu.memref_slice %arg2[%dma_wait3A_638, %dma_wait3A_639] : memref<10000x128xf32, #tpu.memory_space<hbm>> -> memref<10000x128xf32, #tpu.memory_space<hbm>>
      tpu.wait_indirect_dma semaphore(%arg15 : memref<!tpu.dma_semaphore, #tpu.memory_space<semaphore_mem>>) src(%dma_wait3A_640 : memref<10000x128xf32, #tpu.memory_space<hbm>>) dst(%arg11 : memref<100x128xf32, #tpu.memory_space<vmem>>)
      %sub3A_641 = arith.constant 1 : i32
      %sub3A_642 = arith.subi %add3A_600, %sub3A_641 : i32
      %dma_start3A_643 = arith.constant 1 : i32
      %dma_start3A_644 = arith.constant 0 : i32
      %dma_start3A_645 = tpu.memref_slice %arg5[%dma_start3A_643, %dma_start3A_644] : memref<2x100xi32, #tpu.memory_space<vmem>> -> memref<1x100xi32, #tpu.memory_space<vmem>>
      %dma_start3A_646 = tpu.memref_squeeze %dma_start3A_645 : memref<1x100xi32, #tpu.memory_space<vmem>> -> memref<100xi32, #tpu.memory_space<vmem>>
      %dma_start3A_647 = arith.constant 0 : i32
      %dma_start3A_648 = arith.constant 0 : i32
      %dma_start3A_649 = tpu.memref_slice %arg14[%dma_start3A_647, %dma_start3A_648] : memref<10240x128xf32, #tpu.memory_space<vmem_shared>> -> memref<10240x128xf32, #tpu.memory_space<vmem_shared>>
      tpu.enqueue_indirect_dma source(%arg11 : memref<100x128xf32, #tpu.memory_space<vmem>>) target(%dma_start3A_649 : memref<10240x128xf32, #tpu.memory_space<vmem_shared>>) offsets(%dma_start3A_646 : memref<100xi32, #tpu.memory_space<vmem>>) semaphore(%arg18 : memref<!tpu.dma_semaphore, #tpu.memory_space<semaphore_mem>>) {add = true}
      %mul3A_650 = arith.constant 6 : i32
      %mul3A_651 = arith.muli %scan3A_540, %mul3A_650 : i32
      %add3A_652 = arith.constant 6 : i32
      %add3A_653 = arith.addi %add3A_652, %mul3A_651 : i32
      %add3A_654 = arith.constant 2 : i32
      %add3A_655 = arith.addi %add3A_653, %add3A_654 : i32
      %dma_wait3A_656 = arith.constant 1 : i32
      %dma_wait3A_657 = arith.constant 0 : i32
      %dma_wait3A_658 = tpu.memref_slice %arg9[%dma_wait3A_656, %dma_wait3A_657] : memref<2x100xi32, #tpu.memory_space<vmem>> -> memref<1x100xi32, #tpu.memory_space<vmem>>
      %dma_wait3A_659 = tpu.memref_squeeze %dma_wait3A_658 : memref<1x100xi32, #tpu.memory_space<vmem>> -> memref<100xi32, #tpu.memory_space<vmem>>
      %dma_wait3A_660 = arith.constant 0 : i32
      %dma_wait3A_661 = arith.constant 0 : i32
      %dma_wait3A_662 = tpu.memref_slice %arg14[%dma_wait3A_660, %dma_wait3A_661] : memref<10240x128xf32, #tpu.memory_space<vmem_shared>> -> memref<10240x128xf32, #tpu.memory_space<vmem_shared>>
      tpu.wait_indirect_dma semaphore(%arg20 : memref<!tpu.dma_semaphore, #tpu.memory_space<semaphore_mem>>) src(%arg13 : memref<100x128xf32, #tpu.memory_space<vmem>>) dst(%dma_wait3A_662 : memref<10240x128xf32, #tpu.memory_space<vmem_shared>>)
      %add3A_663 = arith.constant 2 : i32
      %add3A_664 = arith.addi %add3A_655, %add3A_663 : i32
      %add3A_665 = arith.addi %mul3A_2, %add3A_664 : i32
      %dma_start3A_666 = arith.constant 0 : i32
      %dma_start3A_667 = arith.constant 0 : i32
      %dma_start3A_668 = tpu.memref_slice %arg3[%add3A_665, %dma_start3A_666, %dma_start3A_667] : memref<3200x2x100xi32, #tpu.memory_space<hbm>> -> memref<1x2x100xi32, #tpu.memory_space<hbm>>
      %dma_start3A_669 = tpu.memref_squeeze %dma_start3A_668 : memref<1x2x100xi32, #tpu.memory_space<hbm>> -> memref<2x100xi32, #tpu.memory_space<hbm>>
      %dma_start3A_670 = arith.constant 0 : i32
      %dma_start3A_671 = arith.constant 0 : i32
      %dma_start3A_672 = tpu.memref_slice %arg3[%add3A_665, %dma_start3A_670, %dma_start3A_671] : memref<3200x2x100xi32, #tpu.memory_space<hbm>> -> memref<1x2x100xi32, #tpu.memory_space<hbm>>
      %dma_start3A_673 = tpu.memref_squeeze %dma_start3A_672 : memref<1x2x100xi32, #tpu.memory_space<hbm>> -> memref<2x100xi32, #tpu.memory_space<hbm>>
      tpu.enqueue_dma source(%dma_start3A_673 : memref<2x100xi32, #tpu.memory_space<hbm>>) target(%arg8 : memref<2x100xi32, #tpu.memory_space<vmem>>) target_semaphore(%arg24 : memref<!tpu.dma_semaphore, #tpu.memory_space<semaphore_mem>>)
      %dma_wait3A_674 = arith.constant 0 : i32
      %dma_wait3A_675 = arith.constant 0 : i32
      %dma_wait3A_676 = tpu.memref_slice %arg3[%mul3A_2, %dma_wait3A_674, %dma_wait3A_675] : memref<3200x2x100xi32, #tpu.memory_space<hbm>> -> memref<1x2x100xi32, #tpu.memory_space<hbm>>
      %dma_wait3A_677 = tpu.memref_squeeze %dma_wait3A_676 : memref<1x2x100xi32, #tpu.memory_space<hbm>> -> memref<2x100xi32, #tpu.memory_space<hbm>>
      %dma_wait3A_678 = arith.constant 0 : i32
      %dma_wait3A_679 = arith.constant 0 : i32
      %dma_wait3A_680 = tpu.memref_slice %arg3[%mul3A_2, %dma_wait3A_678, %dma_wait3A_679] : memref<3200x2x100xi32, #tpu.memory_space<hbm>> -> memref<1x2x100xi32, #tpu.memory_space<hbm>>
      %dma_wait3A_681 = tpu.memref_squeeze %dma_wait3A_680 : memref<1x2x100xi32, #tpu.memory_space<hbm>> -> memref<2x100xi32, #tpu.memory_space<hbm>>
      tpu.wait_dma2 semaphore(%arg25 : memref<!tpu.dma_semaphore, #tpu.memory_space<semaphore_mem>>) src(%dma_wait3A_681 : memref<2x100xi32, #tpu.memory_space<hbm>>) dst(%arg9 : memref<2x100xi32, #tpu.memory_space<vmem>>)
      %dma_start3A_682 = arith.constant 0 : i32
      %dma_start3A_683 = arith.constant 0 : i32
      %dma_start3A_684 = tpu.memref_slice %arg9[%dma_start3A_682, %dma_start3A_683] : memref<2x100xi32, #tpu.memory_space<vmem>> -> memref<1x100xi32, #tpu.memory_space<vmem>>
      %dma_start3A_685 = tpu.memref_squeeze %dma_start3A_684 : memref<1x100xi32, #tpu.memory_space<vmem>> -> memref<100xi32, #tpu.memory_space<vmem>>
      %dma_start3A_686 = arith.constant 0 : i32
      %dma_start3A_687 = arith.constant 0 : i32
      %dma_start3A_688 = tpu.memref_slice %arg2[%dma_start3A_686, %dma_start3A_687] : memref<10000x128xf32, #tpu.memory_space<hbm>> -> memref<10000x128xf32, #tpu.memory_space<hbm>>
      tpu.enqueue_indirect_dma source(%dma_start3A_688 : memref<10000x128xf32, #tpu.memory_space<hbm>>) target(%arg13 : memref<100x128xf32, #tpu.memory_space<vmem>>) offsets(%dma_start3A_685 : memref<100xi32, #tpu.memory_space<vmem>>) semaphore(%arg17 : memref<!tpu.dma_semaphore, #tpu.memory_space<semaphore_mem>>)
      %dma_wait3A_689 = arith.constant 0 : i32
      %dma_wait3A_690 = arith.constant 0 : i32
      %dma_wait3A_691 = tpu.memref_slice %arg7[%dma_wait3A_689, %dma_wait3A_690] : memref<2x100xi32, #tpu.memory_space<vmem>> -> memref<1x100xi32, #tpu.memory_space<vmem>>
      %dma_wait3A_692 = tpu.memref_squeeze %dma_wait3A_691 : memref<1x100xi32, #tpu.memory_space<vmem>> -> memref<100xi32, #tpu.memory_space<vmem>>
      %dma_wait3A_693 = arith.constant 0 : i32
      %dma_wait3A_694 = arith.constant 0 : i32
      %dma_wait3A_695 = tpu.memref_slice %arg2[%dma_wait3A_693, %dma_wait3A_694] : memref<10000x128xf32, #tpu.memory_space<hbm>> -> memref<10000x128xf32, #tpu.memory_space<hbm>>
      tpu.wait_indirect_dma semaphore(%arg16 : memref<!tpu.dma_semaphore, #tpu.memory_space<semaphore_mem>>) src(%dma_wait3A_695 : memref<10000x128xf32, #tpu.memory_space<hbm>>) dst(%arg12 : memref<100x128xf32, #tpu.memory_space<vmem>>)
      %sub3A_696 = arith.constant 1 : i32
      %sub3A_697 = arith.subi %add3A_655, %sub3A_696 : i32
      %dma_start3A_698 = arith.constant 1 : i32
      %dma_start3A_699 = arith.constant 0 : i32
      %dma_start3A_700 = tpu.memref_slice %arg7[%dma_start3A_698, %dma_start3A_699] : memref<2x100xi32, #tpu.memory_space<vmem>> -> memref<1x100xi32, #tpu.memory_space<vmem>>
      %dma_start3A_701 = tpu.memref_squeeze %dma_start3A_700 : memref<1x100xi32, #tpu.memory_space<vmem>> -> memref<100xi32, #tpu.memory_space<vmem>>
      %dma_start3A_702 = arith.constant 0 : i32
      %dma_start3A_703 = arith.constant 0 : i32
      %dma_start3A_704 = tpu.memref_slice %arg14[%dma_start3A_702, %dma_start3A_703] : memref<10240x128xf32, #tpu.memory_space<vmem_shared>> -> memref<10240x128xf32, #tpu.memory_space<vmem_shared>>
      tpu.enqueue_indirect_dma source(%arg12 : memref<100x128xf32, #tpu.memory_space<vmem>>) target(%dma_start3A_704 : memref<10240x128xf32, #tpu.memory_space<vmem_shared>>) offsets(%dma_start3A_701 : memref<100xi32, #tpu.memory_space<vmem>>) semaphore(%arg19 : memref<!tpu.dma_semaphore, #tpu.memory_space<semaphore_mem>>) {add = true}
      %mul3A_705 = arith.constant 6 : i32
      %mul3A_706 = arith.muli %scan3A_540, %mul3A_705 : i32
      %add3A_707 = arith.constant 6 : i32
      %add3A_708 = arith.addi %add3A_707, %mul3A_706 : i32
      %add3A_709 = arith.constant 3 : i32
      %add3A_710 = arith.addi %add3A_708, %add3A_709 : i32
      %dma_wait3A_711 = arith.constant 1 : i32
      %dma_wait3A_712 = arith.constant 0 : i32
      %dma_wait3A_713 = tpu.memref_slice %arg5[%dma_wait3A_711, %dma_wait3A_712] : memref<2x100xi32, #tpu.memory_space<vmem>> -> memref<1x100xi32, #tpu.memory_space<vmem>>
      %dma_wait3A_714 = tpu.memref_squeeze %dma_wait3A_713 : memref<1x100xi32, #tpu.memory_space<vmem>> -> memref<100xi32, #tpu.memory_space<vmem>>
      %dma_wait3A_715 = arith.constant 0 : i32
      %dma_wait3A_716 = arith.constant 0 : i32
      %dma_wait3A_717 = tpu.memref_slice %arg14[%dma_wait3A_715, %dma_wait3A_716] : memref<10240x128xf32, #tpu.memory_space<vmem_shared>> -> memref<10240x128xf32, #tpu.memory_space<vmem_shared>>
      tpu.wait_indirect_dma semaphore(%arg18 : memref<!tpu.dma_semaphore, #tpu.memory_space<semaphore_mem>>) src(%arg11 : memref<100x128xf32, #tpu.memory_space<vmem>>) dst(%dma_wait3A_717 : memref<10240x128xf32, #tpu.memory_space<vmem_shared>>)
      %add3A_718 = arith.constant 2 : i32
      %add3A_719 = arith.addi %add3A_710, %add3A_718 : i32
      %add3A_720 = arith.addi %mul3A_2, %add3A_719 : i32
      %dma_start3A_721 = arith.constant 0 : i32
      %dma_start3A_722 = arith.constant 0 : i32
      %dma_start3A_723 = tpu.memref_slice %arg3[%add3A_720, %dma_start3A_721, %dma_start3A_722] : memref<3200x2x100xi32, #tpu.memory_space<hbm>> -> memref<1x2x100xi32, #tpu.memory_space<hbm>>
      %dma_start3A_724 = tpu.memref_squeeze %dma_start3A_723 : memref<1x2x100xi32, #tpu.memory_space<hbm>> -> memref<2x100xi32, #tpu.memory_space<hbm>>
      %dma_start3A_725 = arith.constant 0 : i32
      %dma_start3A_726 = arith.constant 0 : i32
      %dma_start3A_727 = tpu.memref_slice %arg3[%add3A_720, %dma_start3A_725, %dma_start3A_726] : memref<3200x2x100xi32, #tpu.memory_space<hbm>> -> memref<1x2x100xi32, #tpu.memory_space<hbm>>
      %dma_start3A_728 = tpu.memref_squeeze %dma_start3A_727 : memref<1x2x100xi32, #tpu.memory_space<hbm>> -> memref<2x100xi32, #tpu.memory_space<hbm>>
      tpu.enqueue_dma source(%dma_start3A_728 : memref<2x100xi32, #tpu.memory_space<hbm>>) target(%arg10 : memref<2x100xi32, #tpu.memory_space<vmem>>) target_semaphore(%arg26 : memref<!tpu.dma_semaphore, #tpu.memory_space<semaphore_mem>>)
      %dma_wait3A_729 = arith.constant 0 : i32
      %dma_wait3A_730 = arith.constant 0 : i32
      %dma_wait3A_731 = tpu.memref_slice %arg3[%mul3A_2, %dma_wait3A_729, %dma_wait3A_730] : memref<3200x2x100xi32, #tpu.memory_space<hbm>> -> memref<1x2x100xi32, #tpu.memory_space<hbm>>
      %dma_wait3A_732 = tpu.memref_squeeze %dma_wait3A_731 : memref<1x2x100xi32, #tpu.memory_space<hbm>> -> memref<2x100xi32, #tpu.memory_space<hbm>>
      %dma_wait3A_733 = arith.constant 0 : i32
      %dma_wait3A_734 = arith.constant 0 : i32
      %dma_wait3A_735 = tpu.memref_slice %arg3[%mul3A_2, %dma_wait3A_733, %dma_wait3A_734] : memref<3200x2x100xi32, #tpu.memory_space<hbm>> -> memref<1x2x100xi32, #tpu.memory_space<hbm>>
      %dma_wait3A_736 = tpu.memref_squeeze %dma_wait3A_735 : memref<1x2x100xi32, #tpu.memory_space<hbm>> -> memref<2x100xi32, #tpu.memory_space<hbm>>
      tpu.wait_dma2 semaphore(%arg22 : memref<!tpu.dma_semaphore, #tpu.memory_space<semaphore_mem>>) src(%dma_wait3A_736 : memref<2x100xi32, #tpu.memory_space<hbm>>) dst(%arg6 : memref<2x100xi32, #tpu.memory_space<vmem>>)
      %dma_start3A_737 = arith.constant 0 : i32
      %dma_start3A_738 = arith.constant 0 : i32
      %dma_start3A_739 = tpu.memref_slice %arg6[%dma_start3A_737, %dma_start3A_738] : memref<2x100xi32, #tpu.memory_space<vmem>> -> memref<1x100xi32, #tpu.memory_space<vmem>>
      %dma_start3A_740 = tpu.memref_squeeze %dma_start3A_739 : memref<1x100xi32, #tpu.memory_space<vmem>> -> memref<100xi32, #tpu.memory_space<vmem>>
      %dma_start3A_741 = arith.constant 0 : i32
      %dma_start3A_742 = arith.constant 0 : i32
      %dma_start3A_743 = tpu.memref_slice %arg2[%dma_start3A_741, %dma_start3A_742] : memref<10000x128xf32, #tpu.memory_space<hbm>> -> memref<10000x128xf32, #tpu.memory_space<hbm>>
      tpu.enqueue_indirect_dma source(%dma_start3A_743 : memref<10000x128xf32, #tpu.memory_space<hbm>>) target(%arg11 : memref<100x128xf32, #tpu.memory_space<vmem>>) offsets(%dma_start3A_740 : memref<100xi32, #tpu.memory_space<vmem>>) semaphore(%arg15 : memref<!tpu.dma_semaphore, #tpu.memory_space<semaphore_mem>>)
      %dma_wait3A_744 = arith.constant 0 : i32
      %dma_wait3A_745 = arith.constant 0 : i32
      %dma_wait3A_746 = tpu.memref_slice %arg9[%dma_wait3A_744, %dma_wait3A_745] : memref<2x100xi32, #tpu.memory_space<vmem>> -> memref<1x100xi32, #tpu.memory_space<vmem>>
      %dma_wait3A_747 = tpu.memref_squeeze %dma_wait3A_746 : memref<1x100xi32, #tpu.memory_space<vmem>> -> memref<100xi32, #tpu.memory_space<vmem>>
      %dma_wait3A_748 = arith.constant 0 : i32
      %dma_wait3A_749 = arith.constant 0 : i32
      %dma_wait3A_750 = tpu.memref_slice %arg2[%dma_wait3A_748, %dma_wait3A_749] : memref<10000x128xf32, #tpu.memory_space<hbm>> -> memref<10000x128xf32, #tpu.memory_space<hbm>>
      tpu.wait_indirect_dma semaphore(%arg17 : memref<!tpu.dma_semaphore, #tpu.memory_space<semaphore_mem>>) src(%dma_wait3A_750 : memref<10000x128xf32, #tpu.memory_space<hbm>>) dst(%arg13 : memref<100x128xf32, #tpu.memory_space<vmem>>)
      %sub3A_751 = arith.constant 1 : i32
      %sub3A_752 = arith.subi %add3A_710, %sub3A_751 : i32
      %dma_start3A_753 = arith.constant 1 : i32
      %dma_start3A_754 = arith.constant 0 : i32
      %dma_start3A_755 = tpu.memref_slice %arg9[%dma_start3A_753, %dma_start3A_754] : memref<2x100xi32, #tpu.memory_space<vmem>> -> memref<1x100xi32, #tpu.memory_space<vmem>>
      %dma_start3A_756 = tpu.memref_squeeze %dma_start3A_755 : memref<1x100xi32, #tpu.memory_space<vmem>> -> memref<100xi32, #tpu.memory_space<vmem>>
      %dma_start3A_757 = arith.constant 0 : i32
      %dma_start3A_758 = arith.constant 0 : i32
      %dma_start3A_759 = tpu.memref_slice %arg14[%dma_start3A_757, %dma_start3A_758] : memref<10240x128xf32, #tpu.memory_space<vmem_shared>> -> memref<10240x128xf32, #tpu.memory_space<vmem_shared>>
      tpu.enqueue_indirect_dma source(%arg13 : memref<100x128xf32, #tpu.memory_space<vmem>>) target(%dma_start3A_759 : memref<10240x128xf32, #tpu.memory_space<vmem_shared>>) offsets(%dma_start3A_756 : memref<100xi32, #tpu.memory_space<vmem>>) semaphore(%arg20 : memref<!tpu.dma_semaphore, #tpu.memory_space<semaphore_mem>>) {add = true}
      %mul3A_760 = arith.constant 6 : i32
      %mul3A_761 = arith.muli %scan3A_540, %mul3A_760 : i32
      %add3A_762 = arith.constant 6 : i32
      %add3A_763 = arith.addi %add3A_762, %mul3A_761 : i32
      %add3A_764 = arith.constant 4 : i32
      %add3A_765 = arith.addi %add3A_763, %add3A_764 : i32
      %dma_wait3A_766 = arith.constant 1 : i32
      %dma_wait3A_767 = arith.constant 0 : i32
      %dma_wait3A_768 = tpu.memref_slice %arg7[%dma_wait3A_766, %dma_wait3A_767] : memref<2x100xi32, #tpu.memory_space<vmem>> -> memref<1x100xi32, #tpu.memory_space<vmem>>
      %dma_wait3A_769 = tpu.memref_squeeze %dma_wait3A_768 : memref<1x100xi32, #tpu.memory_space<vmem>> -> memref<100xi32, #tpu.memory_space<vmem>>
      %dma_wait3A_770 = arith.constant 0 : i32
      %dma_wait3A_771 = arith.constant 0 : i32
      %dma_wait3A_772 = tpu.memref_slice %arg14[%dma_wait3A_770, %dma_wait3A_771] : memref<10240x128xf32, #tpu.memory_space<vmem_shared>> -> memref<10240x128xf32, #tpu.memory_space<vmem_shared>>
      tpu.wait_indirect_dma semaphore(%arg19 : memref<!tpu.dma_semaphore, #tpu.memory_space<semaphore_mem>>) src(%arg12 : memref<100x128xf32, #tpu.memory_space<vmem>>) dst(%dma_wait3A_772 : memref<10240x128xf32, #tpu.memory_space<vmem_shared>>)
      %add3A_773 = arith.constant 2 : i32
      %add3A_774 = arith.addi %add3A_765, %add3A_773 : i32
      %add3A_775 = arith.addi %mul3A_2, %add3A_774 : i32
      %dma_start3A_776 = arith.constant 0 : i32
      %dma_start3A_777 = arith.constant 0 : i32
      %dma_start3A_778 = tpu.memref_slice %arg3[%add3A_775, %dma_start3A_776, %dma_start3A_777] : memref<3200x2x100xi32, #tpu.memory_space<hbm>> -> memref<1x2x100xi32, #tpu.memory_space<hbm>>
      %dma_start3A_779 = tpu.memref_squeeze %dma_start3A_778 : memref<1x2x100xi32, #tpu.memory_space<hbm>> -> memref<2x100xi32, #tpu.memory_space<hbm>>
      %dma_start3A_780 = arith.constant 0 : i32
      %dma_start3A_781 = arith.constant 0 : i32
      %dma_start3A_782 = tpu.memref_slice %arg3[%add3A_775, %dma_start3A_780, %dma_start3A_781] : memref<3200x2x100xi32, #tpu.memory_space<hbm>> -> memref<1x2x100xi32, #tpu.memory_space<hbm>>
      %dma_start3A_783 = tpu.memref_squeeze %dma_start3A_782 : memref<1x2x100xi32, #tpu.memory_space<hbm>> -> memref<2x100xi32, #tpu.memory_space<hbm>>
      tpu.enqueue_dma source(%dma_start3A_783 : memref<2x100xi32, #tpu.memory_space<hbm>>) target(%arg5 : memref<2x100xi32, #tpu.memory_space<vmem>>) target_semaphore(%arg21 : memref<!tpu.dma_semaphore, #tpu.memory_space<semaphore_mem>>)
      %dma_wait3A_784 = arith.constant 0 : i32
      %dma_wait3A_785 = arith.constant 0 : i32
      %dma_wait3A_786 = tpu.memref_slice %arg3[%mul3A_2, %dma_wait3A_784, %dma_wait3A_785] : memref<3200x2x100xi32, #tpu.memory_space<hbm>> -> memref<1x2x100xi32, #tpu.memory_space<hbm>>
      %dma_wait3A_787 = tpu.memref_squeeze %dma_wait3A_786 : memref<1x2x100xi32, #tpu.memory_space<hbm>> -> memref<2x100xi32, #tpu.memory_space<hbm>>
      %dma_wait3A_788 = arith.constant 0 : i32
      %dma_wait3A_789 = arith.constant 0 : i32
      %dma_wait3A_790 = tpu.memref_slice %arg3[%mul3A_2, %dma_wait3A_788, %dma_wait3A_789] : memref<3200x2x100xi32, #tpu.memory_space<hbm>> -> memref<1x2x100xi32, #tpu.memory_space<hbm>>
      %dma_wait3A_791 = tpu.memref_squeeze %dma_wait3A_790 : memref<1x2x100xi32, #tpu.memory_space<hbm>> -> memref<2x100xi32, #tpu.memory_space<hbm>>
      tpu.wait_dma2 semaphore(%arg24 : memref<!tpu.dma_semaphore, #tpu.memory_space<semaphore_mem>>) src(%dma_wait3A_791 : memref<2x100xi32, #tpu.memory_space<hbm>>) dst(%arg8 : memref<2x100xi32, #tpu.memory_space<vmem>>)
      %dma_start3A_792 = arith.constant 0 : i32
      %dma_start3A_793 = arith.constant 0 : i32
      %dma_start3A_794 = tpu.memref_slice %arg8[%dma_start3A_792, %dma_start3A_793] : memref<2x100xi32, #tpu.memory_space<vmem>> -> memref<1x100xi32, #tpu.memory_space<vmem>>
      %dma_start3A_795 = tpu.memref_squeeze %dma_start3A_794 : memref<1x100xi32, #tpu.memory_space<vmem>> -> memref<100xi32, #tpu.memory_space<vmem>>
      %dma_start3A_796 = arith.constant 0 : i32
      %dma_start3A_797 = arith.constant 0 : i32
      %dma_start3A_798 = tpu.memref_slice %arg2[%dma_start3A_796, %dma_start3A_797] : memref<10000x128xf32, #tpu.memory_space<hbm>> -> memref<10000x128xf32, #tpu.memory_space<hbm>>
      tpu.enqueue_indirect_dma source(%dma_start3A_798 : memref<10000x128xf32, #tpu.memory_space<hbm>>) target(%arg12 : memref<100x128xf32, #tpu.memory_space<vmem>>) offsets(%dma_start3A_795 : memref<100xi32, #tpu.memory_space<vmem>>) semaphore(%arg16 : memref<!tpu.dma_semaphore, #tpu.memory_space<semaphore_mem>>)
      %dma_wait3A_799 = arith.constant 0 : i32
      %dma_wait3A_800 = arith.constant 0 : i32
      %dma_wait3A_801 = tpu.memref_slice %arg5[%dma_wait3A_799, %dma_wait3A_800] : memref<2x100xi32, #tpu.memory_space<vmem>> -> memref<1x100xi32, #tpu.memory_space<vmem>>
      %dma_wait3A_802 = tpu.memref_squeeze %dma_wait3A_801 : memref<1x100xi32, #tpu.memory_space<vmem>> -> memref<100xi32, #tpu.memory_space<vmem>>
      %dma_wait3A_803 = arith.constant 0 : i32
      %dma_wait3A_804 = arith.constant 0 : i32
      %dma_wait3A_805 = tpu.memref_slice %arg2[%dma_wait3A_803, %dma_wait3A_804] : memref<10000x128xf32, #tpu.memory_space<hbm>> -> memref<10000x128xf32, #tpu.memory_space<hbm>>
      tpu.wait_indirect_dma semaphore(%arg15 : memref<!tpu.dma_semaphore, #tpu.memory_space<semaphore_mem>>) src(%dma_wait3A_805 : memref<10000x128xf32, #tpu.memory_space<hbm>>) dst(%arg11 : memref<100x128xf32, #tpu.memory_space<vmem>>)
      %sub3A_806 = arith.constant 1 : i32
      %sub3A_807 = arith.subi %add3A_765, %sub3A_806 : i32
      %dma_start3A_808 = arith.constant 1 : i32
      %dma_start3A_809 = arith.constant 0 : i32
      %dma_start3A_810 = tpu.memref_slice %arg6[%dma_start3A_808, %dma_start3A_809] : memref<2x100xi32, #tpu.memory_space<vmem>> -> memref<1x100xi32, #tpu.memory_space<vmem>>
      %dma_start3A_811 = tpu.memref_squeeze %dma_start3A_810 : memref<1x100xi32, #tpu.memory_space<vmem>> -> memref<100xi32, #tpu.memory_space<vmem>>
      %dma_start3A_812 = arith.constant 0 : i32
      %dma_start3A_813 = arith.constant 0 : i32
      %dma_start3A_814 = tpu.memref_slice %arg14[%dma_start3A_812, %dma_start3A_813] : memref<10240x128xf32, #tpu.memory_space<vmem_shared>> -> memref<10240x128xf32, #tpu.memory_space<vmem_shared>>
      tpu.enqueue_indirect_dma source(%arg11 : memref<100x128xf32, #tpu.memory_space<vmem>>) target(%dma_start3A_814 : memref<10240x128xf32, #tpu.memory_space<vmem_shared>>) offsets(%dma_start3A_811 : memref<100xi32, #tpu.memory_space<vmem>>) semaphore(%arg18 : memref<!tpu.dma_semaphore, #tpu.memory_space<semaphore_mem>>) {add = true}
      %mul3A_815 = arith.constant 6 : i32
      %mul3A_816 = arith.muli %scan3A_540, %mul3A_815 : i32
      %add3A_817 = arith.constant 6 : i32
      %add3A_818 = arith.addi %add3A_817, %mul3A_816 : i32
      %add3A_819 = arith.constant 5 : i32
      %add3A_820 = arith.addi %add3A_818, %add3A_819 : i32
      %dma_wait3A_821 = arith.constant 1 : i32
      %dma_wait3A_822 = arith.constant 0 : i32
      %dma_wait3A_823 = tpu.memref_slice %arg9[%dma_wait3A_821, %dma_wait3A_822] : memref<2x100xi32, #tpu.memory_space<vmem>> -> memref<1x100xi32, #tpu.memory_space<vmem>>
      %dma_wait3A_824 = tpu.memref_squeeze %dma_wait3A_823 : memref<1x100xi32, #tpu.memory_space<vmem>> -> memref<100xi32, #tpu.memory_space<vmem>>
      %dma_wait3A_825 = arith.constant 0 : i32
      %dma_wait3A_826 = arith.constant 0 : i32
      %dma_wait3A_827 = tpu.memref_slice %arg14[%dma_wait3A_825, %dma_wait3A_826] : memref<10240x128xf32, #tpu.memory_space<vmem_shared>> -> memref<10240x128xf32, #tpu.memory_space<vmem_shared>>
      tpu.wait_indirect_dma semaphore(%arg20 : memref<!tpu.dma_semaphore, #tpu.memory_space<semaphore_mem>>) src(%arg13 : memref<100x128xf32, #tpu.memory_space<vmem>>) dst(%dma_wait3A_827 : memref<10240x128xf32, #tpu.memory_space<vmem_shared>>)
      %add3A_828 = arith.constant 2 : i32
      %add3A_829 = arith.addi %add3A_820, %add3A_828 : i32
      %add3A_830 = arith.addi %mul3A_2, %add3A_829 : i32
      %dma_start3A_831 = arith.constant 0 : i32
      %dma_start3A_832 = arith.constant 0 : i32
      %dma_start3A_833 = tpu.memref_slice %arg3[%add3A_830, %dma_start3A_831, %dma_start3A_832] : memref<3200x2x100xi32, #tpu.memory_space<hbm>> -> memref<1x2x100xi32, #tpu.memory_space<hbm>>
      %dma_start3A_834 = tpu.memref_squeeze %dma_start3A_833 : memref<1x2x100xi32, #tpu.memory_space<hbm>> -> memref<2x100xi32, #tpu.memory_space<hbm>>
      %dma_start3A_835 = arith.constant 0 : i32
      %dma_start3A_836 = arith.constant 0 : i32
      %dma_start3A_837 = tpu.memref_slice %arg3[%add3A_830, %dma_start3A_835, %dma_start3A_836] : memref<3200x2x100xi32, #tpu.memory_space<hbm>> -> memref<1x2x100xi32, #tpu.memory_space<hbm>>
      %dma_start3A_838 = tpu.memref_squeeze %dma_start3A_837 : memref<1x2x100xi32, #tpu.memory_space<hbm>> -> memref<2x100xi32, #tpu.memory_space<hbm>>
      tpu.enqueue_dma source(%dma_start3A_838 : memref<2x100xi32, #tpu.memory_space<hbm>>) target(%arg7 : memref<2x100xi32, #tpu.memory_space<vmem>>) target_semaphore(%arg23 : memref<!tpu.dma_semaphore, #tpu.memory_space<semaphore_mem>>)
      %dma_wait3A_839 = arith.constant 0 : i32
      %dma_wait3A_840 = arith.constant 0 : i32
      %dma_wait3A_841 = tpu.memref_slice %arg3[%mul3A_2, %dma_wait3A_839, %dma_wait3A_840] : memref<3200x2x100xi32, #tpu.memory_space<hbm>> -> memref<1x2x100xi32, #tpu.memory_space<hbm>>
      %dma_wait3A_842 = tpu.memref_squeeze %dma_wait3A_841 : memref<1x2x100xi32, #tpu.memory_space<hbm>> -> memref<2x100xi32, #tpu.memory_space<hbm>>
      %dma_wait3A_843 = arith.constant 0 : i32
      %dma_wait3A_844 = arith.constant 0 : i32
      %dma_wait3A_845 = tpu.memref_slice %arg3[%mul3A_2, %dma_wait3A_843, %dma_wait3A_844] : memref<3200x2x100xi32, #tpu.memory_space<hbm>> -> memref<1x2x100xi32, #tpu.memory_space<hbm>>
      %dma_wait3A_846 = tpu.memref_squeeze %dma_wait3A_845 : memref<1x2x100xi32, #tpu.memory_space<hbm>> -> memref<2x100xi32, #tpu.memory_space<hbm>>
      tpu.wait_dma2 semaphore(%arg26 : memref<!tpu.dma_semaphore, #tpu.memory_space<semaphore_mem>>) src(%dma_wait3A_846 : memref<2x100xi32, #tpu.memory_space<hbm>>) dst(%arg10 : memref<2x100xi32, #tpu.memory_space<vmem>>)
      %dma_start3A_847 = arith.constant 0 : i32
      %dma_start3A_848 = arith.constant 0 : i32
      %dma_start3A_849 = tpu.memref_slice %arg10[%dma_start3A_847, %dma_start3A_848] : memref<2x100xi32, #tpu.memory_space<vmem>> -> memref<1x100xi32, #tpu.memory_space<vmem>>
      %dma_start3A_850 = tpu.memref_squeeze %dma_start3A_849 : memref<1x100xi32, #tpu.memory_space<vmem>> -> memref<100xi32, #tpu.memory_space<vmem>>
      %dma_start3A_851 = arith.constant 0 : i32
      %dma_start3A_852 = arith.constant 0 : i32
      %dma_start3A_853 = tpu.memref_slice %arg2[%dma_start3A_851, %dma_start3A_852] : memref<10000x128xf32, #tpu.memory_space<hbm>> -> memref<10000x128xf32, #tpu.memory_space<hbm>>
      tpu.enqueue_indirect_dma source(%dma_start3A_853 : memref<10000x128xf32, #tpu.memory_space<hbm>>) target(%arg13 : memref<100x128xf32, #tpu.memory_space<vmem>>) offsets(%dma_start3A_850 : memref<100xi32, #tpu.memory_space<vmem>>) semaphore(%arg17 : memref<!tpu.dma_semaphore, #tpu.memory_space<semaphore_mem>>)
      %dma_wait3A_854 = arith.constant 0 : i32
      %dma_wait3A_855 = arith.constant 0 : i32
      %dma_wait3A_856 = tpu.memref_slice %arg7[%dma_wait3A_854, %dma_wait3A_855] : memref<2x100xi32, #tpu.memory_space<vmem>> -> memref<1x100xi32, #tpu.memory_space<vmem>>
      %dma_wait3A_857 = tpu.memref_squeeze %dma_wait3A_856 : memref<1x100xi32, #tpu.memory_space<vmem>> -> memref<100xi32, #tpu.memory_space<vmem>>
      %dma_wait3A_858 = arith.constant 0 : i32
      %dma_wait3A_859 = arith.constant 0 : i32
      %dma_wait3A_860 = tpu.memref_slice %arg2[%dma_wait3A_858, %dma_wait3A_859] : memref<10000x128xf32, #tpu.memory_space<hbm>> -> memref<10000x128xf32, #tpu.memory_space<hbm>>
      tpu.wait_indirect_dma semaphore(%arg16 : memref<!tpu.dma_semaphore, #tpu.memory_space<semaphore_mem>>) src(%dma_wait3A_860 : memref<10000x128xf32, #tpu.memory_space<hbm>>) dst(%arg12 : memref<100x128xf32, #tpu.memory_space<vmem>>)
      %sub3A_861 = arith.constant 1 : i32
      %sub3A_862 = arith.subi %add3A_820, %sub3A_861 : i32
      %dma_start3A_863 = arith.constant 1 : i32
      %dma_start3A_864 = arith.constant 0 : i32
      %dma_start3A_865 = tpu.memref_slice %arg8[%dma_start3A_863, %dma_start3A_864] : memref<2x100xi32, #tpu.memory_space<vmem>> -> memref<1x100xi32, #tpu.memory_space<vmem>>
      %dma_start3A_866 = tpu.memref_squeeze %dma_start3A_865 : memref<1x100xi32, #tpu.memory_space<vmem>> -> memref<100xi32, #tpu.memory_space<vmem>>
      %dma_start3A_867 = arith.constant 0 : i32
      %dma_start3A_868 = arith.constant 0 : i32
      %dma_start3A_869 = tpu.memref_slice %arg14[%dma_start3A_867, %dma_start3A_868] : memref<10240x128xf32, #tpu.memory_space<vmem_shared>> -> memref<10240x128xf32, #tpu.memory_space<vmem_shared>>
      tpu.enqueue_indirect_dma source(%arg12 : memref<100x128xf32, #tpu.memory_space<vmem>>) target(%dma_start3A_869 : memref<10240x128xf32, #tpu.memory_space<vmem_shared>>) offsets(%dma_start3A_866 : memref<100xi32, #tpu.memory_space<vmem>>) semaphore(%arg19 : memref<!tpu.dma_semaphore, #tpu.memory_space<semaphore_mem>>) {add = true}
    }
    %scan3A_304 = arith.constant 15 : i32
    %dma_wait3A_305 = arith.constant 1 : i32
    %dma_wait3A_306 = arith.constant 0 : i32
    %dma_wait3A_307 = tpu.memref_slice %arg5[%dma_wait3A_305, %dma_wait3A_306] : memref<2x100xi32, #tpu.memory_space<vmem>> -> memref<1x100xi32, #tpu.memory_space<vmem>>
    %dma_wait3A_308 = tpu.memref_squeeze %dma_wait3A_307 : memref<1x100xi32, #tpu.memory_space<vmem>> -> memref<100xi32, #tpu.memory_space<vmem>>
    %dma_wait3A_309 = arith.constant 0 : i32
    %dma_wait3A_310 = arith.constant 0 : i32
    %dma_wait3A_311 = tpu.memref_slice %arg14[%dma_wait3A_309, %dma_wait3A_310] : memref<10240x128xf32, #tpu.memory_space<vmem_shared>> -> memref<10240x128xf32, #tpu.memory_space<vmem_shared>>
    tpu.wait_indirect_dma semaphore(%arg18 : memref<!tpu.dma_semaphore, #tpu.memory_space<semaphore_mem>>) src(%arg11 : memref<100x128xf32, #tpu.memory_space<vmem>>) dst(%dma_wait3A_311 : memref<10240x128xf32, #tpu.memory_space<vmem_shared>>)
    %add3A_312 = arith.constant 98 : i32
    %add3A_313 = arith.addi %mul3A_2, %add3A_312 : i32
    %dma_start3A_314 = arith.constant 0 : i32
    %dma_start3A_315 = arith.constant 0 : i32
    %dma_start3A_316 = tpu.memref_slice %arg3[%add3A_313, %dma_start3A_314, %dma_start3A_315] : memref<3200x2x100xi32, #tpu.memory_space<hbm>> -> memref<1x2x100xi32, #tpu.memory_space<hbm>>
    %dma_start3A_317 = tpu.memref_squeeze %dma_start3A_316 : memref<1x2x100xi32, #tpu.memory_space<hbm>> -> memref<2x100xi32, #tpu.memory_space<hbm>>
    %dma_start3A_318 = arith.constant 0 : i32
    %dma_start3A_319 = arith.constant 0 : i32
    %dma_start3A_320 = tpu.memref_slice %arg3[%add3A_313, %dma_start3A_318, %dma_start3A_319] : memref<3200x2x100xi32, #tpu.memory_space<hbm>> -> memref<1x2x100xi32, #tpu.memory_space<hbm>>
    %dma_start3A_321 = tpu.memref_squeeze %dma_start3A_320 : memref<1x2x100xi32, #tpu.memory_space<hbm>> -> memref<2x100xi32, #tpu.memory_space<hbm>>
    tpu.enqueue_dma source(%dma_start3A_321 : memref<2x100xi32, #tpu.memory_space<hbm>>) target(%arg9 : memref<2x100xi32, #tpu.memory_space<vmem>>) target_semaphore(%arg25 : memref<!tpu.dma_semaphore, #tpu.memory_space<semaphore_mem>>)
    %dma_wait3A_322 = arith.constant 0 : i32
    %dma_wait3A_323 = arith.constant 0 : i32
    %dma_wait3A_324 = tpu.memref_slice %arg3[%mul3A_2, %dma_wait3A_322, %dma_wait3A_323] : memref<3200x2x100xi32, #tpu.memory_space<hbm>> -> memref<1x2x100xi32, #tpu.memory_space<hbm>>
    %dma_wait3A_325 = tpu.memref_squeeze %dma_wait3A_324 : memref<1x2x100xi32, #tpu.memory_space<hbm>> -> memref<2x100xi32, #tpu.memory_space<hbm>>
    %dma_wait3A_326 = arith.constant 0 : i32
    %dma_wait3A_327 = arith.constant 0 : i32
    %dma_wait3A_328 = tpu.memref_slice %arg3[%mul3A_2, %dma_wait3A_326, %dma_wait3A_327] : memref<3200x2x100xi32, #tpu.memory_space<hbm>> -> memref<1x2x100xi32, #tpu.memory_space<hbm>>
    %dma_wait3A_329 = tpu.memref_squeeze %dma_wait3A_328 : memref<1x2x100xi32, #tpu.memory_space<hbm>> -> memref<2x100xi32, #tpu.memory_space<hbm>>
    tpu.wait_dma2 semaphore(%arg21 : memref<!tpu.dma_semaphore, #tpu.memory_space<semaphore_mem>>) src(%dma_wait3A_329 : memref<2x100xi32, #tpu.memory_space<hbm>>) dst(%arg5 : memref<2x100xi32, #tpu.memory_space<vmem>>)
    %dma_start3A_330 = arith.constant 0 : i32
    %dma_start3A_331 = arith.constant 0 : i32
    %dma_start3A_332 = tpu.memref_slice %arg5[%dma_start3A_330, %dma_start3A_331] : memref<2x100xi32, #tpu.memory_space<vmem>> -> memref<1x100xi32, #tpu.memory_space<vmem>>
    %dma_start3A_333 = tpu.memref_squeeze %dma_start3A_332 : memref<1x100xi32, #tpu.memory_space<vmem>> -> memref<100xi32, #tpu.memory_space<vmem>>
    %dma_start3A_334 = arith.constant 0 : i32
    %dma_start3A_335 = arith.constant 0 : i32
    %dma_start3A_336 = tpu.memref_slice %arg2[%dma_start3A_334, %dma_start3A_335] : memref<10000x128xf32, #tpu.memory_space<hbm>> -> memref<10000x128xf32, #tpu.memory_space<hbm>>
    tpu.enqueue_indirect_dma source(%dma_start3A_336 : memref<10000x128xf32, #tpu.memory_space<hbm>>) target(%arg11 : memref<100x128xf32, #tpu.memory_space<vmem>>) offsets(%dma_start3A_333 : memref<100xi32, #tpu.memory_space<vmem>>) semaphore(%arg15 : memref<!tpu.dma_semaphore, #tpu.memory_space<semaphore_mem>>)
    %dma_wait3A_337 = arith.constant 0 : i32
    %dma_wait3A_338 = arith.constant 0 : i32
    %dma_wait3A_339 = tpu.memref_slice %arg9[%dma_wait3A_337, %dma_wait3A_338] : memref<2x100xi32, #tpu.memory_space<vmem>> -> memref<1x100xi32, #tpu.memory_space<vmem>>
    %dma_wait3A_340 = tpu.memref_squeeze %dma_wait3A_339 : memref<1x100xi32, #tpu.memory_space<vmem>> -> memref<100xi32, #tpu.memory_space<vmem>>
    %dma_wait3A_341 = arith.constant 0 : i32
    %dma_wait3A_342 = arith.constant 0 : i32
    %dma_wait3A_343 = tpu.memref_slice %arg2[%dma_wait3A_341, %dma_wait3A_342] : memref<10000x128xf32, #tpu.memory_space<hbm>> -> memref<10000x128xf32, #tpu.memory_space<hbm>>
    tpu.wait_indirect_dma semaphore(%arg17 : memref<!tpu.dma_semaphore, #tpu.memory_space<semaphore_mem>>) src(%dma_wait3A_343 : memref<10000x128xf32, #tpu.memory_space<hbm>>) dst(%arg13 : memref<100x128xf32, #tpu.memory_space<vmem>>)
    %dma_start3A_344 = arith.constant 1 : i32
    %dma_start3A_345 = arith.constant 0 : i32
    %dma_start3A_346 = tpu.memref_slice %arg10[%dma_start3A_344, %dma_start3A_345] : memref<2x100xi32, #tpu.memory_space<vmem>> -> memref<1x100xi32, #tpu.memory_space<vmem>>
    %dma_start3A_347 = tpu.memref_squeeze %dma_start3A_346 : memref<1x100xi32, #tpu.memory_space<vmem>> -> memref<100xi32, #tpu.memory_space<vmem>>
    %dma_start3A_348 = arith.constant 0 : i32
    %dma_start3A_349 = arith.constant 0 : i32
    %dma_start3A_350 = tpu.memref_slice %arg14[%dma_start3A_348, %dma_start3A_349] : memref<10240x128xf32, #tpu.memory_space<vmem_shared>> -> memref<10240x128xf32, #tpu.memory_space<vmem_shared>>
    tpu.enqueue_indirect_dma source(%arg13 : memref<100x128xf32, #tpu.memory_space<vmem>>) target(%dma_start3A_350 : memref<10240x128xf32, #tpu.memory_space<vmem_shared>>) offsets(%dma_start3A_347 : memref<100xi32, #tpu.memory_space<vmem>>) semaphore(%arg20 : memref<!tpu.dma_semaphore, #tpu.memory_space<semaphore_mem>>) {add = true}
    %dma_wait3A_351 = arith.constant 1 : i32
    %dma_wait3A_352 = arith.constant 0 : i32
    %dma_wait3A_353 = tpu.memref_slice %arg7[%dma_wait3A_351, %dma_wait3A_352] : memref<2x100xi32, #tpu.memory_space<vmem>> -> memref<1x100xi32, #tpu.memory_space<vmem>>
    %dma_wait3A_354 = tpu.memref_squeeze %dma_wait3A_353 : memref<1x100xi32, #tpu.memory_space<vmem>> -> memref<100xi32, #tpu.memory_space<vmem>>
    %dma_wait3A_355 = arith.constant 0 : i32
    %dma_wait3A_356 = arith.constant 0 : i32
    %dma_wait3A_357 = tpu.memref_slice %arg14[%dma_wait3A_355, %dma_wait3A_356] : memref<10240x128xf32, #tpu.memory_space<vmem_shared>> -> memref<10240x128xf32, #tpu.memory_space<vmem_shared>>
    tpu.wait_indirect_dma semaphore(%arg19 : memref<!tpu.dma_semaphore, #tpu.memory_space<semaphore_mem>>) src(%arg12 : memref<100x128xf32, #tpu.memory_space<vmem>>) dst(%dma_wait3A_357 : memref<10240x128xf32, #tpu.memory_space<vmem_shared>>)
    %add3A_358 = arith.constant 99 : i32
    %add3A_359 = arith.addi %mul3A_2, %add3A_358 : i32
    %dma_start3A_360 = arith.constant 0 : i32
    %dma_start3A_361 = arith.constant 0 : i32
    %dma_start3A_362 = tpu.memref_slice %arg3[%add3A_359, %dma_start3A_360, %dma_start3A_361] : memref<3200x2x100xi32, #tpu.memory_space<hbm>> -> memref<1x2x100xi32, #tpu.memory_space<hbm>>
    %dma_start3A_363 = tpu.memref_squeeze %dma_start3A_362 : memref<1x2x100xi32, #tpu.memory_space<hbm>> -> memref<2x100xi32, #tpu.memory_space<hbm>>
    %dma_start3A_364 = arith.constant 0 : i32
    %dma_start3A_365 = arith.constant 0 : i32
    %dma_start3A_366 = tpu.memref_slice %arg3[%add3A_359, %dma_start3A_364, %dma_start3A_365] : memref<3200x2x100xi32, #tpu.memory_space<hbm>> -> memref<1x2x100xi32, #tpu.memory_space<hbm>>
    %dma_start3A_367 = tpu.memref_squeeze %dma_start3A_366 : memref<1x2x100xi32, #tpu.memory_space<hbm>> -> memref<2x100xi32, #tpu.memory_space<hbm>>
    tpu.enqueue_dma source(%dma_start3A_367 : memref<2x100xi32, #tpu.memory_space<hbm>>) target(%arg6 : memref<2x100xi32, #tpu.memory_space<vmem>>) target_semaphore(%arg22 : memref<!tpu.dma_semaphore, #tpu.memory_space<semaphore_mem>>)
    %dma_wait3A_368 = arith.constant 0 : i32
    %dma_wait3A_369 = arith.constant 0 : i32
    %dma_wait3A_370 = tpu.memref_slice %arg3[%mul3A_2, %dma_wait3A_368, %dma_wait3A_369] : memref<3200x2x100xi32, #tpu.memory_space<hbm>> -> memref<1x2x100xi32, #tpu.memory_space<hbm>>
    %dma_wait3A_371 = tpu.memref_squeeze %dma_wait3A_370 : memref<1x2x100xi32, #tpu.memory_space<hbm>> -> memref<2x100xi32, #tpu.memory_space<hbm>>
    %dma_wait3A_372 = arith.constant 0 : i32
    %dma_wait3A_373 = arith.constant 0 : i32
    %dma_wait3A_374 = tpu.memref_slice %arg3[%mul3A_2, %dma_wait3A_372, %dma_wait3A_373] : memref<3200x2x100xi32, #tpu.memory_space<hbm>> -> memref<1x2x100xi32, #tpu.memory_space<hbm>>
    %dma_wait3A_375 = tpu.memref_squeeze %dma_wait3A_374 : memref<1x2x100xi32, #tpu.memory_space<hbm>> -> memref<2x100xi32, #tpu.memory_space<hbm>>
    tpu.wait_dma2 semaphore(%arg23 : memref<!tpu.dma_semaphore, #tpu.memory_space<semaphore_mem>>) src(%dma_wait3A_375 : memref<2x100xi32, #tpu.memory_space<hbm>>) dst(%arg7 : memref<2x100xi32, #tpu.memory_space<vmem>>)
    %dma_start3A_376 = arith.constant 0 : i32
    %dma_start3A_377 = arith.constant 0 : i32
    %dma_start3A_378 = tpu.memref_slice %arg7[%dma_start3A_376, %dma_start3A_377] : memref<2x100xi32, #tpu.memory_space<vmem>> -> memref<1x100xi32, #tpu.memory_space<vmem>>
    %dma_start3A_379 = tpu.memref_squeeze %dma_start3A_378 : memref<1x100xi32, #tpu.memory_space<vmem>> -> memref<100xi32, #tpu.memory_space<vmem>>
    %dma_start3A_380 = arith.constant 0 : i32
    %dma_start3A_381 = arith.constant 0 : i32
    %dma_start3A_382 = tpu.memref_slice %arg2[%dma_start3A_380, %dma_start3A_381] : memref<10000x128xf32, #tpu.memory_space<hbm>> -> memref<10000x128xf32, #tpu.memory_space<hbm>>
    tpu.enqueue_indirect_dma source(%dma_start3A_382 : memref<10000x128xf32, #tpu.memory_space<hbm>>) target(%arg12 : memref<100x128xf32, #tpu.memory_space<vmem>>) offsets(%dma_start3A_379 : memref<100xi32, #tpu.memory_space<vmem>>) semaphore(%arg16 : memref<!tpu.dma_semaphore, #tpu.memory_space<semaphore_mem>>)
    %dma_wait3A_383 = arith.constant 0 : i32
    %dma_wait3A_384 = arith.constant 0 : i32
    %dma_wait3A_385 = tpu.memref_slice %arg5[%dma_wait3A_383, %dma_wait3A_384] : memref<2x100xi32, #tpu.memory_space<vmem>> -> memref<1x100xi32, #tpu.memory_space<vmem>>
    %dma_wait3A_386 = tpu.memref_squeeze %dma_wait3A_385 : memref<1x100xi32, #tpu.memory_space<vmem>> -> memref<100xi32, #tpu.memory_space<vmem>>
    %dma_wait3A_387 = arith.constant 0 : i32
    %dma_wait3A_388 = arith.constant 0 : i32
    %dma_wait3A_389 = tpu.memref_slice %arg2[%dma_wait3A_387, %dma_wait3A_388] : memref<10000x128xf32, #tpu.memory_space<hbm>> -> memref<10000x128xf32, #tpu.memory_space<hbm>>
    tpu.wait_indirect_dma semaphore(%arg15 : memref<!tpu.dma_semaphore, #tpu.memory_space<semaphore_mem>>) src(%dma_wait3A_389 : memref<10000x128xf32, #tpu.memory_space<hbm>>) dst(%arg11 : memref<100x128xf32, #tpu.memory_space<vmem>>)
    %dma_start3A_390 = arith.constant 1 : i32
    %dma_start3A_391 = arith.constant 0 : i32
    %dma_start3A_392 = tpu.memref_slice %arg5[%dma_start3A_390, %dma_start3A_391] : memref<2x100xi32, #tpu.memory_space<vmem>> -> memref<1x100xi32, #tpu.memory_space<vmem>>
    %dma_start3A_393 = tpu.memref_squeeze %dma_start3A_392 : memref<1x100xi32, #tpu.memory_space<vmem>> -> memref<100xi32, #tpu.memory_space<vmem>>
    %dma_start3A_394 = arith.constant 0 : i32
    %dma_start3A_395 = arith.constant 0 : i32
    %dma_start3A_396 = tpu.memref_slice %arg14[%dma_start3A_394, %dma_start3A_395] : memref<10240x128xf32, #tpu.memory_space<vmem_shared>> -> memref<10240x128xf32, #tpu.memory_space<vmem_shared>>
    tpu.enqueue_indirect_dma source(%arg11 : memref<100x128xf32, #tpu.memory_space<vmem>>) target(%dma_start3A_396 : memref<10240x128xf32, #tpu.memory_space<vmem_shared>>) offsets(%dma_start3A_393 : memref<100xi32, #tpu.memory_space<vmem>>) semaphore(%arg18 : memref<!tpu.dma_semaphore, #tpu.memory_space<semaphore_mem>>) {add = true}
    %dma_wait3A_397 = arith.constant 1 : i32
    %dma_wait3A_398 = arith.constant 0 : i32
    %dma_wait3A_399 = tpu.memref_slice %arg9[%dma_wait3A_397, %dma_wait3A_398] : memref<2x100xi32, #tpu.memory_space<vmem>> -> memref<1x100xi32, #tpu.memory_space<vmem>>
    %dma_wait3A_400 = tpu.memref_squeeze %dma_wait3A_399 : memref<1x100xi32, #tpu.memory_space<vmem>> -> memref<100xi32, #tpu.memory_space<vmem>>
    %dma_wait3A_401 = arith.constant 0 : i32
    %dma_wait3A_402 = arith.constant 0 : i32
    %dma_wait3A_403 = tpu.memref_slice %arg14[%dma_wait3A_401, %dma_wait3A_402] : memref<10240x128xf32, #tpu.memory_space<vmem_shared>> -> memref<10240x128xf32, #tpu.memory_space<vmem_shared>>
    tpu.wait_indirect_dma semaphore(%arg20 : memref<!tpu.dma_semaphore, #tpu.memory_space<semaphore_mem>>) src(%arg13 : memref<100x128xf32, #tpu.memory_space<vmem>>) dst(%dma_wait3A_403 : memref<10240x128xf32, #tpu.memory_space<vmem_shared>>)
    %dma_wait3A_404 = arith.constant 0 : i32
    %dma_wait3A_405 = arith.constant 0 : i32
    %dma_wait3A_406 = tpu.memref_slice %arg3[%mul3A_2, %dma_wait3A_404, %dma_wait3A_405] : memref<3200x2x100xi32, #tpu.memory_space<hbm>> -> memref<1x2x100xi32, #tpu.memory_space<hbm>>
    %dma_wait3A_407 = tpu.memref_squeeze %dma_wait3A_406 : memref<1x2x100xi32, #tpu.memory_space<hbm>> -> memref<2x100xi32, #tpu.memory_space<hbm>>
    %dma_wait3A_408 = arith.constant 0 : i32
    %dma_wait3A_409 = arith.constant 0 : i32
    %dma_wait3A_410 = tpu.memref_slice %arg3[%mul3A_2, %dma_wait3A_408, %dma_wait3A_409] : memref<3200x2x100xi32, #tpu.memory_space<hbm>> -> memref<1x2x100xi32, #tpu.memory_space<hbm>>
    %dma_wait3A_411 = tpu.memref_squeeze %dma_wait3A_410 : memref<1x2x100xi32, #tpu.memory_space<hbm>> -> memref<2x100xi32, #tpu.memory_space<hbm>>
    tpu.wait_dma2 semaphore(%arg25 : memref<!tpu.dma_semaphore, #tpu.memory_space<semaphore_mem>>) src(%dma_wait3A_411 : memref<2x100xi32, #tpu.memory_space<hbm>>) dst(%arg9 : memref<2x100xi32, #tpu.memory_space<vmem>>)
    %dma_start3A_412 = arith.constant 0 : i32
    %dma_start3A_413 = arith.constant 0 : i32
    %dma_start3A_414 = tpu.memref_slice %arg9[%dma_start3A_412, %dma_start3A_413] : memref<2x100xi32, #tpu.memory_space<vmem>> -> memref<1x100xi32, #tpu.memory_space<vmem>>
    %dma_start3A_415 = tpu.memref_squeeze %dma_start3A_414 : memref<1x100xi32, #tpu.memory_space<vmem>> -> memref<100xi32, #tpu.memory_space<vmem>>
    %dma_start3A_416 = arith.constant 0 : i32
    %dma_start3A_417 = arith.constant 0 : i32
    %dma_start3A_418 = tpu.memref_slice %arg2[%dma_start3A_416, %dma_start3A_417] : memref<10000x128xf32, #tpu.memory_space<hbm>> -> memref<10000x128xf32, #tpu.memory_space<hbm>>
    tpu.enqueue_indirect_dma source(%dma_start3A_418 : memref<10000x128xf32, #tpu.memory_space<hbm>>) target(%arg13 : memref<100x128xf32, #tpu.memory_space<vmem>>) offsets(%dma_start3A_415 : memref<100xi32, #tpu.memory_space<vmem>>) semaphore(%arg17 : memref<!tpu.dma_semaphore, #tpu.memory_space<semaphore_mem>>)
    %dma_wait3A_419 = arith.constant 0 : i32
    %dma_wait3A_420 = arith.constant 0 : i32
    %dma_wait3A_421 = tpu.memref_slice %arg7[%dma_wait3A_419, %dma_wait3A_420] : memref<2x100xi32, #tpu.memory_space<vmem>> -> memref<1x100xi32, #tpu.memory_space<vmem>>
    %dma_wait3A_422 = tpu.memref_squeeze %dma_wait3A_421 : memref<1x100xi32, #tpu.memory_space<vmem>> -> memref<100xi32, #tpu.memory_space<vmem>>
    %dma_wait3A_423 = arith.constant 0 : i32
    %dma_wait3A_424 = arith.constant 0 : i32
    %dma_wait3A_425 = tpu.memref_slice %arg2[%dma_wait3A_423, %dma_wait3A_424] : memref<10000x128xf32, #tpu.memory_space<hbm>> -> memref<10000x128xf32, #tpu.memory_space<hbm>>
    tpu.wait_indirect_dma semaphore(%arg16 : memref<!tpu.dma_semaphore, #tpu.memory_space<semaphore_mem>>) src(%dma_wait3A_425 : memref<10000x128xf32, #tpu.memory_space<hbm>>) dst(%arg12 : memref<100x128xf32, #tpu.memory_space<vmem>>)
    %dma_start3A_426 = arith.constant 1 : i32
    %dma_start3A_427 = arith.constant 0 : i32
    %dma_start3A_428 = tpu.memref_slice %arg7[%dma_start3A_426, %dma_start3A_427] : memref<2x100xi32, #tpu.memory_space<vmem>> -> memref<1x100xi32, #tpu.memory_space<vmem>>
    %dma_start3A_429 = tpu.memref_squeeze %dma_start3A_428 : memref<1x100xi32, #tpu.memory_space<vmem>> -> memref<100xi32, #tpu.memory_space<vmem>>
    %dma_start3A_430 = arith.constant 0 : i32
    %dma_start3A_431 = arith.constant 0 : i32
    %dma_start3A_432 = tpu.memref_slice %arg14[%dma_start3A_430, %dma_start3A_431] : memref<10240x128xf32, #tpu.memory_space<vmem_shared>> -> memref<10240x128xf32, #tpu.memory_space<vmem_shared>>
    tpu.enqueue_indirect_dma source(%arg12 : memref<100x128xf32, #tpu.memory_space<vmem>>) target(%dma_start3A_432 : memref<10240x128xf32, #tpu.memory_space<vmem_shared>>) offsets(%dma_start3A_429 : memref<100xi32, #tpu.memory_space<vmem>>) semaphore(%arg19 : memref<!tpu.dma_semaphore, #tpu.memory_space<semaphore_mem>>) {add = true}
    %dma_wait3A_433 = arith.constant 1 : i32
    %dma_wait3A_434 = arith.constant 0 : i32
    %dma_wait3A_435 = tpu.memref_slice %arg5[%dma_wait3A_433, %dma_wait3A_434] : memref<2x100xi32, #tpu.memory_space<vmem>> -> memref<1x100xi32, #tpu.memory_space<vmem>>
    %dma_wait3A_436 = tpu.memref_squeeze %dma_wait3A_435 : memref<1x100xi32, #tpu.memory_space<vmem>> -> memref<100xi32, #tpu.memory_space<vmem>>
    %dma_wait3A_437 = arith.constant 0 : i32
    %dma_wait3A_438 = arith.constant 0 : i32
    %dma_wait3A_439 = tpu.memref_slice %arg14[%dma_wait3A_437, %dma_wait3A_438] : memref<10240x128xf32, #tpu.memory_space<vmem_shared>> -> memref<10240x128xf32, #tpu.memory_space<vmem_shared>>
    tpu.wait_indirect_dma semaphore(%arg18 : memref<!tpu.dma_semaphore, #tpu.memory_space<semaphore_mem>>) src(%arg11 : memref<100x128xf32, #tpu.memory_space<vmem>>) dst(%dma_wait3A_439 : memref<10240x128xf32, #tpu.memory_space<vmem_shared>>)
    %dma_wait3A_440 = arith.constant 0 : i32
    %dma_wait3A_441 = arith.constant 0 : i32
    %dma_wait3A_442 = tpu.memref_slice %arg3[%mul3A_2, %dma_wait3A_440, %dma_wait3A_441] : memref<3200x2x100xi32, #tpu.memory_space<hbm>> -> memref<1x2x100xi32, #tpu.memory_space<hbm>>
    %dma_wait3A_443 = tpu.memref_squeeze %dma_wait3A_442 : memref<1x2x100xi32, #tpu.memory_space<hbm>> -> memref<2x100xi32, #tpu.memory_space<hbm>>
    %dma_wait3A_444 = arith.constant 0 : i32
    %dma_wait3A_445 = arith.constant 0 : i32
    %dma_wait3A_446 = tpu.memref_slice %arg3[%mul3A_2, %dma_wait3A_444, %dma_wait3A_445] : memref<3200x2x100xi32, #tpu.memory_space<hbm>> -> memref<1x2x100xi32, #tpu.memory_space<hbm>>
    %dma_wait3A_447 = tpu.memref_squeeze %dma_wait3A_446 : memref<1x2x100xi32, #tpu.memory_space<hbm>> -> memref<2x100xi32, #tpu.memory_space<hbm>>
    tpu.wait_dma2 semaphore(%arg22 : memref<!tpu.dma_semaphore, #tpu.memory_space<semaphore_mem>>) src(%dma_wait3A_447 : memref<2x100xi32, #tpu.memory_space<hbm>>) dst(%arg6 : memref<2x100xi32, #tpu.memory_space<vmem>>)
    %dma_start3A_448 = arith.constant 0 : i32
    %dma_start3A_449 = arith.constant 0 : i32
    %dma_start3A_450 = tpu.memref_slice %arg6[%dma_start3A_448, %dma_start3A_449] : memref<2x100xi32, #tpu.memory_space<vmem>> -> memref<1x100xi32, #tpu.memory_space<vmem>>
    %dma_start3A_451 = tpu.memref_squeeze %dma_start3A_450 : memref<1x100xi32, #tpu.memory_space<vmem>> -> memref<100xi32, #tpu.memory_space<vmem>>
    %dma_start3A_452 = arith.constant 0 : i32
    %dma_start3A_453 = arith.constant 0 : i32
    %dma_start3A_454 = tpu.memref_slice %arg2[%dma_start3A_452, %dma_start3A_453] : memref<10000x128xf32, #tpu.memory_space<hbm>> -> memref<10000x128xf32, #tpu.memory_space<hbm>>
    tpu.enqueue_indirect_dma source(%dma_start3A_454 : memref<10000x128xf32, #tpu.memory_space<hbm>>) target(%arg11 : memref<100x128xf32, #tpu.memory_space<vmem>>) offsets(%dma_start3A_451 : memref<100xi32, #tpu.memory_space<vmem>>) semaphore(%arg15 : memref<!tpu.dma_semaphore, #tpu.memory_space<semaphore_mem>>)
    %dma_wait3A_455 = arith.constant 0 : i32
    %dma_wait3A_456 = arith.constant 0 : i32
    %dma_wait3A_457 = tpu.memref_slice %arg9[%dma_wait3A_455, %dma_wait3A_456] : memref<2x100xi32, #tpu.memory_space<vmem>> -> memref<1x100xi32, #tpu.memory_space<vmem>>
    %dma_wait3A_458 = tpu.memref_squeeze %dma_wait3A_457 : memref<1x100xi32, #tpu.memory_space<vmem>> -> memref<100xi32, #tpu.memory_space<vmem>>
    %dma_wait3A_459 = arith.constant 0 : i32
    %dma_wait3A_460 = arith.constant 0 : i32
    %dma_wait3A_461 = tpu.memref_slice %arg2[%dma_wait3A_459, %dma_wait3A_460] : memref<10000x128xf32, #tpu.memory_space<hbm>> -> memref<10000x128xf32, #tpu.memory_space<hbm>>
    tpu.wait_indirect_dma semaphore(%arg17 : memref<!tpu.dma_semaphore, #tpu.memory_space<semaphore_mem>>) src(%dma_wait3A_461 : memref<10000x128xf32, #tpu.memory_space<hbm>>) dst(%arg13 : memref<100x128xf32, #tpu.memory_space<vmem>>)
    %dma_start3A_462 = arith.constant 1 : i32
    %dma_start3A_463 = arith.constant 0 : i32
    %dma_start3A_464 = tpu.memref_slice %arg9[%dma_start3A_462, %dma_start3A_463] : memref<2x100xi32, #tpu.memory_space<vmem>> -> memref<1x100xi32, #tpu.memory_space<vmem>>
    %dma_start3A_465 = tpu.memref_squeeze %dma_start3A_464 : memref<1x100xi32, #tpu.memory_space<vmem>> -> memref<100xi32, #tpu.memory_space<vmem>>
    %dma_start3A_466 = arith.constant 0 : i32
    %dma_start3A_467 = arith.constant 0 : i32
    %dma_start3A_468 = tpu.memref_slice %arg14[%dma_start3A_466, %dma_start3A_467] : memref<10240x128xf32, #tpu.memory_space<vmem_shared>> -> memref<10240x128xf32, #tpu.memory_space<vmem_shared>>
    tpu.enqueue_indirect_dma source(%arg13 : memref<100x128xf32, #tpu.memory_space<vmem>>) target(%dma_start3A_468 : memref<10240x128xf32, #tpu.memory_space<vmem_shared>>) offsets(%dma_start3A_465 : memref<100xi32, #tpu.memory_space<vmem>>) semaphore(%arg20 : memref<!tpu.dma_semaphore, #tpu.memory_space<semaphore_mem>>) {add = true}
    %dma_wait3A_469 = arith.constant 0 : i32
    %dma_wait3A_470 = arith.constant 0 : i32
    %dma_wait3A_471 = tpu.memref_slice %arg5[%dma_wait3A_469, %dma_wait3A_470] : memref<2x100xi32, #tpu.memory_space<vmem>> -> memref<1x100xi32, #tpu.memory_space<vmem>>
    %dma_wait3A_472 = tpu.memref_squeeze %dma_wait3A_471 : memref<1x100xi32, #tpu.memory_space<vmem>> -> memref<100xi32, #tpu.memory_space<vmem>>
    %dma_wait3A_473 = arith.constant 0 : i32
    %dma_wait3A_474 = arith.constant 0 : i32
    %dma_wait3A_475 = tpu.memref_slice %arg2[%dma_wait3A_473, %dma_wait3A_474] : memref<10000x128xf32, #tpu.memory_space<hbm>> -> memref<10000x128xf32, #tpu.memory_space<hbm>>
    tpu.wait_indirect_dma semaphore(%arg15 : memref<!tpu.dma_semaphore, #tpu.memory_space<semaphore_mem>>) src(%dma_wait3A_475 : memref<10000x128xf32, #tpu.memory_space<hbm>>) dst(%arg11 : memref<100x128xf32, #tpu.memory_space<vmem>>)
    %dma_start3A_476 = arith.constant 1 : i32
    %dma_start3A_477 = arith.constant 0 : i32
    %dma_start3A_478 = tpu.memref_slice %arg6[%dma_start3A_476, %dma_start3A_477] : memref<2x100xi32, #tpu.memory_space<vmem>> -> memref<1x100xi32, #tpu.memory_space<vmem>>
    %dma_start3A_479 = tpu.memref_squeeze %dma_start3A_478 : memref<1x100xi32, #tpu.memory_space<vmem>> -> memref<100xi32, #tpu.memory_space<vmem>>
    %dma_start3A_480 = arith.constant 0 : i32
    %dma_start3A_481 = arith.constant 0 : i32
    %dma_start3A_482 = tpu.memref_slice %arg14[%dma_start3A_480, %dma_start3A_481] : memref<10240x128xf32, #tpu.memory_space<vmem_shared>> -> memref<10240x128xf32, #tpu.memory_space<vmem_shared>>
    tpu.enqueue_indirect_dma source(%arg11 : memref<100x128xf32, #tpu.memory_space<vmem>>) target(%dma_start3A_482 : memref<10240x128xf32, #tpu.memory_space<vmem_shared>>) offsets(%dma_start3A_479 : memref<100xi32, #tpu.memory_space<vmem>>) semaphore(%arg18 : memref<!tpu.dma_semaphore, #tpu.memory_space<semaphore_mem>>) {add = true}
    %dma_wait3A_483 = arith.constant 1 : i32
    %dma_wait3A_484 = arith.constant 0 : i32
    %dma_wait3A_485 = tpu.memref_slice %arg5[%dma_wait3A_483, %dma_wait3A_484] : memref<2x100xi32, #tpu.memory_space<vmem>> -> memref<1x100xi32, #tpu.memory_space<vmem>>
    %dma_wait3A_486 = tpu.memref_squeeze %dma_wait3A_485 : memref<1x100xi32, #tpu.memory_space<vmem>> -> memref<100xi32, #tpu.memory_space<vmem>>
    %dma_wait3A_487 = arith.constant 0 : i32
    %dma_wait3A_488 = arith.constant 0 : i32
    %dma_wait3A_489 = tpu.memref_slice %arg14[%dma_wait3A_487, %dma_wait3A_488] : memref<10240x128xf32, #tpu.memory_space<vmem_shared>> -> memref<10240x128xf32, #tpu.memory_space<vmem_shared>>
    tpu.wait_indirect_dma semaphore(%arg18 : memref<!tpu.dma_semaphore, #tpu.memory_space<semaphore_mem>>) src(%arg11 : memref<100x128xf32, #tpu.memory_space<vmem>>) dst(%dma_wait3A_489 : memref<10240x128xf32, #tpu.memory_space<vmem_shared>>)
    %dma_wait3A_490 = arith.constant 1 : i32
    %dma_wait3A_491 = arith.constant 0 : i32
    %dma_wait3A_492 = tpu.memref_slice %arg7[%dma_wait3A_490, %dma_wait3A_491] : memref<2x100xi32, #tpu.memory_space<vmem>> -> memref<1x100xi32, #tpu.memory_space<vmem>>
    %dma_wait3A_493 = tpu.memref_squeeze %dma_wait3A_492 : memref<1x100xi32, #tpu.memory_space<vmem>> -> memref<100xi32, #tpu.memory_space<vmem>>
    %dma_wait3A_494 = arith.constant 0 : i32
    %dma_wait3A_495 = arith.constant 0 : i32
    %dma_wait3A_496 = tpu.memref_slice %arg14[%dma_wait3A_494, %dma_wait3A_495] : memref<10240x128xf32, #tpu.memory_space<vmem_shared>> -> memref<10240x128xf32, #tpu.memory_space<vmem_shared>>
    tpu.wait_indirect_dma semaphore(%arg19 : memref<!tpu.dma_semaphore, #tpu.memory_space<semaphore_mem>>) src(%arg12 : memref<100x128xf32, #tpu.memory_space<vmem>>) dst(%dma_wait3A_496 : memref<10240x128xf32, #tpu.memory_space<vmem_shared>>)
    %dma_wait3A_497 = arith.constant 1 : i32
    %dma_wait3A_498 = arith.constant 0 : i32
    %dma_wait3A_499 = tpu.memref_slice %arg9[%dma_wait3A_497, %dma_wait3A_498] : memref<2x100xi32, #tpu.memory_space<vmem>> -> memref<1x100xi32, #tpu.memory_space<vmem>>
    %dma_wait3A_500 = tpu.memref_squeeze %dma_wait3A_499 : memref<1x100xi32, #tpu.memory_space<vmem>> -> memref<100xi32, #tpu.memory_space<vmem>>
    %dma_wait3A_501 = arith.constant 0 : i32
    %dma_wait3A_502 = arith.constant 0 : i32
    %dma_wait3A_503 = tpu.memref_slice %arg14[%dma_wait3A_501, %dma_wait3A_502] : memref<10240x128xf32, #tpu.memory_space<vmem_shared>> -> memref<10240x128xf32, #tpu.memory_space<vmem_shared>>
    tpu.wait_indirect_dma semaphore(%arg20 : memref<!tpu.dma_semaphore, #tpu.memory_space<semaphore_mem>>) src(%arg13 : memref<100x128xf32, #tpu.memory_space<vmem>>) dst(%dma_wait3A_503 : memref<10240x128xf32, #tpu.memory_space<vmem_shared>>)
    %barrier3A_504 = arith.constant 0 : index
    tpu.barrier barrier_id(%barrier3A_504)
    %mul3A_505 = arith.constant 640 : i32
    %mul3A_506 = arith.muli %arg1, %mul3A_505 : i32
    %add3A_507 = arith.constant 0 : i32
    %add3A_508 = arith.addi %mul3A_506, %add3A_507 : i32
    %mul3A_509 = arith.constant 10240 : i32
    %mul3A_510 = arith.muli %arg0, %mul3A_509 : i32
    %add3A_511 = arith.addi %mul3A_510, %add3A_508 : i32
    "tpu.region"() ({
      %run_scoped3A = tpu.sem_alloc : memref<!tpu.dma_semaphore, #tpu.memory_space<semaphore_mem>>
      %dma_start3A_540 = arith.constant 0 : i32
      %dma_start3A_541 = tpu.memref_slice %arg4[%add3A_511, %dma_start3A_540] : memref<20480x128xf32, #tpu.memory_space<hbm>> -> memref<128x128xf32, #tpu.memory_space<hbm>>
      %dma_start3A_542 = arith.constant 0 : i32
      %dma_start3A_543 = tpu.memref_slice %arg14[%add3A_508, %dma_start3A_542] : memref<10240x128xf32, #tpu.memory_space<vmem_shared>> -> memref<128x128xf32, #tpu.memory_space<vmem_shared>>
      tpu.enqueue_dma source(%dma_start3A_543 : memref<128x128xf32, #tpu.memory_space<vmem_shared>>) target(%dma_start3A_541 : memref<128x128xf32, #tpu.memory_space<hbm>>) target_semaphore(%run_scoped3A : memref<!tpu.dma_semaphore, #tpu.memory_space<semaphore_mem>>)
      %dma_wait3A_544 = arith.constant 0 : i32
      %dma_wait3A_545 = tpu.memref_slice %arg4[%add3A_511, %dma_wait3A_544] : memref<20480x128xf32, #tpu.memory_space<hbm>> -> memref<128x128xf32, #tpu.memory_space<hbm>>
      %dma_wait3A_546 = arith.constant 0 : i32
      %dma_wait3A_547 = tpu.memref_slice %arg14[%add3A_508, %dma_wait3A_546] : memref<10240x128xf32, #tpu.memory_space<vmem_shared>> -> memref<128x128xf32, #tpu.memory_space<vmem_shared>>
      tpu.wait_dma2 semaphore(%run_scoped3A : memref<!tpu.dma_semaphore, #tpu.memory_space<semaphore_mem>>) src(%dma_wait3A_547 : memref<128x128xf32, #tpu.memory_space<vmem_shared>>) dst(%dma_wait3A_545 : memref<128x128xf32, #tpu.memory_space<hbm>>)
      tpu.yield
    }) : () -> ()
    %mul3A_512 = arith.constant 640 : i32
    %mul3A_513 = arith.muli %arg1, %mul3A_512 : i32
    %add3A_514 = arith.constant 128 : i32
    %add3A_515 = arith.addi %mul3A_513, %add3A_514 : i32
    %mul3A_516 = arith.constant 10240 : i32
    %mul3A_517 = arith.muli %arg0, %mul3A_516 : i32
    %add3A_518 = arith.addi %mul3A_517, %add3A_515 : i32
    "tpu.region"() ({
      %run_scoped3A = tpu.sem_alloc : memref<!tpu.dma_semaphore, #tpu.memory_space<semaphore_mem>>
      %dma_start3A_540 = arith.constant 0 : i32
      %dma_start3A_541 = tpu.memref_slice %arg4[%add3A_518, %dma_start3A_540] : memref<20480x128xf32, #tpu.memory_space<hbm>> -> memref<128x128xf32, #tpu.memory_space<hbm>>
      %dma_start3A_542 = arith.constant 0 : i32
      %dma_start3A_543 = tpu.memref_slice %arg14[%add3A_515, %dma_start3A_542] : memref<10240x128xf32, #tpu.memory_space<vmem_shared>> -> memref<128x128xf32, #tpu.memory_space<vmem_shared>>
      tpu.enqueue_dma source(%dma_start3A_543 : memref<128x128xf32, #tpu.memory_space<vmem_shared>>) target(%dma_start3A_541 : memref<128x128xf32, #tpu.memory_space<hbm>>) target_semaphore(%run_scoped3A : memref<!tpu.dma_semaphore, #tpu.memory_space<semaphore_mem>>)
      %dma_wait3A_544 = arith.constant 0 : i32
      %dma_wait3A_545 = tpu.memref_slice %arg4[%add3A_518, %dma_wait3A_544] : memref<20480x128xf32, #tpu.memory_space<hbm>> -> memref<128x128xf32, #tpu.memory_space<hbm>>
      %dma_wait3A_546 = arith.constant 0 : i32
      %dma_wait3A_547 = tpu.memref_slice %arg14[%add3A_515, %dma_wait3A_546] : memref<10240x128xf32, #tpu.memory_space<vmem_shared>> -> memref<128x128xf32, #tpu.memory_space<vmem_shared>>
      tpu.wait_dma2 semaphore(%run_scoped3A : memref<!tpu.dma_semaphore, #tpu.memory_space<semaphore_mem>>) src(%dma_wait3A_547 : memref<128x128xf32, #tpu.memory_space<vmem_shared>>) dst(%dma_wait3A_545 : memref<128x128xf32, #tpu.memory_space<hbm>>)
      tpu.yield
    }) : () -> ()
    %mul3A_519 = arith.constant 640 : i32
    %mul3A_520 = arith.muli %arg1, %mul3A_519 : i32
    %add3A_521 = arith.constant 256 : i32
    %add3A_522 = arith.addi %mul3A_520, %add3A_521 : i32
    %mul3A_523 = arith.constant 10240 : i32
    %mul3A_524 = arith.muli %arg0, %mul3A_523 : i32
    %add3A_525 = arith.addi %mul3A_524, %add3A_522 : i32
    "tpu.region"() ({
      %run_scoped3A = tpu.sem_alloc : memref<!tpu.dma_semaphore, #tpu.memory_space<semaphore_mem>>
      %dma_start3A_540 = arith.constant 0 : i32
      %dma_start3A_541 = tpu.memref_slice %arg4[%add3A_525, %dma_start3A_540] : memref<20480x128xf32, #tpu.memory_space<hbm>> -> memref<128x128xf32, #tpu.memory_space<hbm>>
      %dma_start3A_542 = arith.constant 0 : i32
      %dma_start3A_543 = tpu.memref_slice %arg14[%add3A_522, %dma_start3A_542] : memref<10240x128xf32, #tpu.memory_space<vmem_shared>> -> memref<128x128xf32, #tpu.memory_space<vmem_shared>>
      tpu.enqueue_dma source(%dma_start3A_543 : memref<128x128xf32, #tpu.memory_space<vmem_shared>>) target(%dma_start3A_541 : memref<128x128xf32, #tpu.memory_space<hbm>>) target_semaphore(%run_scoped3A : memref<!tpu.dma_semaphore, #tpu.memory_space<semaphore_mem>>)
      %dma_wait3A_544 = arith.constant 0 : i32
      %dma_wait3A_545 = tpu.memref_slice %arg4[%add3A_525, %dma_wait3A_544] : memref<20480x128xf32, #tpu.memory_space<hbm>> -> memref<128x128xf32, #tpu.memory_space<hbm>>
      %dma_wait3A_546 = arith.constant 0 : i32
      %dma_wait3A_547 = tpu.memref_slice %arg14[%add3A_522, %dma_wait3A_546] : memref<10240x128xf32, #tpu.memory_space<vmem_shared>> -> memref<128x128xf32, #tpu.memory_space<vmem_shared>>
      tpu.wait_dma2 semaphore(%run_scoped3A : memref<!tpu.dma_semaphore, #tpu.memory_space<semaphore_mem>>) src(%dma_wait3A_547 : memref<128x128xf32, #tpu.memory_space<vmem_shared>>) dst(%dma_wait3A_545 : memref<128x128xf32, #tpu.memory_space<hbm>>)
      tpu.yield
    }) : () -> ()
    %mul3A_526 = arith.constant 640 : i32
    %mul3A_527 = arith.muli %arg1, %mul3A_526 : i32
    %add3A_528 = arith.constant 384 : i32
    %add3A_529 = arith.addi %mul3A_527, %add3A_528 : i32
    %mul3A_530 = arith.constant 10240 : i32
    %mul3A_531 = arith.muli %arg0, %mul3A_530 : i32
    %add3A_532 = arith.addi %mul3A_531, %add3A_529 : i32
    "tpu.region"() ({
      %run_scoped3A = tpu.sem_alloc : memref<!tpu.dma_semaphore, #tpu.memory_space<semaphore_mem>>
      %dma_start3A_540 = arith.constant 0 : i32
      %dma_start3A_541 = tpu.memref_slice %arg4[%add3A_532, %dma_start3A_540] : memref<20480x128xf32, #tpu.memory_space<hbm>> -> memref<128x128xf32, #tpu.memory_space<hbm>>
      %dma_start3A_542 = arith.constant 0 : i32
      %dma_start3A_543 = tpu.memref_slice %arg14[%add3A_529, %dma_start3A_542] : memref<10240x128xf32, #tpu.memory_space<vmem_shared>> -> memref<128x128xf32, #tpu.memory_space<vmem_shared>>
      tpu.enqueue_dma source(%dma_start3A_543 : memref<128x128xf32, #tpu.memory_space<vmem_shared>>) target(%dma_start3A_541 : memref<128x128xf32, #tpu.memory_space<hbm>>) target_semaphore(%run_scoped3A : memref<!tpu.dma_semaphore, #tpu.memory_space<semaphore_mem>>)
      %dma_wait3A_544 = arith.constant 0 : i32
      %dma_wait3A_545 = tpu.memref_slice %arg4[%add3A_532, %dma_wait3A_544] : memref<20480x128xf32, #tpu.memory_space<hbm>> -> memref<128x128xf32, #tpu.memory_space<hbm>>
      %dma_wait3A_546 = arith.constant 0 : i32
      %dma_wait3A_547 = tpu.memref_slice %arg14[%add3A_529, %dma_wait3A_546] : memref<10240x128xf32, #tpu.memory_space<vmem_shared>> -> memref<128x128xf32, #tpu.memory_space<vmem_shared>>
      tpu.wait_dma2 semaphore(%run_scoped3A : memref<!tpu.dma_semaphore, #tpu.memory_space<semaphore_mem>>) src(%dma_wait3A_547 : memref<128x128xf32, #tpu.memory_space<vmem_shared>>) dst(%dma_wait3A_545 : memref<128x128xf32, #tpu.memory_space<hbm>>)
      tpu.yield
    }) : () -> ()
    %mul3A_533 = arith.constant 640 : i32
    %mul3A_534 = arith.muli %arg1, %mul3A_533 : i32
    %add3A_535 = arith.constant 512 : i32
    %add3A_536 = arith.addi %mul3A_534, %add3A_535 : i32
    %mul3A_537 = arith.constant 10240 : i32
    %mul3A_538 = arith.muli %arg0, %mul3A_537 : i32
    %add3A_539 = arith.addi %mul3A_538, %add3A_536 : i32
    "tpu.region"() ({
      %run_scoped3A = tpu.sem_alloc : memref<!tpu.dma_semaphore, #tpu.memory_space<semaphore_mem>>
      %dma_start3A_540 = arith.constant 0 : i32
      %dma_start3A_541 = tpu.memref_slice %arg4[%add3A_539, %dma_start3A_540] : memref<20480x128xf32, #tpu.memory_space<hbm>> -> memref<128x128xf32, #tpu.memory_space<hbm>>
      %dma_start3A_542 = arith.constant 0 : i32
      %dma_start3A_543 = tpu.memref_slice %arg14[%add3A_536, %dma_start3A_542] : memref<10240x128xf32, #tpu.memory_space<vmem_shared>> -> memref<128x128xf32, #tpu.memory_space<vmem_shared>>
      tpu.enqueue_dma source(%dma_start3A_543 : memref<128x128xf32, #tpu.memory_space<vmem_shared>>) target(%dma_start3A_541 : memref<128x128xf32, #tpu.memory_space<hbm>>) target_semaphore(%run_scoped3A : memref<!tpu.dma_semaphore, #tpu.memory_space<semaphore_mem>>)
      %dma_wait3A_544 = arith.constant 0 : i32
      %dma_wait3A_545 = tpu.memref_slice %arg4[%add3A_539, %dma_wait3A_544] : memref<20480x128xf32, #tpu.memory_space<hbm>> -> memref<128x128xf32, #tpu.memory_space<hbm>>
      %dma_wait3A_546 = arith.constant 0 : i32
      %dma_wait3A_547 = tpu.memref_slice %arg14[%add3A_536, %dma_wait3A_546] : memref<10240x128xf32, #tpu.memory_space<vmem_shared>> -> memref<128x128xf32, #tpu.memory_space<vmem_shared>>
      tpu.wait_dma2 semaphore(%run_scoped3A : memref<!tpu.dma_semaphore, #tpu.memory_space<semaphore_mem>>) src(%dma_wait3A_547 : memref<128x128xf32, #tpu.memory_space<vmem_shared>>) dst(%dma_wait3A_545 : memref<128x128xf32, #tpu.memory_space<hbm>>)
      tpu.yield
    }) : () -> ()
    return
  }
}

#map = affine_map<(d0, d1) -> (0, 0)>
#map1 = affine_map<(d0, d1) -> (0, 0, 0)>
module attributes {stable_mosaic.version = 14 : i64} {
  func.func @_sc_agg_body(%arg0: i32, %arg1: i32, %arg2: memref<10000x128xf32, #tpu.memory_space<hbm>>, %arg3: memref<3200x2x100xi32, #tpu.memory_space<hbm>>, %arg4: memref<20480x128xf32, #tpu.memory_space<hbm>>, %arg5: memref<2x100xi32, #tpu.memory_space<vmem>>, %arg6: memref<2x100xi32, #tpu.memory_space<vmem>>, %arg7: memref<2x100xi32, #tpu.memory_space<vmem>>, %arg8: memref<2x100xi32, #tpu.memory_space<vmem>>, %arg9: memref<2x100xi32, #tpu.memory_space<vmem>>, %arg10: memref<2x100xi32, #tpu.memory_space<vmem>>, %arg11: memref<100x128xf32, #tpu.memory_space<vmem>>, %arg12: memref<100x128xf32, #tpu.memory_space<vmem>>, %arg13: memref<100x128xf32, #tpu.memory_space<vmem>>, %arg14: memref<10240x128xf32, #tpu.memory_space<vmem_shared>>, %arg15: memref<!tpu.dma_semaphore, #tpu.memory_space<semaphore_mem>>, %arg16: memref<!tpu.dma_semaphore, #tpu.memory_space<semaphore_mem>>, %arg17: memref<!tpu.dma_semaphore, #tpu.memory_space<semaphore_mem>>, %arg18: memref<!tpu.dma_semaphore, #tpu.memory_space<semaphore_mem>>, %arg19: memref<!tpu.dma_semaphore, #tpu.memory_space<semaphore_mem>>, %arg20: memref<!tpu.dma_semaphore, #tpu.memory_space<semaphore_mem>>, %arg21: memref<!tpu.dma_semaphore, #tpu.memory_space<semaphore_mem>>, %arg22: memref<!tpu.dma_semaphore, #tpu.memory_space<semaphore_mem>>, %arg23: memref<!tpu.dma_semaphore, #tpu.memory_space<semaphore_mem>>, %arg24: memref<!tpu.dma_semaphore, #tpu.memory_space<semaphore_mem>>, %arg25: memref<!tpu.dma_semaphore, #tpu.memory_space<semaphore_mem>>, %arg26: memref<!tpu.dma_semaphore, #tpu.memory_space<semaphore_mem>>) attributes {dimension_semantics = [#tpu.dimension_semantics<core_parallel>, #tpu.dimension_semantics<subcore_parallel>], iteration_bounds = array<i64: 2, 16>, scalar_prefetch = 0 : i64, scratch_operands = 22 : i64, tpu.core_type = #tpu.core_type<sc_vector_subcore>, window_params = [{transform_indices = #map}, {transform_indices = #map1}, {transform_indices = #map}]} {
    %mul3A = arith.constant 2 : i32
    %mul3A_0 = arith.muli %arg1, %mul3A : i32
    %add3A = arith.addi %mul3A_0, %arg0 : i32
    %mul3A_1 = arith.constant 100 : i32
    %mul3A_2 = arith.muli %add3A, %mul3A_1 : i32
    %scan3A = arith.constant 0 : i32
    %scan3A_3 = arith.constant 0 : i32
    %scan3A_4 = arith.constant 640 : i32
    %scan3A_5 = arith.addi %scan3A_3, %scan3A_4 : i32
    %scan3A_6 = arith.constant 1 : i32
    scf.for %scan3A_540 = %scan3A_3 to %scan3A_5 step %scan3A_6  : i32 {
      %broadcast_in_dim3A = arith.constant 0.000000e+00 : f32
      %broadcast_in_dim3A_541 = vector.broadcast %broadcast_in_dim3A : f32 to vector<16xf32>
      %jit3A = arith.constant 8 : i32
      %div3A = arith.divsi %scan3A_540, %jit3A : i32
      %sign3A = arith.constant 0 : i32
      %sign3A_542 = arith.cmpi sgt, %scan3A_540, %sign3A : i32
      %sign3A_543 = arith.extui %sign3A_542 : i1 to i32
      %sign3A_544 = arith.constant 0 : i32
      %sign3A_545 = arith.cmpi slt, %scan3A_540, %sign3A_544 : i32
      %sign3A_546 = arith.extui %sign3A_545 : i1 to i32
      %sign3A_547 = arith.subi %sign3A_543, %sign3A_546 : i32
      %sign3A_548 = arith.constant 0 : i32
      %sign3A_549 = arith.cmpi sgt, %jit3A, %sign3A_548 : i32
      %sign3A_550 = arith.extui %sign3A_549 : i1 to i32
      %sign3A_551 = arith.constant 0 : i32
      %sign3A_552 = arith.cmpi slt, %jit3A, %sign3A_551 : i32
      %sign3A_553 = arith.extui %sign3A_552 : i1 to i32
      %sign3A_554 = arith.subi %sign3A_550, %sign3A_553 : i32
      %ne3A = arith.cmpi ne, %sign3A_547, %sign3A_554 : i32
      %rem3A = arith.remsi %scan3A_540, %jit3A : i32
      %ne3A_555 = arith.constant 0 : i32
      %ne3A_556 = arith.cmpi ne, %rem3A, %ne3A_555 : i32
      %and3A = arith.andi %ne3A, %ne3A_556 : i1
      %sub3A = arith.constant 1 : i32
      %sub3A_557 = arith.subi %div3A, %sub3A : i32
      %select_n3A = arith.select %and3A, %sub3A_557, %div3A : i32
      %jit3A_558 = arith.constant 8 : i32
      %eq3A = arith.constant 0 : i32
      %eq3A_559 = arith.cmpi eq, %jit3A_558, %eq3A : i32
      %jit3A_560 = arith.constant 1 : i32
      %select_n3A_561 = arith.select %eq3A_559, %jit3A_560, %jit3A_558 : i32
      %rem3A_562 = arith.remsi %scan3A_540, %select_n3A_561 : i32
      %ne3A_563 = arith.constant 0 : i32
      %ne3A_564 = arith.cmpi ne, %rem3A_562, %ne3A_563 : i32
      %lt3A = arith.constant 0 : i32
      %lt3A_565 = arith.cmpi slt, %rem3A_562, %lt3A : i32
      %lt3A_566 = arith.constant 0 : i32
      %lt3A_567 = arith.cmpi slt, %select_n3A_561, %lt3A_566 : i32
      %ne3A_568 = arith.xori %lt3A_565, %lt3A_567 : i1
      %and3A_569 = arith.andi %ne3A_568, %ne3A_564 : i1
      %add3A_570 = arith.addi %rem3A_562, %select_n3A_561 : i32
      %select_n3A_571 = arith.select %and3A_569, %add3A_570, %rem3A_562 : i32
      %mul3A_572 = arith.constant 16 : i32
      %mul3A_573 = arith.muli %select_n3A_571, %mul3A_572 : i32
      %swap3A = arith.index_cast %select_n3A : i32 to index
      %swap3A_574 = arith.index_cast %mul3A_573 : i32 to index
      %swap3A_575 = tpu.vector_load %arg11[%swap3A, %swap3A_574] {strides = array<i32>} : memref<100x128xf32, #tpu.memory_space<vmem>>, vector<1x16xf32>,
      %swap3A_576 = vector.shape_cast %swap3A_575 : vector<1x16xf32> to vector<16xf32>
      %swap3A_577 = vector.shape_cast %broadcast_in_dim3A_541 : vector<16xf32> to vector<1x16xf32>
      tpu.vector_store %arg11[%swap3A, %swap3A_574], %swap3A_577 {strides = array<i32>} : memref<100x128xf32, #tpu.memory_space<vmem>>, vector<1x16xf32>,
    }
    %scan3A_7 = arith.constant 640 : i32
    %mul3A_8 = arith.constant 640 : i32
    %mul3A_9 = arith.muli %arg1, %mul3A_8 : i32
    %add3A_10 = arith.constant 0 : i32
    %add3A_11 = arith.addi %mul3A_9, %add3A_10 : i32
    "tpu.region"() ({
      %run_scoped3A = tpu.sem_alloc : memref<!tpu.dma_semaphore, #tpu.memory_space<semaphore_mem>>
      %dma_start3A_540 = arith.constant 0 : i32
      %dma_start3A_541 = arith.constant 0 : i32
      %dma_start3A_542 = tpu.memref_slice %arg11[%dma_start3A_540, %dma_start3A_541] : memref<100x128xf32, #tpu.memory_space<vmem>> -> memref<80x128xf32, #tpu.memory_space<vmem>>
      %dma_start3A_543 = arith.constant 0 : i32
      %dma_start3A_544 = tpu.memref_slice %arg14[%add3A_11, %dma_start3A_543] : memref<10240x128xf32, #tpu.memory_space<vmem_shared>> -> memref<80x128xf32, #tpu.memory_space<vmem_shared>>
      %dma_start3A_545 = arith.constant 0 : i32
      %dma_start3A_546 = tpu.memref_slice %arg14[%add3A_11, %dma_start3A_545] : memref<10240x128xf32, #tpu.memory_space<vmem_shared>> -> memref<80x128xf32, #tpu.memory_space<vmem_shared>>
      %dma_start3A_547 = arith.constant 0 : i32
      %dma_start3A_548 = arith.constant 0 : i32
      %dma_start3A_549 = tpu.memref_slice %arg11[%dma_start3A_547, %dma_start3A_548] : memref<100x128xf32, #tpu.memory_space<vmem>> -> memref<80x128xf32, #tpu.memory_space<vmem>>
      tpu.enqueue_dma source(%dma_start3A_549 : memref<80x128xf32, #tpu.memory_space<vmem>>) target(%dma_start3A_546 : memref<80x128xf32, #tpu.memory_space<vmem_shared>>) target_semaphore(%run_scoped3A : memref<!tpu.dma_semaphore, #tpu.memory_space<semaphore_mem>>)
      %dma_wait3A_550 = arith.constant 0 : i32
      %dma_wait3A_551 = arith.constant 0 : i32
      %dma_wait3A_552 = tpu.memref_slice %arg11[%dma_wait3A_550, %dma_wait3A_551] : memref<100x128xf32, #tpu.memory_space<vmem>> -> memref<80x128xf32, #tpu.memory_space<vmem>>
      %dma_wait3A_553 = arith.constant 0 : i32
      %dma_wait3A_554 = tpu.memref_slice %arg14[%add3A_11, %dma_wait3A_553] : memref<10240x128xf32, #tpu.memory_space<vmem_shared>> -> memref<80x128xf32, #tpu.memory_space<vmem_shared>>
      %dma_wait3A_555 = arith.constant 0 : i32
      %dma_wait3A_556 = tpu.memref_slice %arg14[%add3A_11, %dma_wait3A_555] : memref<10240x128xf32, #tpu.memory_space<vmem_shared>> -> memref<80x128xf32, #tpu.memory_space<vmem_shared>>
      %dma_wait3A_557 = arith.constant 0 : i32
      %dma_wait3A_558 = arith.constant 0 : i32
      %dma_wait3A_559 = tpu.memref_slice %arg11[%dma_wait3A_557, %dma_wait3A_558] : memref<100x128xf32, #tpu.memory_space<vmem>> -> memref<80x128xf32, #tpu.memory_space<vmem>>
      tpu.wait_dma2 semaphore(%run_scoped3A : memref<!tpu.dma_semaphore, #tpu.memory_space<semaphore_mem>>) src(%dma_wait3A_559 : memref<80x128xf32, #tpu.memory_space<vmem>>) dst(%dma_wait3A_556 : memref<80x128xf32, #tpu.memory_space<vmem_shared>>)
      tpu.yield
    }) : () -> ()
    %mul3A_12 = arith.constant 640 : i32
    %mul3A_13 = arith.muli %arg1, %mul3A_12 : i32
    %add3A_14 = arith.constant 80 : i32
    %add3A_15 = arith.addi %mul3A_13, %add3A_14 : i32
    "tpu.region"() ({
      %run_scoped3A = tpu.sem_alloc : memref<!tpu.dma_semaphore, #tpu.memory_space<semaphore_mem>>
      %dma_start3A_540 = arith.constant 0 : i32
      %dma_start3A_541 = arith.constant 0 : i32
      %dma_start3A_542 = tpu.memref_slice %arg11[%dma_start3A_540, %dma_start3A_541] : memref<100x128xf32, #tpu.memory_space<vmem>> -> memref<80x128xf32, #tpu.memory_space<vmem>>
      %dma_start3A_543 = arith.constant 0 : i32
      %dma_start3A_544 = tpu.memref_slice %arg14[%add3A_15, %dma_start3A_543] : memref<10240x128xf32, #tpu.memory_space<vmem_shared>> -> memref<80x128xf32, #tpu.memory_space<vmem_shared>>
      %dma_start3A_545 = arith.constant 0 : i32
      %dma_start3A_546 = tpu.memref_slice %arg14[%add3A_15, %dma_start3A_545] : memref<10240x128xf32, #tpu.memory_space<vmem_shared>> -> memref<80x128xf32, #tpu.memory_space<vmem_shared>>
      %dma_start3A_547 = arith.constant 0 : i32
      %dma_start3A_548 = arith.constant 0 : i32
      %dma_start3A_549 = tpu.memref_slice %arg11[%dma_start3A_547, %dma_start3A_548] : memref<100x128xf32, #tpu.memory_space<vmem>> -> memref<80x128xf32, #tpu.memory_space<vmem>>
      tpu.enqueue_dma source(%dma_start3A_549 : memref<80x128xf32, #tpu.memory_space<vmem>>) target(%dma_start3A_546 : memref<80x128xf32, #tpu.memory_space<vmem_shared>>) target_semaphore(%run_scoped3A : memref<!tpu.dma_semaphore, #tpu.memory_space<semaphore_mem>>)
      %dma_wait3A_550 = arith.constant 0 : i32
      %dma_wait3A_551 = arith.constant 0 : i32
      %dma_wait3A_552 = tpu.memref_slice %arg11[%dma_wait3A_550, %dma_wait3A_551] : memref<100x128xf32, #tpu.memory_space<vmem>> -> memref<80x128xf32, #tpu.memory_space<vmem>>
      %dma_wait3A_553 = arith.constant 0 : i32
      %dma_wait3A_554 = tpu.memref_slice %arg14[%add3A_15, %dma_wait3A_553] : memref<10240x128xf32, #tpu.memory_space<vmem_shared>> -> memref<80x128xf32, #tpu.memory_space<vmem_shared>>
      %dma_wait3A_555 = arith.constant 0 : i32
      %dma_wait3A_556 = tpu.memref_slice %arg14[%add3A_15, %dma_wait3A_555] : memref<10240x128xf32, #tpu.memory_space<vmem_shared>> -> memref<80x128xf32, #tpu.memory_space<vmem_shared>>
      %dma_wait3A_557 = arith.constant 0 : i32
      %dma_wait3A_558 = arith.constant 0 : i32
      %dma_wait3A_559 = tpu.memref_slice %arg11[%dma_wait3A_557, %dma_wait3A_558] : memref<100x128xf32, #tpu.memory_space<vmem>> -> memref<80x128xf32, #tpu.memory_space<vmem>>
      tpu.wait_dma2 semaphore(%run_scoped3A : memref<!tpu.dma_semaphore, #tpu.memory_space<semaphore_mem>>) src(%dma_wait3A_559 : memref<80x128xf32, #tpu.memory_space<vmem>>) dst(%dma_wait3A_556 : memref<80x128xf32, #tpu.memory_space<vmem_shared>>)
      tpu.yield
    }) : () -> ()
    %mul3A_16 = arith.constant 640 : i32
    %mul3A_17 = arith.muli %arg1, %mul3A_16 : i32
    %add3A_18 = arith.constant 160 : i32
    %add3A_19 = arith.addi %mul3A_17, %add3A_18 : i32
    "tpu.region"() ({
      %run_scoped3A = tpu.sem_alloc : memref<!tpu.dma_semaphore, #tpu.memory_space<semaphore_mem>>
      %dma_start3A_540 = arith.constant 0 : i32
      %dma_start3A_541 = arith.constant 0 : i32
      %dma_start3A_542 = tpu.memref_slice %arg11[%dma_start3A_540, %dma_start3A_541] : memref<100x128xf32, #tpu.memory_space<vmem>> -> memref<80x128xf32, #tpu.memory_space<vmem>>
      %dma_start3A_543 = arith.constant 0 : i32
      %dma_start3A_544 = tpu.memref_slice %arg14[%add3A_19, %dma_start3A_543] : memref<10240x128xf32, #tpu.memory_space<vmem_shared>> -> memref<80x128xf32, #tpu.memory_space<vmem_shared>>
      %dma_start3A_545 = arith.constant 0 : i32
      %dma_start3A_546 = tpu.memref_slice %arg14[%add3A_19, %dma_start3A_545] : memref<10240x128xf32, #tpu.memory_space<vmem_shared>> -> memref<80x128xf32, #tpu.memory_space<vmem_shared>>
      %dma_start3A_547 = arith.constant 0 : i32
      %dma_start3A_548 = arith.constant 0 : i32
      %dma_start3A_549 = tpu.memref_slice %arg11[%dma_start3A_547, %dma_start3A_548] : memref<100x128xf32, #tpu.memory_space<vmem>> -> memref<80x128xf32, #tpu.memory_space<vmem>>
      tpu.enqueue_dma source(%dma_start3A_549 : memref<80x128xf32, #tpu.memory_space<vmem>>) target(%dma_start3A_546 : memref<80x128xf32, #tpu.memory_space<vmem_shared>>) target_semaphore(%run_scoped3A : memref<!tpu.dma_semaphore, #tpu.memory_space<semaphore_mem>>)
      %dma_wait3A_550 = arith.constant 0 : i32
      %dma_wait3A_551 = arith.constant 0 : i32
      %dma_wait3A_552 = tpu.memref_slice %arg11[%dma_wait3A_550, %dma_wait3A_551] : memref<100x128xf32, #tpu.memory_space<vmem>> -> memref<80x128xf32, #tpu.memory_space<vmem>>
      %dma_wait3A_553 = arith.constant 0 : i32
      %dma_wait3A_554 = tpu.memref_slice %arg14[%add3A_19, %dma_wait3A_553] : memref<10240x128xf32, #tpu.memory_space<vmem_shared>> -> memref<80x128xf32, #tpu.memory_space<vmem_shared>>
      %dma_wait3A_555 = arith.constant 0 : i32
      %dma_wait3A_556 = tpu.memref_slice %arg14[%add3A_19, %dma_wait3A_555] : memref<10240x128xf32, #tpu.memory_space<vmem_shared>> -> memref<80x128xf32, #tpu.memory_space<vmem_shared>>
      %dma_wait3A_557 = arith.constant 0 : i32
      %dma_wait3A_558 = arith.constant 0 : i32
      %dma_wait3A_559 = tpu.memref_slice %arg11[%dma_wait3A_557, %dma_wait3A_558] : memref<100x128xf32, #tpu.memory_space<vmem>> -> memref<80x128xf32, #tpu.memory_space<vmem>>
      tpu.wait_dma2 semaphore(%run_scoped3A : memref<!tpu.dma_semaphore, #tpu.memory_space<semaphore_mem>>) src(%dma_wait3A_559 : memref<80x128xf32, #tpu.memory_space<vmem>>) dst(%dma_wait3A_556 : memref<80x128xf32, #tpu.memory_space<vmem_shared>>)
      tpu.yield
    }) : () -> ()
    %mul3A_20 = arith.constant 640 : i32
    %mul3A_21 = arith.muli %arg1, %mul3A_20 : i32
    %add3A_22 = arith.constant 240 : i32
    %add3A_23 = arith.addi %mul3A_21, %add3A_22 : i32
    "tpu.region"() ({
      %run_scoped3A = tpu.sem_alloc : memref<!tpu.dma_semaphore, #tpu.memory_space<semaphore_mem>>
      %dma_start3A_540 = arith.constant 0 : i32
      %dma_start3A_541 = arith.constant 0 : i32
      %dma_start3A_542 = tpu.memref_slice %arg11[%dma_start3A_540, %dma_start3A_541] : memref<100x128xf32, #tpu.memory_space<vmem>> -> memref<80x128xf32, #tpu.memory_space<vmem>>
      %dma_start3A_543 = arith.constant 0 : i32
      %dma_start3A_544 = tpu.memref_slice %arg14[%add3A_23, %dma_start3A_543] : memref<10240x128xf32, #tpu.memory_space<vmem_shared>> -> memref<80x128xf32, #tpu.memory_space<vmem_shared>>
      %dma_start3A_545 = arith.constant 0 : i32
      %dma_start3A_546 = tpu.memref_slice %arg14[%add3A_23, %dma_start3A_545] : memref<10240x128xf32, #tpu.memory_space<vmem_shared>> -> memref<80x128xf32, #tpu.memory_space<vmem_shared>>
      %dma_start3A_547 = arith.constant 0 : i32
      %dma_start3A_548 = arith.constant 0 : i32
      %dma_start3A_549 = tpu.memref_slice %arg11[%dma_start3A_547, %dma_start3A_548] : memref<100x128xf32, #tpu.memory_space<vmem>> -> memref<80x128xf32, #tpu.memory_space<vmem>>
      tpu.enqueue_dma source(%dma_start3A_549 : memref<80x128xf32, #tpu.memory_space<vmem>>) target(%dma_start3A_546 : memref<80x128xf32, #tpu.memory_space<vmem_shared>>) target_semaphore(%run_scoped3A : memref<!tpu.dma_semaphore, #tpu.memory_space<semaphore_mem>>)
      %dma_wait3A_550 = arith.constant 0 : i32
      %dma_wait3A_551 = arith.constant 0 : i32
      %dma_wait3A_552 = tpu.memref_slice %arg11[%dma_wait3A_550, %dma_wait3A_551] : memref<100x128xf32, #tpu.memory_space<vmem>> -> memref<80x128xf32, #tpu.memory_space<vmem>>
      %dma_wait3A_553 = arith.constant 0 : i32
      %dma_wait3A_554 = tpu.memref_slice %arg14[%add3A_23, %dma_wait3A_553] : memref<10240x128xf32, #tpu.memory_space<vmem_shared>> -> memref<80x128xf32, #tpu.memory_space<vmem_shared>>
      %dma_wait3A_555 = arith.constant 0 : i32
      %dma_wait3A_556 = tpu.memref_slice %arg14[%add3A_23, %dma_wait3A_555] : memref<10240x128xf32, #tpu.memory_space<vmem_shared>> -> memref<80x128xf32, #tpu.memory_space<vmem_shared>>
      %dma_wait3A_557 = arith.constant 0 : i32
      %dma_wait3A_558 = arith.constant 0 : i32
      %dma_wait3A_559 = tpu.memref_slice %arg11[%dma_wait3A_557, %dma_wait3A_558] : memref<100x128xf32, #tpu.memory_space<vmem>> -> memref<80x128xf32, #tpu.memory_space<vmem>>
      tpu.wait_dma2 semaphore(%run_scoped3A : memref<!tpu.dma_semaphore, #tpu.memory_space<semaphore_mem>>) src(%dma_wait3A_559 : memref<80x128xf32, #tpu.memory_space<vmem>>) dst(%dma_wait3A_556 : memref<80x128xf32, #tpu.memory_space<vmem_shared>>)
      tpu.yield
    }) : () -> ()
    %mul3A_24 = arith.constant 640 : i32
    %mul3A_25 = arith.muli %arg1, %mul3A_24 : i32
    %add3A_26 = arith.constant 320 : i32
    %add3A_27 = arith.addi %mul3A_25, %add3A_26 : i32
    "tpu.region"() ({
      %run_scoped3A = tpu.sem_alloc : memref<!tpu.dma_semaphore, #tpu.memory_space<semaphore_mem>>
      %dma_start3A_540 = arith.constant 0 : i32
      %dma_start3A_541 = arith.constant 0 : i32
      %dma_start3A_542 = tpu.memref_slice %arg11[%dma_start3A_540, %dma_start3A_541] : memref<100x128xf32, #tpu.memory_space<vmem>> -> memref<80x128xf32, #tpu.memory_space<vmem>>
      %dma_start3A_543 = arith.constant 0 : i32
      %dma_start3A_544 = tpu.memref_slice %arg14[%add3A_27, %dma_start3A_543] : memref<10240x128xf32, #tpu.memory_space<vmem_shared>> -> memref<80x128xf32, #tpu.memory_space<vmem_shared>>
      %dma_start3A_545 = arith.constant 0 : i32
      %dma_start3A_546 = tpu.memref_slice %arg14[%add3A_27, %dma_start3A_545] : memref<10240x128xf32, #tpu.memory_space<vmem_shared>> -> memref<80x128xf32, #tpu.memory_space<vmem_shared>>
      %dma_start3A_547 = arith.constant 0 : i32
      %dma_start3A_548 = arith.constant 0 : i32
      %dma_start3A_549 = tpu.memref_slice %arg11[%dma_start3A_547, %dma_start3A_548] : memref<100x128xf32, #tpu.memory_space<vmem>> -> memref<80x128xf32, #tpu.memory_space<vmem>>
      tpu.enqueue_dma source(%dma_start3A_549 : memref<80x128xf32, #tpu.memory_space<vmem>>) target(%dma_start3A_546 : memref<80x128xf32, #tpu.memory_space<vmem_shared>>) target_semaphore(%run_scoped3A : memref<!tpu.dma_semaphore, #tpu.memory_space<semaphore_mem>>)
      %dma_wait3A_550 = arith.constant 0 : i32
      %dma_wait3A_551 = arith.constant 0 : i32
      %dma_wait3A_552 = tpu.memref_slice %arg11[%dma_wait3A_550, %dma_wait3A_551] : memref<100x128xf32, #tpu.memory_space<vmem>> -> memref<80x128xf32, #tpu.memory_space<vmem>>
      %dma_wait3A_553 = arith.constant 0 : i32
      %dma_wait3A_554 = tpu.memref_slice %arg14[%add3A_27, %dma_wait3A_553] : memref<10240x128xf32, #tpu.memory_space<vmem_shared>> -> memref<80x128xf32, #tpu.memory_space<vmem_shared>>
      %dma_wait3A_555 = arith.constant 0 : i32
      %dma_wait3A_556 = tpu.memref_slice %arg14[%add3A_27, %dma_wait3A_555] : memref<10240x128xf32, #tpu.memory_space<vmem_shared>> -> memref<80x128xf32, #tpu.memory_space<vmem_shared>>
      %dma_wait3A_557 = arith.constant 0 : i32
      %dma_wait3A_558 = arith.constant 0 : i32
      %dma_wait3A_559 = tpu.memref_slice %arg11[%dma_wait3A_557, %dma_wait3A_558] : memref<100x128xf32, #tpu.memory_space<vmem>> -> memref<80x128xf32, #tpu.memory_space<vmem>>
      tpu.wait_dma2 semaphore(%run_scoped3A : memref<!tpu.dma_semaphore, #tpu.memory_space<semaphore_mem>>) src(%dma_wait3A_559 : memref<80x128xf32, #tpu.memory_space<vmem>>) dst(%dma_wait3A_556 : memref<80x128xf32, #tpu.memory_space<vmem_shared>>)
      tpu.yield
    }) : () -> ()
    %mul3A_28 = arith.constant 640 : i32
    %mul3A_29 = arith.muli %arg1, %mul3A_28 : i32
    %add3A_30 = arith.constant 400 : i32
    %add3A_31 = arith.addi %mul3A_29, %add3A_30 : i32
    "tpu.region"() ({
      %run_scoped3A = tpu.sem_alloc : memref<!tpu.dma_semaphore, #tpu.memory_space<semaphore_mem>>
      %dma_start3A_540 = arith.constant 0 : i32
      %dma_start3A_541 = arith.constant 0 : i32
      %dma_start3A_542 = tpu.memref_slice %arg11[%dma_start3A_540, %dma_start3A_541] : memref<100x128xf32, #tpu.memory_space<vmem>> -> memref<80x128xf32, #tpu.memory_space<vmem>>
      %dma_start3A_543 = arith.constant 0 : i32
      %dma_start3A_544 = tpu.memref_slice %arg14[%add3A_31, %dma_start3A_543] : memref<10240x128xf32, #tpu.memory_space<vmem_shared>> -> memref<80x128xf32, #tpu.memory_space<vmem_shared>>
      %dma_start3A_545 = arith.constant 0 : i32
      %dma_start3A_546 = tpu.memref_slice %arg14[%add3A_31, %dma_start3A_545] : memref<10240x128xf32, #tpu.memory_space<vmem_shared>> -> memref<80x128xf32, #tpu.memory_space<vmem_shared>>
      %dma_start3A_547 = arith.constant 0 : i32
      %dma_start3A_548 = arith.constant 0 : i32
      %dma_start3A_549 = tpu.memref_slice %arg11[%dma_start3A_547, %dma_start3A_548] : memref<100x128xf32, #tpu.memory_space<vmem>> -> memref<80x128xf32, #tpu.memory_space<vmem>>
      tpu.enqueue_dma source(%dma_start3A_549 : memref<80x128xf32, #tpu.memory_space<vmem>>) target(%dma_start3A_546 : memref<80x128xf32, #tpu.memory_space<vmem_shared>>) target_semaphore(%run_scoped3A : memref<!tpu.dma_semaphore, #tpu.memory_space<semaphore_mem>>)
      %dma_wait3A_550 = arith.constant 0 : i32
      %dma_wait3A_551 = arith.constant 0 : i32
      %dma_wait3A_552 = tpu.memref_slice %arg11[%dma_wait3A_550, %dma_wait3A_551] : memref<100x128xf32, #tpu.memory_space<vmem>> -> memref<80x128xf32, #tpu.memory_space<vmem>>
      %dma_wait3A_553 = arith.constant 0 : i32
      %dma_wait3A_554 = tpu.memref_slice %arg14[%add3A_31, %dma_wait3A_553] : memref<10240x128xf32, #tpu.memory_space<vmem_shared>> -> memref<80x128xf32, #tpu.memory_space<vmem_shared>>
      %dma_wait3A_555 = arith.constant 0 : i32
      %dma_wait3A_556 = tpu.memref_slice %arg14[%add3A_31, %dma_wait3A_555] : memref<10240x128xf32, #tpu.memory_space<vmem_shared>> -> memref<80x128xf32, #tpu.memory_space<vmem_shared>>
      %dma_wait3A_557 = arith.constant 0 : i32
      %dma_wait3A_558 = arith.constant 0 : i32
      %dma_wait3A_559 = tpu.memref_slice %arg11[%dma_wait3A_557, %dma_wait3A_558] : memref<100x128xf32, #tpu.memory_space<vmem>> -> memref<80x128xf32, #tpu.memory_space<vmem>>
      tpu.wait_dma2 semaphore(%run_scoped3A : memref<!tpu.dma_semaphore, #tpu.memory_space<semaphore_mem>>) src(%dma_wait3A_559 : memref<80x128xf32, #tpu.memory_space<vmem>>) dst(%dma_wait3A_556 : memref<80x128xf32, #tpu.memory_space<vmem_shared>>)
      tpu.yield
    }) : () -> ()
    %mul3A_32 = arith.constant 640 : i32
    %mul3A_33 = arith.muli %arg1, %mul3A_32 : i32
    %add3A_34 = arith.constant 480 : i32
    %add3A_35 = arith.addi %mul3A_33, %add3A_34 : i32
    "tpu.region"() ({
      %run_scoped3A = tpu.sem_alloc : memref<!tpu.dma_semaphore, #tpu.memory_space<semaphore_mem>>
      %dma_start3A_540 = arith.constant 0 : i32
      %dma_start3A_541 = arith.constant 0 : i32
      %dma_start3A_542 = tpu.memref_slice %arg11[%dma_start3A_540, %dma_start3A_541] : memref<100x128xf32, #tpu.memory_space<vmem>> -> memref<80x128xf32, #tpu.memory_space<vmem>>
      %dma_start3A_543 = arith.constant 0 : i32
      %dma_start3A_544 = tpu.memref_slice %arg14[%add3A_35, %dma_start3A_543] : memref<10240x128xf32, #tpu.memory_space<vmem_shared>> -> memref<80x128xf32, #tpu.memory_space<vmem_shared>>
      %dma_start3A_545 = arith.constant 0 : i32
      %dma_start3A_546 = tpu.memref_slice %arg14[%add3A_35, %dma_start3A_545] : memref<10240x128xf32, #tpu.memory_space<vmem_shared>> -> memref<80x128xf32, #tpu.memory_space<vmem_shared>>
      %dma_start3A_547 = arith.constant 0 : i32
      %dma_start3A_548 = arith.constant 0 : i32
      %dma_start3A_549 = tpu.memref_slice %arg11[%dma_start3A_547, %dma_start3A_548] : memref<100x128xf32, #tpu.memory_space<vmem>> -> memref<80x128xf32, #tpu.memory_space<vmem>>
      tpu.enqueue_dma source(%dma_start3A_549 : memref<80x128xf32, #tpu.memory_space<vmem>>) target(%dma_start3A_546 : memref<80x128xf32, #tpu.memory_space<vmem_shared>>) target_semaphore(%run_scoped3A : memref<!tpu.dma_semaphore, #tpu.memory_space<semaphore_mem>>)
      %dma_wait3A_550 = arith.constant 0 : i32
      %dma_wait3A_551 = arith.constant 0 : i32
      %dma_wait3A_552 = tpu.memref_slice %arg11[%dma_wait3A_550, %dma_wait3A_551] : memref<100x128xf32, #tpu.memory_space<vmem>> -> memref<80x128xf32, #tpu.memory_space<vmem>>
      %dma_wait3A_553 = arith.constant 0 : i32
      %dma_wait3A_554 = tpu.memref_slice %arg14[%add3A_35, %dma_wait3A_553] : memref<10240x128xf32, #tpu.memory_space<vmem_shared>> -> memref<80x128xf32, #tpu.memory_space<vmem_shared>>
      %dma_wait3A_555 = arith.constant 0 : i32
      %dma_wait3A_556 = tpu.memref_slice %arg14[%add3A_35, %dma_wait3A_555] : memref<10240x128xf32, #tpu.memory_space<vmem_shared>> -> memref<80x128xf32, #tpu.memory_space<vmem_shared>>
      %dma_wait3A_557 = arith.constant 0 : i32
      %dma_wait3A_558 = arith.constant 0 : i32
      %dma_wait3A_559 = tpu.memref_slice %arg11[%dma_wait3A_557, %dma_wait3A_558] : memref<100x128xf32, #tpu.memory_space<vmem>> -> memref<80x128xf32, #tpu.memory_space<vmem>>
      tpu.wait_dma2 semaphore(%run_scoped3A : memref<!tpu.dma_semaphore, #tpu.memory_space<semaphore_mem>>) src(%dma_wait3A_559 : memref<80x128xf32, #tpu.memory_space<vmem>>) dst(%dma_wait3A_556 : memref<80x128xf32, #tpu.memory_space<vmem_shared>>)
      tpu.yield
    }) : () -> ()
    %mul3A_36 = arith.constant 640 : i32
    %mul3A_37 = arith.muli %arg1, %mul3A_36 : i32
    %add3A_38 = arith.constant 560 : i32
    %add3A_39 = arith.addi %mul3A_37, %add3A_38 : i32
    "tpu.region"() ({
      %run_scoped3A = tpu.sem_alloc : memref<!tpu.dma_semaphore, #tpu.memory_space<semaphore_mem>>
      %dma_start3A_540 = arith.constant 0 : i32
      %dma_start3A_541 = arith.constant 0 : i32
      %dma_start3A_542 = tpu.memref_slice %arg11[%dma_start3A_540, %dma_start3A_541] : memref<100x128xf32, #tpu.memory_space<vmem>> -> memref<80x128xf32, #tpu.memory_space<vmem>>
      %dma_start3A_543 = arith.constant 0 : i32
      %dma_start3A_544 = tpu.memref_slice %arg14[%add3A_39, %dma_start3A_543] : memref<10240x128xf32, #tpu.memory_space<vmem_shared>> -> memref<80x128xf32, #tpu.memory_space<vmem_shared>>
      %dma_start3A_545 = arith.constant 0 : i32
      %dma_start3A_546 = tpu.memref_slice %arg14[%add3A_39, %dma_start3A_545] : memref<10240x128xf32, #tpu.memory_space<vmem_shared>> -> memref<80x128xf32, #tpu.memory_space<vmem_shared>>
      %dma_start3A_547 = arith.constant 0 : i32
      %dma_start3A_548 = arith.constant 0 : i32
      %dma_start3A_549 = tpu.memref_slice %arg11[%dma_start3A_547, %dma_start3A_548] : memref<100x128xf32, #tpu.memory_space<vmem>> -> memref<80x128xf32, #tpu.memory_space<vmem>>
      tpu.enqueue_dma source(%dma_start3A_549 : memref<80x128xf32, #tpu.memory_space<vmem>>) target(%dma_start3A_546 : memref<80x128xf32, #tpu.memory_space<vmem_shared>>) target_semaphore(%run_scoped3A : memref<!tpu.dma_semaphore, #tpu.memory_space<semaphore_mem>>)
      %dma_wait3A_550 = arith.constant 0 : i32
      %dma_wait3A_551 = arith.constant 0 : i32
      %dma_wait3A_552 = tpu.memref_slice %arg11[%dma_wait3A_550, %dma_wait3A_551] : memref<100x128xf32, #tpu.memory_space<vmem>> -> memref<80x128xf32, #tpu.memory_space<vmem>>
      %dma_wait3A_553 = arith.constant 0 : i32
      %dma_wait3A_554 = tpu.memref_slice %arg14[%add3A_39, %dma_wait3A_553] : memref<10240x128xf32, #tpu.memory_space<vmem_shared>> -> memref<80x128xf32, #tpu.memory_space<vmem_shared>>
      %dma_wait3A_555 = arith.constant 0 : i32
      %dma_wait3A_556 = tpu.memref_slice %arg14[%add3A_39, %dma_wait3A_555] : memref<10240x128xf32, #tpu.memory_space<vmem_shared>> -> memref<80x128xf32, #tpu.memory_space<vmem_shared>>
      %dma_wait3A_557 = arith.constant 0 : i32
      %dma_wait3A_558 = arith.constant 0 : i32
      %dma_wait3A_559 = tpu.memref_slice %arg11[%dma_wait3A_557, %dma_wait3A_558] : memref<100x128xf32, #tpu.memory_space<vmem>> -> memref<80x128xf32, #tpu.memory_space<vmem>>
      tpu.wait_dma2 semaphore(%run_scoped3A : memref<!tpu.dma_semaphore, #tpu.memory_space<semaphore_mem>>) src(%dma_wait3A_559 : memref<80x128xf32, #tpu.memory_space<vmem>>) dst(%dma_wait3A_556 : memref<80x128xf32, #tpu.memory_space<vmem_shared>>)
      tpu.yield
    }) : () -> ()
    %add3A_40 = arith.constant 0 : i32
    %add3A_41 = arith.addi %mul3A_2, %add3A_40 : i32
    %dma_start3A = arith.constant 0 : i32
    %dma_start3A_42 = arith.constant 0 : i32
    %dma_start3A_43 = tpu.memref_slice %arg3[%add3A_41, %dma_start3A, %dma_start3A_42] : memref<3200x2x100xi32, #tpu.memory_space<hbm>> -> memref<1x2x100xi32, #tpu.memory_space<hbm>>
    %dma_start3A_44 = tpu.memref_squeeze %dma_start3A_43 : memref<1x2x100xi32, #tpu.memory_space<hbm>> -> memref<2x100xi32, #tpu.memory_space<hbm>>
    %dma_start3A_45 = arith.constant 0 : i32
    %dma_start3A_46 = arith.constant 0 : i32
    %dma_start3A_47 = tpu.memref_slice %arg3[%add3A_41, %dma_start3A_45, %dma_start3A_46] : memref<3200x2x100xi32, #tpu.memory_space<hbm>> -> memref<1x2x100xi32, #tpu.memory_space<hbm>>
    %dma_start3A_48 = tpu.memref_squeeze %dma_start3A_47 : memref<1x2x100xi32, #tpu.memory_space<hbm>> -> memref<2x100xi32, #tpu.memory_space<hbm>>
    tpu.enqueue_dma source(%dma_start3A_48 : memref<2x100xi32, #tpu.memory_space<hbm>>) target(%arg5 : memref<2x100xi32, #tpu.memory_space<vmem>>) target_semaphore(%arg21 : memref<!tpu.dma_semaphore, #tpu.memory_space<semaphore_mem>>)
    %add3A_49 = arith.constant 1 : i32
    %add3A_50 = arith.addi %mul3A_2, %add3A_49 : i32
    %dma_start3A_51 = arith.constant 0 : i32
    %dma_start3A_52 = arith.constant 0 : i32
    %dma_start3A_53 = tpu.memref_slice %arg3[%add3A_50, %dma_start3A_51, %dma_start3A_52] : memref<3200x2x100xi32, #tpu.memory_space<hbm>> -> memref<1x2x100xi32, #tpu.memory_space<hbm>>
    %dma_start3A_54 = tpu.memref_squeeze %dma_start3A_53 : memref<1x2x100xi32, #tpu.memory_space<hbm>> -> memref<2x100xi32, #tpu.memory_space<hbm>>
    %dma_start3A_55 = arith.constant 0 : i32
    %dma_start3A_56 = arith.constant 0 : i32
    %dma_start3A_57 = tpu.memref_slice %arg3[%add3A_50, %dma_start3A_55, %dma_start3A_56] : memref<3200x2x100xi32, #tpu.memory_space<hbm>> -> memref<1x2x100xi32, #tpu.memory_space<hbm>>
    %dma_start3A_58 = tpu.memref_squeeze %dma_start3A_57 : memref<1x2x100xi32, #tpu.memory_space<hbm>> -> memref<2x100xi32, #tpu.memory_space<hbm>>
    tpu.enqueue_dma source(%dma_start3A_58 : memref<2x100xi32, #tpu.memory_space<hbm>>) target(%arg7 : memref<2x100xi32, #tpu.memory_space<vmem>>) target_semaphore(%arg23 : memref<!tpu.dma_semaphore, #tpu.memory_space<semaphore_mem>>)
    %add3A_59 = arith.constant 2 : i32
    %add3A_60 = arith.addi %mul3A_2, %add3A_59 : i32
    %dma_start3A_61 = arith.constant 0 : i32
    %dma_start3A_62 = arith.constant 0 : i32
    %dma_start3A_63 = tpu.memref_slice %arg3[%add3A_60, %dma_start3A_61, %dma_start3A_62] : memref<3200x2x100xi32, #tpu.memory_space<hbm>> -> memref<1x2x100xi32, #tpu.memory_space<hbm>>
    %dma_start3A_64 = tpu.memref_squeeze %dma_start3A_63 : memref<1x2x100xi32, #tpu.memory_space<hbm>> -> memref<2x100xi32, #tpu.memory_space<hbm>>
    %dma_start3A_65 = arith.constant 0 : i32
    %dma_start3A_66 = arith.constant 0 : i32
    %dma_start3A_67 = tpu.memref_slice %arg3[%add3A_60, %dma_start3A_65, %dma_start3A_66] : memref<3200x2x100xi32, #tpu.memory_space<hbm>> -> memref<1x2x100xi32, #tpu.memory_space<hbm>>
    %dma_start3A_68 = tpu.memref_squeeze %dma_start3A_67 : memref<1x2x100xi32, #tpu.memory_space<hbm>> -> memref<2x100xi32, #tpu.memory_space<hbm>>
    tpu.enqueue_dma source(%dma_start3A_68 : memref<2x100xi32, #tpu.memory_space<hbm>>) target(%arg9 : memref<2x100xi32, #tpu.memory_space<vmem>>) target_semaphore(%arg25 : memref<!tpu.dma_semaphore, #tpu.memory_space<semaphore_mem>>)
    %add3A_69 = arith.constant 3 : i32
    %add3A_70 = arith.addi %mul3A_2, %add3A_69 : i32
    %dma_start3A_71 = arith.constant 0 : i32
    %dma_start3A_72 = arith.constant 0 : i32
    %dma_start3A_73 = tpu.memref_slice %arg3[%add3A_70, %dma_start3A_71, %dma_start3A_72] : memref<3200x2x100xi32, #tpu.memory_space<hbm>> -> memref<1x2x100xi32, #tpu.memory_space<hbm>>
    %dma_start3A_74 = tpu.memref_squeeze %dma_start3A_73 : memref<1x2x100xi32, #tpu.memory_space<hbm>> -> memref<2x100xi32, #tpu.memory_space<hbm>>
    %dma_start3A_75 = arith.constant 0 : i32
    %dma_start3A_76 = arith.constant 0 : i32
    %dma_start3A_77 = tpu.memref_slice %arg3[%add3A_70, %dma_start3A_75, %dma_start3A_76] : memref<3200x2x100xi32, #tpu.memory_space<hbm>> -> memref<1x2x100xi32, #tpu.memory_space<hbm>>
    %dma_start3A_78 = tpu.memref_squeeze %dma_start3A_77 : memref<1x2x100xi32, #tpu.memory_space<hbm>> -> memref<2x100xi32, #tpu.memory_space<hbm>>
    tpu.enqueue_dma source(%dma_start3A_78 : memref<2x100xi32, #tpu.memory_space<hbm>>) target(%arg6 : memref<2x100xi32, #tpu.memory_space<vmem>>) target_semaphore(%arg22 : memref<!tpu.dma_semaphore, #tpu.memory_space<semaphore_mem>>)
    %add3A_79 = arith.constant 4 : i32
    %add3A_80 = arith.addi %mul3A_2, %add3A_79 : i32
    %dma_start3A_81 = arith.constant 0 : i32
    %dma_start3A_82 = arith.constant 0 : i32
    %dma_start3A_83 = tpu.memref_slice %arg3[%add3A_80, %dma_start3A_81, %dma_start3A_82] : memref<3200x2x100xi32, #tpu.memory_space<hbm>> -> memref<1x2x100xi32, #tpu.memory_space<hbm>>
    %dma_start3A_84 = tpu.memref_squeeze %dma_start3A_83 : memref<1x2x100xi32, #tpu.memory_space<hbm>> -> memref<2x100xi32, #tpu.memory_space<hbm>>
    %dma_start3A_85 = arith.constant 0 : i32
    %dma_start3A_86 = arith.constant 0 : i32
    %dma_start3A_87 = tpu.memref_slice %arg3[%add3A_80, %dma_start3A_85, %dma_start3A_86] : memref<3200x2x100xi32, #tpu.memory_space<hbm>> -> memref<1x2x100xi32, #tpu.memory_space<hbm>>
    %dma_start3A_88 = tpu.memref_squeeze %dma_start3A_87 : memref<1x2x100xi32, #tpu.memory_space<hbm>> -> memref<2x100xi32, #tpu.memory_space<hbm>>
    tpu.enqueue_dma source(%dma_start3A_88 : memref<2x100xi32, #tpu.memory_space<hbm>>) target(%arg8 : memref<2x100xi32, #tpu.memory_space<vmem>>) target_semaphore(%arg24 : memref<!tpu.dma_semaphore, #tpu.memory_space<semaphore_mem>>)
    %add3A_89 = arith.constant 5 : i32
    %add3A_90 = arith.addi %mul3A_2, %add3A_89 : i32
    %dma_start3A_91 = arith.constant 0 : i32
    %dma_start3A_92 = arith.constant 0 : i32
    %dma_start3A_93 = tpu.memref_slice %arg3[%add3A_90, %dma_start3A_91, %dma_start3A_92] : memref<3200x2x100xi32, #tpu.memory_space<hbm>> -> memref<1x2x100xi32, #tpu.memory_space<hbm>>
    %dma_start3A_94 = tpu.memref_squeeze %dma_start3A_93 : memref<1x2x100xi32, #tpu.memory_space<hbm>> -> memref<2x100xi32, #tpu.memory_space<hbm>>
    %dma_start3A_95 = arith.constant 0 : i32
    %dma_start3A_96 = arith.constant 0 : i32
    %dma_start3A_97 = tpu.memref_slice %arg3[%add3A_90, %dma_start3A_95, %dma_start3A_96] : memref<3200x2x100xi32, #tpu.memory_space<hbm>> -> memref<1x2x100xi32, #tpu.memory_space<hbm>>
    %dma_start3A_98 = tpu.memref_squeeze %dma_start3A_97 : memref<1x2x100xi32, #tpu.memory_space<hbm>> -> memref<2x100xi32, #tpu.memory_space<hbm>>
    tpu.enqueue_dma source(%dma_start3A_98 : memref<2x100xi32, #tpu.memory_space<hbm>>) target(%arg10 : memref<2x100xi32, #tpu.memory_space<vmem>>) target_semaphore(%arg26 : memref<!tpu.dma_semaphore, #tpu.memory_space<semaphore_mem>>)
    %barrier3A = arith.constant 0 : index
    tpu.barrier barrier_id(%barrier3A)
    %dma_wait3A = arith.constant 0 : i32
    %dma_wait3A_99 = arith.constant 0 : i32
    %dma_wait3A_100 = tpu.memref_slice %arg3[%mul3A_2, %dma_wait3A, %dma_wait3A_99] : memref<3200x2x100xi32, #tpu.memory_space<hbm>> -> memref<1x2x100xi32, #tpu.memory_space<hbm>>
    %dma_wait3A_101 = tpu.memref_squeeze %dma_wait3A_100 : memref<1x2x100xi32, #tpu.memory_space<hbm>> -> memref<2x100xi32, #tpu.memory_space<hbm>>
    %dma_wait3A_102 = arith.constant 0 : i32
    %dma_wait3A_103 = arith.constant 0 : i32
    %dma_wait3A_104 = tpu.memref_slice %arg3[%mul3A_2, %dma_wait3A_102, %dma_wait3A_103] : memref<3200x2x100xi32, #tpu.memory_space<hbm>> -> memref<1x2x100xi32, #tpu.memory_space<hbm>>
    %dma_wait3A_105 = tpu.memref_squeeze %dma_wait3A_104 : memref<1x2x100xi32, #tpu.memory_space<hbm>> -> memref<2x100xi32, #tpu.memory_space<hbm>>
    tpu.wait_dma2 semaphore(%arg21 : memref<!tpu.dma_semaphore, #tpu.memory_space<semaphore_mem>>) src(%dma_wait3A_105 : memref<2x100xi32, #tpu.memory_space<hbm>>) dst(%arg5 : memref<2x100xi32, #tpu.memory_space<vmem>>)
    %dma_start3A_106 = arith.constant 0 : i32
    %dma_start3A_107 = arith.constant 0 : i32
    %dma_start3A_108 = tpu.memref_slice %arg5[%dma_start3A_106, %dma_start3A_107] : memref<2x100xi32, #tpu.memory_space<vmem>> -> memref<1x100xi32, #tpu.memory_space<vmem>>
    %dma_start3A_109 = tpu.memref_squeeze %dma_start3A_108 : memref<1x100xi32, #tpu.memory_space<vmem>> -> memref<100xi32, #tpu.memory_space<vmem>>
    %dma_start3A_110 = arith.constant 0 : i32
    %dma_start3A_111 = arith.constant 0 : i32
    %dma_start3A_112 = tpu.memref_slice %arg2[%dma_start3A_110, %dma_start3A_111] : memref<10000x128xf32, #tpu.memory_space<hbm>> -> memref<10000x128xf32, #tpu.memory_space<hbm>>
    tpu.enqueue_indirect_dma source(%dma_start3A_112 : memref<10000x128xf32, #tpu.memory_space<hbm>>) target(%arg11 : memref<100x128xf32, #tpu.memory_space<vmem>>) offsets(%dma_start3A_109 : memref<100xi32, #tpu.memory_space<vmem>>) semaphore(%arg15 : memref<!tpu.dma_semaphore, #tpu.memory_space<semaphore_mem>>)
    %dma_wait3A_113 = arith.constant 0 : i32
    %dma_wait3A_114 = arith.constant 0 : i32
    %dma_wait3A_115 = tpu.memref_slice %arg3[%mul3A_2, %dma_wait3A_113, %dma_wait3A_114] : memref<3200x2x100xi32, #tpu.memory_space<hbm>> -> memref<1x2x100xi32, #tpu.memory_space<hbm>>
    %dma_wait3A_116 = tpu.memref_squeeze %dma_wait3A_115 : memref<1x2x100xi32, #tpu.memory_space<hbm>> -> memref<2x100xi32, #tpu.memory_space<hbm>>
    %dma_wait3A_117 = arith.constant 0 : i32
    %dma_wait3A_118 = arith.constant 0 : i32
    %dma_wait3A_119 = tpu.memref_slice %arg3[%mul3A_2, %dma_wait3A_117, %dma_wait3A_118] : memref<3200x2x100xi32, #tpu.memory_space<hbm>> -> memref<1x2x100xi32, #tpu.memory_space<hbm>>
    %dma_wait3A_120 = tpu.memref_squeeze %dma_wait3A_119 : memref<1x2x100xi32, #tpu.memory_space<hbm>> -> memref<2x100xi32, #tpu.memory_space<hbm>>
    tpu.wait_dma2 semaphore(%arg23 : memref<!tpu.dma_semaphore, #tpu.memory_space<semaphore_mem>>) src(%dma_wait3A_120 : memref<2x100xi32, #tpu.memory_space<hbm>>) dst(%arg7 : memref<2x100xi32, #tpu.memory_space<vmem>>)
    %dma_start3A_121 = arith.constant 0 : i32
    %dma_start3A_122 = arith.constant 0 : i32
    %dma_start3A_123 = tpu.memref_slice %arg7[%dma_start3A_121, %dma_start3A_122] : memref<2x100xi32, #tpu.memory_space<vmem>> -> memref<1x100xi32, #tpu.memory_space<vmem>>
    %dma_start3A_124 = tpu.memref_squeeze %dma_start3A_123 : memref<1x100xi32, #tpu.memory_space<vmem>> -> memref<100xi32, #tpu.memory_space<vmem>>
    %dma_start3A_125 = arith.constant 0 : i32
    %dma_start3A_126 = arith.constant 0 : i32
    %dma_start3A_127 = tpu.memref_slice %arg2[%dma_start3A_125, %dma_start3A_126] : memref<10000x128xf32, #tpu.memory_space<hbm>> -> memref<10000x128xf32, #tpu.memory_space<hbm>>
    tpu.enqueue_indirect_dma source(%dma_start3A_127 : memref<10000x128xf32, #tpu.memory_space<hbm>>) target(%arg12 : memref<100x128xf32, #tpu.memory_space<vmem>>) offsets(%dma_start3A_124 : memref<100xi32, #tpu.memory_space<vmem>>) semaphore(%arg16 : memref<!tpu.dma_semaphore, #tpu.memory_space<semaphore_mem>>)
    %dma_wait3A_128 = arith.constant 0 : i32
    %dma_wait3A_129 = arith.constant 0 : i32
    %dma_wait3A_130 = tpu.memref_slice %arg5[%dma_wait3A_128, %dma_wait3A_129] : memref<2x100xi32, #tpu.memory_space<vmem>> -> memref<1x100xi32, #tpu.memory_space<vmem>>
    %dma_wait3A_131 = tpu.memref_squeeze %dma_wait3A_130 : memref<1x100xi32, #tpu.memory_space<vmem>> -> memref<100xi32, #tpu.memory_space<vmem>>
    %dma_wait3A_132 = arith.constant 0 : i32
    %dma_wait3A_133 = arith.constant 0 : i32
    %dma_wait3A_134 = tpu.memref_slice %arg2[%dma_wait3A_132, %dma_wait3A_133] : memref<10000x128xf32, #tpu.memory_space<hbm>> -> memref<10000x128xf32, #tpu.memory_space<hbm>>
    tpu.wait_indirect_dma semaphore(%arg15 : memref<!tpu.dma_semaphore, #tpu.memory_space<semaphore_mem>>) src(%dma_wait3A_134 : memref<10000x128xf32, #tpu.memory_space<hbm>>) dst(%arg11 : memref<100x128xf32, #tpu.memory_space<vmem>>)
    %dma_start3A_135 = arith.constant 1 : i32
    %dma_start3A_136 = arith.constant 0 : i32
    %dma_start3A_137 = tpu.memref_slice %arg5[%dma_start3A_135, %dma_start3A_136] : memref<2x100xi32, #tpu.memory_space<vmem>> -> memref<1x100xi32, #tpu.memory_space<vmem>>
    %dma_start3A_138 = tpu.memref_squeeze %dma_start3A_137 : memref<1x100xi32, #tpu.memory_space<vmem>> -> memref<100xi32, #tpu.memory_space<vmem>>
    %dma_start3A_139 = arith.constant 0 : i32
    %dma_start3A_140 = arith.constant 0 : i32
    %dma_start3A_141 = tpu.memref_slice %arg14[%dma_start3A_139, %dma_start3A_140] : memref<10240x128xf32, #tpu.memory_space<vmem_shared>> -> memref<10240x128xf32, #tpu.memory_space<vmem_shared>>
    tpu.enqueue_indirect_dma source(%arg11 : memref<100x128xf32, #tpu.memory_space<vmem>>) target(%dma_start3A_141 : memref<10240x128xf32, #tpu.memory_space<vmem_shared>>) offsets(%dma_start3A_138 : memref<100xi32, #tpu.memory_space<vmem>>) semaphore(%arg18 : memref<!tpu.dma_semaphore, #tpu.memory_space<semaphore_mem>>) {add = true}
    %dma_wait3A_142 = arith.constant 0 : i32
    %dma_wait3A_143 = arith.constant 0 : i32
    %dma_wait3A_144 = tpu.memref_slice %arg3[%mul3A_2, %dma_wait3A_142, %dma_wait3A_143] : memref<3200x2x100xi32, #tpu.memory_space<hbm>> -> memref<1x2x100xi32, #tpu.memory_space<hbm>>
    %dma_wait3A_145 = tpu.memref_squeeze %dma_wait3A_144 : memref<1x2x100xi32, #tpu.memory_space<hbm>> -> memref<2x100xi32, #tpu.memory_space<hbm>>
    %dma_wait3A_146 = arith.constant 0 : i32
    %dma_wait3A_147 = arith.constant 0 : i32
    %dma_wait3A_148 = tpu.memref_slice %arg3[%mul3A_2, %dma_wait3A_146, %dma_wait3A_147] : memref<3200x2x100xi32, #tpu.memory_space<hbm>> -> memref<1x2x100xi32, #tpu.memory_space<hbm>>
    %dma_wait3A_149 = tpu.memref_squeeze %dma_wait3A_148 : memref<1x2x100xi32, #tpu.memory_space<hbm>> -> memref<2x100xi32, #tpu.memory_space<hbm>>
    tpu.wait_dma2 semaphore(%arg25 : memref<!tpu.dma_semaphore, #tpu.memory_space<semaphore_mem>>) src(%dma_wait3A_149 : memref<2x100xi32, #tpu.memory_space<hbm>>) dst(%arg9 : memref<2x100xi32, #tpu.memory_space<vmem>>)
    %dma_start3A_150 = arith.constant 0 : i32
    %dma_start3A_151 = arith.constant 0 : i32
    %dma_start3A_152 = tpu.memref_slice %arg9[%dma_start3A_150, %dma_start3A_151] : memref<2x100xi32, #tpu.memory_space<vmem>> -> memref<1x100xi32, #tpu.memory_space<vmem>>
    %dma_start3A_153 = tpu.memref_squeeze %dma_start3A_152 : memref<1x100xi32, #tpu.memory_space<vmem>> -> memref<100xi32, #tpu.memory_space<vmem>>
    %dma_start3A_154 = arith.constant 0 : i32
    %dma_start3A_155 = arith.constant 0 : i32
    %dma_start3A_156 = tpu.memref_slice %arg2[%dma_start3A_154, %dma_start3A_155] : memref<10000x128xf32, #tpu.memory_space<hbm>> -> memref<10000x128xf32, #tpu.memory_space<hbm>>
    tpu.enqueue_indirect_dma source(%dma_start3A_156 : memref<10000x128xf32, #tpu.memory_space<hbm>>) target(%arg13 : memref<100x128xf32, #tpu.memory_space<vmem>>) offsets(%dma_start3A_153 : memref<100xi32, #tpu.memory_space<vmem>>) semaphore(%arg17 : memref<!tpu.dma_semaphore, #tpu.memory_space<semaphore_mem>>)
    %dma_wait3A_157 = arith.constant 0 : i32
    %dma_wait3A_158 = arith.constant 0 : i32
    %dma_wait3A_159 = tpu.memref_slice %arg7[%dma_wait3A_157, %dma_wait3A_158] : memref<2x100xi32, #tpu.memory_space<vmem>> -> memref<1x100xi32, #tpu.memory_space<vmem>>
    %dma_wait3A_160 = tpu.memref_squeeze %dma_wait3A_159 : memref<1x100xi32, #tpu.memory_space<vmem>> -> memref<100xi32, #tpu.memory_space<vmem>>
    %dma_wait3A_161 = arith.constant 0 : i32
    %dma_wait3A_162 = arith.constant 0 : i32
    %dma_wait3A_163 = tpu.memref_slice %arg2[%dma_wait3A_161, %dma_wait3A_162] : memref<10000x128xf32, #tpu.memory_space<hbm>> -> memref<10000x128xf32, #tpu.memory_space<hbm>>
    tpu.wait_indirect_dma semaphore(%arg16 : memref<!tpu.dma_semaphore, #tpu.memory_space<semaphore_mem>>) src(%dma_wait3A_163 : memref<10000x128xf32, #tpu.memory_space<hbm>>) dst(%arg12 : memref<100x128xf32, #tpu.memory_space<vmem>>)
    %dma_start3A_164 = arith.constant 1 : i32
    %dma_start3A_165 = arith.constant 0 : i32
    %dma_start3A_166 = tpu.memref_slice %arg7[%dma_start3A_164, %dma_start3A_165] : memref<2x100xi32, #tpu.memory_space<vmem>> -> memref<1x100xi32, #tpu.memory_space<vmem>>
    %dma_start3A_167 = tpu.memref_squeeze %dma_start3A_166 : memref<1x100xi32, #tpu.memory_space<vmem>> -> memref<100xi32, #tpu.memory_space<vmem>>
    %dma_start3A_168 = arith.constant 0 : i32
    %dma_start3A_169 = arith.constant 0 : i32
    %dma_start3A_170 = tpu.memref_slice %arg14[%dma_start3A_168, %dma_start3A_169] : memref<10240x128xf32, #tpu.memory_space<vmem_shared>> -> memref<10240x128xf32, #tpu.memory_space<vmem_shared>>
    tpu.enqueue_indirect_dma source(%arg12 : memref<100x128xf32, #tpu.memory_space<vmem>>) target(%dma_start3A_170 : memref<10240x128xf32, #tpu.memory_space<vmem_shared>>) offsets(%dma_start3A_167 : memref<100xi32, #tpu.memory_space<vmem>>) semaphore(%arg19 : memref<!tpu.dma_semaphore, #tpu.memory_space<semaphore_mem>>) {add = true}
    %dma_wait3A_171 = arith.constant 1 : i32
    %dma_wait3A_172 = arith.constant 0 : i32
    %dma_wait3A_173 = tpu.memref_slice %arg5[%dma_wait3A_171, %dma_wait3A_172] : memref<2x100xi32, #tpu.memory_space<vmem>> -> memref<1x100xi32, #tpu.memory_space<vmem>>
    %dma_wait3A_174 = tpu.memref_squeeze %dma_wait3A_173 : memref<1x100xi32, #tpu.memory_space<vmem>> -> memref<100xi32, #tpu.memory_space<vmem>>
    %dma_wait3A_175 = arith.constant 0 : i32
    %dma_wait3A_176 = arith.constant 0 : i32
    %dma_wait3A_177 = tpu.memref_slice %arg14[%dma_wait3A_175, %dma_wait3A_176] : memref<10240x128xf32, #tpu.memory_space<vmem_shared>> -> memref<10240x128xf32, #tpu.memory_space<vmem_shared>>
    tpu.wait_indirect_dma semaphore(%arg18 : memref<!tpu.dma_semaphore, #tpu.memory_space<semaphore_mem>>) src(%arg11 : memref<100x128xf32, #tpu.memory_space<vmem>>) dst(%dma_wait3A_177 : memref<10240x128xf32, #tpu.memory_space<vmem_shared>>)
    %dma_wait3A_178 = arith.constant 0 : i32
    %dma_wait3A_179 = arith.constant 0 : i32
    %dma_wait3A_180 = tpu.memref_slice %arg3[%mul3A_2, %dma_wait3A_178, %dma_wait3A_179] : memref<3200x2x100xi32, #tpu.memory_space<hbm>> -> memref<1x2x100xi32, #tpu.memory_space<hbm>>
    %dma_wait3A_181 = tpu.memref_squeeze %dma_wait3A_180 : memref<1x2x100xi32, #tpu.memory_space<hbm>> -> memref<2x100xi32, #tpu.memory_space<hbm>>
    %dma_wait3A_182 = arith.constant 0 : i32
    %dma_wait3A_183 = arith.constant 0 : i32
    %dma_wait3A_184 = tpu.memref_slice %arg3[%mul3A_2, %dma_wait3A_182, %dma_wait3A_183] : memref<3200x2x100xi32, #tpu.memory_space<hbm>> -> memref<1x2x100xi32, #tpu.memory_space<hbm>>
    %dma_wait3A_185 = tpu.memref_squeeze %dma_wait3A_184 : memref<1x2x100xi32, #tpu.memory_space<hbm>> -> memref<2x100xi32, #tpu.memory_space<hbm>>
    tpu.wait_dma2 semaphore(%arg22 : memref<!tpu.dma_semaphore, #tpu.memory_space<semaphore_mem>>) src(%dma_wait3A_185 : memref<2x100xi32, #tpu.memory_space<hbm>>) dst(%arg6 : memref<2x100xi32, #tpu.memory_space<vmem>>)
    %dma_start3A_186 = arith.constant 0 : i32
    %dma_start3A_187 = arith.constant 0 : i32
    %dma_start3A_188 = tpu.memref_slice %arg6[%dma_start3A_186, %dma_start3A_187] : memref<2x100xi32, #tpu.memory_space<vmem>> -> memref<1x100xi32, #tpu.memory_space<vmem>>
    %dma_start3A_189 = tpu.memref_squeeze %dma_start3A_188 : memref<1x100xi32, #tpu.memory_space<vmem>> -> memref<100xi32, #tpu.memory_space<vmem>>
    %dma_start3A_190 = arith.constant 0 : i32
    %dma_start3A_191 = arith.constant 0 : i32
    %dma_start3A_192 = tpu.memref_slice %arg2[%dma_start3A_190, %dma_start3A_191] : memref<10000x128xf32, #tpu.memory_space<hbm>> -> memref<10000x128xf32, #tpu.memory_space<hbm>>
    tpu.enqueue_indirect_dma source(%dma_start3A_192 : memref<10000x128xf32, #tpu.memory_space<hbm>>) target(%arg11 : memref<100x128xf32, #tpu.memory_space<vmem>>) offsets(%dma_start3A_189 : memref<100xi32, #tpu.memory_space<vmem>>) semaphore(%arg15 : memref<!tpu.dma_semaphore, #tpu.memory_space<semaphore_mem>>)
    %dma_wait3A_193 = arith.constant 0 : i32
    %dma_wait3A_194 = arith.constant 0 : i32
    %dma_wait3A_195 = tpu.memref_slice %arg9[%dma_wait3A_193, %dma_wait3A_194] : memref<2x100xi32, #tpu.memory_space<vmem>> -> memref<1x100xi32, #tpu.memory_space<vmem>>
    %dma_wait3A_196 = tpu.memref_squeeze %dma_wait3A_195 : memref<1x100xi32, #tpu.memory_space<vmem>> -> memref<100xi32, #tpu.memory_space<vmem>>
    %dma_wait3A_197 = arith.constant 0 : i32
    %dma_wait3A_198 = arith.constant 0 : i32
    %dma_wait3A_199 = tpu.memref_slice %arg2[%dma_wait3A_197, %dma_wait3A_198] : memref<10000x128xf32, #tpu.memory_space<hbm>> -> memref<10000x128xf32, #tpu.memory_space<hbm>>
    tpu.wait_indirect_dma semaphore(%arg17 : memref<!tpu.dma_semaphore, #tpu.memory_space<semaphore_mem>>) src(%dma_wait3A_199 : memref<10000x128xf32, #tpu.memory_space<hbm>>) dst(%arg13 : memref<100x128xf32, #tpu.memory_space<vmem>>)
    %dma_start3A_200 = arith.constant 1 : i32
    %dma_start3A_201 = arith.constant 0 : i32
    %dma_start3A_202 = tpu.memref_slice %arg9[%dma_start3A_200, %dma_start3A_201] : memref<2x100xi32, #tpu.memory_space<vmem>> -> memref<1x100xi32, #tpu.memory_space<vmem>>
    %dma_start3A_203 = tpu.memref_squeeze %dma_start3A_202 : memref<1x100xi32, #tpu.memory_space<vmem>> -> memref<100xi32, #tpu.memory_space<vmem>>
    %dma_start3A_204 = arith.constant 0 : i32
    %dma_start3A_205 = arith.constant 0 : i32
    %dma_start3A_206 = tpu.memref_slice %arg14[%dma_start3A_204, %dma_start3A_205] : memref<10240x128xf32, #tpu.memory_space<vmem_shared>> -> memref<10240x128xf32, #tpu.memory_space<vmem_shared>>
    tpu.enqueue_indirect_dma source(%arg13 : memref<100x128xf32, #tpu.memory_space<vmem>>) target(%dma_start3A_206 : memref<10240x128xf32, #tpu.memory_space<vmem_shared>>) offsets(%dma_start3A_203 : memref<100xi32, #tpu.memory_space<vmem>>) semaphore(%arg20 : memref<!tpu.dma_semaphore, #tpu.memory_space<semaphore_mem>>) {add = true}
    %dma_wait3A_207 = arith.constant 1 : i32
    %dma_wait3A_208 = arith.constant 0 : i32
    %dma_wait3A_209 = tpu.memref_slice %arg7[%dma_wait3A_207, %dma_wait3A_208] : memref<2x100xi32, #tpu.memory_space<vmem>> -> memref<1x100xi32, #tpu.memory_space<vmem>>
    %dma_wait3A_210 = tpu.memref_squeeze %dma_wait3A_209 : memref<1x100xi32, #tpu.memory_space<vmem>> -> memref<100xi32, #tpu.memory_space<vmem>>
    %dma_wait3A_211 = arith.constant 0 : i32
    %dma_wait3A_212 = arith.constant 0 : i32
    %dma_wait3A_213 = tpu.memref_slice %arg14[%dma_wait3A_211, %dma_wait3A_212] : memref<10240x128xf32, #tpu.memory_space<vmem_shared>> -> memref<10240x128xf32, #tpu.memory_space<vmem_shared>>
    tpu.wait_indirect_dma semaphore(%arg19 : memref<!tpu.dma_semaphore, #tpu.memory_space<semaphore_mem>>) src(%arg12 : memref<100x128xf32, #tpu.memory_space<vmem>>) dst(%dma_wait3A_213 : memref<10240x128xf32, #tpu.memory_space<vmem_shared>>)
    %add3A_214 = arith.constant 6 : i32
    %add3A_215 = arith.addi %mul3A_2, %add3A_214 : i32
    %dma_start3A_216 = arith.constant 0 : i32
    %dma_start3A_217 = arith.constant 0 : i32
    %dma_start3A_218 = tpu.memref_slice %arg3[%add3A_215, %dma_start3A_216, %dma_start3A_217] : memref<3200x2x100xi32, #tpu.memory_space<hbm>> -> memref<1x2x100xi32, #tpu.memory_space<hbm>>
    %dma_start3A_219 = tpu.memref_squeeze %dma_start3A_218 : memref<1x2x100xi32, #tpu.memory_space<hbm>> -> memref<2x100xi32, #tpu.memory_space<hbm>>
    %dma_start3A_220 = arith.constant 0 : i32
    %dma_start3A_221 = arith.constant 0 : i32
    %dma_start3A_222 = tpu.memref_slice %arg3[%add3A_215, %dma_start3A_220, %dma_start3A_221] : memref<3200x2x100xi32, #tpu.memory_space<hbm>> -> memref<1x2x100xi32, #tpu.memory_space<hbm>>
    %dma_start3A_223 = tpu.memref_squeeze %dma_start3A_222 : memref<1x2x100xi32, #tpu.memory_space<hbm>> -> memref<2x100xi32, #tpu.memory_space<hbm>>
    tpu.enqueue_dma source(%dma_start3A_223 : memref<2x100xi32, #tpu.memory_space<hbm>>) target(%arg5 : memref<2x100xi32, #tpu.memory_space<vmem>>) target_semaphore(%arg21 : memref<!tpu.dma_semaphore, #tpu.memory_space<semaphore_mem>>)
    %dma_wait3A_224 = arith.constant 0 : i32
    %dma_wait3A_225 = arith.constant 0 : i32
    %dma_wait3A_226 = tpu.memref_slice %arg3[%mul3A_2, %dma_wait3A_224, %dma_wait3A_225] : memref<3200x2x100xi32, #tpu.memory_space<hbm>> -> memref<1x2x100xi32, #tpu.memory_space<hbm>>
    %dma_wait3A_227 = tpu.memref_squeeze %dma_wait3A_226 : memref<1x2x100xi32, #tpu.memory_space<hbm>> -> memref<2x100xi32, #tpu.memory_space<hbm>>
    %dma_wait3A_228 = arith.constant 0 : i32
    %dma_wait3A_229 = arith.constant 0 : i32
    %dma_wait3A_230 = tpu.memref_slice %arg3[%mul3A_2, %dma_wait3A_228, %dma_wait3A_229] : memref<3200x2x100xi32, #tpu.memory_space<hbm>> -> memref<1x2x100xi32, #tpu.memory_space<hbm>>
    %dma_wait3A_231 = tpu.memref_squeeze %dma_wait3A_230 : memref<1x2x100xi32, #tpu.memory_space<hbm>> -> memref<2x100xi32, #tpu.memory_space<hbm>>
    tpu.wait_dma2 semaphore(%arg24 : memref<!tpu.dma_semaphore, #tpu.memory_space<semaphore_mem>>) src(%dma_wait3A_231 : memref<2x100xi32, #tpu.memory_space<hbm>>) dst(%arg8 : memref<2x100xi32, #tpu.memory_space<vmem>>)
    %dma_start3A_232 = arith.constant 0 : i32
    %dma_start3A_233 = arith.constant 0 : i32
    %dma_start3A_234 = tpu.memref_slice %arg8[%dma_start3A_232, %dma_start3A_233] : memref<2x100xi32, #tpu.memory_space<vmem>> -> memref<1x100xi32, #tpu.memory_space<vmem>>
    %dma_start3A_235 = tpu.memref_squeeze %dma_start3A_234 : memref<1x100xi32, #tpu.memory_space<vmem>> -> memref<100xi32, #tpu.memory_space<vmem>>
    %dma_start3A_236 = arith.constant 0 : i32
    %dma_start3A_237 = arith.constant 0 : i32
    %dma_start3A_238 = tpu.memref_slice %arg2[%dma_start3A_236, %dma_start3A_237] : memref<10000x128xf32, #tpu.memory_space<hbm>> -> memref<10000x128xf32, #tpu.memory_space<hbm>>
    tpu.enqueue_indirect_dma source(%dma_start3A_238 : memref<10000x128xf32, #tpu.memory_space<hbm>>) target(%arg12 : memref<100x128xf32, #tpu.memory_space<vmem>>) offsets(%dma_start3A_235 : memref<100xi32, #tpu.memory_space<vmem>>) semaphore(%arg16 : memref<!tpu.dma_semaphore, #tpu.memory_space<semaphore_mem>>)
    %dma_wait3A_239 = arith.constant 0 : i32
    %dma_wait3A_240 = arith.constant 0 : i32
    %dma_wait3A_241 = tpu.memref_slice %arg5[%dma_wait3A_239, %dma_wait3A_240] : memref<2x100xi32, #tpu.memory_space<vmem>> -> memref<1x100xi32, #tpu.memory_space<vmem>>
    %dma_wait3A_242 = tpu.memref_squeeze %dma_wait3A_241 : memref<1x100xi32, #tpu.memory_space<vmem>> -> memref<100xi32, #tpu.memory_space<vmem>>
    %dma_wait3A_243 = arith.constant 0 : i32
    %dma_wait3A_244 = arith.constant 0 : i32
    %dma_wait3A_245 = tpu.memref_slice %arg2[%dma_wait3A_243, %dma_wait3A_244] : memref<10000x128xf32, #tpu.memory_space<hbm>> -> memref<10000x128xf32, #tpu.memory_space<hbm>>
    tpu.wait_indirect_dma semaphore(%arg15 : memref<!tpu.dma_semaphore, #tpu.memory_space<semaphore_mem>>) src(%dma_wait3A_245 : memref<10000x128xf32, #tpu.memory_space<hbm>>) dst(%arg11 : memref<100x128xf32, #tpu.memory_space<vmem>>)
    %dma_start3A_246 = arith.constant 1 : i32
    %dma_start3A_247 = arith.constant 0 : i32
    %dma_start3A_248 = tpu.memref_slice %arg6[%dma_start3A_246, %dma_start3A_247] : memref<2x100xi32, #tpu.memory_space<vmem>> -> memref<1x100xi32, #tpu.memory_space<vmem>>
    %dma_start3A_249 = tpu.memref_squeeze %dma_start3A_248 : memref<1x100xi32, #tpu.memory_space<vmem>> -> memref<100xi32, #tpu.memory_space<vmem>>
    %dma_start3A_250 = arith.constant 0 : i32
    %dma_start3A_251 = arith.constant 0 : i32
    %dma_start3A_252 = tpu.memref_slice %arg14[%dma_start3A_250, %dma_start3A_251] : memref<10240x128xf32, #tpu.memory_space<vmem_shared>> -> memref<10240x128xf32, #tpu.memory_space<vmem_shared>>
    tpu.enqueue_indirect_dma source(%arg11 : memref<100x128xf32, #tpu.memory_space<vmem>>) target(%dma_start3A_252 : memref<10240x128xf32, #tpu.memory_space<vmem_shared>>) offsets(%dma_start3A_249 : memref<100xi32, #tpu.memory_space<vmem>>) semaphore(%arg18 : memref<!tpu.dma_semaphore, #tpu.memory_space<semaphore_mem>>) {add = true}
    %dma_wait3A_253 = arith.constant 1 : i32
    %dma_wait3A_254 = arith.constant 0 : i32
    %dma_wait3A_255 = tpu.memref_slice %arg9[%dma_wait3A_253, %dma_wait3A_254] : memref<2x100xi32, #tpu.memory_space<vmem>> -> memref<1x100xi32, #tpu.memory_space<vmem>>
    %dma_wait3A_256 = tpu.memref_squeeze %dma_wait3A_255 : memref<1x100xi32, #tpu.memory_space<vmem>> -> memref<100xi32, #tpu.memory_space<vmem>>
    %dma_wait3A_257 = arith.constant 0 : i32
    %dma_wait3A_258 = arith.constant 0 : i32
    %dma_wait3A_259 = tpu.memref_slice %arg14[%dma_wait3A_257, %dma_wait3A_258] : memref<10240x128xf32, #tpu.memory_space<vmem_shared>> -> memref<10240x128xf32, #tpu.memory_space<vmem_shared>>
    tpu.wait_indirect_dma semaphore(%arg20 : memref<!tpu.dma_semaphore, #tpu.memory_space<semaphore_mem>>) src(%arg13 : memref<100x128xf32, #tpu.memory_space<vmem>>) dst(%dma_wait3A_259 : memref<10240x128xf32, #tpu.memory_space<vmem_shared>>)
    %add3A_260 = arith.constant 7 : i32
    %add3A_261 = arith.addi %mul3A_2, %add3A_260 : i32
    %dma_start3A_262 = arith.constant 0 : i32
    %dma_start3A_263 = arith.constant 0 : i32
    %dma_start3A_264 = tpu.memref_slice %arg3[%add3A_261, %dma_start3A_262, %dma_start3A_263] : memref<3200x2x100xi32, #tpu.memory_space<hbm>> -> memref<1x2x100xi32, #tpu.memory_space<hbm>>
    %dma_start3A_265 = tpu.memref_squeeze %dma_start3A_264 : memref<1x2x100xi32, #tpu.memory_space<hbm>> -> memref<2x100xi32, #tpu.memory_space<hbm>>
    %dma_start3A_266 = arith.constant 0 : i32
    %dma_start3A_267 = arith.constant 0 : i32
    %dma_start3A_268 = tpu.memref_slice %arg3[%add3A_261, %dma_start3A_266, %dma_start3A_267] : memref<3200x2x100xi32, #tpu.memory_space<hbm>> -> memref<1x2x100xi32, #tpu.memory_space<hbm>>
    %dma_start3A_269 = tpu.memref_squeeze %dma_start3A_268 : memref<1x2x100xi32, #tpu.memory_space<hbm>> -> memref<2x100xi32, #tpu.memory_space<hbm>>
    tpu.enqueue_dma source(%dma_start3A_269 : memref<2x100xi32, #tpu.memory_space<hbm>>) target(%arg7 : memref<2x100xi32, #tpu.memory_space<vmem>>) target_semaphore(%arg23 : memref<!tpu.dma_semaphore, #tpu.memory_space<semaphore_mem>>)
    %dma_wait3A_270 = arith.constant 0 : i32
    %dma_wait3A_271 = arith.constant 0 : i32
    %dma_wait3A_272 = tpu.memref_slice %arg3[%mul3A_2, %dma_wait3A_270, %dma_wait3A_271] : memref<3200x2x100xi32, #tpu.memory_space<hbm>> -> memref<1x2x100xi32, #tpu.memory_space<hbm>>
    %dma_wait3A_273 = tpu.memref_squeeze %dma_wait3A_272 : memref<1x2x100xi32, #tpu.memory_space<hbm>> -> memref<2x100xi32, #tpu.memory_space<hbm>>
    %dma_wait3A_274 = arith.constant 0 : i32
    %dma_wait3A_275 = arith.constant 0 : i32
    %dma_wait3A_276 = tpu.memref_slice %arg3[%mul3A_2, %dma_wait3A_274, %dma_wait3A_275] : memref<3200x2x100xi32, #tpu.memory_space<hbm>> -> memref<1x2x100xi32, #tpu.memory_space<hbm>>
    %dma_wait3A_277 = tpu.memref_squeeze %dma_wait3A_276 : memref<1x2x100xi32, #tpu.memory_space<hbm>> -> memref<2x100xi32, #tpu.memory_space<hbm>>
    tpu.wait_dma2 semaphore(%arg26 : memref<!tpu.dma_semaphore, #tpu.memory_space<semaphore_mem>>) src(%dma_wait3A_277 : memref<2x100xi32, #tpu.memory_space<hbm>>) dst(%arg10 : memref<2x100xi32, #tpu.memory_space<vmem>>)
    %dma_start3A_278 = arith.constant 0 : i32
    %dma_start3A_279 = arith.constant 0 : i32
    %dma_start3A_280 = tpu.memref_slice %arg10[%dma_start3A_278, %dma_start3A_279] : memref<2x100xi32, #tpu.memory_space<vmem>> -> memref<1x100xi32, #tpu.memory_space<vmem>>
    %dma_start3A_281 = tpu.memref_squeeze %dma_start3A_280 : memref<1x100xi32, #tpu.memory_space<vmem>> -> memref<100xi32, #tpu.memory_space<vmem>>
    %dma_start3A_282 = arith.constant 0 : i32
    %dma_start3A_283 = arith.constant 0 : i32
    %dma_start3A_284 = tpu.memref_slice %arg2[%dma_start3A_282, %dma_start3A_283] : memref<10000x128xf32, #tpu.memory_space<hbm>> -> memref<10000x128xf32, #tpu.memory_space<hbm>>
    tpu.enqueue_indirect_dma source(%dma_start3A_284 : memref<10000x128xf32, #tpu.memory_space<hbm>>) target(%arg13 : memref<100x128xf32, #tpu.memory_space<vmem>>) offsets(%dma_start3A_281 : memref<100xi32, #tpu.memory_space<vmem>>) semaphore(%arg17 : memref<!tpu.dma_semaphore, #tpu.memory_space<semaphore_mem>>)
    %dma_wait3A_285 = arith.constant 0 : i32
    %dma_wait3A_286 = arith.constant 0 : i32
    %dma_wait3A_287 = tpu.memref_slice %arg7[%dma_wait3A_285, %dma_wait3A_286] : memref<2x100xi32, #tpu.memory_space<vmem>> -> memref<1x100xi32, #tpu.memory_space<vmem>>
    %dma_wait3A_288 = tpu.memref_squeeze %dma_wait3A_287 : memref<1x100xi32, #tpu.memory_space<vmem>> -> memref<100xi32, #tpu.memory_space<vmem>>
    %dma_wait3A_289 = arith.constant 0 : i32
    %dma_wait3A_290 = arith.constant 0 : i32
    %dma_wait3A_291 = tpu.memref_slice %arg2[%dma_wait3A_289, %dma_wait3A_290] : memref<10000x128xf32, #tpu.memory_space<hbm>> -> memref<10000x128xf32, #tpu.memory_space<hbm>>
    tpu.wait_indirect_dma semaphore(%arg16 : memref<!tpu.dma_semaphore, #tpu.memory_space<semaphore_mem>>) src(%dma_wait3A_291 : memref<10000x128xf32, #tpu.memory_space<hbm>>) dst(%arg12 : memref<100x128xf32, #tpu.memory_space<vmem>>)
    %dma_start3A_292 = arith.constant 1 : i32
    %dma_start3A_293 = arith.constant 0 : i32
    %dma_start3A_294 = tpu.memref_slice %arg8[%dma_start3A_292, %dma_start3A_293] : memref<2x100xi32, #tpu.memory_space<vmem>> -> memref<1x100xi32, #tpu.memory_space<vmem>>
    %dma_start3A_295 = tpu.memref_squeeze %dma_start3A_294 : memref<1x100xi32, #tpu.memory_space<vmem>> -> memref<100xi32, #tpu.memory_space<vmem>>
    %dma_start3A_296 = arith.constant 0 : i32
    %dma_start3A_297 = arith.constant 0 : i32
    %dma_start3A_298 = tpu.memref_slice %arg14[%dma_start3A_296, %dma_start3A_297] : memref<10240x128xf32, #tpu.memory_space<vmem_shared>> -> memref<10240x128xf32, #tpu.memory_space<vmem_shared>>
    tpu.enqueue_indirect_dma source(%arg12 : memref<100x128xf32, #tpu.memory_space<vmem>>) target(%dma_start3A_298 : memref<10240x128xf32, #tpu.memory_space<vmem_shared>>) offsets(%dma_start3A_295 : memref<100xi32, #tpu.memory_space<vmem>>) semaphore(%arg19 : memref<!tpu.dma_semaphore, #tpu.memory_space<semaphore_mem>>) {add = true}
    %scan3A_299 = arith.constant 0 : i32
    %scan3A_300 = arith.constant 0 : i32
    %scan3A_301 = arith.constant 15 : i32
    %scan3A_302 = arith.addi %scan3A_300, %scan3A_301 : i32
    %scan3A_303 = arith.constant 1 : i32
    scf.for %scan3A_540 = %scan3A_300 to %scan3A_302 step %scan3A_303  : i32 {
      %mul3A_541 = arith.constant 6 : i32
      %mul3A_542 = arith.muli %scan3A_540, %mul3A_541 : i32
      %add3A_543 = arith.constant 6 : i32
      %add3A_544 = arith.addi %add3A_543, %mul3A_542 : i32
      %add3A_545 = arith.constant 0 : i32
      %add3A_546 = arith.addi %add3A_544, %add3A_545 : i32
      %dma_wait3A_547 = arith.constant 1 : i32
      %dma_wait3A_548 = arith.constant 0 : i32
      %dma_wait3A_549 = tpu.memref_slice %arg5[%dma_wait3A_547, %dma_wait3A_548] : memref<2x100xi32, #tpu.memory_space<vmem>> -> memref<1x100xi32, #tpu.memory_space<vmem>>
      %dma_wait3A_550 = tpu.memref_squeeze %dma_wait3A_549 : memref<1x100xi32, #tpu.memory_space<vmem>> -> memref<100xi32, #tpu.memory_space<vmem>>
      %dma_wait3A_551 = arith.constant 0 : i32
      %dma_wait3A_552 = arith.constant 0 : i32
      %dma_wait3A_553 = tpu.memref_slice %arg14[%dma_wait3A_551, %dma_wait3A_552] : memref<10240x128xf32, #tpu.memory_space<vmem_shared>> -> memref<10240x128xf32, #tpu.memory_space<vmem_shared>>
      tpu.wait_indirect_dma semaphore(%arg18 : memref<!tpu.dma_semaphore, #tpu.memory_space<semaphore_mem>>) src(%arg11 : memref<100x128xf32, #tpu.memory_space<vmem>>) dst(%dma_wait3A_553 : memref<10240x128xf32, #tpu.memory_space<vmem_shared>>)
      %add3A_554 = arith.constant 2 : i32
      %add3A_555 = arith.addi %add3A_546, %add3A_554 : i32
      %add3A_556 = arith.addi %mul3A_2, %add3A_555 : i32
      %dma_start3A_557 = arith.constant 0 : i32
      %dma_start3A_558 = arith.constant 0 : i32
      %dma_start3A_559 = tpu.memref_slice %arg3[%add3A_556, %dma_start3A_557, %dma_start3A_558] : memref<3200x2x100xi32, #tpu.memory_space<hbm>> -> memref<1x2x100xi32, #tpu.memory_space<hbm>>
      %dma_start3A_560 = tpu.memref_squeeze %dma_start3A_559 : memref<1x2x100xi32, #tpu.memory_space<hbm>> -> memref<2x100xi32, #tpu.memory_space<hbm>>
      %dma_start3A_561 = arith.constant 0 : i32
      %dma_start3A_562 = arith.constant 0 : i32
      %dma_start3A_563 = tpu.memref_slice %arg3[%add3A_556, %dma_start3A_561, %dma_start3A_562] : memref<3200x2x100xi32, #tpu.memory_space<hbm>> -> memref<1x2x100xi32, #tpu.memory_space<hbm>>
      %dma_start3A_564 = tpu.memref_squeeze %dma_start3A_563 : memref<1x2x100xi32, #tpu.memory_space<hbm>> -> memref<2x100xi32, #tpu.memory_space<hbm>>
      tpu.enqueue_dma source(%dma_start3A_564 : memref<2x100xi32, #tpu.memory_space<hbm>>) target(%arg9 : memref<2x100xi32, #tpu.memory_space<vmem>>) target_semaphore(%arg25 : memref<!tpu.dma_semaphore, #tpu.memory_space<semaphore_mem>>)
      %dma_wait3A_565 = arith.constant 0 : i32
      %dma_wait3A_566 = arith.constant 0 : i32
      %dma_wait3A_567 = tpu.memref_slice %arg3[%mul3A_2, %dma_wait3A_565, %dma_wait3A_566] : memref<3200x2x100xi32, #tpu.memory_space<hbm>> -> memref<1x2x100xi32, #tpu.memory_space<hbm>>
      %dma_wait3A_568 = tpu.memref_squeeze %dma_wait3A_567 : memref<1x2x100xi32, #tpu.memory_space<hbm>> -> memref<2x100xi32, #tpu.memory_space<hbm>>
      %dma_wait3A_569 = arith.constant 0 : i32
      %dma_wait3A_570 = arith.constant 0 : i32
      %dma_wait3A_571 = tpu.memref_slice %arg3[%mul3A_2, %dma_wait3A_569, %dma_wait3A_570] : memref<3200x2x100xi32, #tpu.memory_space<hbm>> -> memref<1x2x100xi32, #tpu.memory_space<hbm>>
      %dma_wait3A_572 = tpu.memref_squeeze %dma_wait3A_571 : memref<1x2x100xi32, #tpu.memory_space<hbm>> -> memref<2x100xi32, #tpu.memory_space<hbm>>
      tpu.wait_dma2 semaphore(%arg21 : memref<!tpu.dma_semaphore, #tpu.memory_space<semaphore_mem>>) src(%dma_wait3A_572 : memref<2x100xi32, #tpu.memory_space<hbm>>) dst(%arg5 : memref<2x100xi32, #tpu.memory_space<vmem>>)
      %dma_start3A_573 = arith.constant 0 : i32
      %dma_start3A_574 = arith.constant 0 : i32
      %dma_start3A_575 = tpu.memref_slice %arg5[%dma_start3A_573, %dma_start3A_574] : memref<2x100xi32, #tpu.memory_space<vmem>> -> memref<1x100xi32, #tpu.memory_space<vmem>>
      %dma_start3A_576 = tpu.memref_squeeze %dma_start3A_575 : memref<1x100xi32, #tpu.memory_space<vmem>> -> memref<100xi32, #tpu.memory_space<vmem>>
      %dma_start3A_577 = arith.constant 0 : i32
      %dma_start3A_578 = arith.constant 0 : i32
      %dma_start3A_579 = tpu.memref_slice %arg2[%dma_start3A_577, %dma_start3A_578] : memref<10000x128xf32, #tpu.memory_space<hbm>> -> memref<10000x128xf32, #tpu.memory_space<hbm>>
      tpu.enqueue_indirect_dma source(%dma_start3A_579 : memref<10000x128xf32, #tpu.memory_space<hbm>>) target(%arg11 : memref<100x128xf32, #tpu.memory_space<vmem>>) offsets(%dma_start3A_576 : memref<100xi32, #tpu.memory_space<vmem>>) semaphore(%arg15 : memref<!tpu.dma_semaphore, #tpu.memory_space<semaphore_mem>>)
      %dma_wait3A_580 = arith.constant 0 : i32
      %dma_wait3A_581 = arith.constant 0 : i32
      %dma_wait3A_582 = tpu.memref_slice %arg9[%dma_wait3A_580, %dma_wait3A_581] : memref<2x100xi32, #tpu.memory_space<vmem>> -> memref<1x100xi32, #tpu.memory_space<vmem>>
      %dma_wait3A_583 = tpu.memref_squeeze %dma_wait3A_582 : memref<1x100xi32, #tpu.memory_space<vmem>> -> memref<100xi32, #tpu.memory_space<vmem>>
      %dma_wait3A_584 = arith.constant 0 : i32
      %dma_wait3A_585 = arith.constant 0 : i32
      %dma_wait3A_586 = tpu.memref_slice %arg2[%dma_wait3A_584, %dma_wait3A_585] : memref<10000x128xf32, #tpu.memory_space<hbm>> -> memref<10000x128xf32, #tpu.memory_space<hbm>>
      tpu.wait_indirect_dma semaphore(%arg17 : memref<!tpu.dma_semaphore, #tpu.memory_space<semaphore_mem>>) src(%dma_wait3A_586 : memref<10000x128xf32, #tpu.memory_space<hbm>>) dst(%arg13 : memref<100x128xf32, #tpu.memory_space<vmem>>)
      %sub3A = arith.constant 1 : i32
      %sub3A_587 = arith.subi %add3A_546, %sub3A : i32
      %dma_start3A_588 = arith.constant 1 : i32
      %dma_start3A_589 = arith.constant 0 : i32
      %dma_start3A_590 = tpu.memref_slice %arg10[%dma_start3A_588, %dma_start3A_589] : memref<2x100xi32, #tpu.memory_space<vmem>> -> memref<1x100xi32, #tpu.memory_space<vmem>>
      %dma_start3A_591 = tpu.memref_squeeze %dma_start3A_590 : memref<1x100xi32, #tpu.memory_space<vmem>> -> memref<100xi32, #tpu.memory_space<vmem>>
      %dma_start3A_592 = arith.constant 0 : i32
      %dma_start3A_593 = arith.constant 0 : i32
      %dma_start3A_594 = tpu.memref_slice %arg14[%dma_start3A_592, %dma_start3A_593] : memref<10240x128xf32, #tpu.memory_space<vmem_shared>> -> memref<10240x128xf32, #tpu.memory_space<vmem_shared>>
      tpu.enqueue_indirect_dma source(%arg13 : memref<100x128xf32, #tpu.memory_space<vmem>>) target(%dma_start3A_594 : memref<10240x128xf32, #tpu.memory_space<vmem_shared>>) offsets(%dma_start3A_591 : memref<100xi32, #tpu.memory_space<vmem>>) semaphore(%arg20 : memref<!tpu.dma_semaphore, #tpu.memory_space<semaphore_mem>>) {add = true}
      %mul3A_595 = arith.constant 6 : i32
      %mul3A_596 = arith.muli %scan3A_540, %mul3A_595 : i32
      %add3A_597 = arith.constant 6 : i32
      %add3A_598 = arith.addi %add3A_597, %mul3A_596 : i32
      %add3A_599 = arith.constant 1 : i32
      %add3A_600 = arith.addi %add3A_598, %add3A_599 : i32
      %dma_wait3A_601 = arith.constant 1 : i32
      %dma_wait3A_602 = arith.constant 0 : i32
      %dma_wait3A_603 = tpu.memref_slice %arg7[%dma_wait3A_601, %dma_wait3A_602] : memref<2x100xi32, #tpu.memory_space<vmem>> -> memref<1x100xi32, #tpu.memory_space<vmem>>
      %dma_wait3A_604 = tpu.memref_squeeze %dma_wait3A_603 : memref<1x100xi32, #tpu.memory_space<vmem>> -> memref<100xi32, #tpu.memory_space<vmem>>
      %dma_wait3A_605 = arith.constant 0 : i32
      %dma_wait3A_606 = arith.constant 0 : i32
      %dma_wait3A_607 = tpu.memref_slice %arg14[%dma_wait3A_605, %dma_wait3A_606] : memref<10240x128xf32, #tpu.memory_space<vmem_shared>> -> memref<10240x128xf32, #tpu.memory_space<vmem_shared>>
      tpu.wait_indirect_dma semaphore(%arg19 : memref<!tpu.dma_semaphore, #tpu.memory_space<semaphore_mem>>) src(%arg12 : memref<100x128xf32, #tpu.memory_space<vmem>>) dst(%dma_wait3A_607 : memref<10240x128xf32, #tpu.memory_space<vmem_shared>>)
      %add3A_608 = arith.constant 2 : i32
      %add3A_609 = arith.addi %add3A_600, %add3A_608 : i32
      %add3A_610 = arith.addi %mul3A_2, %add3A_609 : i32
      %dma_start3A_611 = arith.constant 0 : i32
      %dma_start3A_612 = arith.constant 0 : i32
      %dma_start3A_613 = tpu.memref_slice %arg3[%add3A_610, %dma_start3A_611, %dma_start3A_612] : memref<3200x2x100xi32, #tpu.memory_space<hbm>> -> memref<1x2x100xi32, #tpu.memory_space<hbm>>
      %dma_start3A_614 = tpu.memref_squeeze %dma_start3A_613 : memref<1x2x100xi32, #tpu.memory_space<hbm>> -> memref<2x100xi32, #tpu.memory_space<hbm>>
      %dma_start3A_615 = arith.constant 0 : i32
      %dma_start3A_616 = arith.constant 0 : i32
      %dma_start3A_617 = tpu.memref_slice %arg3[%add3A_610, %dma_start3A_615, %dma_start3A_616] : memref<3200x2x100xi32, #tpu.memory_space<hbm>> -> memref<1x2x100xi32, #tpu.memory_space<hbm>>
      %dma_start3A_618 = tpu.memref_squeeze %dma_start3A_617 : memref<1x2x100xi32, #tpu.memory_space<hbm>> -> memref<2x100xi32, #tpu.memory_space<hbm>>
      tpu.enqueue_dma source(%dma_start3A_618 : memref<2x100xi32, #tpu.memory_space<hbm>>) target(%arg6 : memref<2x100xi32, #tpu.memory_space<vmem>>) target_semaphore(%arg22 : memref<!tpu.dma_semaphore, #tpu.memory_space<semaphore_mem>>)
      %dma_wait3A_619 = arith.constant 0 : i32
      %dma_wait3A_620 = arith.constant 0 : i32
      %dma_wait3A_621 = tpu.memref_slice %arg3[%mul3A_2, %dma_wait3A_619, %dma_wait3A_620] : memref<3200x2x100xi32, #tpu.memory_space<hbm>> -> memref<1x2x100xi32, #tpu.memory_space<hbm>>
      %dma_wait3A_622 = tpu.memref_squeeze %dma_wait3A_621 : memref<1x2x100xi32, #tpu.memory_space<hbm>> -> memref<2x100xi32, #tpu.memory_space<hbm>>
      %dma_wait3A_623 = arith.constant 0 : i32
      %dma_wait3A_624 = arith.constant 0 : i32
      %dma_wait3A_625 = tpu.memref_slice %arg3[%mul3A_2, %dma_wait3A_623, %dma_wait3A_624] : memref<3200x2x100xi32, #tpu.memory_space<hbm>> -> memref<1x2x100xi32, #tpu.memory_space<hbm>>
      %dma_wait3A_626 = tpu.memref_squeeze %dma_wait3A_625 : memref<1x2x100xi32, #tpu.memory_space<hbm>> -> memref<2x100xi32, #tpu.memory_space<hbm>>
      tpu.wait_dma2 semaphore(%arg23 : memref<!tpu.dma_semaphore, #tpu.memory_space<semaphore_mem>>) src(%dma_wait3A_626 : memref<2x100xi32, #tpu.memory_space<hbm>>) dst(%arg7 : memref<2x100xi32, #tpu.memory_space<vmem>>)
      %dma_start3A_627 = arith.constant 0 : i32
      %dma_start3A_628 = arith.constant 0 : i32
      %dma_start3A_629 = tpu.memref_slice %arg7[%dma_start3A_627, %dma_start3A_628] : memref<2x100xi32, #tpu.memory_space<vmem>> -> memref<1x100xi32, #tpu.memory_space<vmem>>
      %dma_start3A_630 = tpu.memref_squeeze %dma_start3A_629 : memref<1x100xi32, #tpu.memory_space<vmem>> -> memref<100xi32, #tpu.memory_space<vmem>>
      %dma_start3A_631 = arith.constant 0 : i32
      %dma_start3A_632 = arith.constant 0 : i32
      %dma_start3A_633 = tpu.memref_slice %arg2[%dma_start3A_631, %dma_start3A_632] : memref<10000x128xf32, #tpu.memory_space<hbm>> -> memref<10000x128xf32, #tpu.memory_space<hbm>>
      tpu.enqueue_indirect_dma source(%dma_start3A_633 : memref<10000x128xf32, #tpu.memory_space<hbm>>) target(%arg12 : memref<100x128xf32, #tpu.memory_space<vmem>>) offsets(%dma_start3A_630 : memref<100xi32, #tpu.memory_space<vmem>>) semaphore(%arg16 : memref<!tpu.dma_semaphore, #tpu.memory_space<semaphore_mem>>)
      %dma_wait3A_634 = arith.constant 0 : i32
      %dma_wait3A_635 = arith.constant 0 : i32
      %dma_wait3A_636 = tpu.memref_slice %arg5[%dma_wait3A_634, %dma_wait3A_635] : memref<2x100xi32, #tpu.memory_space<vmem>> -> memref<1x100xi32, #tpu.memory_space<vmem>>
      %dma_wait3A_637 = tpu.memref_squeeze %dma_wait3A_636 : memref<1x100xi32, #tpu.memory_space<vmem>> -> memref<100xi32, #tpu.memory_space<vmem>>
      %dma_wait3A_638 = arith.constant 0 : i32
      %dma_wait3A_639 = arith.constant 0 : i32
      %dma_wait3A_640 = tpu.memref_slice %arg2[%dma_wait3A_638, %dma_wait3A_639] : memref<10000x128xf32, #tpu.memory_space<hbm>> -> memref<10000x128xf32, #tpu.memory_space<hbm>>
      tpu.wait_indirect_dma semaphore(%arg15 : memref<!tpu.dma_semaphore, #tpu.memory_space<semaphore_mem>>) src(%dma_wait3A_640 : memref<10000x128xf32, #tpu.memory_space<hbm>>) dst(%arg11 : memref<100x128xf32, #tpu.memory_space<vmem>>)
      %sub3A_641 = arith.constant 1 : i32
      %sub3A_642 = arith.subi %add3A_600, %sub3A_641 : i32
      %dma_start3A_643 = arith.constant 1 : i32
      %dma_start3A_644 = arith.constant 0 : i32
      %dma_start3A_645 = tpu.memref_slice %arg5[%dma_start3A_643, %dma_start3A_644] : memref<2x100xi32, #tpu.memory_space<vmem>> -> memref<1x100xi32, #tpu.memory_space<vmem>>
      %dma_start3A_646 = tpu.memref_squeeze %dma_start3A_645 : memref<1x100xi32, #tpu.memory_space<vmem>> -> memref<100xi32, #tpu.memory_space<vmem>>
      %dma_start3A_647 = arith.constant 0 : i32
      %dma_start3A_648 = arith.constant 0 : i32
      %dma_start3A_649 = tpu.memref_slice %arg14[%dma_start3A_647, %dma_start3A_648] : memref<10240x128xf32, #tpu.memory_space<vmem_shared>> -> memref<10240x128xf32, #tpu.memory_space<vmem_shared>>
      tpu.enqueue_indirect_dma source(%arg11 : memref<100x128xf32, #tpu.memory_space<vmem>>) target(%dma_start3A_649 : memref<10240x128xf32, #tpu.memory_space<vmem_shared>>) offsets(%dma_start3A_646 : memref<100xi32, #tpu.memory_space<vmem>>) semaphore(%arg18 : memref<!tpu.dma_semaphore, #tpu.memory_space<semaphore_mem>>) {add = true}
      %mul3A_650 = arith.constant 6 : i32
      %mul3A_651 = arith.muli %scan3A_540, %mul3A_650 : i32
      %add3A_652 = arith.constant 6 : i32
      %add3A_653 = arith.addi %add3A_652, %mul3A_651 : i32
      %add3A_654 = arith.constant 2 : i32
      %add3A_655 = arith.addi %add3A_653, %add3A_654 : i32
      %dma_wait3A_656 = arith.constant 1 : i32
      %dma_wait3A_657 = arith.constant 0 : i32
      %dma_wait3A_658 = tpu.memref_slice %arg9[%dma_wait3A_656, %dma_wait3A_657] : memref<2x100xi32, #tpu.memory_space<vmem>> -> memref<1x100xi32, #tpu.memory_space<vmem>>
      %dma_wait3A_659 = tpu.memref_squeeze %dma_wait3A_658 : memref<1x100xi32, #tpu.memory_space<vmem>> -> memref<100xi32, #tpu.memory_space<vmem>>
      %dma_wait3A_660 = arith.constant 0 : i32
      %dma_wait3A_661 = arith.constant 0 : i32
      %dma_wait3A_662 = tpu.memref_slice %arg14[%dma_wait3A_660, %dma_wait3A_661] : memref<10240x128xf32, #tpu.memory_space<vmem_shared>> -> memref<10240x128xf32, #tpu.memory_space<vmem_shared>>
      tpu.wait_indirect_dma semaphore(%arg20 : memref<!tpu.dma_semaphore, #tpu.memory_space<semaphore_mem>>) src(%arg13 : memref<100x128xf32, #tpu.memory_space<vmem>>) dst(%dma_wait3A_662 : memref<10240x128xf32, #tpu.memory_space<vmem_shared>>)
      %add3A_663 = arith.constant 2 : i32
      %add3A_664 = arith.addi %add3A_655, %add3A_663 : i32
      %add3A_665 = arith.addi %mul3A_2, %add3A_664 : i32
      %dma_start3A_666 = arith.constant 0 : i32
      %dma_start3A_667 = arith.constant 0 : i32
      %dma_start3A_668 = tpu.memref_slice %arg3[%add3A_665, %dma_start3A_666, %dma_start3A_667] : memref<3200x2x100xi32, #tpu.memory_space<hbm>> -> memref<1x2x100xi32, #tpu.memory_space<hbm>>
      %dma_start3A_669 = tpu.memref_squeeze %dma_start3A_668 : memref<1x2x100xi32, #tpu.memory_space<hbm>> -> memref<2x100xi32, #tpu.memory_space<hbm>>
      %dma_start3A_670 = arith.constant 0 : i32
      %dma_start3A_671 = arith.constant 0 : i32
      %dma_start3A_672 = tpu.memref_slice %arg3[%add3A_665, %dma_start3A_670, %dma_start3A_671] : memref<3200x2x100xi32, #tpu.memory_space<hbm>> -> memref<1x2x100xi32, #tpu.memory_space<hbm>>
      %dma_start3A_673 = tpu.memref_squeeze %dma_start3A_672 : memref<1x2x100xi32, #tpu.memory_space<hbm>> -> memref<2x100xi32, #tpu.memory_space<hbm>>
      tpu.enqueue_dma source(%dma_start3A_673 : memref<2x100xi32, #tpu.memory_space<hbm>>) target(%arg8 : memref<2x100xi32, #tpu.memory_space<vmem>>) target_semaphore(%arg24 : memref<!tpu.dma_semaphore, #tpu.memory_space<semaphore_mem>>)
      %dma_wait3A_674 = arith.constant 0 : i32
      %dma_wait3A_675 = arith.constant 0 : i32
      %dma_wait3A_676 = tpu.memref_slice %arg3[%mul3A_2, %dma_wait3A_674, %dma_wait3A_675] : memref<3200x2x100xi32, #tpu.memory_space<hbm>> -> memref<1x2x100xi32, #tpu.memory_space<hbm>>
      %dma_wait3A_677 = tpu.memref_squeeze %dma_wait3A_676 : memref<1x2x100xi32, #tpu.memory_space<hbm>> -> memref<2x100xi32, #tpu.memory_space<hbm>>
      %dma_wait3A_678 = arith.constant 0 : i32
      %dma_wait3A_679 = arith.constant 0 : i32
      %dma_wait3A_680 = tpu.memref_slice %arg3[%mul3A_2, %dma_wait3A_678, %dma_wait3A_679] : memref<3200x2x100xi32, #tpu.memory_space<hbm>> -> memref<1x2x100xi32, #tpu.memory_space<hbm>>
      %dma_wait3A_681 = tpu.memref_squeeze %dma_wait3A_680 : memref<1x2x100xi32, #tpu.memory_space<hbm>> -> memref<2x100xi32, #tpu.memory_space<hbm>>
      tpu.wait_dma2 semaphore(%arg25 : memref<!tpu.dma_semaphore, #tpu.memory_space<semaphore_mem>>) src(%dma_wait3A_681 : memref<2x100xi32, #tpu.memory_space<hbm>>) dst(%arg9 : memref<2x100xi32, #tpu.memory_space<vmem>>)
      %dma_start3A_682 = arith.constant 0 : i32
      %dma_start3A_683 = arith.constant 0 : i32
      %dma_start3A_684 = tpu.memref_slice %arg9[%dma_start3A_682, %dma_start3A_683] : memref<2x100xi32, #tpu.memory_space<vmem>> -> memref<1x100xi32, #tpu.memory_space<vmem>>
      %dma_start3A_685 = tpu.memref_squeeze %dma_start3A_684 : memref<1x100xi32, #tpu.memory_space<vmem>> -> memref<100xi32, #tpu.memory_space<vmem>>
      %dma_start3A_686 = arith.constant 0 : i32
      %dma_start3A_687 = arith.constant 0 : i32
      %dma_start3A_688 = tpu.memref_slice %arg2[%dma_start3A_686, %dma_start3A_687] : memref<10000x128xf32, #tpu.memory_space<hbm>> -> memref<10000x128xf32, #tpu.memory_space<hbm>>
      tpu.enqueue_indirect_dma source(%dma_start3A_688 : memref<10000x128xf32, #tpu.memory_space<hbm>>) target(%arg13 : memref<100x128xf32, #tpu.memory_space<vmem>>) offsets(%dma_start3A_685 : memref<100xi32, #tpu.memory_space<vmem>>) semaphore(%arg17 : memref<!tpu.dma_semaphore, #tpu.memory_space<semaphore_mem>>)
      %dma_wait3A_689 = arith.constant 0 : i32
      %dma_wait3A_690 = arith.constant 0 : i32
      %dma_wait3A_691 = tpu.memref_slice %arg7[%dma_wait3A_689, %dma_wait3A_690] : memref<2x100xi32, #tpu.memory_space<vmem>> -> memref<1x100xi32, #tpu.memory_space<vmem>>
      %dma_wait3A_692 = tpu.memref_squeeze %dma_wait3A_691 : memref<1x100xi32, #tpu.memory_space<vmem>> -> memref<100xi32, #tpu.memory_space<vmem>>
      %dma_wait3A_693 = arith.constant 0 : i32
      %dma_wait3A_694 = arith.constant 0 : i32
      %dma_wait3A_695 = tpu.memref_slice %arg2[%dma_wait3A_693, %dma_wait3A_694] : memref<10000x128xf32, #tpu.memory_space<hbm>> -> memref<10000x128xf32, #tpu.memory_space<hbm>>
      tpu.wait_indirect_dma semaphore(%arg16 : memref<!tpu.dma_semaphore, #tpu.memory_space<semaphore_mem>>) src(%dma_wait3A_695 : memref<10000x128xf32, #tpu.memory_space<hbm>>) dst(%arg12 : memref<100x128xf32, #tpu.memory_space<vmem>>)
      %sub3A_696 = arith.constant 1 : i32
      %sub3A_697 = arith.subi %add3A_655, %sub3A_696 : i32
      %dma_start3A_698 = arith.constant 1 : i32
      %dma_start3A_699 = arith.constant 0 : i32
      %dma_start3A_700 = tpu.memref_slice %arg7[%dma_start3A_698, %dma_start3A_699] : memref<2x100xi32, #tpu.memory_space<vmem>> -> memref<1x100xi32, #tpu.memory_space<vmem>>
      %dma_start3A_701 = tpu.memref_squeeze %dma_start3A_700 : memref<1x100xi32, #tpu.memory_space<vmem>> -> memref<100xi32, #tpu.memory_space<vmem>>
      %dma_start3A_702 = arith.constant 0 : i32
      %dma_start3A_703 = arith.constant 0 : i32
      %dma_start3A_704 = tpu.memref_slice %arg14[%dma_start3A_702, %dma_start3A_703] : memref<10240x128xf32, #tpu.memory_space<vmem_shared>> -> memref<10240x128xf32, #tpu.memory_space<vmem_shared>>
      tpu.enqueue_indirect_dma source(%arg12 : memref<100x128xf32, #tpu.memory_space<vmem>>) target(%dma_start3A_704 : memref<10240x128xf32, #tpu.memory_space<vmem_shared>>) offsets(%dma_start3A_701 : memref<100xi32, #tpu.memory_space<vmem>>) semaphore(%arg19 : memref<!tpu.dma_semaphore, #tpu.memory_space<semaphore_mem>>) {add = true}
      %mul3A_705 = arith.constant 6 : i32
      %mul3A_706 = arith.muli %scan3A_540, %mul3A_705 : i32
      %add3A_707 = arith.constant 6 : i32
      %add3A_708 = arith.addi %add3A_707, %mul3A_706 : i32
      %add3A_709 = arith.constant 3 : i32
      %add3A_710 = arith.addi %add3A_708, %add3A_709 : i32
      %dma_wait3A_711 = arith.constant 1 : i32
      %dma_wait3A_712 = arith.constant 0 : i32
      %dma_wait3A_713 = tpu.memref_slice %arg5[%dma_wait3A_711, %dma_wait3A_712] : memref<2x100xi32, #tpu.memory_space<vmem>> -> memref<1x100xi32, #tpu.memory_space<vmem>>
      %dma_wait3A_714 = tpu.memref_squeeze %dma_wait3A_713 : memref<1x100xi32, #tpu.memory_space<vmem>> -> memref<100xi32, #tpu.memory_space<vmem>>
      %dma_wait3A_715 = arith.constant 0 : i32
      %dma_wait3A_716 = arith.constant 0 : i32
      %dma_wait3A_717 = tpu.memref_slice %arg14[%dma_wait3A_715, %dma_wait3A_716] : memref<10240x128xf32, #tpu.memory_space<vmem_shared>> -> memref<10240x128xf32, #tpu.memory_space<vmem_shared>>
      tpu.wait_indirect_dma semaphore(%arg18 : memref<!tpu.dma_semaphore, #tpu.memory_space<semaphore_mem>>) src(%arg11 : memref<100x128xf32, #tpu.memory_space<vmem>>) dst(%dma_wait3A_717 : memref<10240x128xf32, #tpu.memory_space<vmem_shared>>)
      %add3A_718 = arith.constant 2 : i32
      %add3A_719 = arith.addi %add3A_710, %add3A_718 : i32
      %add3A_720 = arith.addi %mul3A_2, %add3A_719 : i32
      %dma_start3A_721 = arith.constant 0 : i32
      %dma_start3A_722 = arith.constant 0 : i32
      %dma_start3A_723 = tpu.memref_slice %arg3[%add3A_720, %dma_start3A_721, %dma_start3A_722] : memref<3200x2x100xi32, #tpu.memory_space<hbm>> -> memref<1x2x100xi32, #tpu.memory_space<hbm>>
      %dma_start3A_724 = tpu.memref_squeeze %dma_start3A_723 : memref<1x2x100xi32, #tpu.memory_space<hbm>> -> memref<2x100xi32, #tpu.memory_space<hbm>>
      %dma_start3A_725 = arith.constant 0 : i32
      %dma_start3A_726 = arith.constant 0 : i32
      %dma_start3A_727 = tpu.memref_slice %arg3[%add3A_720, %dma_start3A_725, %dma_start3A_726] : memref<3200x2x100xi32, #tpu.memory_space<hbm>> -> memref<1x2x100xi32, #tpu.memory_space<hbm>>
      %dma_start3A_728 = tpu.memref_squeeze %dma_start3A_727 : memref<1x2x100xi32, #tpu.memory_space<hbm>> -> memref<2x100xi32, #tpu.memory_space<hbm>>
      tpu.enqueue_dma source(%dma_start3A_728 : memref<2x100xi32, #tpu.memory_space<hbm>>) target(%arg10 : memref<2x100xi32, #tpu.memory_space<vmem>>) target_semaphore(%arg26 : memref<!tpu.dma_semaphore, #tpu.memory_space<semaphore_mem>>)
      %dma_wait3A_729 = arith.constant 0 : i32
      %dma_wait3A_730 = arith.constant 0 : i32
      %dma_wait3A_731 = tpu.memref_slice %arg3[%mul3A_2, %dma_wait3A_729, %dma_wait3A_730] : memref<3200x2x100xi32, #tpu.memory_space<hbm>> -> memref<1x2x100xi32, #tpu.memory_space<hbm>>
      %dma_wait3A_732 = tpu.memref_squeeze %dma_wait3A_731 : memref<1x2x100xi32, #tpu.memory_space<hbm>> -> memref<2x100xi32, #tpu.memory_space<hbm>>
      %dma_wait3A_733 = arith.constant 0 : i32
      %dma_wait3A_734 = arith.constant 0 : i32
      %dma_wait3A_735 = tpu.memref_slice %arg3[%mul3A_2, %dma_wait3A_733, %dma_wait3A_734] : memref<3200x2x100xi32, #tpu.memory_space<hbm>> -> memref<1x2x100xi32, #tpu.memory_space<hbm>>
      %dma_wait3A_736 = tpu.memref_squeeze %dma_wait3A_735 : memref<1x2x100xi32, #tpu.memory_space<hbm>> -> memref<2x100xi32, #tpu.memory_space<hbm>>
      tpu.wait_dma2 semaphore(%arg22 : memref<!tpu.dma_semaphore, #tpu.memory_space<semaphore_mem>>) src(%dma_wait3A_736 : memref<2x100xi32, #tpu.memory_space<hbm>>) dst(%arg6 : memref<2x100xi32, #tpu.memory_space<vmem>>)
      %dma_start3A_737 = arith.constant 0 : i32
      %dma_start3A_738 = arith.constant 0 : i32
      %dma_start3A_739 = tpu.memref_slice %arg6[%dma_start3A_737, %dma_start3A_738] : memref<2x100xi32, #tpu.memory_space<vmem>> -> memref<1x100xi32, #tpu.memory_space<vmem>>
      %dma_start3A_740 = tpu.memref_squeeze %dma_start3A_739 : memref<1x100xi32, #tpu.memory_space<vmem>> -> memref<100xi32, #tpu.memory_space<vmem>>
      %dma_start3A_741 = arith.constant 0 : i32
      %dma_start3A_742 = arith.constant 0 : i32
      %dma_start3A_743 = tpu.memref_slice %arg2[%dma_start3A_741, %dma_start3A_742] : memref<10000x128xf32, #tpu.memory_space<hbm>> -> memref<10000x128xf32, #tpu.memory_space<hbm>>
      tpu.enqueue_indirect_dma source(%dma_start3A_743 : memref<10000x128xf32, #tpu.memory_space<hbm>>) target(%arg11 : memref<100x128xf32, #tpu.memory_space<vmem>>) offsets(%dma_start3A_740 : memref<100xi32, #tpu.memory_space<vmem>>) semaphore(%arg15 : memref<!tpu.dma_semaphore, #tpu.memory_space<semaphore_mem>>)
      %dma_wait3A_744 = arith.constant 0 : i32
      %dma_wait3A_745 = arith.constant 0 : i32
      %dma_wait3A_746 = tpu.memref_slice %arg9[%dma_wait3A_744, %dma_wait3A_745] : memref<2x100xi32, #tpu.memory_space<vmem>> -> memref<1x100xi32, #tpu.memory_space<vmem>>
      %dma_wait3A_747 = tpu.memref_squeeze %dma_wait3A_746 : memref<1x100xi32, #tpu.memory_space<vmem>> -> memref<100xi32, #tpu.memory_space<vmem>>
      %dma_wait3A_748 = arith.constant 0 : i32
      %dma_wait3A_749 = arith.constant 0 : i32
      %dma_wait3A_750 = tpu.memref_slice %arg2[%dma_wait3A_748, %dma_wait3A_749] : memref<10000x128xf32, #tpu.memory_space<hbm>> -> memref<10000x128xf32, #tpu.memory_space<hbm>>
      tpu.wait_indirect_dma semaphore(%arg17 : memref<!tpu.dma_semaphore, #tpu.memory_space<semaphore_mem>>) src(%dma_wait3A_750 : memref<10000x128xf32, #tpu.memory_space<hbm>>) dst(%arg13 : memref<100x128xf32, #tpu.memory_space<vmem>>)
      %sub3A_751 = arith.constant 1 : i32
      %sub3A_752 = arith.subi %add3A_710, %sub3A_751 : i32
      %dma_start3A_753 = arith.constant 1 : i32
      %dma_start3A_754 = arith.constant 0 : i32
      %dma_start3A_755 = tpu.memref_slice %arg9[%dma_start3A_753, %dma_start3A_754] : memref<2x100xi32, #tpu.memory_space<vmem>> -> memref<1x100xi32, #tpu.memory_space<vmem>>
      %dma_start3A_756 = tpu.memref_squeeze %dma_start3A_755 : memref<1x100xi32, #tpu.memory_space<vmem>> -> memref<100xi32, #tpu.memory_space<vmem>>
      %dma_start3A_757 = arith.constant 0 : i32
      %dma_start3A_758 = arith.constant 0 : i32
      %dma_start3A_759 = tpu.memref_slice %arg14[%dma_start3A_757, %dma_start3A_758] : memref<10240x128xf32, #tpu.memory_space<vmem_shared>> -> memref<10240x128xf32, #tpu.memory_space<vmem_shared>>
      tpu.enqueue_indirect_dma source(%arg13 : memref<100x128xf32, #tpu.memory_space<vmem>>) target(%dma_start3A_759 : memref<10240x128xf32, #tpu.memory_space<vmem_shared>>) offsets(%dma_start3A_756 : memref<100xi32, #tpu.memory_space<vmem>>) semaphore(%arg20 : memref<!tpu.dma_semaphore, #tpu.memory_space<semaphore_mem>>) {add = true}
      %mul3A_760 = arith.constant 6 : i32
      %mul3A_761 = arith.muli %scan3A_540, %mul3A_760 : i32
      %add3A_762 = arith.constant 6 : i32
      %add3A_763 = arith.addi %add3A_762, %mul3A_761 : i32
      %add3A_764 = arith.constant 4 : i32
      %add3A_765 = arith.addi %add3A_763, %add3A_764 : i32
      %dma_wait3A_766 = arith.constant 1 : i32
      %dma_wait3A_767 = arith.constant 0 : i32
      %dma_wait3A_768 = tpu.memref_slice %arg7[%dma_wait3A_766, %dma_wait3A_767] : memref<2x100xi32, #tpu.memory_space<vmem>> -> memref<1x100xi32, #tpu.memory_space<vmem>>
      %dma_wait3A_769 = tpu.memref_squeeze %dma_wait3A_768 : memref<1x100xi32, #tpu.memory_space<vmem>> -> memref<100xi32, #tpu.memory_space<vmem>>
      %dma_wait3A_770 = arith.constant 0 : i32
      %dma_wait3A_771 = arith.constant 0 : i32
      %dma_wait3A_772 = tpu.memref_slice %arg14[%dma_wait3A_770, %dma_wait3A_771] : memref<10240x128xf32, #tpu.memory_space<vmem_shared>> -> memref<10240x128xf32, #tpu.memory_space<vmem_shared>>
      tpu.wait_indirect_dma semaphore(%arg19 : memref<!tpu.dma_semaphore, #tpu.memory_space<semaphore_mem>>) src(%arg12 : memref<100x128xf32, #tpu.memory_space<vmem>>) dst(%dma_wait3A_772 : memref<10240x128xf32, #tpu.memory_space<vmem_shared>>)
      %add3A_773 = arith.constant 2 : i32
      %add3A_774 = arith.addi %add3A_765, %add3A_773 : i32
      %add3A_775 = arith.addi %mul3A_2, %add3A_774 : i32
      %dma_start3A_776 = arith.constant 0 : i32
      %dma_start3A_777 = arith.constant 0 : i32
      %dma_start3A_778 = tpu.memref_slice %arg3[%add3A_775, %dma_start3A_776, %dma_start3A_777] : memref<3200x2x100xi32, #tpu.memory_space<hbm>> -> memref<1x2x100xi32, #tpu.memory_space<hbm>>
      %dma_start3A_779 = tpu.memref_squeeze %dma_start3A_778 : memref<1x2x100xi32, #tpu.memory_space<hbm>> -> memref<2x100xi32, #tpu.memory_space<hbm>>
      %dma_start3A_780 = arith.constant 0 : i32
      %dma_start3A_781 = arith.constant 0 : i32
      %dma_start3A_782 = tpu.memref_slice %arg3[%add3A_775, %dma_start3A_780, %dma_start3A_781] : memref<3200x2x100xi32, #tpu.memory_space<hbm>> -> memref<1x2x100xi32, #tpu.memory_space<hbm>>
      %dma_start3A_783 = tpu.memref_squeeze %dma_start3A_782 : memref<1x2x100xi32, #tpu.memory_space<hbm>> -> memref<2x100xi32, #tpu.memory_space<hbm>>
      tpu.enqueue_dma source(%dma_start3A_783 : memref<2x100xi32, #tpu.memory_space<hbm>>) target(%arg5 : memref<2x100xi32, #tpu.memory_space<vmem>>) target_semaphore(%arg21 : memref<!tpu.dma_semaphore, #tpu.memory_space<semaphore_mem>>)
      %dma_wait3A_784 = arith.constant 0 : i32
      %dma_wait3A_785 = arith.constant 0 : i32
      %dma_wait3A_786 = tpu.memref_slice %arg3[%mul3A_2, %dma_wait3A_784, %dma_wait3A_785] : memref<3200x2x100xi32, #tpu.memory_space<hbm>> -> memref<1x2x100xi32, #tpu.memory_space<hbm>>
      %dma_wait3A_787 = tpu.memref_squeeze %dma_wait3A_786 : memref<1x2x100xi32, #tpu.memory_space<hbm>> -> memref<2x100xi32, #tpu.memory_space<hbm>>
      %dma_wait3A_788 = arith.constant 0 : i32
      %dma_wait3A_789 = arith.constant 0 : i32
      %dma_wait3A_790 = tpu.memref_slice %arg3[%mul3A_2, %dma_wait3A_788, %dma_wait3A_789] : memref<3200x2x100xi32, #tpu.memory_space<hbm>> -> memref<1x2x100xi32, #tpu.memory_space<hbm>>
      %dma_wait3A_791 = tpu.memref_squeeze %dma_wait3A_790 : memref<1x2x100xi32, #tpu.memory_space<hbm>> -> memref<2x100xi32, #tpu.memory_space<hbm>>
      tpu.wait_dma2 semaphore(%arg24 : memref<!tpu.dma_semaphore, #tpu.memory_space<semaphore_mem>>) src(%dma_wait3A_791 : memref<2x100xi32, #tpu.memory_space<hbm>>) dst(%arg8 : memref<2x100xi32, #tpu.memory_space<vmem>>)
      %dma_start3A_792 = arith.constant 0 : i32
      %dma_start3A_793 = arith.constant 0 : i32
      %dma_start3A_794 = tpu.memref_slice %arg8[%dma_start3A_792, %dma_start3A_793] : memref<2x100xi32, #tpu.memory_space<vmem>> -> memref<1x100xi32, #tpu.memory_space<vmem>>
      %dma_start3A_795 = tpu.memref_squeeze %dma_start3A_794 : memref<1x100xi32, #tpu.memory_space<vmem>> -> memref<100xi32, #tpu.memory_space<vmem>>
      %dma_start3A_796 = arith.constant 0 : i32
      %dma_start3A_797 = arith.constant 0 : i32
      %dma_start3A_798 = tpu.memref_slice %arg2[%dma_start3A_796, %dma_start3A_797] : memref<10000x128xf32, #tpu.memory_space<hbm>> -> memref<10000x128xf32, #tpu.memory_space<hbm>>
      tpu.enqueue_indirect_dma source(%dma_start3A_798 : memref<10000x128xf32, #tpu.memory_space<hbm>>) target(%arg12 : memref<100x128xf32, #tpu.memory_space<vmem>>) offsets(%dma_start3A_795 : memref<100xi32, #tpu.memory_space<vmem>>) semaphore(%arg16 : memref<!tpu.dma_semaphore, #tpu.memory_space<semaphore_mem>>)
      %dma_wait3A_799 = arith.constant 0 : i32
      %dma_wait3A_800 = arith.constant 0 : i32
      %dma_wait3A_801 = tpu.memref_slice %arg5[%dma_wait3A_799, %dma_wait3A_800] : memref<2x100xi32, #tpu.memory_space<vmem>> -> memref<1x100xi32, #tpu.memory_space<vmem>>
      %dma_wait3A_802 = tpu.memref_squeeze %dma_wait3A_801 : memref<1x100xi32, #tpu.memory_space<vmem>> -> memref<100xi32, #tpu.memory_space<vmem>>
      %dma_wait3A_803 = arith.constant 0 : i32
      %dma_wait3A_804 = arith.constant 0 : i32
      %dma_wait3A_805 = tpu.memref_slice %arg2[%dma_wait3A_803, %dma_wait3A_804] : memref<10000x128xf32, #tpu.memory_space<hbm>> -> memref<10000x128xf32, #tpu.memory_space<hbm>>
      tpu.wait_indirect_dma semaphore(%arg15 : memref<!tpu.dma_semaphore, #tpu.memory_space<semaphore_mem>>) src(%dma_wait3A_805 : memref<10000x128xf32, #tpu.memory_space<hbm>>) dst(%arg11 : memref<100x128xf32, #tpu.memory_space<vmem>>)
      %sub3A_806 = arith.constant 1 : i32
      %sub3A_807 = arith.subi %add3A_765, %sub3A_806 : i32
      %dma_start3A_808 = arith.constant 1 : i32
      %dma_start3A_809 = arith.constant 0 : i32
      %dma_start3A_810 = tpu.memref_slice %arg6[%dma_start3A_808, %dma_start3A_809] : memref<2x100xi32, #tpu.memory_space<vmem>> -> memref<1x100xi32, #tpu.memory_space<vmem>>
      %dma_start3A_811 = tpu.memref_squeeze %dma_start3A_810 : memref<1x100xi32, #tpu.memory_space<vmem>> -> memref<100xi32, #tpu.memory_space<vmem>>
      %dma_start3A_812 = arith.constant 0 : i32
      %dma_start3A_813 = arith.constant 0 : i32
      %dma_start3A_814 = tpu.memref_slice %arg14[%dma_start3A_812, %dma_start3A_813] : memref<10240x128xf32, #tpu.memory_space<vmem_shared>> -> memref<10240x128xf32, #tpu.memory_space<vmem_shared>>
      tpu.enqueue_indirect_dma source(%arg11 : memref<100x128xf32, #tpu.memory_space<vmem>>) target(%dma_start3A_814 : memref<10240x128xf32, #tpu.memory_space<vmem_shared>>) offsets(%dma_start3A_811 : memref<100xi32, #tpu.memory_space<vmem>>) semaphore(%arg18 : memref<!tpu.dma_semaphore, #tpu.memory_space<semaphore_mem>>) {add = true}
      %mul3A_815 = arith.constant 6 : i32
      %mul3A_816 = arith.muli %scan3A_540, %mul3A_815 : i32
      %add3A_817 = arith.constant 6 : i32
      %add3A_818 = arith.addi %add3A_817, %mul3A_816 : i32
      %add3A_819 = arith.constant 5 : i32
      %add3A_820 = arith.addi %add3A_818, %add3A_819 : i32
      %dma_wait3A_821 = arith.constant 1 : i32
      %dma_wait3A_822 = arith.constant 0 : i32
      %dma_wait3A_823 = tpu.memref_slice %arg9[%dma_wait3A_821, %dma_wait3A_822] : memref<2x100xi32, #tpu.memory_space<vmem>> -> memref<1x100xi32, #tpu.memory_space<vmem>>
      %dma_wait3A_824 = tpu.memref_squeeze %dma_wait3A_823 : memref<1x100xi32, #tpu.memory_space<vmem>> -> memref<100xi32, #tpu.memory_space<vmem>>
      %dma_wait3A_825 = arith.constant 0 : i32
      %dma_wait3A_826 = arith.constant 0 : i32
      %dma_wait3A_827 = tpu.memref_slice %arg14[%dma_wait3A_825, %dma_wait3A_826] : memref<10240x128xf32, #tpu.memory_space<vmem_shared>> -> memref<10240x128xf32, #tpu.memory_space<vmem_shared>>
      tpu.wait_indirect_dma semaphore(%arg20 : memref<!tpu.dma_semaphore, #tpu.memory_space<semaphore_mem>>) src(%arg13 : memref<100x128xf32, #tpu.memory_space<vmem>>) dst(%dma_wait3A_827 : memref<10240x128xf32, #tpu.memory_space<vmem_shared>>)
      %add3A_828 = arith.constant 2 : i32
      %add3A_829 = arith.addi %add3A_820, %add3A_828 : i32
      %add3A_830 = arith.addi %mul3A_2, %add3A_829 : i32
      %dma_start3A_831 = arith.constant 0 : i32
      %dma_start3A_832 = arith.constant 0 : i32
      %dma_start3A_833 = tpu.memref_slice %arg3[%add3A_830, %dma_start3A_831, %dma_start3A_832] : memref<3200x2x100xi32, #tpu.memory_space<hbm>> -> memref<1x2x100xi32, #tpu.memory_space<hbm>>
      %dma_start3A_834 = tpu.memref_squeeze %dma_start3A_833 : memref<1x2x100xi32, #tpu.memory_space<hbm>> -> memref<2x100xi32, #tpu.memory_space<hbm>>
      %dma_start3A_835 = arith.constant 0 : i32
      %dma_start3A_836 = arith.constant 0 : i32
      %dma_start3A_837 = tpu.memref_slice %arg3[%add3A_830, %dma_start3A_835, %dma_start3A_836] : memref<3200x2x100xi32, #tpu.memory_space<hbm>> -> memref<1x2x100xi32, #tpu.memory_space<hbm>>
      %dma_start3A_838 = tpu.memref_squeeze %dma_start3A_837 : memref<1x2x100xi32, #tpu.memory_space<hbm>> -> memref<2x100xi32, #tpu.memory_space<hbm>>
      tpu.enqueue_dma source(%dma_start3A_838 : memref<2x100xi32, #tpu.memory_space<hbm>>) target(%arg7 : memref<2x100xi32, #tpu.memory_space<vmem>>) target_semaphore(%arg23 : memref<!tpu.dma_semaphore, #tpu.memory_space<semaphore_mem>>)
      %dma_wait3A_839 = arith.constant 0 : i32
      %dma_wait3A_840 = arith.constant 0 : i32
      %dma_wait3A_841 = tpu.memref_slice %arg3[%mul3A_2, %dma_wait3A_839, %dma_wait3A_840] : memref<3200x2x100xi32, #tpu.memory_space<hbm>> -> memref<1x2x100xi32, #tpu.memory_space<hbm>>
      %dma_wait3A_842 = tpu.memref_squeeze %dma_wait3A_841 : memref<1x2x100xi32, #tpu.memory_space<hbm>> -> memref<2x100xi32, #tpu.memory_space<hbm>>
      %dma_wait3A_843 = arith.constant 0 : i32
      %dma_wait3A_844 = arith.constant 0 : i32
      %dma_wait3A_845 = tpu.memref_slice %arg3[%mul3A_2, %dma_wait3A_843, %dma_wait3A_844] : memref<3200x2x100xi32, #tpu.memory_space<hbm>> -> memref<1x2x100xi32, #tpu.memory_space<hbm>>
      %dma_wait3A_846 = tpu.memref_squeeze %dma_wait3A_845 : memref<1x2x100xi32, #tpu.memory_space<hbm>> -> memref<2x100xi32, #tpu.memory_space<hbm>>
      tpu.wait_dma2 semaphore(%arg26 : memref<!tpu.dma_semaphore, #tpu.memory_space<semaphore_mem>>) src(%dma_wait3A_846 : memref<2x100xi32, #tpu.memory_space<hbm>>) dst(%arg10 : memref<2x100xi32, #tpu.memory_space<vmem>>)
      %dma_start3A_847 = arith.constant 0 : i32
      %dma_start3A_848 = arith.constant 0 : i32
      %dma_start3A_849 = tpu.memref_slice %arg10[%dma_start3A_847, %dma_start3A_848] : memref<2x100xi32, #tpu.memory_space<vmem>> -> memref<1x100xi32, #tpu.memory_space<vmem>>
      %dma_start3A_850 = tpu.memref_squeeze %dma_start3A_849 : memref<1x100xi32, #tpu.memory_space<vmem>> -> memref<100xi32, #tpu.memory_space<vmem>>
      %dma_start3A_851 = arith.constant 0 : i32
      %dma_start3A_852 = arith.constant 0 : i32
      %dma_start3A_853 = tpu.memref_slice %arg2[%dma_start3A_851, %dma_start3A_852] : memref<10000x128xf32, #tpu.memory_space<hbm>> -> memref<10000x128xf32, #tpu.memory_space<hbm>>
      tpu.enqueue_indirect_dma source(%dma_start3A_853 : memref<10000x128xf32, #tpu.memory_space<hbm>>) target(%arg13 : memref<100x128xf32, #tpu.memory_space<vmem>>) offsets(%dma_start3A_850 : memref<100xi32, #tpu.memory_space<vmem>>) semaphore(%arg17 : memref<!tpu.dma_semaphore, #tpu.memory_space<semaphore_mem>>)
      %dma_wait3A_854 = arith.constant 0 : i32
      %dma_wait3A_855 = arith.constant 0 : i32
      %dma_wait3A_856 = tpu.memref_slice %arg7[%dma_wait3A_854, %dma_wait3A_855] : memref<2x100xi32, #tpu.memory_space<vmem>> -> memref<1x100xi32, #tpu.memory_space<vmem>>
      %dma_wait3A_857 = tpu.memref_squeeze %dma_wait3A_856 : memref<1x100xi32, #tpu.memory_space<vmem>> -> memref<100xi32, #tpu.memory_space<vmem>>
      %dma_wait3A_858 = arith.constant 0 : i32
      %dma_wait3A_859 = arith.constant 0 : i32
      %dma_wait3A_860 = tpu.memref_slice %arg2[%dma_wait3A_858, %dma_wait3A_859] : memref<10000x128xf32, #tpu.memory_space<hbm>> -> memref<10000x128xf32, #tpu.memory_space<hbm>>
      tpu.wait_indirect_dma semaphore(%arg16 : memref<!tpu.dma_semaphore, #tpu.memory_space<semaphore_mem>>) src(%dma_wait3A_860 : memref<10000x128xf32, #tpu.memory_space<hbm>>) dst(%arg12 : memref<100x128xf32, #tpu.memory_space<vmem>>)
      %sub3A_861 = arith.constant 1 : i32
      %sub3A_862 = arith.subi %add3A_820, %sub3A_861 : i32
      %dma_start3A_863 = arith.constant 1 : i32
      %dma_start3A_864 = arith.constant 0 : i32
      %dma_start3A_865 = tpu.memref_slice %arg8[%dma_start3A_863, %dma_start3A_864] : memref<2x100xi32, #tpu.memory_space<vmem>> -> memref<1x100xi32, #tpu.memory_space<vmem>>
      %dma_start3A_866 = tpu.memref_squeeze %dma_start3A_865 : memref<1x100xi32, #tpu.memory_space<vmem>> -> memref<100xi32, #tpu.memory_space<vmem>>
      %dma_start3A_867 = arith.constant 0 : i32
      %dma_start3A_868 = arith.constant 0 : i32
      %dma_start3A_869 = tpu.memref_slice %arg14[%dma_start3A_867, %dma_start3A_868] : memref<10240x128xf32, #tpu.memory_space<vmem_shared>> -> memref<10240x128xf32, #tpu.memory_space<vmem_shared>>
      tpu.enqueue_indirect_dma source(%arg12 : memref<100x128xf32, #tpu.memory_space<vmem>>) target(%dma_start3A_869 : memref<10240x128xf32, #tpu.memory_space<vmem_shared>>) offsets(%dma_start3A_866 : memref<100xi32, #tpu.memory_space<vmem>>) semaphore(%arg19 : memref<!tpu.dma_semaphore, #tpu.memory_space<semaphore_mem>>) {add = true}
    }
    %scan3A_304 = arith.constant 15 : i32
    %dma_wait3A_305 = arith.constant 1 : i32
    %dma_wait3A_306 = arith.constant 0 : i32
    %dma_wait3A_307 = tpu.memref_slice %arg5[%dma_wait3A_305, %dma_wait3A_306] : memref<2x100xi32, #tpu.memory_space<vmem>> -> memref<1x100xi32, #tpu.memory_space<vmem>>
    %dma_wait3A_308 = tpu.memref_squeeze %dma_wait3A_307 : memref<1x100xi32, #tpu.memory_space<vmem>> -> memref<100xi32, #tpu.memory_space<vmem>>
    %dma_wait3A_309 = arith.constant 0 : i32
    %dma_wait3A_310 = arith.constant 0 : i32
    %dma_wait3A_311 = tpu.memref_slice %arg14[%dma_wait3A_309, %dma_wait3A_310] : memref<10240x128xf32, #tpu.memory_space<vmem_shared>> -> memref<10240x128xf32, #tpu.memory_space<vmem_shared>>
    tpu.wait_indirect_dma semaphore(%arg18 : memref<!tpu.dma_semaphore, #tpu.memory_space<semaphore_mem>>) src(%arg11 : memref<100x128xf32, #tpu.memory_space<vmem>>) dst(%dma_wait3A_311 : memref<10240x128xf32, #tpu.memory_space<vmem_shared>>)
    %add3A_312 = arith.constant 98 : i32
    %add3A_313 = arith.addi %mul3A_2, %add3A_312 : i32
    %dma_start3A_314 = arith.constant 0 : i32
    %dma_start3A_315 = arith.constant 0 : i32
    %dma_start3A_316 = tpu.memref_slice %arg3[%add3A_313, %dma_start3A_314, %dma_start3A_315] : memref<3200x2x100xi32, #tpu.memory_space<hbm>> -> memref<1x2x100xi32, #tpu.memory_space<hbm>>
    %dma_start3A_317 = tpu.memref_squeeze %dma_start3A_316 : memref<1x2x100xi32, #tpu.memory_space<hbm>> -> memref<2x100xi32, #tpu.memory_space<hbm>>
    %dma_start3A_318 = arith.constant 0 : i32
    %dma_start3A_319 = arith.constant 0 : i32
    %dma_start3A_320 = tpu.memref_slice %arg3[%add3A_313, %dma_start3A_318, %dma_start3A_319] : memref<3200x2x100xi32, #tpu.memory_space<hbm>> -> memref<1x2x100xi32, #tpu.memory_space<hbm>>
    %dma_start3A_321 = tpu.memref_squeeze %dma_start3A_320 : memref<1x2x100xi32, #tpu.memory_space<hbm>> -> memref<2x100xi32, #tpu.memory_space<hbm>>
    tpu.enqueue_dma source(%dma_start3A_321 : memref<2x100xi32, #tpu.memory_space<hbm>>) target(%arg9 : memref<2x100xi32, #tpu.memory_space<vmem>>) target_semaphore(%arg25 : memref<!tpu.dma_semaphore, #tpu.memory_space<semaphore_mem>>)
    %dma_wait3A_322 = arith.constant 0 : i32
    %dma_wait3A_323 = arith.constant 0 : i32
    %dma_wait3A_324 = tpu.memref_slice %arg3[%mul3A_2, %dma_wait3A_322, %dma_wait3A_323] : memref<3200x2x100xi32, #tpu.memory_space<hbm>> -> memref<1x2x100xi32, #tpu.memory_space<hbm>>
    %dma_wait3A_325 = tpu.memref_squeeze %dma_wait3A_324 : memref<1x2x100xi32, #tpu.memory_space<hbm>> -> memref<2x100xi32, #tpu.memory_space<hbm>>
    %dma_wait3A_326 = arith.constant 0 : i32
    %dma_wait3A_327 = arith.constant 0 : i32
    %dma_wait3A_328 = tpu.memref_slice %arg3[%mul3A_2, %dma_wait3A_326, %dma_wait3A_327] : memref<3200x2x100xi32, #tpu.memory_space<hbm>> -> memref<1x2x100xi32, #tpu.memory_space<hbm>>
    %dma_wait3A_329 = tpu.memref_squeeze %dma_wait3A_328 : memref<1x2x100xi32, #tpu.memory_space<hbm>> -> memref<2x100xi32, #tpu.memory_space<hbm>>
    tpu.wait_dma2 semaphore(%arg21 : memref<!tpu.dma_semaphore, #tpu.memory_space<semaphore_mem>>) src(%dma_wait3A_329 : memref<2x100xi32, #tpu.memory_space<hbm>>) dst(%arg5 : memref<2x100xi32, #tpu.memory_space<vmem>>)
    %dma_start3A_330 = arith.constant 0 : i32
    %dma_start3A_331 = arith.constant 0 : i32
    %dma_start3A_332 = tpu.memref_slice %arg5[%dma_start3A_330, %dma_start3A_331] : memref<2x100xi32, #tpu.memory_space<vmem>> -> memref<1x100xi32, #tpu.memory_space<vmem>>
    %dma_start3A_333 = tpu.memref_squeeze %dma_start3A_332 : memref<1x100xi32, #tpu.memory_space<vmem>> -> memref<100xi32, #tpu.memory_space<vmem>>
    %dma_start3A_334 = arith.constant 0 : i32
    %dma_start3A_335 = arith.constant 0 : i32
    %dma_start3A_336 = tpu.memref_slice %arg2[%dma_start3A_334, %dma_start3A_335] : memref<10000x128xf32, #tpu.memory_space<hbm>> -> memref<10000x128xf32, #tpu.memory_space<hbm>>
    tpu.enqueue_indirect_dma source(%dma_start3A_336 : memref<10000x128xf32, #tpu.memory_space<hbm>>) target(%arg11 : memref<100x128xf32, #tpu.memory_space<vmem>>) offsets(%dma_start3A_333 : memref<100xi32, #tpu.memory_space<vmem>>) semaphore(%arg15 : memref<!tpu.dma_semaphore, #tpu.memory_space<semaphore_mem>>)
    %dma_wait3A_337 = arith.constant 0 : i32
    %dma_wait3A_338 = arith.constant 0 : i32
    %dma_wait3A_339 = tpu.memref_slice %arg9[%dma_wait3A_337, %dma_wait3A_338] : memref<2x100xi32, #tpu.memory_space<vmem>> -> memref<1x100xi32, #tpu.memory_space<vmem>>
    %dma_wait3A_340 = tpu.memref_squeeze %dma_wait3A_339 : memref<1x100xi32, #tpu.memory_space<vmem>> -> memref<100xi32, #tpu.memory_space<vmem>>
    %dma_wait3A_341 = arith.constant 0 : i32
    %dma_wait3A_342 = arith.constant 0 : i32
    %dma_wait3A_343 = tpu.memref_slice %arg2[%dma_wait3A_341, %dma_wait3A_342] : memref<10000x128xf32, #tpu.memory_space<hbm>> -> memref<10000x128xf32, #tpu.memory_space<hbm>>
    tpu.wait_indirect_dma semaphore(%arg17 : memref<!tpu.dma_semaphore, #tpu.memory_space<semaphore_mem>>) src(%dma_wait3A_343 : memref<10000x128xf32, #tpu.memory_space<hbm>>) dst(%arg13 : memref<100x128xf32, #tpu.memory_space<vmem>>)
    %dma_start3A_344 = arith.constant 1 : i32
    %dma_start3A_345 = arith.constant 0 : i32
    %dma_start3A_346 = tpu.memref_slice %arg10[%dma_start3A_344, %dma_start3A_345] : memref<2x100xi32, #tpu.memory_space<vmem>> -> memref<1x100xi32, #tpu.memory_space<vmem>>
    %dma_start3A_347 = tpu.memref_squeeze %dma_start3A_346 : memref<1x100xi32, #tpu.memory_space<vmem>> -> memref<100xi32, #tpu.memory_space<vmem>>
    %dma_start3A_348 = arith.constant 0 : i32
    %dma_start3A_349 = arith.constant 0 : i32
    %dma_start3A_350 = tpu.memref_slice %arg14[%dma_start3A_348, %dma_start3A_349] : memref<10240x128xf32, #tpu.memory_space<vmem_shared>> -> memref<10240x128xf32, #tpu.memory_space<vmem_shared>>
    tpu.enqueue_indirect_dma source(%arg13 : memref<100x128xf32, #tpu.memory_space<vmem>>) target(%dma_start3A_350 : memref<10240x128xf32, #tpu.memory_space<vmem_shared>>) offsets(%dma_start3A_347 : memref<100xi32, #tpu.memory_space<vmem>>) semaphore(%arg20 : memref<!tpu.dma_semaphore, #tpu.memory_space<semaphore_mem>>) {add = true}
    %dma_wait3A_351 = arith.constant 1 : i32
    %dma_wait3A_352 = arith.constant 0 : i32
    %dma_wait3A_353 = tpu.memref_slice %arg7[%dma_wait3A_351, %dma_wait3A_352] : memref<2x100xi32, #tpu.memory_space<vmem>> -> memref<1x100xi32, #tpu.memory_space<vmem>>
    %dma_wait3A_354 = tpu.memref_squeeze %dma_wait3A_353 : memref<1x100xi32, #tpu.memory_space<vmem>> -> memref<100xi32, #tpu.memory_space<vmem>>
    %dma_wait3A_355 = arith.constant 0 : i32
    %dma_wait3A_356 = arith.constant 0 : i32
    %dma_wait3A_357 = tpu.memref_slice %arg14[%dma_wait3A_355, %dma_wait3A_356] : memref<10240x128xf32, #tpu.memory_space<vmem_shared>> -> memref<10240x128xf32, #tpu.memory_space<vmem_shared>>
    tpu.wait_indirect_dma semaphore(%arg19 : memref<!tpu.dma_semaphore, #tpu.memory_space<semaphore_mem>>) src(%arg12 : memref<100x128xf32, #tpu.memory_space<vmem>>) dst(%dma_wait3A_357 : memref<10240x128xf32, #tpu.memory_space<vmem_shared>>)
    %add3A_358 = arith.constant 99 : i32
    %add3A_359 = arith.addi %mul3A_2, %add3A_358 : i32
    %dma_start3A_360 = arith.constant 0 : i32
    %dma_start3A_361 = arith.constant 0 : i32
    %dma_start3A_362 = tpu.memref_slice %arg3[%add3A_359, %dma_start3A_360, %dma_start3A_361] : memref<3200x2x100xi32, #tpu.memory_space<hbm>> -> memref<1x2x100xi32, #tpu.memory_space<hbm>>
    %dma_start3A_363 = tpu.memref_squeeze %dma_start3A_362 : memref<1x2x100xi32, #tpu.memory_space<hbm>> -> memref<2x100xi32, #tpu.memory_space<hbm>>
    %dma_start3A_364 = arith.constant 0 : i32
    %dma_start3A_365 = arith.constant 0 : i32
    %dma_start3A_366 = tpu.memref_slice %arg3[%add3A_359, %dma_start3A_364, %dma_start3A_365] : memref<3200x2x100xi32, #tpu.memory_space<hbm>> -> memref<1x2x100xi32, #tpu.memory_space<hbm>>
    %dma_start3A_367 = tpu.memref_squeeze %dma_start3A_366 : memref<1x2x100xi32, #tpu.memory_space<hbm>> -> memref<2x100xi32, #tpu.memory_space<hbm>>
    tpu.enqueue_dma source(%dma_start3A_367 : memref<2x100xi32, #tpu.memory_space<hbm>>) target(%arg6 : memref<2x100xi32, #tpu.memory_space<vmem>>) target_semaphore(%arg22 : memref<!tpu.dma_semaphore, #tpu.memory_space<semaphore_mem>>)
    %dma_wait3A_368 = arith.constant 0 : i32
    %dma_wait3A_369 = arith.constant 0 : i32
    %dma_wait3A_370 = tpu.memref_slice %arg3[%mul3A_2, %dma_wait3A_368, %dma_wait3A_369] : memref<3200x2x100xi32, #tpu.memory_space<hbm>> -> memref<1x2x100xi32, #tpu.memory_space<hbm>>
    %dma_wait3A_371 = tpu.memref_squeeze %dma_wait3A_370 : memref<1x2x100xi32, #tpu.memory_space<hbm>> -> memref<2x100xi32, #tpu.memory_space<hbm>>
    %dma_wait3A_372 = arith.constant 0 : i32
    %dma_wait3A_373 = arith.constant 0 : i32
    %dma_wait3A_374 = tpu.memref_slice %arg3[%mul3A_2, %dma_wait3A_372, %dma_wait3A_373] : memref<3200x2x100xi32, #tpu.memory_space<hbm>> -> memref<1x2x100xi32, #tpu.memory_space<hbm>>
    %dma_wait3A_375 = tpu.memref_squeeze %dma_wait3A_374 : memref<1x2x100xi32, #tpu.memory_space<hbm>> -> memref<2x100xi32, #tpu.memory_space<hbm>>
    tpu.wait_dma2 semaphore(%arg23 : memref<!tpu.dma_semaphore, #tpu.memory_space<semaphore_mem>>) src(%dma_wait3A_375 : memref<2x100xi32, #tpu.memory_space<hbm>>) dst(%arg7 : memref<2x100xi32, #tpu.memory_space<vmem>>)
    %dma_start3A_376 = arith.constant 0 : i32
    %dma_start3A_377 = arith.constant 0 : i32
    %dma_start3A_378 = tpu.memref_slice %arg7[%dma_start3A_376, %dma_start3A_377] : memref<2x100xi32, #tpu.memory_space<vmem>> -> memref<1x100xi32, #tpu.memory_space<vmem>>
    %dma_start3A_379 = tpu.memref_squeeze %dma_start3A_378 : memref<1x100xi32, #tpu.memory_space<vmem>> -> memref<100xi32, #tpu.memory_space<vmem>>
    %dma_start3A_380 = arith.constant 0 : i32
    %dma_start3A_381 = arith.constant 0 : i32
    %dma_start3A_382 = tpu.memref_slice %arg2[%dma_start3A_380, %dma_start3A_381] : memref<10000x128xf32, #tpu.memory_space<hbm>> -> memref<10000x128xf32, #tpu.memory_space<hbm>>
    tpu.enqueue_indirect_dma source(%dma_start3A_382 : memref<10000x128xf32, #tpu.memory_space<hbm>>) target(%arg12 : memref<100x128xf32, #tpu.memory_space<vmem>>) offsets(%dma_start3A_379 : memref<100xi32, #tpu.memory_space<vmem>>) semaphore(%arg16 : memref<!tpu.dma_semaphore, #tpu.memory_space<semaphore_mem>>)
    %dma_wait3A_383 = arith.constant 0 : i32
    %dma_wait3A_384 = arith.constant 0 : i32
    %dma_wait3A_385 = tpu.memref_slice %arg5[%dma_wait3A_383, %dma_wait3A_384] : memref<2x100xi32, #tpu.memory_space<vmem>> -> memref<1x100xi32, #tpu.memory_space<vmem>>
    %dma_wait3A_386 = tpu.memref_squeeze %dma_wait3A_385 : memref<1x100xi32, #tpu.memory_space<vmem>> -> memref<100xi32, #tpu.memory_space<vmem>>
    %dma_wait3A_387 = arith.constant 0 : i32
    %dma_wait3A_388 = arith.constant 0 : i32
    %dma_wait3A_389 = tpu.memref_slice %arg2[%dma_wait3A_387, %dma_wait3A_388] : memref<10000x128xf32, #tpu.memory_space<hbm>> -> memref<10000x128xf32, #tpu.memory_space<hbm>>
    tpu.wait_indirect_dma semaphore(%arg15 : memref<!tpu.dma_semaphore, #tpu.memory_space<semaphore_mem>>) src(%dma_wait3A_389 : memref<10000x128xf32, #tpu.memory_space<hbm>>) dst(%arg11 : memref<100x128xf32, #tpu.memory_space<vmem>>)
    %dma_start3A_390 = arith.constant 1 : i32
    %dma_start3A_391 = arith.constant 0 : i32
    %dma_start3A_392 = tpu.memref_slice %arg5[%dma_start3A_390, %dma_start3A_391] : memref<2x100xi32, #tpu.memory_space<vmem>> -> memref<1x100xi32, #tpu.memory_space<vmem>>
    %dma_start3A_393 = tpu.memref_squeeze %dma_start3A_392 : memref<1x100xi32, #tpu.memory_space<vmem>> -> memref<100xi32, #tpu.memory_space<vmem>>
    %dma_start3A_394 = arith.constant 0 : i32
    %dma_start3A_395 = arith.constant 0 : i32
    %dma_start3A_396 = tpu.memref_slice %arg14[%dma_start3A_394, %dma_start3A_395] : memref<10240x128xf32, #tpu.memory_space<vmem_shared>> -> memref<10240x128xf32, #tpu.memory_space<vmem_shared>>
    tpu.enqueue_indirect_dma source(%arg11 : memref<100x128xf32, #tpu.memory_space<vmem>>) target(%dma_start3A_396 : memref<10240x128xf32, #tpu.memory_space<vmem_shared>>) offsets(%dma_start3A_393 : memref<100xi32, #tpu.memory_space<vmem>>) semaphore(%arg18 : memref<!tpu.dma_semaphore, #tpu.memory_space<semaphore_mem>>) {add = true}
    %dma_wait3A_397 = arith.constant 1 : i32
    %dma_wait3A_398 = arith.constant 0 : i32
    %dma_wait3A_399 = tpu.memref_slice %arg9[%dma_wait3A_397, %dma_wait3A_398] : memref<2x100xi32, #tpu.memory_space<vmem>> -> memref<1x100xi32, #tpu.memory_space<vmem>>
    %dma_wait3A_400 = tpu.memref_squeeze %dma_wait3A_399 : memref<1x100xi32, #tpu.memory_space<vmem>> -> memref<100xi32, #tpu.memory_space<vmem>>
    %dma_wait3A_401 = arith.constant 0 : i32
    %dma_wait3A_402 = arith.constant 0 : i32
    %dma_wait3A_403 = tpu.memref_slice %arg14[%dma_wait3A_401, %dma_wait3A_402] : memref<10240x128xf32, #tpu.memory_space<vmem_shared>> -> memref<10240x128xf32, #tpu.memory_space<vmem_shared>>
    tpu.wait_indirect_dma semaphore(%arg20 : memref<!tpu.dma_semaphore, #tpu.memory_space<semaphore_mem>>) src(%arg13 : memref<100x128xf32, #tpu.memory_space<vmem>>) dst(%dma_wait3A_403 : memref<10240x128xf32, #tpu.memory_space<vmem_shared>>)
    %dma_wait3A_404 = arith.constant 0 : i32
    %dma_wait3A_405 = arith.constant 0 : i32
    %dma_wait3A_406 = tpu.memref_slice %arg3[%mul3A_2, %dma_wait3A_404, %dma_wait3A_405] : memref<3200x2x100xi32, #tpu.memory_space<hbm>> -> memref<1x2x100xi32, #tpu.memory_space<hbm>>
    %dma_wait3A_407 = tpu.memref_squeeze %dma_wait3A_406 : memref<1x2x100xi32, #tpu.memory_space<hbm>> -> memref<2x100xi32, #tpu.memory_space<hbm>>
    %dma_wait3A_408 = arith.constant 0 : i32
    %dma_wait3A_409 = arith.constant 0 : i32
    %dma_wait3A_410 = tpu.memref_slice %arg3[%mul3A_2, %dma_wait3A_408, %dma_wait3A_409] : memref<3200x2x100xi32, #tpu.memory_space<hbm>> -> memref<1x2x100xi32, #tpu.memory_space<hbm>>
    %dma_wait3A_411 = tpu.memref_squeeze %dma_wait3A_410 : memref<1x2x100xi32, #tpu.memory_space<hbm>> -> memref<2x100xi32, #tpu.memory_space<hbm>>
    tpu.wait_dma2 semaphore(%arg25 : memref<!tpu.dma_semaphore, #tpu.memory_space<semaphore_mem>>) src(%dma_wait3A_411 : memref<2x100xi32, #tpu.memory_space<hbm>>) dst(%arg9 : memref<2x100xi32, #tpu.memory_space<vmem>>)
    %dma_start3A_412 = arith.constant 0 : i32
    %dma_start3A_413 = arith.constant 0 : i32
    %dma_start3A_414 = tpu.memref_slice %arg9[%dma_start3A_412, %dma_start3A_413] : memref<2x100xi32, #tpu.memory_space<vmem>> -> memref<1x100xi32, #tpu.memory_space<vmem>>
    %dma_start3A_415 = tpu.memref_squeeze %dma_start3A_414 : memref<1x100xi32, #tpu.memory_space<vmem>> -> memref<100xi32, #tpu.memory_space<vmem>>
    %dma_start3A_416 = arith.constant 0 : i32
    %dma_start3A_417 = arith.constant 0 : i32
    %dma_start3A_418 = tpu.memref_slice %arg2[%dma_start3A_416, %dma_start3A_417] : memref<10000x128xf32, #tpu.memory_space<hbm>> -> memref<10000x128xf32, #tpu.memory_space<hbm>>
    tpu.enqueue_indirect_dma source(%dma_start3A_418 : memref<10000x128xf32, #tpu.memory_space<hbm>>) target(%arg13 : memref<100x128xf32, #tpu.memory_space<vmem>>) offsets(%dma_start3A_415 : memref<100xi32, #tpu.memory_space<vmem>>) semaphore(%arg17 : memref<!tpu.dma_semaphore, #tpu.memory_space<semaphore_mem>>)
    %dma_wait3A_419 = arith.constant 0 : i32
    %dma_wait3A_420 = arith.constant 0 : i32
    %dma_wait3A_421 = tpu.memref_slice %arg7[%dma_wait3A_419, %dma_wait3A_420] : memref<2x100xi32, #tpu.memory_space<vmem>> -> memref<1x100xi32, #tpu.memory_space<vmem>>
    %dma_wait3A_422 = tpu.memref_squeeze %dma_wait3A_421 : memref<1x100xi32, #tpu.memory_space<vmem>> -> memref<100xi32, #tpu.memory_space<vmem>>
    %dma_wait3A_423 = arith.constant 0 : i32
    %dma_wait3A_424 = arith.constant 0 : i32
    %dma_wait3A_425 = tpu.memref_slice %arg2[%dma_wait3A_423, %dma_wait3A_424] : memref<10000x128xf32, #tpu.memory_space<hbm>> -> memref<10000x128xf32, #tpu.memory_space<hbm>>
    tpu.wait_indirect_dma semaphore(%arg16 : memref<!tpu.dma_semaphore, #tpu.memory_space<semaphore_mem>>) src(%dma_wait3A_425 : memref<10000x128xf32, #tpu.memory_space<hbm>>) dst(%arg12 : memref<100x128xf32, #tpu.memory_space<vmem>>)
    %dma_start3A_426 = arith.constant 1 : i32
    %dma_start3A_427 = arith.constant 0 : i32
    %dma_start3A_428 = tpu.memref_slice %arg7[%dma_start3A_426, %dma_start3A_427] : memref<2x100xi32, #tpu.memory_space<vmem>> -> memref<1x100xi32, #tpu.memory_space<vmem>>
    %dma_start3A_429 = tpu.memref_squeeze %dma_start3A_428 : memref<1x100xi32, #tpu.memory_space<vmem>> -> memref<100xi32, #tpu.memory_space<vmem>>
    %dma_start3A_430 = arith.constant 0 : i32
    %dma_start3A_431 = arith.constant 0 : i32
    %dma_start3A_432 = tpu.memref_slice %arg14[%dma_start3A_430, %dma_start3A_431] : memref<10240x128xf32, #tpu.memory_space<vmem_shared>> -> memref<10240x128xf32, #tpu.memory_space<vmem_shared>>
    tpu.enqueue_indirect_dma source(%arg12 : memref<100x128xf32, #tpu.memory_space<vmem>>) target(%dma_start3A_432 : memref<10240x128xf32, #tpu.memory_space<vmem_shared>>) offsets(%dma_start3A_429 : memref<100xi32, #tpu.memory_space<vmem>>) semaphore(%arg19 : memref<!tpu.dma_semaphore, #tpu.memory_space<semaphore_mem>>) {add = true}
    %dma_wait3A_433 = arith.constant 1 : i32
    %dma_wait3A_434 = arith.constant 0 : i32
    %dma_wait3A_435 = tpu.memref_slice %arg5[%dma_wait3A_433, %dma_wait3A_434] : memref<2x100xi32, #tpu.memory_space<vmem>> -> memref<1x100xi32, #tpu.memory_space<vmem>>
    %dma_wait3A_436 = tpu.memref_squeeze %dma_wait3A_435 : memref<1x100xi32, #tpu.memory_space<vmem>> -> memref<100xi32, #tpu.memory_space<vmem>>
    %dma_wait3A_437 = arith.constant 0 : i32
    %dma_wait3A_438 = arith.constant 0 : i32
    %dma_wait3A_439 = tpu.memref_slice %arg14[%dma_wait3A_437, %dma_wait3A_438] : memref<10240x128xf32, #tpu.memory_space<vmem_shared>> -> memref<10240x128xf32, #tpu.memory_space<vmem_shared>>
    tpu.wait_indirect_dma semaphore(%arg18 : memref<!tpu.dma_semaphore, #tpu.memory_space<semaphore_mem>>) src(%arg11 : memref<100x128xf32, #tpu.memory_space<vmem>>) dst(%dma_wait3A_439 : memref<10240x128xf32, #tpu.memory_space<vmem_shared>>)
    %dma_wait3A_440 = arith.constant 0 : i32
    %dma_wait3A_441 = arith.constant 0 : i32
    %dma_wait3A_442 = tpu.memref_slice %arg3[%mul3A_2, %dma_wait3A_440, %dma_wait3A_441] : memref<3200x2x100xi32, #tpu.memory_space<hbm>> -> memref<1x2x100xi32, #tpu.memory_space<hbm>>
    %dma_wait3A_443 = tpu.memref_squeeze %dma_wait3A_442 : memref<1x2x100xi32, #tpu.memory_space<hbm>> -> memref<2x100xi32, #tpu.memory_space<hbm>>
    %dma_wait3A_444 = arith.constant 0 : i32
    %dma_wait3A_445 = arith.constant 0 : i32
    %dma_wait3A_446 = tpu.memref_slice %arg3[%mul3A_2, %dma_wait3A_444, %dma_wait3A_445] : memref<3200x2x100xi32, #tpu.memory_space<hbm>> -> memref<1x2x100xi32, #tpu.memory_space<hbm>>
    %dma_wait3A_447 = tpu.memref_squeeze %dma_wait3A_446 : memref<1x2x100xi32, #tpu.memory_space<hbm>> -> memref<2x100xi32, #tpu.memory_space<hbm>>
    tpu.wait_dma2 semaphore(%arg22 : memref<!tpu.dma_semaphore, #tpu.memory_space<semaphore_mem>>) src(%dma_wait3A_447 : memref<2x100xi32, #tpu.memory_space<hbm>>) dst(%arg6 : memref<2x100xi32, #tpu.memory_space<vmem>>)
    %dma_start3A_448 = arith.constant 0 : i32
    %dma_start3A_449 = arith.constant 0 : i32
    %dma_start3A_450 = tpu.memref_slice %arg6[%dma_start3A_448, %dma_start3A_449] : memref<2x100xi32, #tpu.memory_space<vmem>> -> memref<1x100xi32, #tpu.memory_space<vmem>>
    %dma_start3A_451 = tpu.memref_squeeze %dma_start3A_450 : memref<1x100xi32, #tpu.memory_space<vmem>> -> memref<100xi32, #tpu.memory_space<vmem>>
    %dma_start3A_452 = arith.constant 0 : i32
    %dma_start3A_453 = arith.constant 0 : i32
    %dma_start3A_454 = tpu.memref_slice %arg2[%dma_start3A_452, %dma_start3A_453] : memref<10000x128xf32, #tpu.memory_space<hbm>> -> memref<10000x128xf32, #tpu.memory_space<hbm>>
    tpu.enqueue_indirect_dma source(%dma_start3A_454 : memref<10000x128xf32, #tpu.memory_space<hbm>>) target(%arg11 : memref<100x128xf32, #tpu.memory_space<vmem>>) offsets(%dma_start3A_451 : memref<100xi32, #tpu.memory_space<vmem>>) semaphore(%arg15 : memref<!tpu.dma_semaphore, #tpu.memory_space<semaphore_mem>>)
    %dma_wait3A_455 = arith.constant 0 : i32
    %dma_wait3A_456 = arith.constant 0 : i32
    %dma_wait3A_457 = tpu.memref_slice %arg9[%dma_wait3A_455, %dma_wait3A_456] : memref<2x100xi32, #tpu.memory_space<vmem>> -> memref<1x100xi32, #tpu.memory_space<vmem>>
    %dma_wait3A_458 = tpu.memref_squeeze %dma_wait3A_457 : memref<1x100xi32, #tpu.memory_space<vmem>> -> memref<100xi32, #tpu.memory_space<vmem>>
    %dma_wait3A_459 = arith.constant 0 : i32
    %dma_wait3A_460 = arith.constant 0 : i32
    %dma_wait3A_461 = tpu.memref_slice %arg2[%dma_wait3A_459, %dma_wait3A_460] : memref<10000x128xf32, #tpu.memory_space<hbm>> -> memref<10000x128xf32, #tpu.memory_space<hbm>>
    tpu.wait_indirect_dma semaphore(%arg17 : memref<!tpu.dma_semaphore, #tpu.memory_space<semaphore_mem>>) src(%dma_wait3A_461 : memref<10000x128xf32, #tpu.memory_space<hbm>>) dst(%arg13 : memref<100x128xf32, #tpu.memory_space<vmem>>)
    %dma_start3A_462 = arith.constant 1 : i32
    %dma_start3A_463 = arith.constant 0 : i32
    %dma_start3A_464 = tpu.memref_slice %arg9[%dma_start3A_462, %dma_start3A_463] : memref<2x100xi32, #tpu.memory_space<vmem>> -> memref<1x100xi32, #tpu.memory_space<vmem>>
    %dma_start3A_465 = tpu.memref_squeeze %dma_start3A_464 : memref<1x100xi32, #tpu.memory_space<vmem>> -> memref<100xi32, #tpu.memory_space<vmem>>
    %dma_start3A_466 = arith.constant 0 : i32
    %dma_start3A_467 = arith.constant 0 : i32
    %dma_start3A_468 = tpu.memref_slice %arg14[%dma_start3A_466, %dma_start3A_467] : memref<10240x128xf32, #tpu.memory_space<vmem_shared>> -> memref<10240x128xf32, #tpu.memory_space<vmem_shared>>
    tpu.enqueue_indirect_dma source(%arg13 : memref<100x128xf32, #tpu.memory_space<vmem>>) target(%dma_start3A_468 : memref<10240x128xf32, #tpu.memory_space<vmem_shared>>) offsets(%dma_start3A_465 : memref<100xi32, #tpu.memory_space<vmem>>) semaphore(%arg20 : memref<!tpu.dma_semaphore, #tpu.memory_space<semaphore_mem>>) {add = true}
    %dma_wait3A_469 = arith.constant 0 : i32
    %dma_wait3A_470 = arith.constant 0 : i32
    %dma_wait3A_471 = tpu.memref_slice %arg5[%dma_wait3A_469, %dma_wait3A_470] : memref<2x100xi32, #tpu.memory_space<vmem>> -> memref<1x100xi32, #tpu.memory_space<vmem>>
    %dma_wait3A_472 = tpu.memref_squeeze %dma_wait3A_471 : memref<1x100xi32, #tpu.memory_space<vmem>> -> memref<100xi32, #tpu.memory_space<vmem>>
    %dma_wait3A_473 = arith.constant 0 : i32
    %dma_wait3A_474 = arith.constant 0 : i32
    %dma_wait3A_475 = tpu.memref_slice %arg2[%dma_wait3A_473, %dma_wait3A_474] : memref<10000x128xf32, #tpu.memory_space<hbm>> -> memref<10000x128xf32, #tpu.memory_space<hbm>>
    tpu.wait_indirect_dma semaphore(%arg15 : memref<!tpu.dma_semaphore, #tpu.memory_space<semaphore_mem>>) src(%dma_wait3A_475 : memref<10000x128xf32, #tpu.memory_space<hbm>>) dst(%arg11 : memref<100x128xf32, #tpu.memory_space<vmem>>)
    %dma_start3A_476 = arith.constant 1 : i32
    %dma_start3A_477 = arith.constant 0 : i32
    %dma_start3A_478 = tpu.memref_slice %arg6[%dma_start3A_476, %dma_start3A_477] : memref<2x100xi32, #tpu.memory_space<vmem>> -> memref<1x100xi32, #tpu.memory_space<vmem>>
    %dma_start3A_479 = tpu.memref_squeeze %dma_start3A_478 : memref<1x100xi32, #tpu.memory_space<vmem>> -> memref<100xi32, #tpu.memory_space<vmem>>
    %dma_start3A_480 = arith.constant 0 : i32
    %dma_start3A_481 = arith.constant 0 : i32
    %dma_start3A_482 = tpu.memref_slice %arg14[%dma_start3A_480, %dma_start3A_481] : memref<10240x128xf32, #tpu.memory_space<vmem_shared>> -> memref<10240x128xf32, #tpu.memory_space<vmem_shared>>
    tpu.enqueue_indirect_dma source(%arg11 : memref<100x128xf32, #tpu.memory_space<vmem>>) target(%dma_start3A_482 : memref<10240x128xf32, #tpu.memory_space<vmem_shared>>) offsets(%dma_start3A_479 : memref<100xi32, #tpu.memory_space<vmem>>) semaphore(%arg18 : memref<!tpu.dma_semaphore, #tpu.memory_space<semaphore_mem>>) {add = true}
    %dma_wait3A_483 = arith.constant 1 : i32
    %dma_wait3A_484 = arith.constant 0 : i32
    %dma_wait3A_485 = tpu.memref_slice %arg5[%dma_wait3A_483, %dma_wait3A_484] : memref<2x100xi32, #tpu.memory_space<vmem>> -> memref<1x100xi32, #tpu.memory_space<vmem>>
    %dma_wait3A_486 = tpu.memref_squeeze %dma_wait3A_485 : memref<1x100xi32, #tpu.memory_space<vmem>> -> memref<100xi32, #tpu.memory_space<vmem>>
    %dma_wait3A_487 = arith.constant 0 : i32
    %dma_wait3A_488 = arith.constant 0 : i32
    %dma_wait3A_489 = tpu.memref_slice %arg14[%dma_wait3A_487, %dma_wait3A_488] : memref<10240x128xf32, #tpu.memory_space<vmem_shared>> -> memref<10240x128xf32, #tpu.memory_space<vmem_shared>>
    tpu.wait_indirect_dma semaphore(%arg18 : memref<!tpu.dma_semaphore, #tpu.memory_space<semaphore_mem>>) src(%arg11 : memref<100x128xf32, #tpu.memory_space<vmem>>) dst(%dma_wait3A_489 : memref<10240x128xf32, #tpu.memory_space<vmem_shared>>)
    %dma_wait3A_490 = arith.constant 1 : i32
    %dma_wait3A_491 = arith.constant 0 : i32
    %dma_wait3A_492 = tpu.memref_slice %arg7[%dma_wait3A_490, %dma_wait3A_491] : memref<2x100xi32, #tpu.memory_space<vmem>> -> memref<1x100xi32, #tpu.memory_space<vmem>>
    %dma_wait3A_493 = tpu.memref_squeeze %dma_wait3A_492 : memref<1x100xi32, #tpu.memory_space<vmem>> -> memref<100xi32, #tpu.memory_space<vmem>>
    %dma_wait3A_494 = arith.constant 0 : i32
    %dma_wait3A_495 = arith.constant 0 : i32
    %dma_wait3A_496 = tpu.memref_slice %arg14[%dma_wait3A_494, %dma_wait3A_495] : memref<10240x128xf32, #tpu.memory_space<vmem_shared>> -> memref<10240x128xf32, #tpu.memory_space<vmem_shared>>
    tpu.wait_indirect_dma semaphore(%arg19 : memref<!tpu.dma_semaphore, #tpu.memory_space<semaphore_mem>>) src(%arg12 : memref<100x128xf32, #tpu.memory_space<vmem>>) dst(%dma_wait3A_496 : memref<10240x128xf32, #tpu.memory_space<vmem_shared>>)
    %dma_wait3A_497 = arith.constant 1 : i32
    %dma_wait3A_498 = arith.constant 0 : i32
    %dma_wait3A_499 = tpu.memref_slice %arg9[%dma_wait3A_497, %dma_wait3A_498] : memref<2x100xi32, #tpu.memory_space<vmem>> -> memref<1x100xi32, #tpu.memory_space<vmem>>
    %dma_wait3A_500 = tpu.memref_squeeze %dma_wait3A_499 : memref<1x100xi32, #tpu.memory_space<vmem>> -> memref<100xi32, #tpu.memory_space<vmem>>
    %dma_wait3A_501 = arith.constant 0 : i32
    %dma_wait3A_502 = arith.constant 0 : i32
    %dma_wait3A_503 = tpu.memref_slice %arg14[%dma_wait3A_501, %dma_wait3A_502] : memref<10240x128xf32, #tpu.memory_space<vmem_shared>> -> memref<10240x128xf32, #tpu.memory_space<vmem_shared>>
    tpu.wait_indirect_dma semaphore(%arg20 : memref<!tpu.dma_semaphore, #tpu.memory_space<semaphore_mem>>) src(%arg13 : memref<100x128xf32, #tpu.memory_space<vmem>>) dst(%dma_wait3A_503 : memref<10240x128xf32, #tpu.memory_space<vmem_shared>>)
    %barrier3A_504 = arith.constant 0 : index
    tpu.barrier barrier_id(%barrier3A_504)
    %mul3A_505 = arith.constant 640 : i32
    %mul3A_506 = arith.muli %arg1, %mul3A_505 : i32
    %add3A_507 = arith.constant 0 : i32
    %add3A_508 = arith.addi %mul3A_506, %add3A_507 : i32
    %mul3A_509 = arith.constant 10240 : i32
    %mul3A_510 = arith.muli %arg0, %mul3A_509 : i32
    %add3A_511 = arith.addi %mul3A_510, %add3A_508 : i32
    "tpu.region"() ({
      %run_scoped3A = tpu.sem_alloc : memref<!tpu.dma_semaphore, #tpu.memory_space<semaphore_mem>>
      %dma_start3A_540 = arith.constant 0 : i32
      %dma_start3A_541 = tpu.memref_slice %arg4[%add3A_511, %dma_start3A_540] : memref<20480x128xf32, #tpu.memory_space<hbm>> -> memref<128x128xf32, #tpu.memory_space<hbm>>
      %dma_start3A_542 = arith.constant 0 : i32
      %dma_start3A_543 = tpu.memref_slice %arg14[%add3A_508, %dma_start3A_542] : memref<10240x128xf32, #tpu.memory_space<vmem_shared>> -> memref<128x128xf32, #tpu.memory_space<vmem_shared>>
      tpu.enqueue_dma source(%dma_start3A_543 : memref<128x128xf32, #tpu.memory_space<vmem_shared>>) target(%dma_start3A_541 : memref<128x128xf32, #tpu.memory_space<hbm>>) target_semaphore(%run_scoped3A : memref<!tpu.dma_semaphore, #tpu.memory_space<semaphore_mem>>)
      %dma_wait3A_544 = arith.constant 0 : i32
      %dma_wait3A_545 = tpu.memref_slice %arg4[%add3A_511, %dma_wait3A_544] : memref<20480x128xf32, #tpu.memory_space<hbm>> -> memref<128x128xf32, #tpu.memory_space<hbm>>
      %dma_wait3A_546 = arith.constant 0 : i32
      %dma_wait3A_547 = tpu.memref_slice %arg14[%add3A_508, %dma_wait3A_546] : memref<10240x128xf32, #tpu.memory_space<vmem_shared>> -> memref<128x128xf32, #tpu.memory_space<vmem_shared>>
      tpu.wait_dma2 semaphore(%run_scoped3A : memref<!tpu.dma_semaphore, #tpu.memory_space<semaphore_mem>>) src(%dma_wait3A_547 : memref<128x128xf32, #tpu.memory_space<vmem_shared>>) dst(%dma_wait3A_545 : memref<128x128xf32, #tpu.memory_space<hbm>>)
      tpu.yield
    }) : () -> ()
    %mul3A_512 = arith.constant 640 : i32
    %mul3A_513 = arith.muli %arg1, %mul3A_512 : i32
    %add3A_514 = arith.constant 128 : i32
    %add3A_515 = arith.addi %mul3A_513, %add3A_514 : i32
    %mul3A_516 = arith.constant 10240 : i32
    %mul3A_517 = arith.muli %arg0, %mul3A_516 : i32
    %add3A_518 = arith.addi %mul3A_517, %add3A_515 : i32
    "tpu.region"() ({
      %run_scoped3A = tpu.sem_alloc : memref<!tpu.dma_semaphore, #tpu.memory_space<semaphore_mem>>
      %dma_start3A_540 = arith.constant 0 : i32
      %dma_start3A_541 = tpu.memref_slice %arg4[%add3A_518, %dma_start3A_540] : memref<20480x128xf32, #tpu.memory_space<hbm>> -> memref<128x128xf32, #tpu.memory_space<hbm>>
      %dma_start3A_542 = arith.constant 0 : i32
      %dma_start3A_543 = tpu.memref_slice %arg14[%add3A_515, %dma_start3A_542] : memref<10240x128xf32, #tpu.memory_space<vmem_shared>> -> memref<128x128xf32, #tpu.memory_space<vmem_shared>>
      tpu.enqueue_dma source(%dma_start3A_543 : memref<128x128xf32, #tpu.memory_space<vmem_shared>>) target(%dma_start3A_541 : memref<128x128xf32, #tpu.memory_space<hbm>>) target_semaphore(%run_scoped3A : memref<!tpu.dma_semaphore, #tpu.memory_space<semaphore_mem>>)
      %dma_wait3A_544 = arith.constant 0 : i32
      %dma_wait3A_545 = tpu.memref_slice %arg4[%add3A_518, %dma_wait3A_544] : memref<20480x128xf32, #tpu.memory_space<hbm>> -> memref<128x128xf32, #tpu.memory_space<hbm>>
      %dma_wait3A_546 = arith.constant 0 : i32
      %dma_wait3A_547 = tpu.memref_slice %arg14[%add3A_515, %dma_wait3A_546] : memref<10240x128xf32, #tpu.memory_space<vmem_shared>> -> memref<128x128xf32, #tpu.memory_space<vmem_shared>>
      tpu.wait_dma2 semaphore(%run_scoped3A : memref<!tpu.dma_semaphore, #tpu.memory_space<semaphore_mem>>) src(%dma_wait3A_547 : memref<128x128xf32, #tpu.memory_space<vmem_shared>>) dst(%dma_wait3A_545 : memref<128x128xf32, #tpu.memory_space<hbm>>)
      tpu.yield
    }) : () -> ()
    %mul3A_519 = arith.constant 640 : i32
    %mul3A_520 = arith.muli %arg1, %mul3A_519 : i32
    %add3A_521 = arith.constant 256 : i32
    %add3A_522 = arith.addi %mul3A_520, %add3A_521 : i32
    %mul3A_523 = arith.constant 10240 : i32
    %mul3A_524 = arith.muli %arg0, %mul3A_523 : i32
    %add3A_525 = arith.addi %mul3A_524, %add3A_522 : i32
    "tpu.region"() ({
      %run_scoped3A = tpu.sem_alloc : memref<!tpu.dma_semaphore, #tpu.memory_space<semaphore_mem>>
      %dma_start3A_540 = arith.constant 0 : i32
      %dma_start3A_541 = tpu.memref_slice %arg4[%add3A_525, %dma_start3A_540] : memref<20480x128xf32, #tpu.memory_space<hbm>> -> memref<128x128xf32, #tpu.memory_space<hbm>>
      %dma_start3A_542 = arith.constant 0 : i32
      %dma_start3A_543 = tpu.memref_slice %arg14[%add3A_522, %dma_start3A_542] : memref<10240x128xf32, #tpu.memory_space<vmem_shared>> -> memref<128x128xf32, #tpu.memory_space<vmem_shared>>
      tpu.enqueue_dma source(%dma_start3A_543 : memref<128x128xf32, #tpu.memory_space<vmem_shared>>) target(%dma_start3A_541 : memref<128x128xf32, #tpu.memory_space<hbm>>) target_semaphore(%run_scoped3A : memref<!tpu.dma_semaphore, #tpu.memory_space<semaphore_mem>>)
      %dma_wait3A_544 = arith.constant 0 : i32
      %dma_wait3A_545 = tpu.memref_slice %arg4[%add3A_525, %dma_wait3A_544] : memref<20480x128xf32, #tpu.memory_space<hbm>> -> memref<128x128xf32, #tpu.memory_space<hbm>>
      %dma_wait3A_546 = arith.constant 0 : i32
      %dma_wait3A_547 = tpu.memref_slice %arg14[%add3A_522, %dma_wait3A_546] : memref<10240x128xf32, #tpu.memory_space<vmem_shared>> -> memref<128x128xf32, #tpu.memory_space<vmem_shared>>
      tpu.wait_dma2 semaphore(%run_scoped3A : memref<!tpu.dma_semaphore, #tpu.memory_space<semaphore_mem>>) src(%dma_wait3A_547 : memref<128x128xf32, #tpu.memory_space<vmem_shared>>) dst(%dma_wait3A_545 : memref<128x128xf32, #tpu.memory_space<hbm>>)
      tpu.yield
    }) : () -> ()
    %mul3A_526 = arith.constant 640 : i32
    %mul3A_527 = arith.muli %arg1, %mul3A_526 : i32
    %add3A_528 = arith.constant 384 : i32
    %add3A_529 = arith.addi %mul3A_527, %add3A_528 : i32
    %mul3A_530 = arith.constant 10240 : i32
    %mul3A_531 = arith.muli %arg0, %mul3A_530 : i32
    %add3A_532 = arith.addi %mul3A_531, %add3A_529 : i32
    "tpu.region"() ({
      %run_scoped3A = tpu.sem_alloc : memref<!tpu.dma_semaphore, #tpu.memory_space<semaphore_mem>>
      %dma_start3A_540 = arith.constant 0 : i32
      %dma_start3A_541 = tpu.memref_slice %arg4[%add3A_532, %dma_start3A_540] : memref<20480x128xf32, #tpu.memory_space<hbm>> -> memref<128x128xf32, #tpu.memory_space<hbm>>
      %dma_start3A_542 = arith.constant 0 : i32
      %dma_start3A_543 = tpu.memref_slice %arg14[%add3A_529, %dma_start3A_542] : memref<10240x128xf32, #tpu.memory_space<vmem_shared>> -> memref<128x128xf32, #tpu.memory_space<vmem_shared>>
      tpu.enqueue_dma source(%dma_start3A_543 : memref<128x128xf32, #tpu.memory_space<vmem_shared>>) target(%dma_start3A_541 : memref<128x128xf32, #tpu.memory_space<hbm>>) target_semaphore(%run_scoped3A : memref<!tpu.dma_semaphore, #tpu.memory_space<semaphore_mem>>)
      %dma_wait3A_544 = arith.constant 0 : i32
      %dma_wait3A_545 = tpu.memref_slice %arg4[%add3A_532, %dma_wait3A_544] : memref<20480x128xf32, #tpu.memory_space<hbm>> -> memref<128x128xf32, #tpu.memory_space<hbm>>
      %dma_wait3A_546 = arith.constant 0 : i32
      %dma_wait3A_547 = tpu.memref_slice %arg14[%add3A_529, %dma_wait3A_546] : memref<10240x128xf32, #tpu.memory_space<vmem_shared>> -> memref<128x128xf32, #tpu.memory_space<vmem_shared>>
      tpu.wait_dma2 semaphore(%run_scoped3A : memref<!tpu.dma_semaphore, #tpu.memory_space<semaphore_mem>>) src(%dma_wait3A_547 : memref<128x128xf32, #tpu.memory_space<vmem_shared>>) dst(%dma_wait3A_545 : memref<128x128xf32, #tpu.memory_space<hbm>>)
      tpu.yield
    }) : () -> ()
    %mul3A_533 = arith.constant 640 : i32
    %mul3A_534 = arith.muli %arg1, %mul3A_533 : i32
    %add3A_535 = arith.constant 512 : i32
    %add3A_536 = arith.addi %mul3A_534, %add3A_535 : i32
    %mul3A_537 = arith.constant 10240 : i32
    %mul3A_538 = arith.muli %arg0, %mul3A_537 : i32
    %add3A_539 = arith.addi %mul3A_538, %add3A_536 : i32
    "tpu.region"() ({
      %run_scoped3A = tpu.sem_alloc : memref<!tpu.dma_semaphore, #tpu.memory_space<semaphore_mem>>
      %dma_start3A_540 = arith.constant 0 : i32
      %dma_start3A_541 = tpu.memref_slice %arg4[%add3A_539, %dma_start3A_540] : memref<20480x128xf32, #tpu.memory_space<hbm>> -> memref<128x128xf32, #tpu.memory_space<hbm>>
      %dma_start3A_542 = arith.constant 0 : i32
      %dma_start3A_543 = tpu.memref_slice %arg14[%add3A_536, %dma_start3A_542] : memref<10240x128xf32, #tpu.memory_space<vmem_shared>> -> memref<128x128xf32, #tpu.memory_space<vmem_shared>>
      tpu.enqueue_dma source(%dma_start3A_543 : memref<128x128xf32, #tpu.memory_space<vmem_shared>>) target(%dma_start3A_541 : memref<128x128xf32, #tpu.memory_space<hbm>>) target_semaphore(%run_scoped3A : memref<!tpu.dma_semaphore, #tpu.memory_space<semaphore_mem>>)
      %dma_wait3A_544 = arith.constant 0 : i32
      %dma_wait3A_545 = tpu.memref_slice %arg4[%add3A_539, %dma_wait3A_544] : memref<20480x128xf32, #tpu.memory_space<hbm>> -> memref<128x128xf32, #tpu.memory_space<hbm>>
      %dma_wait3A_546 = arith.constant 0 : i32
      %dma_wait3A_547 = tpu.memref_slice %arg14[%add3A_536, %dma_wait3A_546] : memref<10240x128xf32, #tpu.memory_space<vmem_shared>> -> memref<128x128xf32, #tpu.memory_space<vmem_shared>>
      tpu.wait_dma2 semaphore(%run_scoped3A : memref<!tpu.dma_semaphore, #tpu.memory_space<semaphore_mem>>) src(%dma_wait3A_547 : memref<128x128xf32, #tpu.memory_space<vmem_shared>>) dst(%dma_wait3A_545 : memref<128x128xf32, #tpu.memory_space<hbm>>)
      tpu.yield
    }) : () -> ()
    return
  }
}

module attributes {stable_mosaic.version = 14 : i64} {
  func.func @_tc_layer_body(%arg0: memref<20480x128xf32, #tpu.memory_space<vmem>>, %arg1: memref<128x128xf32, #tpu.memory_space<vmem>>, %arg2: memref<1x128xf32, #tpu.memory_space<vmem>>, %arg3: memref<1x128xf32, #tpu.memory_space<vmem>>, %arg4: memref<1x128xf32, #tpu.memory_space<vmem>>, %arg5: memref<10000x128xf32, #tpu.memory_space<vmem>>) attributes {dimension_semantics = [], scalar_prefetch = 0 : i64, scratch_operands = 0 : i64, tpu.core_type = #tpu.core_type<tc>} {
    %get3A = arith.constant 0 : index
    %get3A_0 = arith.constant 0 : index
    %get3A_1 = vector.load %arg0[%get3A, %get3A_0] : memref<20480x128xf32, #tpu.memory_space<vmem>>, vector<10000x128xf32>
    %get3A_2 = arith.constant 10240 : index
    %get3A_3 = arith.constant 0 : index
    %get3A_4 = vector.load %arg0[%get3A_2, %get3A_3] : memref<20480x128xf32, #tpu.memory_space<vmem>>, vector<10000x128xf32>
    %add3A = arith.addf %get3A_1, %get3A_4 : vector<10000x128xf32>
    %get3A_5 = arith.constant 0 : index
    %get3A_6 = arith.constant 0 : index
    %get3A_7 = vector.load %arg1[%get3A_5, %get3A_6] : memref<128x128xf32, #tpu.memory_space<vmem>>, vector<128x128xf32>
    %dot_general3A = arith.constant dense<0.000000e+00> : vector<10000x128xf32>
    %dot_general3A_8 = tpu.matmul %add3A, %get3A_7, %dot_general3A {dimension_numbers = #tpu.dot_dimension_numbers<[1], [0], [0], [1], [0, 0, 1, 1], [], []>, precision = #tpu.contract_precision<fp32>, transpose_lhs_hint = false} : vector<10000x128xf32>, vector<128x128xf32>, vector<10000x128xf32> -> vector<10000x128xf32>
    %get3A_9 = arith.constant 0 : index
    %get3A_10 = arith.constant 0 : index
    %get3A_11 = vector.load %arg2[%get3A_9, %get3A_10] : memref<1x128xf32, #tpu.memory_space<vmem>>, vector<1x128xf32>
    %add3A_12 = vector.broadcast %get3A_11 : vector<1x128xf32> to vector<10000x128xf32>
    %add3A_13 = arith.addf %dot_general3A_8, %add3A_12 : vector<10000x128xf32>
    %reduce_sum3A = arith.constant dense<0.000000e+00> : vector<128xf32>
    %reduce_sum3A_14 = vector.multi_reduction <add>, %add3A_13, %reduce_sum3A [0] : vector<10000x128xf32> to vector<128xf32>
    %broadcast_in_dim3A = vector.shape_cast %reduce_sum3A_14 : vector<128xf32> to vector<1x128xf32>
    %div3A = arith.constant 1.000000e+04 : f32
    %div3A_15 = vector.broadcast %div3A : f32 to vector<1x128xf32>
    %div3A_16 = arith.divf %broadcast_in_dim3A, %div3A_15 : vector<1x128xf32>
    %sub3A = vector.broadcast %div3A_16 : vector<1x128xf32> to vector<10000x128xf32>
    %sub3A_17 = arith.subf %add3A_13, %sub3A : vector<10000x128xf32>
    %mul3A = arith.mulf %sub3A_17, %sub3A_17 : vector<10000x128xf32>
    %reduce_sum3A_18 = arith.constant dense<0.000000e+00> : vector<128xf32>
    %reduce_sum3A_19 = vector.multi_reduction <add>, %mul3A, %reduce_sum3A_18 [0] : vector<10000x128xf32> to vector<128xf32>
    %broadcast_in_dim3A_20 = vector.shape_cast %reduce_sum3A_19 : vector<128xf32> to vector<1x128xf32>
    %div3A_21 = arith.constant 1.000000e+04 : f32
    %div3A_22 = vector.broadcast %div3A_21 : f32 to vector<1x128xf32>
    %div3A_23 = arith.divf %broadcast_in_dim3A_20, %div3A_22 : vector<1x128xf32>
    %add3A_24 = arith.constant 9.99999974E-6 : f32
    %add3A_25 = vector.broadcast %add3A_24 : f32 to vector<1x128xf32>
    %add3A_26 = arith.addf %div3A_23, %add3A_25 : vector<1x128xf32>
    %rsqrt3A = math.rsqrt %add3A_26 : vector<1x128xf32>
    %mul3A_27 = vector.broadcast %rsqrt3A : vector<1x128xf32> to vector<10000x128xf32>
    %mul3A_28 = arith.mulf %sub3A_17, %mul3A_27 : vector<10000x128xf32>
    %get3A_29 = arith.constant 0 : index
    %get3A_30 = arith.constant 0 : index
    %get3A_31 = vector.load %arg3[%get3A_29, %get3A_30] : memref<1x128xf32, #tpu.memory_space<vmem>>, vector<1x128xf32>
    %mul3A_32 = vector.broadcast %get3A_31 : vector<1x128xf32> to vector<10000x128xf32>
    %mul3A_33 = arith.mulf %mul3A_28, %mul3A_32 : vector<10000x128xf32>
    %get3A_34 = arith.constant 0 : index
    %get3A_35 = arith.constant 0 : index
    %get3A_36 = vector.load %arg4[%get3A_34, %get3A_35] : memref<1x128xf32, #tpu.memory_space<vmem>>, vector<1x128xf32>
    %add3A_37 = vector.broadcast %get3A_36 : vector<1x128xf32> to vector<10000x128xf32>
    %add3A_38 = arith.addf %mul3A_33, %add3A_37 : vector<10000x128xf32>
    %max3A = arith.constant 0.000000e+00 : f32
    %max3A_39 = vector.broadcast %max3A : f32 to vector<10000x128xf32>
    %max3A_40 = arith.maximumf %add3A_38, %max3A_39 : vector<10000x128xf32>
    %swap3A = arith.constant 0 : index
    %swap3A_41 = arith.constant 0 : index
    %swap3A_42 = vector.load %arg5[%swap3A, %swap3A_41] : memref<10000x128xf32, #tpu.memory_space<vmem>>, vector<10000x128xf32>
    tpu.vector_store %arg5[%swap3A, %swap3A_41], %max3A_40 {strides = array<i32>} : memref<10000x128xf32, #tpu.memory_space<vmem>>, vector<10000x128xf32>,
    return
  }
}

module attributes {stable_mosaic.version = 14 : i64} {
  func.func @_tc_layer_body(%arg0: memref<20480x128xf32, #tpu.memory_space<vmem>>, %arg1: memref<128x128xf32, #tpu.memory_space<vmem>>, %arg2: memref<1x128xf32, #tpu.memory_space<vmem>>, %arg3: memref<1x128xf32, #tpu.memory_space<vmem>>, %arg4: memref<1x128xf32, #tpu.memory_space<vmem>>, %arg5: memref<10000x128xf32, #tpu.memory_space<vmem>>) attributes {dimension_semantics = [], scalar_prefetch = 0 : i64, scratch_operands = 0 : i64, tpu.core_type = #tpu.core_type<tc>} {
    %get3A = arith.constant 0 : index
    %get3A_0 = arith.constant 0 : index
    %get3A_1 = vector.load %arg0[%get3A, %get3A_0] : memref<20480x128xf32, #tpu.memory_space<vmem>>, vector<10000x128xf32>
    %get3A_2 = arith.constant 10240 : index
    %get3A_3 = arith.constant 0 : index
    %get3A_4 = vector.load %arg0[%get3A_2, %get3A_3] : memref<20480x128xf32, #tpu.memory_space<vmem>>, vector<10000x128xf32>
    %add3A = arith.addf %get3A_1, %get3A_4 : vector<10000x128xf32>
    %get3A_5 = arith.constant 0 : index
    %get3A_6 = arith.constant 0 : index
    %get3A_7 = vector.load %arg1[%get3A_5, %get3A_6] : memref<128x128xf32, #tpu.memory_space<vmem>>, vector<128x128xf32>
    %dot_general3A = arith.constant dense<0.000000e+00> : vector<10000x128xf32>
    %dot_general3A_8 = tpu.matmul %add3A, %get3A_7, %dot_general3A {dimension_numbers = #tpu.dot_dimension_numbers<[1], [0], [0], [1], [0, 0, 1, 1], [], []>, precision = #tpu.contract_precision<fp32>, transpose_lhs_hint = false} : vector<10000x128xf32>, vector<128x128xf32>, vector<10000x128xf32> -> vector<10000x128xf32>
    %get3A_9 = arith.constant 0 : index
    %get3A_10 = arith.constant 0 : index
    %get3A_11 = vector.load %arg2[%get3A_9, %get3A_10] : memref<1x128xf32, #tpu.memory_space<vmem>>, vector<1x128xf32>
    %add3A_12 = vector.broadcast %get3A_11 : vector<1x128xf32> to vector<10000x128xf32>
    %add3A_13 = arith.addf %dot_general3A_8, %add3A_12 : vector<10000x128xf32>
    %reduce_sum3A = arith.constant dense<0.000000e+00> : vector<128xf32>
    %reduce_sum3A_14 = vector.multi_reduction <add>, %add3A_13, %reduce_sum3A [0] : vector<10000x128xf32> to vector<128xf32>
    %broadcast_in_dim3A = vector.shape_cast %reduce_sum3A_14 : vector<128xf32> to vector<1x128xf32>
    %div3A = arith.constant 1.000000e+04 : f32
    %div3A_15 = vector.broadcast %div3A : f32 to vector<1x128xf32>
    %div3A_16 = arith.divf %broadcast_in_dim3A, %div3A_15 : vector<1x128xf32>
    %sub3A = vector.broadcast %div3A_16 : vector<1x128xf32> to vector<10000x128xf32>
    %sub3A_17 = arith.subf %add3A_13, %sub3A : vector<10000x128xf32>
    %mul3A = arith.mulf %sub3A_17, %sub3A_17 : vector<10000x128xf32>
    %reduce_sum3A_18 = arith.constant dense<0.000000e+00> : vector<128xf32>
    %reduce_sum3A_19 = vector.multi_reduction <add>, %mul3A, %reduce_sum3A_18 [0] : vector<10000x128xf32> to vector<128xf32>
    %broadcast_in_dim3A_20 = vector.shape_cast %reduce_sum3A_19 : vector<128xf32> to vector<1x128xf32>
    %div3A_21 = arith.constant 1.000000e+04 : f32
    %div3A_22 = vector.broadcast %div3A_21 : f32 to vector<1x128xf32>
    %div3A_23 = arith.divf %broadcast_in_dim3A_20, %div3A_22 : vector<1x128xf32>
    %add3A_24 = arith.constant 9.99999974E-6 : f32
    %add3A_25 = vector.broadcast %add3A_24 : f32 to vector<1x128xf32>
    %add3A_26 = arith.addf %div3A_23, %add3A_25 : vector<1x128xf32>
    %rsqrt3A = math.rsqrt %add3A_26 : vector<1x128xf32>
    %mul3A_27 = vector.broadcast %rsqrt3A : vector<1x128xf32> to vector<10000x128xf32>
    %mul3A_28 = arith.mulf %sub3A_17, %mul3A_27 : vector<10000x128xf32>
    %get3A_29 = arith.constant 0 : index
    %get3A_30 = arith.constant 0 : index
    %get3A_31 = vector.load %arg3[%get3A_29, %get3A_30] : memref<1x128xf32, #tpu.memory_space<vmem>>, vector<1x128xf32>
    %mul3A_32 = vector.broadcast %get3A_31 : vector<1x128xf32> to vector<10000x128xf32>
    %mul3A_33 = arith.mulf %mul3A_28, %mul3A_32 : vector<10000x128xf32>
    %get3A_34 = arith.constant 0 : index
    %get3A_35 = arith.constant 0 : index
    %get3A_36 = vector.load %arg4[%get3A_34, %get3A_35] : memref<1x128xf32, #tpu.memory_space<vmem>>, vector<1x128xf32>
    %add3A_37 = vector.broadcast %get3A_36 : vector<1x128xf32> to vector<10000x128xf32>
    %add3A_38 = arith.addf %mul3A_33, %add3A_37 : vector<10000x128xf32>
    %max3A = arith.constant 0.000000e+00 : f32
    %max3A_39 = vector.broadcast %max3A : f32 to vector<10000x128xf32>
    %max3A_40 = arith.maximumf %add3A_38, %max3A_39 : vector<10000x128xf32>
    %swap3A = arith.constant 0 : index
    %swap3A_41 = arith.constant 0 : index
    %swap3A_42 = vector.load %arg5[%swap3A, %swap3A_41] : memref<10000x128xf32, #tpu.memory_space<vmem>>, vector<10000x128xf32>
    tpu.vector_store %arg5[%swap3A, %swap3A_41], %max3A_40 {strides = array<i32>} : memref<10000x128xf32, #tpu.memory_space<vmem>>, vector<10000x128xf32>,
    return
  }
}

</mosaic_0001>

<sc_bundles>
// kernel: kernel.6.cloned.1.call-start
scs
__scs_entry_jumppad:
0x0: {  	(pc) =	sbr.rel $0x88, $3  }
0x1: {  	(tag) =	ssettag $0x0;
	lr =	simm.s32 $0x1  }
0x2: {  	[smem:$0x3F97] =	sst lr;
	_ =	strace $0xD0000000  }
0x3: {  	_ = 	snop  }
0x4: {  	_ = 	snop  }
0x5: {  	_ = 	snop  }
0x6: {  	_ = 	snop  }
0x7: {  	_ = 	snop  }
__scs_overlays_trampoline_lowered:
0x8: {  	[smem:$0x3FA6] =	sst s0  }
0x9: {  	[smem:$0x3FA7] =	sst s1  }
0xa: {  	[smem:$0x3FA8] =	sst s2  }
0xb: {  	[smem:$0x3FA9] =	sst s3  }
0xc: {  	[smem:$0x3FAA] =	sst s4  }
0xd: {  	[smem:$0x3FAB] =	sst s5  }
0xe: {  	[smem:$0x3FAC] =	sst s6  }
0xf: {  	[smem:$0x3FAD] =	sst s7  }
0x10: {  	[smem:$0x3FAE] =	sst s8  }
0x11: {  	[smem:$0x3FAF] =	sst s9;
	s0 =	simm.s32 @!p0 $0x0  }
0x12: {  	s1 =	sld [smem:$0x3F95];
	s0 =	simm.s32 @p0 $0x1  }
0x13: {  	[smem:$0x3FB0] =	sst s0;
	s0 =	simm.s32 @!p1 $0x0  }
0x14: {  	s2 =	sld [smem:$0x3F94];
	s0 =	simm.s32 @p1 $0x1  }
0x15: {  	[smem:$0x3FB1] =	sst s0;
	s0 =	simm.s32 @!p2 $0x0  }
0x16: {  	s3 =	sld [smem:$0x3FDB];
	s0 =	simm.s32 @p2 $0x1  }
0x17: {  	s4 =	simm.s32 $0x1BF5;
	[smem:$0x3FB3] =	sst s0  }
0x18: {  	s0 =	sld [smem:$0x3F96];
	_ =	swait.ge [sflag:s4], $0x0  }
0x19: {  	s7 =	sld [smem:$0x3F97]  }
0x1a: {  	s8 =	sadd.s32 $0xFFFFE003, lr  }
0x1b: {  	s9 =	sadd.s32 $0xFFFFFEF7, lr;
	s5 =	simm.s32 $0xFFFFFFFF;
	p2 =	slt.u32 s8, $0xFFFFF086  }
0x1c: {  	p1 =	slt.u32 s9, $0xF7A;
	s5 =	simm.s32 @!p2 $0x0  }
0x1d: {  	s5 =	simm.s32 @p1 $0x1;
	p0 =	seq.s32 s7, s2  }
0x1e: {  	s7 =	smul.u32 @!p0 $0xF7A, s2;
	p2 =	seq.s32 @!p0 s5, $0x0  }
0x1f: {  	s9 =	smul.u32 $0xF7A, s1;
	s8 =	simm.s32 @!p0 $0x1BF5;
	p2 =	por !p2, p0  }
0x20: {  	[sflag:s8] =	ssyncset.s32 @!p0 $0xFFFFF086;
	s6 =	sadd.s32 @!p0 s3, s7;
	s7 =	simm.s32 @!p0 $0x108  }
0x21: {  	s3 =	sadd.s32 s3, s9;
	s6 =	sadd.s32 @!p0 $0x88, s6;
	s7 =	simm.s32 @p2 $0x1082  }
0x22: {  	[simem:s7], [sflag:s8] =	dma.local @!p0 [hbm:s6], $0xF7A  }
0x23: {  	s9 =	sor.u32 $0xD0000000, s2;
	s6 =	simm.s32 $0x108;
	_ =	swait.ge @!p0 [sflag:s8], $0x0  }
0x24: {  	s3 =	sadd.s32 $0x88, s3;
	s6 =	simm.s32 @!p1 $0x1082;
	[sflag:s4] =	ssyncset.s32 $0xFFFFF086  }
0x25: {  	[simem:s6], [sflag:s4] =	dma.local [hbm:s3], $0xF7A  }
0x26: {  	[smem:$0x3F97] =	sst s1;
	(tag) =	ssettag s2;
	_ =	strace s9  }
0x27: {  	s1 =	sld [smem:$0x3FA7]  }
0x28: {  	s2 =	sld [smem:$0x3FA8]  }
0x29: {  	s4 =	sld [smem:$0x3FAA]  }
0x2a: {  	p0 =	seq.s32 s5, $0x0;
	s5 =	sld [smem:$0x3FAB]  }
0x2b: {  	s6 =	sld [smem:$0x3FAC]  }
0x2c: {  	s7 =	sld [smem:$0x3FAD]  }
0x2d: {  	s3 =	simm.s32 $0x108;
	s8 =	sld [smem:$0x3FAE]  }
0x2e: {  	s3 =	simm.s32 @!p0 $0x1082;
	s9 =	sld [smem:$0x3FAF]  }
0x2f: {  	lr =	sadd.s32 s0, s3;
	s0 =	sld [smem:$0x3FA6]  }
0x30: {  	s3 =	sld [smem:$0x3FA9]  }
0x31: {  	[smem:$0x3FB2] =	sst s10  }
0x32: {  	s10 =	sld [smem:$0x3FB0];
	_ =	sdelay $0x3  }
0x33: {  	p0 =	seq.s32 s10, $0x1;
	s10 =	sld [smem:$0x3FB2];
	_ =	sdelay $0x3  }
0x34: {  	[smem:$0x3FB2] =	sst s10  }
0x35: {  	s10 =	sld [smem:$0x3FB1];
	_ =	sdelay $0x3  }
0x36: {  	p1 =	seq.s32 s10, $0x1;
	s10 =	sld [smem:$0x3FB2];
	_ =	sdelay $0x3  }
0x37: {  	[smem:$0x3FB2] =	sst s10  }
0x38: {  	s10 =	sld [smem:$0x3FB3]  }
0x39: {  	_ = 	snop;
	(pc) =	sbr.ind lr, $3  }
0x3a: {  	_ = 	snop  }
0x3b: {  	_ = 	snop  }
0x3c: {  	p2 =	seq.s32 s10, $0x1;
	s10 =	sld [smem:$0x3FB2]  }
0x3d: {  	_ =	shalt  }
0x3e: {  	_ =	shalt  }
0x3f: {  	_ =	shalt  }
0x40: {  	_ =	shalt  }
0x41: {  	_ =	shalt  }
0x42: {  	_ =	shalt  }
0x43: {  	_ =	shalt  }
0x44: {  	_ =	shalt  }
0x45: {  	_ =	shalt  }
0x46: {  	_ =	shalt  }
0x47: {  	_ =	shalt  }
0x48: {  	_ =	shalt  }
0x49: {  	_ =	shalt  }
0x4a: {  	_ =	shalt  }
0x4b: {  	_ =	shalt  }
0x4c: {  	_ =	shalt  }
0x4d: {  	_ =	shalt  }
0x4e: {  	_ =	shalt  }
0x4f: {  	_ =	shalt  }
0x50: {  	_ =	shalt  }
0x51: {  	_ =	shalt  }
0x52: {  	_ =	shalt  }
0x53: {  	_ =	shalt  }
0x54: {  	_ =	shalt  }
0x55: {  	_ =	shalt  }
0x56: {  	_ =	shalt  }
0x57: {  	_ =	shalt  }
0x58: {  	_ =	shalt  }
0x59: {  	_ =	shalt  }
0x5a: {  	_ =	shalt  }
0x5b: {  	_ =	shalt  }
0x5c: {  	_ =	shalt  }
0x5d: {  	_ =	shalt  }
0x5e: {  	_ =	shalt  }
0x5f: {  	_ =	shalt  }
0x60: {  	_ =	shalt  }
0x61: {  	_ =	shalt  }
0x62: {  	_ =	shalt  }
0x63: {  	_ =	shalt  }
0x64: {  	_ =	shalt  }
0x65: {  	_ =	shalt  }
0x66: {  	_ =	shalt  }
0x67: {  	_ =	shalt  }
0x68: {  	_ =	shalt  }
0x69: {  	_ =	shalt  }
0x6a: {  	_ =	shalt  }
0x6b: {  	_ =	shalt  }
0x6c: {  	_ =	shalt  }
0x6d: {  	_ =	shalt  }
0x6e: {  	_ =	shalt  }
0x6f: {  	_ =	shalt  }
0x70: {  	_ =	shalt  }
0x71: {  	_ =	shalt  }
0x72: {  	_ =	shalt  }
0x73: {  	_ =	shalt  }
0x74: {  	_ =	shalt  }
0x75: {  	_ =	shalt  }
0x76: {  	_ =	shalt  }
0x77: {  	_ =	shalt  }
0x78: {  	_ =	shalt  }
0x79: {  	_ =	shalt  }
0x7a: {  	_ =	shalt  }
0x7b: {  	_ =	shalt  }
0x7c: {  	_ =	shalt  }
0x7d: {  	_ =	shalt  }
0x7e: {  	_ =	shalt  }
0x7f: {  	_ =	shalt  }
0x80: {  	_ =	shalt  }
0x81: {  	_ =	shalt  }
0x82: {  	_ =	shalt  }
0x83: {  	_ =	shalt  }
0x84: {  	_ =	shalt  }
0x85: {  	_ =	shalt  }
0x86: {  	_ =	shalt  }
0x87: {  	_ =	shalt  }
.Lfunc_end0:
.L_simem_size_0:
called_computation_lowered:
.L_overlay_start_0:
0x88: {  	s2 =	sld [smem:$0x3FD9]  }
0x89: {  	s3 =	sld [smem:$0x3FFE];
	_ =	sdelay $0x1  }
0x8a: {  	s1 =	srdreg.scid  }
0x8b: {  	s0 =	sand.u32 $0x1, s1  }
0x8c: {  	s17 =	sshll.u32 s0, $0xA;
	s2 =	sadd.s32 s3, s2  }
0x8d: {  	s2 =	sadd.s32 s2, s17  }
0x8e: {  	[smem:$0x3FBE] =	sst s2  }
0x8f: {  	_ = 	snop  }
0x90: {  	s2 =	sld [smem:$0x3FC9];
	(tm) =	ssettm $0x1  }
0x91: {  	s18 =	sld [smem:$0x3FFB];
	_ =	sdelay $0x3  }
0x92: {  	_ =	strace s18  }
0x93: {  	s3 =	sld [smem:$0x3FFC];
	_ =	sdelay $0x3  }
0x94: {  	_ =	strace s3  }
0x95: {  	s3 =	sld [smem:$0x3FFD];
	_ =	sdelay $0x3  }
0x96: {  	_ =	strace s3  }
0x97: {  	_ =	strace $0x8FFFFFFF  }
0x98: {  	s19 =	sld [smem:$0x3FDB];
	_ =	sdelay $0x1  }
0x99: {  	s4 =	simm.s32 $_scs_section_size  }
0x9a: {  	s5 =	simm.s32 $_size__tile_overlayer_lowered;
	s6 =	simm.s32 $_tile_overlayer_lowered  }
0x9b: {  	s22 =	simm.s32 $0x1BFF;
	s21 =	sshll.u32 s6, $0x1;
	s3 =	sadd.s32 s4, s19  }
0x9c: {  	s7 =	simm.s32 $0x0;
	s20 =	sshll.u32 s5, $0x1;
	s5 =	sadd.s32 s21, s3  }
0x9d: {  	[timem:s7], [sflag:s22] =	dma.local [hbm:s5], s20  }
0x9e: {  	_ =	swait.ge [sflag:s22], s20  }
0x9f: {  	s4 =	ssub.s32 $0x0, s20;
	[sflag:s22] =	ssyncset.done $0x0  }
0xa0: {  	[sflag:s22] =	ssyncadd.s32 s4;
	_ =	sdelay $0x1  }
0xa1: {  	s23 =	simm.s32 $0x1B8B  }
0xa2: {  	_ =	swait.ge [sflag:s23], $0x1  }
0xa3: {  	[sflag:s23] =	ssyncset.done $0x0  }
0xa4: {  	s25 =	simm.s32 $0x1B8E;
	s24 =	sld [smem:$0x3FFE];
	[sflag:s23] =	ssyncadd.s32 $0xFFFFFFFF  }
0xa5: {  	s26 =	simm.s32 $execute0_lowered;
	[smem:$0x3FD2] =	sst s25  }
0xa6: {  	s5 =	sshll.u32 s26, $0x1;
	_ =	strace $0x80000046;
	[dreg:$0x1] =	wrdreg $0xFFFFFFFF  }
0xa7: {  	s28 =	simm.s32 $_size_execute0_lowered;
	s3 =	sadd.s32 s3, s5;
	[dreg:$0x0] =	wrdreg $0x0  }
0xa8: {  	s5 =	sshll.u32 s28, $0x1;
	[dreg:$0x2] =	wrdreg s3  }
0xa9: {  	[dreg:$0x3] =	wrdreg s5  }
0xaa: {  	[dreg:$0x4] =	wrdreg $0xC0  }
0xab: {  	_ =	task [dreg:s7], $0x5FFFF  }
0xac: {  	[dreg:$0x1] =	wrdreg $0xFFFFFFFF  }
0xad: {  	[dreg:$0x0] =	wrdreg $0x60  }
0xae: {  	[dreg:$0x2] =	wrdreg s2  }
0xaf: {  	[dreg:$0x3] =	wrdreg s24  }
0xb0: {  	[dreg:$0x4] =	wrdreg $0xA2000  }
0xb1: {  	[dreg:$0x5] =	wrdreg $0x9  }
0xb2: {  	_ =	task.clear_ibuf [dreg:s7], $0x6FFFF;
	_ =	strace $0x90000046  }
0xb3: {  	s29 =	simm.s32 $0x9;
	_ =	strace $0x80000048  }
0xb4: {  	_ =	swait.ge [sflag:s29], $0x1  }
0xb5: {  	[sflag:s29] =	ssyncadd.s32 $0xFFFFFFFF  }
0xb6: {  	_ =	strace $0x90000048  }
0xb7: {  	_ =	sfence  }
0xb8: {  	s30 =	sld [smem:$0x0];
	_ =	sdelay $0x2  }
0xb9: {  	s31 =	sshll.u32 s1, $0xD;
	s1 =	sshrl.u32 s1, $0x2  }
0xba: {  	s3 =	sand.u32 $0x4000, s31;
	s1 =	sadd.s32 s1, s30  }
0xbb: {  	s0 =	sor.u32 s3, s0;
	s1 =	sshll.u32 s1, $0x11  }
0xbc: {  	s0 =	sor.u32 s1, s0  }
0xbd: {  	s0 =	sadd.s32 $0x8F2B, s0  }
0xbe: {  	[sflag:s0] =	ssyncadd.remote.s32 $0x1  }
0xbf: {  	_ =	sfence.sel $0xFFFF  }
0xc0: {  	[dreg:$0x0] =	wrdreg $0xFFFFFFFF;
	(pc) =	sbr.abs _section_cstart, $3  }
0xc1: {  	[dreg:$0x1] =	wrdreg $0xFFFFFFFF  }
0xc2: {  	_ =	task.clear_ibuf [dreg:s7], $0x2FFFF;
	_ =	strace $0x9FFFFFFF  }
0xc3: {  	(tm) =	ssettm $0x7FFFFFFF  }
tec
execute0_lowered:
.L_overlay_start_1:
0x0: {  	(tag) =	ssettag $0x1  }
0x1: {  	s1 =	rddreg [dreg:$0x0]  }
0x2: {  	s0 =	rddreg [dreg:$0x1]  }
0x3: {  	s2 =	rddreg [dreg:$0x2];
	s3 =	simm.s32 $0x0;
	s6 =	srdreg.scid  }
0x4: {  	s13 =	stileid.u32;
	s28 =	simm.s32 $0x5;
	s29 =	simm.s32 $0xA  }
0x5: {  	s31 =	simm.s32 $0x6;
	s30 =	simm.s32 $0x180;
	[smem:$0x7FF] =	sst s3  }
0x6: {  	s4 =	sadd.s32 $0x1600, s0;
	s5 =	sadd.s32 $0x1A600, s0;
	s8 =	smul.u32 $0x50000, s13  }
0x7: {  	s6 =	sand.u32 $0x1, s6;
	s7 =	sshll.u32 s13, $0x1;
	s10 =	smul.u32 $0x280, s13  }
0x8: {  	s0 =	sadd.s32 $0x1620, s0;
	s22 =	smul.u32 $0xC8, s13;
	_ =	strace $0x80000047  }
0x9: {  	s9 =	ssub.s32 $0x2, s6;
	s7 =	sor.u32 s6, s7;
	s8 =	sshrl.u32 s8, $0x2  }
0xa: {  	s11 =	sshrl.u32 s9, $0x1;
	s12 =	smul.u32 $0xC80, s7;
	s15 =	sadd.s32 s8, s2  }
0xb: {  	s7 =	smul.u32 $0x6400, s7;
	s8 =	sadd.s32 $0x2800, s15;
	[dreg:$0x8] =	wrdreg s15  }
0xc: {  	s13 =	sadd.s32 $0x80, s10;
	s20 =	sadd.s32 $0x5000, s15;
	[dreg:$0x9] =	wrdreg s8  }
0xd: {  	s7 =	sshrl.u32 s7, $0x3;
	s21 =	sadd.s32 s12, s0;
	[dreg:$0xa] =	wrdreg s20  }
0xe: {  	s16 =	sadd.s32 s4, s12;
	[dreg:$0xc] =	wrdreg s21;
	s7 =	sadd.s32 s4, s7  }
0xf: {  	s18 =	sadd.s32 $0x100, s10;
	[dreg:$0xb] =	wrdreg s16;
	s23 =	sadd.s32 $0x80, s7  }
0x10: {  	s8 =	smul.u32 $0x2800, s6;
	s24 =	sadd.s32 $0xA0, s7;
	[dreg:$0xd] =	wrdreg s23  }
0x11: {  	s6 =	smul.u32 $0x64, s6;
	s25 =	sadd.s32 $0xC0, s7;
	[dreg:$0xe] =	wrdreg s24  }
0x12: {  	s9 =	ssub.s32 s9, s11;
	[dreg:$0xf] =	wrdreg s25;
	s26 =	sadd.s32 s10, s8  }
0x13: {  	s14 =	sadd.s32 s8, s13;
	s6 =	sadd.s32 s6, s22;
	s19 =	sadd.s32 s8, s18  }
0x14: {  	s22 =	sadd.s32 $0x180, s10;
	s10 =	sadd.s32 $0x200, s10;
	s12 =	sshll.u32 s26, $0x4  }
0x15: {  	s17 =	sshll.u32 s14, $0x4;
	s6 =	sshll.u32 s6, $0x5;
	s20 =	sshll.u32 s19, $0x4  }
0x16: {  	s24 =	sadd.s32 s8, s22;
	s25 =	sadd.s32 s8, s10;
	s8 =	sshll.u32 s13, $0x7  }
0x17: {  	s13 =	sshll.u32 s10, $0x7;
	s14 =	smax.u32 s9, $0x1;
	s9 =	simm.s32 $0x200  }
0x18: {  	s10 =	simm.s32 $0x400;
	s12 =	sadd.s32 s5, s12;
	[dreg:$0x18] =	wrdreg s14  }
0x19: {  	s11 =	sadd.s32 s5, s17;
	s0 =	sadd.s32 s0, s6;
	[dreg:$0x10] =	wrdreg s12  }
0x1a: {  	s4 =	sadd.s32 s4, s6;
	s6 =	sadd.s32 s5, s20;
	[dreg:$0x11] =	wrdreg s11  }
0x1b: {  	s26 =	sshll.u32 s25, $0x4;
	s20 =	sadd.s32 $0x7800, s15;
	[dreg:$0x12] =	wrdreg s6  }
0x1c: {  	s25 =	sadd.s32 $0x40, s16;
	s14 =	simm.s32 $0x7;
	[dreg:$0x1d] =	wrdreg s20  }
0x1d: {  	s0 =	sadd.s32 $0x180, s0;
	s21 =	sadd.s32 $0x180, s4;
	[smem:$0x7FC] =	sst s25  }
0x1e: {  	s23 =	sadd.s32 $0x100, s4;
	s4 =	sadd.s32 $0x140, s4;
	[dreg:$0x4] =	wrdreg s0  }
0x1f: {  	s6 =	sadd.s32 $0xC40, s7;
	s11 =	sshll.u32 s18, $0x7;
	[dreg:$0x5] =	wrdreg s21  }
0x20: {  	s12 =	sshll.u32 s22, $0x7;
	s22 =	sadd.s32 $0xC800, s15;
	[dreg:$0x6] =	wrdreg s23  }
0x21: {  	s20 =	simm.s32 $0x6E00;
	s25 =	simm.s32 $0x3;
	[dreg:$0x7] =	wrdreg s4  }
0x22: {  	s0 =	sshll.u32 s24, $0x4;
	[dreg:$0x16] =	wrdreg s6;
	s4 =	sadd.s32 s11, s2  }
0x23: {  	s6 =	sadd.s32 s13, s2;
	s21 =	sadd.s32 $0xA000, s15;
	[dreg:$0x1f] =	wrdreg s22  }
0x24: {  	s23 =	sadd.s32 $0xF000, s15;
	s24 =	sadd.s32 $0x11800, s15;
	s11 =	simm.s32 $0x100  }
0x25: {  	s13 =	simm.s32 $0x500;
	s15 =	simm.s32 $0x9;
	[dreg:$0x1e] =	wrdreg s21  }
0x26: {  	s0 =	sadd.s32 s5, s0;
	s17 =	sshrl.u32 s4, $0x3;
	[smem:$0x7FA] =	sst s23  }
0x27: {  	s19 =	sshrl.u32 s6, $0x3;
	[smem:$0x7FB] =	sst s24;
	s6 =	simm.s32 $0x600  }
0x28: {  	s21 =	simm.s32 $0x2;
	s23 =	simm.s32 $0x4;
	[dreg:$0x13] =	wrdreg s0  }
0x29: {  	s24 =	simm.s32 $0x8;
	s4 =	simm.s32 $0x0;
	[dreg:$0x1a] =	wrdreg s17  }
0x2a: {  	s0 =	sadd.s32 s5, s26;
	s5 =	sadd.s32 $0xE0, s7;
	[dreg:$0x1c] =	wrdreg s19  }
0x2b: {  	s7 =	sadd.s32 $0xC60, s7;
	s26 =	sadd.s32 $0x60, s16;
	[dreg:$0x14] =	wrdreg s0  }
0x2c: {  	s16 =	simm.s32 $0x3A00;
	s17 =	simm.s32 $0x1;
	[dreg:$0x15] =	wrdreg s5  }
0x2d: {  	s19 =	simm.s32 $0xB;
	[dreg:$0x17] =	wrdreg s7;
	s0 =	sadd.s32 s8, s2  }
0x2e: {  	s5 =	sadd.s32 s12, s2;
	[smem:$0x7FD] =	sst s26;
	s0 =	sshrl.u32 s0, $0x3  }
0x2f: {  	s12 =	simm.s32 $0x300;
	s18 =	sshrl.u32 s5, $0x3;
	[dreg:$0x19] =	wrdreg s0  }
0x30: {  	v0 =	vimm.f32 $0.0e+00;
	s8 =	simm.s32 $0x64;
	[dreg:$0x1b] =	wrdreg s18;
	s0 =	simm.s32 $0xC  }
.LBB2_1:
0x31: {  	s7 =	sand.u32 $0xFE00, s3  }
0x32: {  	[smem:$0x7F9] =	sst s4;
	s18 =	sand.u32 $0x70, s3;
	s22 =	sshrl.u32 s7, $0x2  }
0x33: {  	s7 =	simm.s32 $0x40;
	s22 =	sor.u32 s18, s22;
	s18 =	simm.s32 $0x0  }
.LBB2_2:
0x34: {  	p0 =	sne.s32 s7, $0x9FC0  }
0x35: {  	[tilespmem:s22+$0x600] =	vst v0;
	s18 =	sadd.s32 $0x10, s18;
	s22 =	smov.u32 s7;
	s7 =	sadd.s32 $0x40, s7  }
.Ltmp0:
0x36: {  	(pc) =	sbr.rel @p0 .LBB2_2-.Ltmp0, $4  }
0x37: {  	_ = 	snop  }
0x38: {  	s22 =	sand.u32 $0xFE00, s22  }
0x39: {  	s26 =	sand.u32 $0x70, s18;
	s22 =	sshrl.u32 s22, $0x2  }
0x3a: {  	s22 =	sor.u32 s26, s22  }
0x3b: {  	[tilespmem:s22+$0x600] =	vst v0;
	s7 =	rddreg [dreg:$0x8];
	s18 =	simm.s32 $0xD  }
0x3c: {  	[spmem:s7] =	stream.linear.scatter [tilespmem:s6], [sflag:$0xD], $0x2800, $0x38;
	[tilespmem:$0x1E200] =	vst v63  }
0x3d: {  	_ =	swait.ge [sflag:s18], $0x2800  }
0x3e: {  	[sflag:s18] =	ssyncset.done $0x0  }
0x3f: {  	s26 =	rddreg [dreg:$0x9];
	[sflag:s18] =	ssyncadd.s32 $0xFFFFD800  }
0x40: {  	[spmem:s26] =	stream.linear.scatter [tilespmem:s6], [sflag:$0xD], $0x2800, $0x38;
	[tilespmem:$0x1E200] =	vst v63  }
0x41: {  	_ =	swait.ge [sflag:s18], $0x2800  }
0x42: {  	[sflag:s18] =	ssyncset.done $0x0  }
0x43: {  	s4 =	rddreg [dreg:$0xa];
	[sflag:s18] =	ssyncadd.s32 $0xFFFFD800  }
0x44: {  	[spmem:s4] =	stream.linear.scatter [tilespmem:s6], [sflag:$0xD], $0x2800, $0x38;
	[tilespmem:$0x1E200] =	vst v63  }
0x45: {  	_ =	swait.ge [sflag:s18], $0x2800  }
0x46: {  	[sflag:s18] =	ssyncset.done $0x0  }
0x47: {  	s5 =	rddreg [dreg:$0x1d];
	[sflag:s18] =	ssyncadd.s32 $0xFFFFD800  }
0x48: {  	[spmem:s5] =	stream.linear.scatter [tilespmem:s6], [sflag:$0xD], $0x2800, $0x38;
	[tilespmem:$0x1E200] =	vst v63  }
0x49: {  	_ =	swait.ge [sflag:s18], $0x2800  }
0x4a: {  	[sflag:s18] =	ssyncset.done $0x0  }
0x4b: {  	s22 =	rddreg [dreg:$0x1e];
	[sflag:s18] =	ssyncadd.s32 $0xFFFFD800  }
0x4c: {  	[spmem:s22] =	stream.linear.scatter [tilespmem:s6], [sflag:$0xD], $0x2800, $0x38;
	[tilespmem:$0x1E200] =	vst v63  }
0x4d: {  	_ =	swait.ge [sflag:s18], $0x2800  }
0x4e: {  	[sflag:s18] =	ssyncset.done $0x0  }
0x4f: {  	s26 =	rddreg [dreg:$0x1f];
	[sflag:s18] =	ssyncadd.s32 $0xFFFFD800  }
0x50: {  	[spmem:s26] =	stream.linear.scatter [tilespmem:s6], [sflag:$0xD], $0x2800, $0x38;
	[tilespmem:$0x1E200] =	vst v63  }
0x51: {  	_ =	swait.ge [sflag:s18], $0x2800  }
0x52: {  	s4 =	sld [smem:$0x7FA]  }
0x53: {  	[sflag:s18] =	ssyncset.done $0x0  }
0x54: {  	[sflag:s18] =	ssyncadd.s32 $0xFFFFD800  }
0x55: {  	[spmem:s4] =	stream.linear.scatter [tilespmem:s6], [sflag:$0xD], $0x2800, $0x38;
	[tilespmem:$0x1E200] =	vst v63  }
0x56: {  	_ =	swait.ge [sflag:s18], $0x2800  }
0x57: {  	s5 =	sld [smem:$0x7FB]  }
0x58: {  	[sflag:s18] =	ssyncset.done $0x0  }
0x59: {  	[sflag:s18] =	ssyncadd.s32 $0xFFFFD800  }
0x5a: {  	[spmem:s5] =	stream.linear.scatter [tilespmem:s6], [sflag:$0xD], $0x2800, $0x38;
	[tilespmem:$0x1E200] =	vst v63  }
0x5b: {  	_ =	swait.ge [sflag:s18], $0x2800  }
0x5c: {  	[sflag:s18] =	ssyncset.done $0x0;
	s22 =	rddreg [dreg:$0xb]  }
0x5d: {  	s7 =	simm.s32 $0x0;
	s26 =	rddreg [dreg:$0xc];
	[sflag:s18] =	ssyncadd.s32 $0xFFFFD800  }
0x5e: {  	[tilespmem:s7], [sflag:$0x7] =	stream.linear.gather [hbm4b:s22+s7], $0x100, $0x38;
	[tilespmem:$0x1E200] =	vst v63  }
0x5f: {  	s4 =	sld [smem:$0x7FC]  }
0x60: {  	[tilespmem:s9], [sflag:$0x9] =	stream.linear.gather [hbm4b:s26+s7], $0x100, $0x38;
	[tilespmem:$0x1E200] =	vst v63  }
0x61: {  	s5 =	sld [smem:$0x7FD]  }
0x62: {  	[tilespmem:s10], [sflag:$0xB] =	stream.linear.gather [hbm4b:s4+s7], $0x100, $0x38;
	[tilespmem:$0x1E200] =	vst v63  }
0x63: {  	_ = 	snop  }
0x64: {  	[tilespmem:s11], [sflag:$0x8] =	stream.linear.gather [hbm4b:s5+s7], $0x100, $0x38;
	[tilespmem:$0x1E200] =	vst v63  }
0x65: {  	s22 =	rddreg [dreg:$0xd]  }
0x66: {  	[tilespmem:s12], [sflag:$0xA] =	stream.linear.gather [hbm4b:s22+s7], $0x100, $0x38;
	[tilespmem:$0x1E200] =	vst v63  }
0x67: {  	s26 =	rddreg [dreg:$0xe]  }
0x68: {  	[tilespmem:s13], [sflag:$0xC] =	stream.linear.gather [hbm4b:s26+s7], $0x100, $0x38;
	[tilespmem:$0x1E200] =	vst v63  }
0x69: {  	[bflag:$0x0] =	sbarrier.arrive $0xFFFF  }
0x6a: {  	_ =	swait.ge [sflag:s14], $0x100  }
0x6b: {  	[sflag:s14] =	ssyncset.done $0x0  }
0x6c: {  	[sflag:s14] =	ssyncadd.s32 $0xFFFFFF00  }
0x6d: {  	[tilespmem:s6], [sflag:$0x1] =	stream.indirect.gather [hbm4b:s1+s8], $0x80, s7, s8, $0xb8;
	[tilespmem:$0x1E200] =	vst v63  }
0x6e: {  	_ =	swait.ge [sflag:s15], $0x100  }
0x6f: {  	[sflag:s15] =	ssyncset.done $0x0  }
0x70: {  	[sflag:s15] =	ssyncadd.s32 $0xFFFFFF00  }
0x71: {  	[tilespmem:s16], [sflag:$0x2] =	stream.indirect.gather [hbm4b:s1+s8], $0x80, s9, s8, $0xb8;
	[tilespmem:$0x1E200] =	vst v63  }
0x72: {  	_ =	swait.ge [sflag:s17], $0x3200  }
0x73: {  	[sflag:s17] =	ssyncset.done $0x0  }
0x74: {  	s5 =	simm.s32 $0x80;
	[sflag:s17] =	ssyncadd.s32 $0xFFFFCE00  }
0x75: {  	[spmem:s2] =	stream.indirect.scatter.add.f32 [tilespmem:s6], [sflag:$0x4], $0x80, s5, s8, $0xb8;
	[tilespmem:$0x1E200] =	vst v63  }
0x76: {  	_ =	swait.ge [sflag:s19], $0x100  }
0x77: {  	[sflag:s19] =	ssyncset.done $0x0  }
0x78: {  	[sflag:s19] =	ssyncadd.s32 $0xFFFFFF00  }
0x79: {  	[tilespmem:s20], [sflag:$0x3] =	stream.indirect.gather [hbm4b:s1+s8], $0x80, s10, s8, $0xb8;
	[tilespmem:$0x1E200] =	vst v63  }
0x7a: {  	_ =	swait.ge [sflag:s21], $0x3200  }
0x7b: {  	[sflag:s21] =	ssyncset.done $0x0  }
0x7c: {  	s22 =	simm.s32 $0x280;
	[sflag:s21] =	ssyncadd.s32 $0xFFFFCE00  }
0x7d: {  	[spmem:s2] =	stream.indirect.scatter.add.f32 [tilespmem:s16], [sflag:$0x5], $0x80, s22, s8, $0xb8;
	[tilespmem:$0x1E200] =	vst v63  }
0x7e: {  	_ =	swait.ge [sflag:s23], $0x3200  }
0x7f: {  	[sflag:s23] =	ssyncset.done $0x0  }
0x80: {  	[sflag:s23] =	ssyncadd.s32 $0xFFFFCE00  }
0x81: {  	_ =	swait.ge [sflag:s24], $0x100  }
0x82: {  	[sflag:s24] =	ssyncset.done $0x0  }
0x83: {  	[sflag:s24] =	ssyncadd.s32 $0xFFFFFF00  }
0x84: {  	[tilespmem:s6], [sflag:$0x1] =	stream.indirect.gather [hbm4b:s1+s8], $0x80, s11, s8, $0xb8;
	[tilespmem:$0x1E200] =	vst v63  }
0x85: {  	_ =	swait.ge [sflag:s25], $0x3200  }
0x86: {  	[sflag:s25] =	ssyncset.done $0x0  }
0x87: {  	s26 =	simm.s32 $0x480;
	[sflag:s25] =	ssyncadd.s32 $0xFFFFCE00  }
0x88: {  	[spmem:s2] =	stream.indirect.scatter.add.f32 [tilespmem:s20], [sflag:$0x6], $0x80, s26, s8, $0xb8;
	[tilespmem:$0x1E200] =	vst v63  }
0x89: {  	_ =	swait.ge [sflag:s28], $0x3200  }
0x8a: {  	[sflag:s28] =	ssyncset.done $0x0  }
0x8b: {  	s4 =	rddreg [dreg:$0xf];
	[sflag:s28] =	ssyncadd.s32 $0xFFFFCE00  }
0x8c: {  	[tilespmem:s7], [sflag:$0x7] =	stream.linear.gather [hbm4b:s4+s7], $0x100, $0x38;
	[tilespmem:$0x1E200] =	vst v63  }
0x8d: {  	_ =	swait.ge [sflag:s29], $0x100  }
0x8e: {  	[sflag:s29] =	ssyncset.done $0x0  }
0x8f: {  	[sflag:s29] =	ssyncadd.s32 $0xFFFFFF00  }
0x90: {  	[tilespmem:s16], [sflag:$0x2] =	stream.indirect.gather [hbm4b:s1+s8], $0x80, s12, s8, $0xb8;
	[tilespmem:$0x1E200] =	vst v63  }
0x91: {  	_ =	swait.ge [sflag:s17], $0x3200  }
0x92: {  	[sflag:s17] =	ssyncset.done $0x0  }
0x93: {  	s4 =	simm.s32 $0x180;
	[sflag:s17] =	ssyncadd.s32 $0xFFFFCE00  }
0x94: {  	[spmem:s2] =	stream.indirect.scatter.add.f32 [tilespmem:s6], [sflag:$0x4], $0x80, s4, s8, $0xb8;
	[tilespmem:$0x1E200] =	vst v63  }
0x95: {  	_ =	swait.ge [sflag:s31], $0x3200  }
0x96: {  	[sflag:s31] =	ssyncset.done $0x0  }
0x97: {  	s4 =	rddreg [dreg:$0x15];
	[sflag:s31] =	ssyncadd.s32 $0xFFFFCE00  }
0x98: {  	[tilespmem:s9], [sflag:$0x9] =	stream.linear.gather [hbm4b:s4+s7], $0x100, $0x38;
	[tilespmem:$0x1E200] =	vst v63  }
0x99: {  	_ =	swait.ge [sflag:s0], $0x100  }
0x9a: {  	[sflag:s0] =	ssyncset.done $0x0  }
0x9b: {  	[sflag:s0] =	ssyncadd.s32 $0xFFFFFF00  }
0x9c: {  	[tilespmem:s20], [sflag:$0x3] =	stream.indirect.gather [hbm4b:s1+s8], $0x80, s13, s8, $0xb8;
	[tilespmem:$0x1E200] =	vst v63  }
0x9d: {  	_ =	swait.ge [sflag:s21], $0x3200  }
0x9e: {  	[sflag:s21] =	ssyncset.done $0x0  }
0x9f: {  	s18 =	simm.s32 $0x380;
	[sflag:s21] =	ssyncadd.s32 $0xFFFFCE00  }
0xa0: {  	[spmem:s2] =	stream.indirect.scatter.add.f32 [tilespmem:s16], [sflag:$0x5], $0x80, s18, s8, $0xb8;
	[tilespmem:$0x1E200] =	vst v63  }
0xa1: {  	_ =	swait.ge [sflag:s23], $0x3200  }
0xa2: {  	s4 =	rddreg [dreg:$0x6];
	[sflag:s23] =	ssyncset.done $0x0  }
0xa3: {  	[sflag:s23] =	ssyncadd.s32 $0xFFFFCE00;
	s7 =	sadd.s32 $0x0, s4  }
0xa4: {  	[tilespmem:s10], [sflag:$0xB] =	stream.linear.gather [hbm4b:s7+s3], $0x100, $0x38;
	[tilespmem:$0x1E200] =	vst v63  }
0xa5: {  	_ =	swait.ge [sflag:s14], $0x100  }
0xa6: {  	[sflag:s14] =	ssyncset.done $0x0  }
0xa7: {  	[sflag:s14] =	ssyncadd.s32 $0xFFFFFF00  }
0xa8: {  	[tilespmem:s6], [sflag:$0x1] =	stream.indirect.gather [hbm4b:s1+s8], $0x80, s3, s8, $0xb8;
	[tilespmem:$0x1E200] =	vst v63  }
0xa9: {  	_ =	swait.ge [sflag:s25], $0x3200  }
0xaa: {  	[sflag:s25] =	ssyncset.done $0x0  }
0xab: {  	s18 =	simm.s32 $0x580;
	[sflag:s25] =	ssyncadd.s32 $0xFFFFCE00  }
0xac: {  	[spmem:s2] =	stream.indirect.scatter.add.f32 [tilespmem:s20], [sflag:$0x6], $0x80, s18, s8, $0xb8;
	[tilespmem:$0x1E200] =	vst v63  }
0xad: {  	_ =	swait.ge [sflag:s28], $0x3200  }
0xae: {  	[sflag:s28] =	ssyncset.done $0x0  }
0xaf: {  	s4 =	sadd.s32 $0x20, s7;
	[sflag:s28] =	ssyncadd.s32 $0xFFFFCE00  }
0xb0: {  	[tilespmem:s11], [sflag:$0x8] =	stream.linear.gather [hbm4b:s4+s3], $0x100, $0x38;
	[tilespmem:$0x1E200] =	vst v63  }
0xb1: {  	_ =	swait.ge [sflag:s15], $0x100  }
0xb2: {  	[sflag:s15] =	ssyncset.done $0x0  }
0xb3: {  	[sflag:s15] =	ssyncadd.s32 $0xFFFFFF00  }
0xb4: {  	[tilespmem:s16], [sflag:$0x2] =	stream.indirect.gather [hbm4b:s1+s8], $0x80, s9, s8, $0xb8;
	[tilespmem:$0x1E200] =	vst v63  }
0xb5: {  	_ =	swait.ge [sflag:s17], $0x3200  }
0xb6: {  	[sflag:s17] =	ssyncset.done $0x0  }
0xb7: {  	[sflag:s17] =	ssyncadd.s32 $0xFFFFCE00  }
0xb8: {  	[spmem:s2] =	stream.indirect.scatter.add.f32 [tilespmem:s6], [sflag:$0x4], $0x80, s5, s8, $0xb8;
	[tilespmem:$0x1E200] =	vst v63  }
0xb9: {  	_ =	swait.ge [sflag:s31], $0x3200  }
0xba: {  	s5 =	rddreg [dreg:$0x7];
	[sflag:s31] =	ssyncset.done $0x0  }
0xbb: {  	[sflag:s31] =	ssyncadd.s32 $0xFFFFCE00;
	s18 =	sadd.s32 $0x0, s5  }
0xbc: {  	[tilespmem:s12], [sflag:$0xA] =	stream.linear.gather [hbm4b:s18+s3], $0x100, $0x38;
	[tilespmem:$0x1E200] =	vst v63  }
0xbd: {  	_ =	swait.ge [sflag:s19], $0x100  }
0xbe: {  	[sflag:s19] =	ssyncset.done $0x0  }
0xbf: {  	[sflag:s19] =	ssyncadd.s32 $0xFFFFFF00  }
0xc0: {  	[tilespmem:s20], [sflag:$0x3] =	stream.indirect.gather [hbm4b:s1+s8], $0x80, s10, s8, $0xb8;
	[tilespmem:$0x1E200] =	vst v63  }
0xc1: {  	_ =	swait.ge [sflag:s21], $0x3200  }
0xc2: {  	[sflag:s21] =	ssyncset.done $0x0  }
0xc3: {  	[sflag:s21] =	ssyncadd.s32 $0xFFFFCE00  }
0xc4: {  	[spmem:s2] =	stream.indirect.scatter.add.f32 [tilespmem:s16], [sflag:$0x5], $0x80, s22, s8, $0xb8;
	[tilespmem:$0x1E200] =	vst v63  }
0xc5: {  	_ =	swait.ge [sflag:s23], $0x3200  }
0xc6: {  	[sflag:s23] =	ssyncset.done $0x0  }
0xc7: {  	s7 =	sadd.s32 $0x60, s7;
	[sflag:s23] =	ssyncadd.s32 $0xFFFFCE00  }
0xc8: {  	[tilespmem:s13], [sflag:$0xC] =	stream.linear.gather [hbm4b:s7+s3], $0x100, $0x38;
	[tilespmem:$0x1E200] =	vst v63  }
0xc9: {  	_ =	swait.ge [sflag:s24], $0x100  }
0xca: {  	[sflag:s24] =	ssyncset.done $0x0  }
0xcb: {  	[sflag:s24] =	ssyncadd.s32 $0xFFFFFF00  }
0xcc: {  	[tilespmem:s6], [sflag:$0x1] =	stream.indirect.gather [hbm4b:s1+s8], $0x80, s11, s8, $0xb8;
	[tilespmem:$0x1E200] =	vst v63  }
0xcd: {  	_ =	swait.ge [sflag:s25], $0x3200  }
0xce: {  	[sflag:s25] =	ssyncset.done $0x0  }
0xcf: {  	[sflag:s25] =	ssyncadd.s32 $0xFFFFCE00  }
0xd0: {  	[spmem:s2] =	stream.indirect.scatter.add.f32 [tilespmem:s20], [sflag:$0x6], $0x80, s26, s8, $0xb8;
	[tilespmem:$0x1E200] =	vst v63  }
0xd1: {  	_ =	swait.ge [sflag:s28], $0x3200  }
0xd2: {  	s18 =	rddreg [dreg:$0x5];
	[sflag:s28] =	ssyncset.done $0x0  }
0xd3: {  	[sflag:s28] =	ssyncadd.s32 $0xFFFFCE00;
	s7 =	sadd.s32 $0x0, s18  }
0xd4: {  	[tilespmem:s3], [sflag:$0x7] =	stream.linear.gather [hbm4b:s7+s3], $0x100, $0x38;
	[tilespmem:$0x1E200] =	vst v63  }
0xd5: {  	_ =	swait.ge [sflag:s29], $0x100  }
0xd6: {  	[sflag:s29] =	ssyncset.done $0x0  }
0xd7: {  	[sflag:s29] =	ssyncadd.s32 $0xFFFFFF00  }
0xd8: {  	[tilespmem:s16], [sflag:$0x2] =	stream.indirect.gather [hbm4b:s1+s8], $0x80, s12, s8, $0xb8;
	[tilespmem:$0x1E200] =	vst v63  }
0xd9: {  	_ =	swait.ge [sflag:s17], $0x3200  }
0xda: {  	[sflag:s17] =	ssyncset.done $0x0  }
0xdb: {  	s22 =	simm.s32 $0x180;
	[sflag:s17] =	ssyncadd.s32 $0xFFFFCE00  }
0xdc: {  	[spmem:s2] =	stream.indirect.scatter.add.f32 [tilespmem:s6], [sflag:$0x4], $0x80, s22, s8, $0xb8;
	[tilespmem:$0x1E200] =	vst v63  }
0xdd: {  	_ =	swait.ge [sflag:s31], $0x3200  }
0xde: {  	s26 =	rddreg [dreg:$0x4];
	[sflag:s31] =	ssyncset.done $0x0  }
0xdf: {  	[sflag:s31] =	ssyncadd.s32 $0xFFFFCE00;
	s7 =	sadd.s32 $0x0, s26  }
0xe0: {  	[tilespmem:s9], [sflag:$0x9] =	stream.linear.gather [hbm4b:s7+s3], $0x100, $0x38;
	[tilespmem:$0x1E200] =	vst v63  }
0xe1: {  	_ =	swait.ge [sflag:s0], $0x100  }
0xe2: {  	[sflag:s0] =	ssyncset.done $0x0  }
0xe3: {  	[sflag:s0] =	ssyncadd.s32 $0xFFFFFF00  }
0xe4: {  	[tilespmem:s20], [sflag:$0x3] =	stream.indirect.gather [hbm4b:s1+s8], $0x80, s13, s8, $0xb8;
	[tilespmem:$0x1E200] =	vst v63  }
0xe5: {  	_ =	swait.ge [sflag:s21], $0x3200  }
0xe6: {  	s4 =	simm.s32 $0x80;
	[sflag:s21] =	ssyncset.done $0x0  }
0xe7: {  	s5 =	simm.s32 $0x480;
	s7 =	simm.s32 $0xC0;
	[sflag:s21] =	ssyncadd.s32 $0xFFFFCE00  }
.LBB2_4:
0xe8: {  	s18 =	simm.s32 $0x380  }
0xe9: {  	[spmem:s2] =	stream.indirect.scatter.add.f32 [tilespmem:s16], [sflag:$0x5], $0x80, s18, s8, $0xb8;
	[tilespmem:$0x1E200] =	vst v63  }
0xea: {  	_ =	swait.ge [sflag:s23], $0x3200  }
0xeb: {  	s18 =	smov.u32 s7;
	s22 =	rddreg [dreg:$0x6];
	[sflag:s23] =	ssyncset.done $0x0  }
0xec: {  	[sflag:s23] =	ssyncadd.s32 $0xFFFFCE00;
	s22 =	sadd.s32 s18, s22  }
0xed: {  	[tilespmem:s10], [sflag:$0xB] =	stream.linear.gather [hbm4b:s22+s3], $0x100, $0x38;
	[tilespmem:$0x1E200] =	vst v63  }
0xee: {  	_ =	swait.ge [sflag:s14], $0x100  }
0xef: {  	[sflag:s14] =	ssyncset.done $0x0  }
0xf0: {  	[sflag:s14] =	ssyncadd.s32 $0xFFFFFF00  }
0xf1: {  	[tilespmem:s6], [sflag:$0x1] =	stream.indirect.gather [hbm4b:s1+s8], $0x80, s3, s8, $0xb8;
	[tilespmem:$0x1E200] =	vst v63  }
0xf2: {  	_ =	swait.ge [sflag:s25], $0x3200  }
0xf3: {  	[sflag:s25] =	ssyncset.done $0x0  }
0xf4: {  	s26 =	simm.s32 $0x580;
	[sflag:s25] =	ssyncadd.s32 $0xFFFFCE00  }
0xf5: {  	[spmem:s2] =	stream.indirect.scatter.add.f32 [tilespmem:s20], [sflag:$0x6], $0x80, s26, s8, $0xb8;
	[tilespmem:$0x1E200] =	vst v63  }
0xf6: {  	_ =	swait.ge [sflag:s28], $0x3200  }
0xf7: {  	[sflag:s28] =	ssyncset.done $0x0  }
0xf8: {  	s26 =	sadd.s32 $0x20, s22;
	[sflag:s28] =	ssyncadd.s32 $0xFFFFCE00  }
0xf9: {  	[tilespmem:s11], [sflag:$0x8] =	stream.linear.gather [hbm4b:s26+s3], $0x100, $0x38;
	[tilespmem:$0x1E200] =	vst v63  }
0xfa: {  	_ =	swait.ge [sflag:s15], $0x100  }
0xfb: {  	[sflag:s15] =	ssyncset.done $0x0  }
0xfc: {  	[sflag:s15] =	ssyncadd.s32 $0xFFFFFF00  }
0xfd: {  	[tilespmem:s16], [sflag:$0x2] =	stream.indirect.gather [hbm4b:s1+s8], $0x80, s9, s8, $0xb8;
	[tilespmem:$0x1E200] =	vst v63  }
0xfe: {  	_ =	swait.ge [sflag:s17], $0x3200  }
0xff: {  	[sflag:s17] =	ssyncset.done $0x0  }
0x100: {  	[sflag:s17] =	ssyncadd.s32 $0xFFFFCE00  }
0x101: {  	[spmem:s2] =	stream.indirect.scatter.add.f32 [tilespmem:s6], [sflag:$0x4], $0x80, s4, s8, $0xb8;
	[tilespmem:$0x1E200] =	vst v63  }
0x102: {  	_ =	swait.ge [sflag:s31], $0x3200  }
0x103: {  	s26 =	rddreg [dreg:$0x7];
	[sflag:s31] =	ssyncset.done $0x0  }
0x104: {  	[sflag:s31] =	ssyncadd.s32 $0xFFFFCE00;
	s26 =	sadd.s32 s18, s26  }
0x105: {  	[tilespmem:s12], [sflag:$0xA] =	stream.linear.gather [hbm4b:s26+s3], $0x100, $0x38;
	[tilespmem:$0x1E200] =	vst v63  }
0x106: {  	_ =	swait.ge [sflag:s19], $0x100  }
0x107: {  	[sflag:s19] =	ssyncset.done $0x0  }
0x108: {  	[sflag:s19] =	ssyncadd.s32 $0xFFFFFF00  }
0x109: {  	[tilespmem:s20], [sflag:$0x3] =	stream.indirect.gather [hbm4b:s1+s8], $0x80, s10, s8, $0xb8;
	[tilespmem:$0x1E200] =	vst v63  }
0x10a: {  	_ =	swait.ge [sflag:s21], $0x3200  }
0x10b: {  	[sflag:s21] =	ssyncset.done $0x0  }
0x10c: {  	s26 =	simm.s32 $0x280;
	[sflag:s21] =	ssyncadd.s32 $0xFFFFCE00  }
0x10d: {  	[spmem:s2] =	stream.indirect.scatter.add.f32 [tilespmem:s16], [sflag:$0x5], $0x80, s26, s8, $0xb8;
	[tilespmem:$0x1E200] =	vst v63  }
0x10e: {  	_ =	swait.ge [sflag:s23], $0x3200  }
0x10f: {  	[sflag:s23] =	ssyncset.done $0x0  }
0x110: {  	s22 =	sadd.s32 $0x60, s22;
	[sflag:s23] =	ssyncadd.s32 $0xFFFFCE00  }
0x111: {  	[tilespmem:s13], [sflag:$0xC] =	stream.linear.gather [hbm4b:s22+s3], $0x100, $0x38;
	[tilespmem:$0x1E200] =	vst v63  }
0x112: {  	_ =	swait.ge [sflag:s24], $0x100  }
0x113: {  	[sflag:s24] =	ssyncset.done $0x0  }
0x114: {  	[sflag:s24] =	ssyncadd.s32 $0xFFFFFF00  }
0x115: {  	[tilespmem:s6], [sflag:$0x1] =	stream.indirect.gather [hbm4b:s1+s8], $0x80, s11, s8, $0xb8;
	[tilespmem:$0x1E200] =	vst v63  }
0x116: {  	_ =	swait.ge [sflag:s25], $0x3200  }
0x117: {  	[sflag:s25] =	ssyncset.done $0x0  }
0x118: {  	[sflag:s25] =	ssyncadd.s32 $0xFFFFCE00  }
0x119: {  	[spmem:s2] =	stream.indirect.scatter.add.f32 [tilespmem:s20], [sflag:$0x6], $0x80, s5, s8, $0xb8;
	[tilespmem:$0x1E200] =	vst v63  }
0x11a: {  	_ =	swait.ge [sflag:s28], $0x3200  }
0x11b: {  	s22 =	rddreg [dreg:$0x5];
	[sflag:s28] =	ssyncset.done $0x0  }
0x11c: {  	[sflag:s28] =	ssyncadd.s32 $0xFFFFCE00;
	s22 =	sadd.s32 s18, s22  }
0x11d: {  	[tilespmem:s3], [sflag:$0x7] =	stream.linear.gather [hbm4b:s22+s3], $0x100, $0x38;
	[tilespmem:$0x1E200] =	vst v63  }
0x11e: {  	_ =	swait.ge [sflag:s29], $0x100  }
0x11f: {  	[sflag:s29] =	ssyncset.done $0x0  }
0x120: {  	[sflag:s29] =	ssyncadd.s32 $0xFFFFFF00  }
0x121: {  	[tilespmem:s16], [sflag:$0x2] =	stream.indirect.gather [hbm4b:s1+s8], $0x80, s12, s8, $0xb8;
	[tilespmem:$0x1E200] =	vst v63  }
0x122: {  	_ =	swait.ge [sflag:s17], $0x3200  }
0x123: {  	[sflag:s17] =	ssyncset.done $0x0  }
0x124: {  	[sflag:s17] =	ssyncadd.s32 $0xFFFFCE00  }
0x125: {  	[spmem:s2] =	stream.indirect.scatter.add.f32 [tilespmem:s6], [sflag:$0x4], $0x80, s30, s8, $0xb8;
	[tilespmem:$0x1E200] =	vst v63  }
0x126: {  	_ =	swait.ge [sflag:s31], $0x3200  }
0x127: {  	s22 =	rddreg [dreg:$0x4];
	[sflag:s31] =	ssyncset.done $0x0  }
0x128: {  	[sflag:s31] =	ssyncadd.s32 $0xFFFFCE00;
	s18 =	sadd.s32 s18, s22  }
0x129: {  	[tilespmem:s9], [sflag:$0x9] =	stream.linear.gather [hbm4b:s18+s3], $0x100, $0x38;
	[tilespmem:$0x1E200] =	vst v63  }
0x12a: {  	_ =	swait.ge [sflag:s0], $0x100  }
0x12b: {  	p0 =	sne.s32 s7, $0xA80;
	[sflag:s0] =	ssyncset.done $0x0  }
.Ltmp1:
0x12c: {  	[sflag:s0] =	ssyncadd.s32 $0xFFFFFF00;
	(pc) =	sbr.rel @p0 .LBB2_4-.Ltmp1, $4  }
0x12d: {  	[tilespmem:s20], [sflag:$0x3] =	stream.indirect.gather [hbm4b:s1+s8], $0x80, s13, s8, $0xb8;
	[tilespmem:$0x1E200] =	vst v63  }
0x12e: {  	_ =	swait.ge [sflag:s21], $0x3200  }
0x12f: {  	[sflag:s21] =	ssyncset.done $0x0  }
0x130: {  	s7 =	sadd.s32 $0xC0, s7;
	[sflag:s21] =	ssyncadd.s32 $0xFFFFCE00  }
0x131: {  	s7 =	simm.s32 $0x380  }
0x132: {  	[spmem:s2] =	stream.indirect.scatter.add.f32 [tilespmem:s16], [sflag:$0x5], $0x80, s7, s8, $0xb8;
	[tilespmem:$0x1E200] =	vst v63  }
0x133: {  	_ =	swait.ge [sflag:s23], $0x3200  }
0x134: {  	[sflag:s23] =	ssyncset.done $0x0  }
0x135: {  	s22 =	rddreg [dreg:$0x16];
	[sflag:s23] =	ssyncadd.s32 $0xFFFFCE00  }
0x136: {  	[tilespmem:s10], [sflag:$0xB] =	stream.linear.gather [hbm4b:s22+s3], $0x100, $0x38;
	[tilespmem:$0x1E200] =	vst v63  }
0x137: {  	_ =	swait.ge [sflag:s14], $0x100  }
0x138: {  	[sflag:s14] =	ssyncset.done $0x0  }
0x139: {  	[sflag:s14] =	ssyncadd.s32 $0xFFFFFF00  }
0x13a: {  	[tilespmem:s6], [sflag:$0x1] =	stream.indirect.gather [hbm4b:s1+s8], $0x80, s3, s8, $0xb8;
	[tilespmem:$0x1E200] =	vst v63  }
0x13b: {  	_ =	swait.ge [sflag:s25], $0x3200  }
0x13c: {  	[sflag:s25] =	ssyncset.done $0x0  }
0x13d: {  	s18 =	simm.s32 $0x580;
	[sflag:s25] =	ssyncadd.s32 $0xFFFFCE00  }
0x13e: {  	[spmem:s2] =	stream.indirect.scatter.add.f32 [tilespmem:s20], [sflag:$0x6], $0x80, s18, s8, $0xb8;
	[tilespmem:$0x1E200] =	vst v63  }
0x13f: {  	_ =	swait.ge [sflag:s28], $0x3200  }
0x140: {  	[sflag:s28] =	ssyncset.done $0x0  }
0x141: {  	s22 =	rddreg [dreg:$0x17];
	[sflag:s28] =	ssyncadd.s32 $0xFFFFCE00  }
0x142: {  	[tilespmem:s11], [sflag:$0x8] =	stream.linear.gather [hbm4b:s22+s3], $0x100, $0x38;
	[tilespmem:$0x1E200] =	vst v63  }
0x143: {  	_ =	swait.ge [sflag:s15], $0x100  }
0x144: {  	[sflag:s15] =	ssyncset.done $0x0  }
0x145: {  	[sflag:s15] =	ssyncadd.s32 $0xFFFFFF00  }
0x146: {  	[tilespmem:s16], [sflag:$0x2] =	stream.indirect.gather [hbm4b:s1+s8], $0x80, s9, s8, $0xb8;
	[tilespmem:$0x1E200] =	vst v63  }
0x147: {  	_ =	swait.ge [sflag:s17], $0x3200  }
0x148: {  	[sflag:s17] =	ssyncset.done $0x0  }
0x149: {  	[sflag:s17] =	ssyncadd.s32 $0xFFFFCE00  }
0x14a: {  	[spmem:s2] =	stream.indirect.scatter.add.f32 [tilespmem:s6], [sflag:$0x4], $0x80, s4, s8, $0xb8;
	[tilespmem:$0x1E200] =	vst v63  }
0x14b: {  	_ =	swait.ge [sflag:s31], $0x3200  }
0x14c: {  	[sflag:s31] =	ssyncset.done $0x0  }
0x14d: {  	[sflag:s31] =	ssyncadd.s32 $0xFFFFCE00  }
0x14e: {  	_ =	swait.ge [sflag:s19], $0x100  }
0x14f: {  	[sflag:s19] =	ssyncset.done $0x0  }
0x150: {  	[sflag:s19] =	ssyncadd.s32 $0xFFFFFF00  }
0x151: {  	[tilespmem:s20], [sflag:$0x3] =	stream.indirect.gather [hbm4b:s1+s8], $0x80, s10, s8, $0xb8;
	[tilespmem:$0x1E200] =	vst v63  }
0x152: {  	_ =	swait.ge [sflag:s21], $0x3200  }
0x153: {  	[sflag:s21] =	ssyncset.done $0x0  }
0x154: {  	[sflag:s21] =	ssyncadd.s32 $0xFFFFCE00  }
0x155: {  	[spmem:s2] =	stream.indirect.scatter.add.f32 [tilespmem:s16], [sflag:$0x5], $0x80, s26, s8, $0xb8;
	[tilespmem:$0x1E200] =	vst v63  }
0x156: {  	_ =	swait.ge [sflag:s23], $0x3200  }
0x157: {  	[sflag:s23] =	ssyncset.done $0x0  }
0x158: {  	[sflag:s23] =	ssyncadd.s32 $0xFFFFCE00  }
0x159: {  	_ =	swait.ge [sflag:s24], $0x100  }
0x15a: {  	[sflag:s24] =	ssyncset.done $0x0  }
0x15b: {  	[sflag:s24] =	ssyncadd.s32 $0xFFFFFF00  }
0x15c: {  	[tilespmem:s6], [sflag:$0x1] =	stream.indirect.gather [hbm4b:s1+s8], $0x80, s11, s8, $0xb8;
	[tilespmem:$0x1E200] =	vst v63  }
0x15d: {  	_ =	swait.ge [sflag:s25], $0x3200  }
0x15e: {  	[sflag:s25] =	ssyncset.done $0x0  }
0x15f: {  	[sflag:s25] =	ssyncadd.s32 $0xFFFFCE00  }
0x160: {  	[spmem:s2] =	stream.indirect.scatter.add.f32 [tilespmem:s20], [sflag:$0x6], $0x80, s5, s8, $0xb8;
	[tilespmem:$0x1E200] =	vst v63  }
0x161: {  	_ =	swait.ge [sflag:s17], $0x3200  }
0x162: {  	[sflag:s17] =	ssyncset.done $0x0  }
0x163: {  	[sflag:s17] =	ssyncadd.s32 $0xFFFFCE00  }
0x164: {  	[spmem:s2] =	stream.indirect.scatter.add.f32 [tilespmem:s6], [sflag:$0x4], $0x80, s30, s8, $0xb8;
	[tilespmem:$0x1E200] =	vst v63  }
0x165: {  	_ =	swait.ge [sflag:s23], $0x3200  }
0x166: {  	[sflag:s23] =	ssyncset.done $0x0  }
0x167: {  	[sflag:s23] =	ssyncadd.s32 $0xFFFFCE00  }
0x168: {  	_ =	swait.ge [sflag:s28], $0x3200  }
0x169: {  	[sflag:s28] =	ssyncset.done $0x0  }
0x16a: {  	[sflag:s28] =	ssyncadd.s32 $0xFFFFCE00  }
0x16b: {  	_ =	swait.ge [sflag:s31], $0x3200  }
0x16c: {  	[sflag:s31] =	ssyncset.done $0x0  }
0x16d: {  	[sflag:s31] =	ssyncadd.s32 $0xFFFFCE00  }
0x16e: {  	s26 =	stileid.u32;
	[bflag:$0x0] =	sbarrier.arrive $0xFFFF  }
0x16f: {  	s7 =	sshll.u32 s26, $0x6;
	s26 =	simm.s32 $0xD;
	s18 =	rddreg [dreg:$0x8]  }
0x170: {  	s7 =	sor.u32 $0x1C0D, s7;
	s22 =	rddreg [dreg:$0x10];
	s18 =	sshrl.u32 s18, $0x3  }
0x171: {  	[hbm:s22], [sflag:s7] =	dma.local [spmem:s18], $0x800  }
0x172: {  	_ =	swait.ge [sflag:s26], $0x800  }
0x173: {  	[sflag:s26] =	ssyncset.done $0x0;
	s4 =	rddreg [dreg:$0x11]  }
0x174: {  	s5 =	rddreg [dreg:$0x19];
	[sflag:s26] =	ssyncadd.s32 $0xFFFFF800  }
0x175: {  	[hbm:s4], [sflag:s7] =	dma.local [spmem:s5], $0x800  }
0x176: {  	_ =	swait.ge [sflag:s26], $0x800  }
0x177: {  	[sflag:s26] =	ssyncset.done $0x0;
	s4 =	rddreg [dreg:$0x12]  }
0x178: {  	s5 =	rddreg [dreg:$0x1a];
	[sflag:s26] =	ssyncadd.s32 $0xFFFFF800  }
0x179: {  	[hbm:s4], [sflag:s7] =	dma.local [spmem:s5], $0x800  }
0x17a: {  	_ =	swait.ge [sflag:s26], $0x800  }
0x17b: {  	[sflag:s26] =	ssyncset.done $0x0;
	s4 =	rddreg [dreg:$0x13]  }
0x17c: {  	s5 =	rddreg [dreg:$0x1b];
	[sflag:s26] =	ssyncadd.s32 $0xFFFFF800  }
0x17d: {  	[hbm:s4], [sflag:s7] =	dma.local [spmem:s5], $0x800  }
0x17e: {  	_ =	swait.ge [sflag:s26], $0x800  }
0x17f: {  	[sflag:s26] =	ssyncset.done $0x0;
	s4 =	rddreg [dreg:$0x14]  }
0x180: {  	s5 =	rddreg [dreg:$0x1c];
	[sflag:s26] =	ssyncadd.s32 $0xFFFFF800  }
0x181: {  	[hbm:s4], [sflag:s7] =	dma.local [spmem:s5], $0x800  }
0x182: {  	_ =	swait.ge [sflag:s26], $0x800  }
0x183: {  	s18 =	sld [smem:$0x7F9];
	_ =	sdelay $0x2  }
0x184: {  	s22 =	rddreg [dreg:$0x18];
	s4 =	sadd.s32 $0x1, s18  }
0x185: {  	p0 =	sne.s32 s4, s22  }
.Ltmp2:
0x186: {  	_ = 	snop;
	(pc) =	sbr.rel @p0 .LBB2_1-.Ltmp2, $3  }
0x187: {  	_ =	sdelay $0x1  }
0x188: {  	[sflag:s26] =	ssyncset.done $0x0  }
0x189: {  	[sflag:s26] =	ssyncadd.s32 $0xFFFFF800  }
0x18a: {  	_ =	sfence.sel $0x180000  }
0x18b: {  	[bflag:$0x0] =	sbarrier.arrive $0xFFFF  }
0x18c: {  	_ =	strace $0x90000047  }
0x18d: {  	s0 =	stileid.u32;
	[bflag:$0x2] =	sbarrier.arrive $0xFFFF  }
0x18e: {  	p0 =	sne.s32 s0, $0x0;
	s0 =	rddreg [dreg:$0x3]  }
0x18f: {  	s0 =	sadd.s32 @!p0 $0x100000, s0  }
0x190: {  	[sflag:s0] =	ssyncadd.tile.s32 @!p0 $0x1;
	_ =	shalt  }
.Lfunc_end2:
_tile_overlayer_lowered:
.L_overlay_start_2:
0x191: {  	(tag) =	ssettag $0x2  }
0x192: {  	s0 =	rddreg [dreg:$0x0];
	s2 =	stileid.u32  }
0x193: {  	s1 =	rddreg [dreg:$0x1];
	p0 =	sne.s32 s2, $0x0  }
0x194: {  	s3 =	rddreg [dreg:$0x2];
	[bflag:$0x3] =	sbarrier.arrive $0xFFFF;
	s2 =	simm.s32 @!p0 $0x1C0D  }
0x195: {  	[timem:s3], [sflag:s2] =	dma.local @!p0 [hbm:s0], s1  }
0x196: {  	s0 =	simm.s32 @!p0 $0xD  }
0x197: {  	_ =	swait.ge @!p0 [sflag:s0], s1  }
0x198: {  	s1 =	ssub.s32 @!p0 $0x0, s1;
	[sflag:s0] =	ssyncset.done @!p0 $0x0  }
0x199: {  	[sflag:s0] =	ssyncadd.s32 @!p0 s1  }
0x19a: {  	[bflag:$0x3] =	sbarrier.arrive $0xFFFF  }
0x19b: {  	_ =	shalt  }

// kernel: kernel.9.cloned.1.call-start
scs
__scs_entry_jumppad:
0x0: {  	(pc) =	sbr.rel $0x88, $3  }
0x1: {  	(tag) =	ssettag $0x0;
	lr =	simm.s32 $0x1  }
0x2: {  	[smem:$0x3F97] =	sst lr;
	_ =	strace $0xD0000000  }
0x3: {  	_ = 	snop  }
0x4: {  	_ = 	snop  }
0x5: {  	_ = 	snop  }
0x6: {  	_ = 	snop  }
0x7: {  	_ = 	snop  }
__scs_overlays_trampoline_lowered:
0x8: {  	[smem:$0x3FA6] =	sst s0  }
0x9: {  	[smem:$0x3FA7] =	sst s1  }
0xa: {  	[smem:$0x3FA8] =	sst s2  }
0xb: {  	[smem:$0x3FA9] =	sst s3  }
0xc: {  	[smem:$0x3FAA] =	sst s4  }
0xd: {  	[smem:$0x3FAB] =	sst s5  }
0xe: {  	[smem:$0x3FAC] =	sst s6  }
0xf: {  	[smem:$0x3FAD] =	sst s7  }
0x10: {  	[smem:$0x3FAE] =	sst s8  }
0x11: {  	[smem:$0x3FAF] =	sst s9;
	s0 =	simm.s32 @!p0 $0x0  }
0x12: {  	s1 =	sld [smem:$0x3F95];
	s0 =	simm.s32 @p0 $0x1  }
0x13: {  	[smem:$0x3FB0] =	sst s0;
	s0 =	simm.s32 @!p1 $0x0  }
0x14: {  	s2 =	sld [smem:$0x3F94];
	s0 =	simm.s32 @p1 $0x1  }
0x15: {  	[smem:$0x3FB1] =	sst s0;
	s0 =	simm.s32 @!p2 $0x0  }
0x16: {  	s3 =	sld [smem:$0x3FDB];
	s0 =	simm.s32 @p2 $0x1  }
0x17: {  	s4 =	simm.s32 $0x1BF5;
	[smem:$0x3FB3] =	sst s0  }
0x18: {  	s0 =	sld [smem:$0x3F96];
	_ =	swait.ge [sflag:s4], $0x0  }
0x19: {  	s7 =	sld [smem:$0x3F97]  }
0x1a: {  	s8 =	sadd.s32 $0xFFFFE003, lr  }
0x1b: {  	s9 =	sadd.s32 $0xFFFFFEF7, lr;
	s5 =	simm.s32 $0xFFFFFFFF;
	p2 =	slt.u32 s8, $0xFFFFF086  }
0x1c: {  	p1 =	slt.u32 s9, $0xF7A;
	s5 =	simm.s32 @!p2 $0x0  }
0x1d: {  	s5 =	simm.s32 @p1 $0x1;
	p0 =	seq.s32 s7, s2  }
0x1e: {  	s7 =	smul.u32 @!p0 $0xF7A, s2;
	p2 =	seq.s32 @!p0 s5, $0x0  }
0x1f: {  	s9 =	smul.u32 $0xF7A, s1;
	s8 =	simm.s32 @!p0 $0x1BF5;
	p2 =	por !p2, p0  }
0x20: {  	[sflag:s8] =	ssyncset.s32 @!p0 $0xFFFFF086;
	s6 =	sadd.s32 @!p0 s3, s7;
	s7 =	simm.s32 @!p0 $0x108  }
0x21: {  	s3 =	sadd.s32 s3, s9;
	s6 =	sadd.s32 @!p0 $0x88, s6;
	s7 =	simm.s32 @p2 $0x1082  }
0x22: {  	[simem:s7], [sflag:s8] =	dma.local @!p0 [hbm:s6], $0xF7A  }
0x23: {  	s9 =	sor.u32 $0xD0000000, s2;
	s6 =	simm.s32 $0x108;
	_ =	swait.ge @!p0 [sflag:s8], $0x0  }
0x24: {  	s3 =	sadd.s32 $0x88, s3;
	s6 =	simm.s32 @!p1 $0x1082;
	[sflag:s4] =	ssyncset.s32 $0xFFFFF086  }
0x25: {  	[simem:s6], [sflag:s4] =	dma.local [hbm:s3], $0xF7A  }
0x26: {  	[smem:$0x3F97] =	sst s1;
	(tag) =	ssettag s2;
	_ =	strace s9  }
0x27: {  	s1 =	sld [smem:$0x3FA7]  }
0x28: {  	s2 =	sld [smem:$0x3FA8]  }
0x29: {  	s4 =	sld [smem:$0x3FAA]  }
0x2a: {  	p0 =	seq.s32 s5, $0x0;
	s5 =	sld [smem:$0x3FAB]  }
0x2b: {  	s6 =	sld [smem:$0x3FAC]  }
0x2c: {  	s7 =	sld [smem:$0x3FAD]  }
0x2d: {  	s3 =	simm.s32 $0x108;
	s8 =	sld [smem:$0x3FAE]  }
0x2e: {  	s3 =	simm.s32 @!p0 $0x1082;
	s9 =	sld [smem:$0x3FAF]  }
0x2f: {  	lr =	sadd.s32 s0, s3;
	s0 =	sld [smem:$0x3FA6]  }
0x30: {  	s3 =	sld [smem:$0x3FA9]  }
0x31: {  	[smem:$0x3FB2] =	sst s10  }
0x32: {  	s10 =	sld [smem:$0x3FB0];
	_ =	sdelay $0x3  }
0x33: {  	p0 =	seq.s32 s10, $0x1;
	s10 =	sld [smem:$0x3FB2];
	_ =	sdelay $0x3  }
0x34: {  	[smem:$0x3FB2] =	sst s10  }
0x35: {  	s10 =	sld [smem:$0x3FB1];
	_ =	sdelay $0x3  }
0x36: {  	p1 =	seq.s32 s10, $0x1;
	s10 =	sld [smem:$0x3FB2];
	_ =	sdelay $0x3  }
0x37: {  	[smem:$0x3FB2] =	sst s10  }
0x38: {  	s10 =	sld [smem:$0x3FB3]  }
0x39: {  	_ = 	snop;
	(pc) =	sbr.ind lr, $3  }
0x3a: {  	_ = 	snop  }
0x3b: {  	_ = 	snop  }
0x3c: {  	p2 =	seq.s32 s10, $0x1;
	s10 =	sld [smem:$0x3FB2]  }
0x3d: {  	_ =	shalt  }
0x3e: {  	_ =	shalt  }
0x3f: {  	_ =	shalt  }
0x40: {  	_ =	shalt  }
0x41: {  	_ =	shalt  }
0x42: {  	_ =	shalt  }
0x43: {  	_ =	shalt  }
0x44: {  	_ =	shalt  }
0x45: {  	_ =	shalt  }
0x46: {  	_ =	shalt  }
0x47: {  	_ =	shalt  }
0x48: {  	_ =	shalt  }
0x49: {  	_ =	shalt  }
0x4a: {  	_ =	shalt  }
0x4b: {  	_ =	shalt  }
0x4c: {  	_ =	shalt  }
0x4d: {  	_ =	shalt  }
0x4e: {  	_ =	shalt  }
0x4f: {  	_ =	shalt  }
0x50: {  	_ =	shalt  }
0x51: {  	_ =	shalt  }
0x52: {  	_ =	shalt  }
0x53: {  	_ =	shalt  }
0x54: {  	_ =	shalt  }
0x55: {  	_ =	shalt  }
0x56: {  	_ =	shalt  }
0x57: {  	_ =	shalt  }
0x58: {  	_ =	shalt  }
0x59: {  	_ =	shalt  }
0x5a: {  	_ =	shalt  }
0x5b: {  	_ =	shalt  }
0x5c: {  	_ =	shalt  }
0x5d: {  	_ =	shalt  }
0x5e: {  	_ =	shalt  }
0x5f: {  	_ =	shalt  }
0x60: {  	_ =	shalt  }
0x61: {  	_ =	shalt  }
0x62: {  	_ =	shalt  }
0x63: {  	_ =	shalt  }
0x64: {  	_ =	shalt  }
0x65: {  	_ =	shalt  }
0x66: {  	_ =	shalt  }
0x67: {  	_ =	shalt  }
0x68: {  	_ =	shalt  }
0x69: {  	_ =	shalt  }
0x6a: {  	_ =	shalt  }
0x6b: {  	_ =	shalt  }
0x6c: {  	_ =	shalt  }
0x6d: {  	_ =	shalt  }
0x6e: {  	_ =	shalt  }
0x6f: {  	_ =	shalt  }
0x70: {  	_ =	shalt  }
0x71: {  	_ =	shalt  }
0x72: {  	_ =	shalt  }
0x73: {  	_ =	shalt  }
0x74: {  	_ =	shalt  }
0x75: {  	_ =	shalt  }
0x76: {  	_ =	shalt  }
0x77: {  	_ =	shalt  }
0x78: {  	_ =	shalt  }
0x79: {  	_ =	shalt  }
0x7a: {  	_ =	shalt  }
0x7b: {  	_ =	shalt  }
0x7c: {  	_ =	shalt  }
0x7d: {  	_ =	shalt  }
0x7e: {  	_ =	shalt  }
0x7f: {  	_ =	shalt  }
0x80: {  	_ =	shalt  }
0x81: {  	_ =	shalt  }
0x82: {  	_ =	shalt  }
0x83: {  	_ =	shalt  }
0x84: {  	_ =	shalt  }
0x85: {  	_ =	shalt  }
0x86: {  	_ =	shalt  }
0x87: {  	_ =	shalt  }
.Lfunc_end0:
.L_simem_size_0:
called_computation.1_lowered:
.L_overlay_start_0:
0x88: {  	s2 =	sld [smem:$0x3FD9]  }
0x89: {  	s3 =	sld [smem:$0x3FFE];
	_ =	sdelay $0x1  }
0x8a: {  	s1 =	srdreg.scid  }
0x8b: {  	s0 =	sand.u32 $0x1, s1  }
0x8c: {  	s17 =	sshll.u32 s0, $0xA;
	s2 =	sadd.s32 s3, s2  }
0x8d: {  	s2 =	sadd.s32 s2, s17  }
0x8e: {  	[smem:$0x3FBE] =	sst s2  }
0x8f: {  	_ = 	snop  }
0x90: {  	s2 =	sld [smem:$0x3FD0];
	(tm) =	ssettm $0x1  }
0x91: {  	s18 =	sld [smem:$0x3FFB];
	_ =	sdelay $0x3  }
0x92: {  	_ =	strace s18  }
0x93: {  	s3 =	sld [smem:$0x3FFC];
	_ =	sdelay $0x3  }
0x94: {  	_ =	strace s3  }
0x95: {  	s3 =	sld [smem:$0x3FFD];
	_ =	sdelay $0x3  }
0x96: {  	_ =	strace s3  }
0x97: {  	_ =	strace $0x8FFFFFFF  }
0x98: {  	s19 =	sld [smem:$0x3FDB];
	_ =	sdelay $0x1  }
0x99: {  	s4 =	simm.s32 $_scs_section_size  }
0x9a: {  	s5 =	simm.s32 $_size__tile_overlayer_lowered;
	s6 =	simm.s32 $_tile_overlayer_lowered  }
0x9b: {  	s22 =	simm.s32 $0x1BFF;
	s21 =	sshll.u32 s6, $0x1;
	s3 =	sadd.s32 s4, s19  }
0x9c: {  	s7 =	simm.s32 $0x0;
	s20 =	sshll.u32 s5, $0x1;
	s5 =	sadd.s32 s21, s3  }
0x9d: {  	[timem:s7], [sflag:s22] =	dma.local [hbm:s5], s20  }
0x9e: {  	_ =	swait.ge [sflag:s22], s20  }
0x9f: {  	s4 =	ssub.s32 $0x0, s20;
	[sflag:s22] =	ssyncset.done $0x0  }
0xa0: {  	[sflag:s22] =	ssyncadd.s32 s4;
	_ =	sdelay $0x1  }
0xa1: {  	s23 =	simm.s32 $0x1B8B  }
0xa2: {  	_ =	swait.ge [sflag:s23], $0x1  }
0xa3: {  	[sflag:s23] =	ssyncset.done $0x0  }
0xa4: {  	s25 =	simm.s32 $0x1B8E;
	s24 =	sld [smem:$0x3FFE];
	[sflag:s23] =	ssyncadd.s32 $0xFFFFFFFF  }
0xa5: {  	s26 =	simm.s32 $execute0_lowered;
	[smem:$0x3FD2] =	sst s25  }
0xa6: {  	s5 =	sshll.u32 s26, $0x1;
	_ =	strace $0x80000049;
	[dreg:$0x1] =	wrdreg $0xFFFFFFFF  }
0xa7: {  	s28 =	simm.s32 $_size_execute0_lowered;
	s3 =	sadd.s32 s3, s5;
	[dreg:$0x0] =	wrdreg $0x0  }
0xa8: {  	s5 =	sshll.u32 s28, $0x1;
	[dreg:$0x2] =	wrdreg s3  }
0xa9: {  	[dreg:$0x3] =	wrdreg s5  }
0xaa: {  	[dreg:$0x4] =	wrdreg $0xC0  }
0xab: {  	_ =	task [dreg:s7], $0x5FFFF  }
0xac: {  	[dreg:$0x1] =	wrdreg $0xFFFFFFFF  }
0xad: {  	[dreg:$0x0] =	wrdreg $0x60  }
0xae: {  	[dreg:$0x2] =	wrdreg s2  }
0xaf: {  	[dreg:$0x3] =	wrdreg s24  }
0xb0: {  	[dreg:$0x4] =	wrdreg $0xA2000  }
0xb1: {  	[dreg:$0x5] =	wrdreg $0x9  }
0xb2: {  	_ =	task.clear_ibuf [dreg:s7], $0x6FFFF;
	_ =	strace $0x90000049  }
0xb3: {  	s29 =	simm.s32 $0x9;
	_ =	strace $0x8000004B  }
0xb4: {  	_ =	swait.ge [sflag:s29], $0x1  }
0xb5: {  	[sflag:s29] =	ssyncadd.s32 $0xFFFFFFFF  }
0xb6: {  	_ =	strace $0x9000004B  }
0xb7: {  	_ =	sfence  }
0xb8: {  	s30 =	sld [smem:$0x0];
	_ =	sdelay $0x2  }
0xb9: {  	s31 =	sshll.u32 s1, $0xD;
	s1 =	sshrl.u32 s1, $0x2  }
0xba: {  	s3 =	sand.u32 $0x4000, s31;
	s1 =	sadd.s32 s1, s30  }
0xbb: {  	s0 =	sor.u32 s3, s0;
	s1 =	sshll.u32 s1, $0x11  }
0xbc: {  	s0 =	sor.u32 s1, s0  }
0xbd: {  	s0 =	sadd.s32 $0x8F2B, s0  }
0xbe: {  	[sflag:s0] =	ssyncadd.remote.s32 $0x1  }
0xbf: {  	_ =	sfence.sel $0xFFFF  }
0xc0: {  	[dreg:$0x0] =	wrdreg $0xFFFFFFFF;
	(pc) =	sbr.abs _section_cstart, $3  }
0xc1: {  	[dreg:$0x1] =	wrdreg $0xFFFFFFFF  }
0xc2: {  	_ =	task.clear_ibuf [dreg:s7], $0x2FFFF;
	_ =	strace $0x9FFFFFFF  }
0xc3: {  	(tm) =	ssettm $0x7FFFFFFF  }
tec
execute0_lowered:
.L_overlay_start_1:
0x0: {  	(tag) =	ssettag $0x1  }
0x1: {  	s1 =	rddreg [dreg:$0x0]  }
0x2: {  	s0 =	rddreg [dreg:$0x1]  }
0x3: {  	s2 =	rddreg [dreg:$0x2];
	s3 =	simm.s32 $0x0;
	s6 =	srdreg.scid  }
0x4: {  	s13 =	stileid.u32;
	s28 =	simm.s32 $0x5;
	s29 =	simm.s32 $0xA  }
0x5: {  	s31 =	simm.s32 $0x6;
	s30 =	simm.s32 $0x180;
	[smem:$0x7FF] =	sst s3  }
0x6: {  	s4 =	sadd.s32 $0x1600, s0;
	s5 =	sadd.s32 $0x1A600, s0;
	s8 =	smul.u32 $0x50000, s13  }
0x7: {  	s6 =	sand.u32 $0x1, s6;
	s7 =	sshll.u32 s13, $0x1;
	s10 =	smul.u32 $0x280, s13  }
0x8: {  	s0 =	sadd.s32 $0x1620, s0;
	s22 =	smul.u32 $0xC8, s13;
	_ =	strace $0x8000004A  }
0x9: {  	s9 =	ssub.s32 $0x2, s6;
	s7 =	sor.u32 s6, s7;
	s8 =	sshrl.u32 s8, $0x2  }
0xa: {  	s11 =	sshrl.u32 s9, $0x1;
	s12 =	smul.u32 $0xC80, s7;
	s15 =	sadd.s32 s8, s2  }
0xb: {  	s7 =	smul.u32 $0x6400, s7;
	s8 =	sadd.s32 $0x2800, s15;
	[dreg:$0x8] =	wrdreg s15  }
0xc: {  	s13 =	sadd.s32 $0x80, s10;
	s20 =	sadd.s32 $0x5000, s15;
	[dreg:$0x9] =	wrdreg s8  }
0xd: {  	s7 =	sshrl.u32 s7, $0x3;
	s21 =	sadd.s32 s12, s0;
	[dreg:$0xa] =	wrdreg s20  }
0xe: {  	s16 =	sadd.s32 s4, s12;
	[dreg:$0xc] =	wrdreg s21;
	s7 =	sadd.s32 s4, s7  }
0xf: {  	s18 =	sadd.s32 $0x100, s10;
	[dreg:$0xb] =	wrdreg s16;
	s23 =	sadd.s32 $0x80, s7  }
0x10: {  	s8 =	smul.u32 $0x2800, s6;
	s24 =	sadd.s32 $0xA0, s7;
	[dreg:$0xd] =	wrdreg s23  }
0x11: {  	s6 =	smul.u32 $0x64, s6;
	s25 =	sadd.s32 $0xC0, s7;
	[dreg:$0xe] =	wrdreg s24  }
0x12: {  	s9 =	ssub.s32 s9, s11;
	[dreg:$0xf] =	wrdreg s25;
	s26 =	sadd.s32 s10, s8  }
0x13: {  	s14 =	sadd.s32 s8, s13;
	s6 =	sadd.s32 s6, s22;
	s19 =	sadd.s32 s8, s18  }
0x14: {  	s22 =	sadd.s32 $0x180, s10;
	s10 =	sadd.s32 $0x200, s10;
	s12 =	sshll.u32 s26, $0x4  }
0x15: {  	s17 =	sshll.u32 s14, $0x4;
	s6 =	sshll.u32 s6, $0x5;
	s20 =	sshll.u32 s19, $0x4  }
0x16: {  	s24 =	sadd.s32 s8, s22;
	s25 =	sadd.s32 s8, s10;
	s8 =	sshll.u32 s13, $0x7  }
0x17: {  	s13 =	sshll.u32 s10, $0x7;
	s14 =	smax.u32 s9, $0x1;
	s9 =	simm.s32 $0x200  }
0x18: {  	s10 =	simm.s32 $0x400;
	s12 =	sadd.s32 s5, s12;
	[dreg:$0x18] =	wrdreg s14  }
0x19: {  	s11 =	sadd.s32 s5, s17;
	s0 =	sadd.s32 s0, s6;
	[dreg:$0x10] =	wrdreg s12  }
0x1a: {  	s4 =	sadd.s32 s4, s6;
	s6 =	sadd.s32 s5, s20;
	[dreg:$0x11] =	wrdreg s11  }
0x1b: {  	s26 =	sshll.u32 s25, $0x4;
	s20 =	sadd.s32 $0x7800, s15;
	[dreg:$0x12] =	wrdreg s6  }
0x1c: {  	s25 =	sadd.s32 $0x40, s16;
	s14 =	simm.s32 $0x7;
	[dreg:$0x1d] =	wrdreg s20  }
0x1d: {  	s0 =	sadd.s32 $0x180, s0;
	s21 =	sadd.s32 $0x180, s4;
	[smem:$0x7FC] =	sst s25  }
0x1e: {  	s23 =	sadd.s32 $0x100, s4;
	s4 =	sadd.s32 $0x140, s4;
	[dreg:$0x4] =	wrdreg s0  }
0x1f: {  	s6 =	sadd.s32 $0xC40, s7;
	s11 =	sshll.u32 s18, $0x7;
	[dreg:$0x5] =	wrdreg s21  }
0x20: {  	s12 =	sshll.u32 s22, $0x7;
	s22 =	sadd.s32 $0xC800, s15;
	[dreg:$0x6] =	wrdreg s23  }
0x21: {  	s20 =	simm.s32 $0x6E00;
	s25 =	simm.s32 $0x3;
	[dreg:$0x7] =	wrdreg s4  }
0x22: {  	s0 =	sshll.u32 s24, $0x4;
	[dreg:$0x16] =	wrdreg s6;
	s4 =	sadd.s32 s11, s2  }
0x23: {  	s6 =	sadd.s32 s13, s2;
	s21 =	sadd.s32 $0xA000, s15;
	[dreg:$0x1f] =	wrdreg s22  }
0x24: {  	s23 =	sadd.s32 $0xF000, s15;
	s24 =	sadd.s32 $0x11800, s15;
	s11 =	simm.s32 $0x100  }
0x25: {  	s13 =	simm.s32 $0x500;
	s15 =	simm.s32 $0x9;
	[dreg:$0x1e] =	wrdreg s21  }
0x26: {  	s0 =	sadd.s32 s5, s0;
	s17 =	sshrl.u32 s4, $0x3;
	[smem:$0x7FA] =	sst s23  }
0x27: {  	s19 =	sshrl.u32 s6, $0x3;
	[smem:$0x7FB] =	sst s24;
	s6 =	simm.s32 $0x600  }
0x28: {  	s21 =	simm.s32 $0x2;
	s23 =	simm.s32 $0x4;
	[dreg:$0x13] =	wrdreg s0  }
0x29: {  	s24 =	simm.s32 $0x8;
	s4 =	simm.s32 $0x0;
	[dreg:$0x1a] =	wrdreg s17  }
0x2a: {  	s0 =	sadd.s32 s5, s26;
	s5 =	sadd.s32 $0xE0, s7;
	[dreg:$0x1c] =	wrdreg s19  }
0x2b: {  	s7 =	sadd.s32 $0xC60, s7;
	s26 =	sadd.s32 $0x60, s16;
	[dreg:$0x14] =	wrdreg s0  }
0x2c: {  	s16 =	simm.s32 $0x3A00;
	s17 =	simm.s32 $0x1;
	[dreg:$0x15] =	wrdreg s5  }
0x2d: {  	s19 =	simm.s32 $0xB;
	[dreg:$0x17] =	wrdreg s7;
	s0 =	sadd.s32 s8, s2  }
0x2e: {  	s5 =	sadd.s32 s12, s2;
	[smem:$0x7FD] =	sst s26;
	s0 =	sshrl.u32 s0, $0x3  }
0x2f: {  	s12 =	simm.s32 $0x300;
	s18 =	sshrl.u32 s5, $0x3;
	[dreg:$0x19] =	wrdreg s0  }
0x30: {  	v0 =	vimm.f32 $0.0e+00;
	s8 =	simm.s32 $0x64;
	[dreg:$0x1b] =	wrdreg s18;
	s0 =	simm.s32 $0xC  }
.LBB2_1:
0x31: {  	s7 =	sand.u32 $0xFE00, s3  }
0x32: {  	[smem:$0x7F9] =	sst s4;
	s18 =	sand.u32 $0x70, s3;
	s22 =	sshrl.u32 s7, $0x2  }
0x33: {  	s7 =	simm.s32 $0x40;
	s22 =	sor.u32 s18, s22;
	s18 =	simm.s32 $0x0  }
.LBB2_2:
0x34: {  	p0 =	sne.s32 s7, $0x9FC0  }
0x35: {  	[tilespmem:s22+$0x600] =	vst v0;
	s18 =	sadd.s32 $0x10, s18;
	s22 =	smov.u32 s7;
	s7 =	sadd.s32 $0x40, s7  }
.Ltmp0:
0x36: {  	(pc) =	sbr.rel @p0 .LBB2_2-.Ltmp0, $4  }
0x37: {  	_ = 	snop  }
0x38: {  	s22 =	sand.u32 $0xFE00, s22  }
0x39: {  	s26 =	sand.u32 $0x70, s18;
	s22 =	sshrl.u32 s22, $0x2  }
0x3a: {  	s22 =	sor.u32 s26, s22  }
0x3b: {  	[tilespmem:s22+$0x600] =	vst v0;
	s7 =	rddreg [dreg:$0x8];
	s18 =	simm.s32 $0xD  }
0x3c: {  	[spmem:s7] =	stream.linear.scatter [tilespmem:s6], [sflag:$0xD], $0x2800, $0x38;
	[tilespmem:$0x1E200] =	vst v63  }
0x3d: {  	_ =	swait.ge [sflag:s18], $0x2800  }
0x3e: {  	[sflag:s18] =	ssyncset.done $0x0  }
0x3f: {  	s26 =	rddreg [dreg:$0x9];
	[sflag:s18] =	ssyncadd.s32 $0xFFFFD800  }
0x40: {  	[spmem:s26] =	stream.linear.scatter [tilespmem:s6], [sflag:$0xD], $0x2800, $0x38;
	[tilespmem:$0x1E200] =	vst v63  }
0x41: {  	_ =	swait.ge [sflag:s18], $0x2800  }
0x42: {  	[sflag:s18] =	ssyncset.done $0x0  }
0x43: {  	s4 =	rddreg [dreg:$0xa];
	[sflag:s18] =	ssyncadd.s32 $0xFFFFD800  }
0x44: {  	[spmem:s4] =	stream.linear.scatter [tilespmem:s6], [sflag:$0xD], $0x2800, $0x38;
	[tilespmem:$0x1E200] =	vst v63  }
0x45: {  	_ =	swait.ge [sflag:s18], $0x2800  }
0x46: {  	[sflag:s18] =	ssyncset.done $0x0  }
0x47: {  	s5 =	rddreg [dreg:$0x1d];
	[sflag:s18] =	ssyncadd.s32 $0xFFFFD800  }
0x48: {  	[spmem:s5] =	stream.linear.scatter [tilespmem:s6], [sflag:$0xD], $0x2800, $0x38;
	[tilespmem:$0x1E200] =	vst v63  }
0x49: {  	_ =	swait.ge [sflag:s18], $0x2800  }
0x4a: {  	[sflag:s18] =	ssyncset.done $0x0  }
0x4b: {  	s22 =	rddreg [dreg:$0x1e];
	[sflag:s18] =	ssyncadd.s32 $0xFFFFD800  }
0x4c: {  	[spmem:s22] =	stream.linear.scatter [tilespmem:s6], [sflag:$0xD], $0x2800, $0x38;
	[tilespmem:$0x1E200] =	vst v63  }
0x4d: {  	_ =	swait.ge [sflag:s18], $0x2800  }
0x4e: {  	[sflag:s18] =	ssyncset.done $0x0  }
0x4f: {  	s26 =	rddreg [dreg:$0x1f];
	[sflag:s18] =	ssyncadd.s32 $0xFFFFD800  }
0x50: {  	[spmem:s26] =	stream.linear.scatter [tilespmem:s6], [sflag:$0xD], $0x2800, $0x38;
	[tilespmem:$0x1E200] =	vst v63  }
0x51: {  	_ =	swait.ge [sflag:s18], $0x2800  }
0x52: {  	s4 =	sld [smem:$0x7FA]  }
0x53: {  	[sflag:s18] =	ssyncset.done $0x0  }
0x54: {  	[sflag:s18] =	ssyncadd.s32 $0xFFFFD800  }
0x55: {  	[spmem:s4] =	stream.linear.scatter [tilespmem:s6], [sflag:$0xD], $0x2800, $0x38;
	[tilespmem:$0x1E200] =	vst v63  }
0x56: {  	_ =	swait.ge [sflag:s18], $0x2800  }
0x57: {  	s5 =	sld [smem:$0x7FB]  }
0x58: {  	[sflag:s18] =	ssyncset.done $0x0  }
0x59: {  	[sflag:s18] =	ssyncadd.s32 $0xFFFFD800  }
0x5a: {  	[spmem:s5] =	stream.linear.scatter [tilespmem:s6], [sflag:$0xD], $0x2800, $0x38;
	[tilespmem:$0x1E200] =	vst v63  }
0x5b: {  	_ =	swait.ge [sflag:s18], $0x2800  }
0x5c: {  	[sflag:s18] =	ssyncset.done $0x0;
	s22 =	rddreg [dreg:$0xb]  }
0x5d: {  	s7 =	simm.s32 $0x0;
	s26 =	rddreg [dreg:$0xc];
	[sflag:s18] =	ssyncadd.s32 $0xFFFFD800  }
0x5e: {  	[tilespmem:s7], [sflag:$0x7] =	stream.linear.gather [hbm4b:s22+s7], $0x100, $0x38;
	[tilespmem:$0x1E200] =	vst v63  }
0x5f: {  	s4 =	sld [smem:$0x7FC]  }
0x60: {  	[tilespmem:s9], [sflag:$0x9] =	stream.linear.gather [hbm4b:s26+s7], $0x100, $0x38;
	[tilespmem:$0x1E200] =	vst v63  }
0x61: {  	s5 =	sld [smem:$0x7FD]  }
0x62: {  	[tilespmem:s10], [sflag:$0xB] =	stream.linear.gather [hbm4b:s4+s7], $0x100, $0x38;
	[tilespmem:$0x1E200] =	vst v63  }
0x63: {  	_ = 	snop  }
0x64: {  	[tilespmem:s11], [sflag:$0x8] =	stream.linear.gather [hbm4b:s5+s7], $0x100, $0x38;
	[tilespmem:$0x1E200] =	vst v63  }
0x65: {  	s22 =	rddreg [dreg:$0xd]  }
0x66: {  	[tilespmem:s12], [sflag:$0xA] =	stream.linear.gather [hbm4b:s22+s7], $0x100, $0x38;
	[tilespmem:$0x1E200] =	vst v63  }
0x67: {  	s26 =	rddreg [dreg:$0xe]  }
0x68: {  	[tilespmem:s13], [sflag:$0xC] =	stream.linear.gather [hbm4b:s26+s7], $0x100, $0x38;
	[tilespmem:$0x1E200] =	vst v63  }
0x69: {  	[bflag:$0x0] =	sbarrier.arrive $0xFFFF  }
0x6a: {  	_ =	swait.ge [sflag:s14], $0x100  }
0x6b: {  	[sflag:s14] =	ssyncset.done $0x0  }
0x6c: {  	[sflag:s14] =	ssyncadd.s32 $0xFFFFFF00  }
0x6d: {  	[tilespmem:s6], [sflag:$0x1] =	stream.indirect.gather [hbm4b:s1+s8], $0x80, s7, s8, $0xb8;
	[tilespmem:$0x1E200] =	vst v63  }
0x6e: {  	_ =	swait.ge [sflag:s15], $0x100  }
0x6f: {  	[sflag:s15] =	ssyncset.done $0x0  }
0x70: {  	[sflag:s15] =	ssyncadd.s32 $0xFFFFFF00  }
0x71: {  	[tilespmem:s16], [sflag:$0x2] =	stream.indirect.gather [hbm4b:s1+s8], $0x80, s9, s8, $0xb8;
	[tilespmem:$0x1E200] =	vst v63  }
0x72: {  	_ =	swait.ge [sflag:s17], $0x3200  }
0x73: {  	[sflag:s17] =	ssyncset.done $0x0  }
0x74: {  	s5 =	simm.s32 $0x80;
	[sflag:s17] =	ssyncadd.s32 $0xFFFFCE00  }
0x75: {  	[spmem:s2] =	stream.indirect.scatter.add.f32 [tilespmem:s6], [sflag:$0x4], $0x80, s5, s8, $0xb8;
	[tilespmem:$0x1E200] =	vst v63  }
0x76: {  	_ =	swait.ge [sflag:s19], $0x100  }
0x77: {  	[sflag:s19] =	ssyncset.done $0x0  }
0x78: {  	[sflag:s19] =	ssyncadd.s32 $0xFFFFFF00  }
0x79: {  	[tilespmem:s20], [sflag:$0x3] =	stream.indirect.gather [hbm4b:s1+s8], $0x80, s10, s8, $0xb8;
	[tilespmem:$0x1E200] =	vst v63  }
0x7a: {  	_ =	swait.ge [sflag:s21], $0x3200  }
0x7b: {  	[sflag:s21] =	ssyncset.done $0x0  }
0x7c: {  	s22 =	simm.s32 $0x280;
	[sflag:s21] =	ssyncadd.s32 $0xFFFFCE00  }
0x7d: {  	[spmem:s2] =	stream.indirect.scatter.add.f32 [tilespmem:s16], [sflag:$0x5], $0x80, s22, s8, $0xb8;
	[tilespmem:$0x1E200] =	vst v63  }
0x7e: {  	_ =	swait.ge [sflag:s23], $0x3200  }
0x7f: {  	[sflag:s23] =	ssyncset.done $0x0  }
0x80: {  	[sflag:s23] =	ssyncadd.s32 $0xFFFFCE00  }
0x81: {  	_ =	swait.ge [sflag:s24], $0x100  }
0x82: {  	[sflag:s24] =	ssyncset.done $0x0  }
0x83: {  	[sflag:s24] =	ssyncadd.s32 $0xFFFFFF00  }
0x84: {  	[tilespmem:s6], [sflag:$0x1] =	stream.indirect.gather [hbm4b:s1+s8], $0x80, s11, s8, $0xb8;
	[tilespmem:$0x1E200] =	vst v63  }
0x85: {  	_ =	swait.ge [sflag:s25], $0x3200  }
0x86: {  	[sflag:s25] =	ssyncset.done $0x0  }
0x87: {  	s26 =	simm.s32 $0x480;
	[sflag:s25] =	ssyncadd.s32 $0xFFFFCE00  }
0x88: {  	[spmem:s2] =	stream.indirect.scatter.add.f32 [tilespmem:s20], [sflag:$0x6], $0x80, s26, s8, $0xb8;
	[tilespmem:$0x1E200] =	vst v63  }
0x89: {  	_ =	swait.ge [sflag:s28], $0x3200  }
0x8a: {  	[sflag:s28] =	ssyncset.done $0x0  }
0x8b: {  	s4 =	rddreg [dreg:$0xf];
	[sflag:s28] =	ssyncadd.s32 $0xFFFFCE00  }
0x8c: {  	[tilespmem:s7], [sflag:$0x7] =	stream.linear.gather [hbm4b:s4+s7], $0x100, $0x38;
	[tilespmem:$0x1E200] =	vst v63  }
0x8d: {  	_ =	swait.ge [sflag:s29], $0x100  }
0x8e: {  	[sflag:s29] =	ssyncset.done $0x0  }
0x8f: {  	[sflag:s29] =	ssyncadd.s32 $0xFFFFFF00  }
0x90: {  	[tilespmem:s16], [sflag:$0x2] =	stream.indirect.gather [hbm4b:s1+s8], $0x80, s12, s8, $0xb8;
	[tilespmem:$0x1E200] =	vst v63  }
0x91: {  	_ =	swait.ge [sflag:s17], $0x3200  }
0x92: {  	[sflag:s17] =	ssyncset.done $0x0  }
0x93: {  	s4 =	simm.s32 $0x180;
	[sflag:s17] =	ssyncadd.s32 $0xFFFFCE00  }
0x94: {  	[spmem:s2] =	stream.indirect.scatter.add.f32 [tilespmem:s6], [sflag:$0x4], $0x80, s4, s8, $0xb8;
	[tilespmem:$0x1E200] =	vst v63  }
0x95: {  	_ =	swait.ge [sflag:s31], $0x3200  }
0x96: {  	[sflag:s31] =	ssyncset.done $0x0  }
0x97: {  	s4 =	rddreg [dreg:$0x15];
	[sflag:s31] =	ssyncadd.s32 $0xFFFFCE00  }
0x98: {  	[tilespmem:s9], [sflag:$0x9] =	stream.linear.gather [hbm4b:s4+s7], $0x100, $0x38;
	[tilespmem:$0x1E200] =	vst v63  }
0x99: {  	_ =	swait.ge [sflag:s0], $0x100  }
0x9a: {  	[sflag:s0] =	ssyncset.done $0x0  }
0x9b: {  	[sflag:s0] =	ssyncadd.s32 $0xFFFFFF00  }
0x9c: {  	[tilespmem:s20], [sflag:$0x3] =	stream.indirect.gather [hbm4b:s1+s8], $0x80, s13, s8, $0xb8;
	[tilespmem:$0x1E200] =	vst v63  }
0x9d: {  	_ =	swait.ge [sflag:s21], $0x3200  }
0x9e: {  	[sflag:s21] =	ssyncset.done $0x0  }
0x9f: {  	s18 =	simm.s32 $0x380;
	[sflag:s21] =	ssyncadd.s32 $0xFFFFCE00  }
0xa0: {  	[spmem:s2] =	stream.indirect.scatter.add.f32 [tilespmem:s16], [sflag:$0x5], $0x80, s18, s8, $0xb8;
	[tilespmem:$0x1E200] =	vst v63  }
0xa1: {  	_ =	swait.ge [sflag:s23], $0x3200  }
0xa2: {  	s4 =	rddreg [dreg:$0x6];
	[sflag:s23] =	ssyncset.done $0x0  }
0xa3: {  	[sflag:s23] =	ssyncadd.s32 $0xFFFFCE00;
	s7 =	sadd.s32 $0x0, s4  }
0xa4: {  	[tilespmem:s10], [sflag:$0xB] =	stream.linear.gather [hbm4b:s7+s3], $0x100, $0x38;
	[tilespmem:$0x1E200] =	vst v63  }
0xa5: {  	_ =	swait.ge [sflag:s14], $0x100  }
0xa6: {  	[sflag:s14] =	ssyncset.done $0x0  }
0xa7: {  	[sflag:s14] =	ssyncadd.s32 $0xFFFFFF00  }
0xa8: {  	[tilespmem:s6], [sflag:$0x1] =	stream.indirect.gather [hbm4b:s1+s8], $0x80, s3, s8, $0xb8;
	[tilespmem:$0x1E200] =	vst v63  }
0xa9: {  	_ =	swait.ge [sflag:s25], $0x3200  }
0xaa: {  	[sflag:s25] =	ssyncset.done $0x0  }
0xab: {  	s18 =	simm.s32 $0x580;
	[sflag:s25] =	ssyncadd.s32 $0xFFFFCE00  }
0xac: {  	[spmem:s2] =	stream.indirect.scatter.add.f32 [tilespmem:s20], [sflag:$0x6], $0x80, s18, s8, $0xb8;
	[tilespmem:$0x1E200] =	vst v63  }
0xad: {  	_ =	swait.ge [sflag:s28], $0x3200  }
0xae: {  	[sflag:s28] =	ssyncset.done $0x0  }
0xaf: {  	s4 =	sadd.s32 $0x20, s7;
	[sflag:s28] =	ssyncadd.s32 $0xFFFFCE00  }
0xb0: {  	[tilespmem:s11], [sflag:$0x8] =	stream.linear.gather [hbm4b:s4+s3], $0x100, $0x38;
	[tilespmem:$0x1E200] =	vst v63  }
0xb1: {  	_ =	swait.ge [sflag:s15], $0x100  }
0xb2: {  	[sflag:s15] =	ssyncset.done $0x0  }
0xb3: {  	[sflag:s15] =	ssyncadd.s32 $0xFFFFFF00  }
0xb4: {  	[tilespmem:s16], [sflag:$0x2] =	stream.indirect.gather [hbm4b:s1+s8], $0x80, s9, s8, $0xb8;
	[tilespmem:$0x1E200] =	vst v63  }
0xb5: {  	_ =	swait.ge [sflag:s17], $0x3200  }
0xb6: {  	[sflag:s17] =	ssyncset.done $0x0  }
0xb7: {  	[sflag:s17] =	ssyncadd.s32 $0xFFFFCE00  }
0xb8: {  	[spmem:s2] =	stream.indirect.scatter.add.f32 [tilespmem:s6], [sflag:$0x4], $0x80, s5, s8, $0xb8;
	[tilespmem:$0x1E200] =	vst v63  }
0xb9: {  	_ =	swait.ge [sflag:s31], $0x3200  }
0xba: {  	s5 =	rddreg [dreg:$0x7];
	[sflag:s31] =	ssyncset.done $0x0  }
0xbb: {  	[sflag:s31] =	ssyncadd.s32 $0xFFFFCE00;
	s18 =	sadd.s32 $0x0, s5  }
0xbc: {  	[tilespmem:s12], [sflag:$0xA] =	stream.linear.gather [hbm4b:s18+s3], $0x100, $0x38;
	[tilespmem:$0x1E200] =	vst v63  }
0xbd: {  	_ =	swait.ge [sflag:s19], $0x100  }
0xbe: {  	[sflag:s19] =	ssyncset.done $0x0  }
0xbf: {  	[sflag:s19] =	ssyncadd.s32 $0xFFFFFF00  }
0xc0: {  	[tilespmem:s20], [sflag:$0x3] =	stream.indirect.gather [hbm4b:s1+s8], $0x80, s10, s8, $0xb8;
	[tilespmem:$0x1E200] =	vst v63  }
0xc1: {  	_ =	swait.ge [sflag:s21], $0x3200  }
0xc2: {  	[sflag:s21] =	ssyncset.done $0x0  }
0xc3: {  	[sflag:s21] =	ssyncadd.s32 $0xFFFFCE00  }
0xc4: {  	[spmem:s2] =	stream.indirect.scatter.add.f32 [tilespmem:s16], [sflag:$0x5], $0x80, s22, s8, $0xb8;
	[tilespmem:$0x1E200] =	vst v63  }
0xc5: {  	_ =	swait.ge [sflag:s23], $0x3200  }
0xc6: {  	[sflag:s23] =	ssyncset.done $0x0  }
0xc7: {  	s7 =	sadd.s32 $0x60, s7;
	[sflag:s23] =	ssyncadd.s32 $0xFFFFCE00  }
0xc8: {  	[tilespmem:s13], [sflag:$0xC] =	stream.linear.gather [hbm4b:s7+s3], $0x100, $0x38;
	[tilespmem:$0x1E200] =	vst v63  }
0xc9: {  	_ =	swait.ge [sflag:s24], $0x100  }
0xca: {  	[sflag:s24] =	ssyncset.done $0x0  }
0xcb: {  	[sflag:s24] =	ssyncadd.s32 $0xFFFFFF00  }
0xcc: {  	[tilespmem:s6], [sflag:$0x1] =	stream.indirect.gather [hbm4b:s1+s8], $0x80, s11, s8, $0xb8;
	[tilespmem:$0x1E200] =	vst v63  }
0xcd: {  	_ =	swait.ge [sflag:s25], $0x3200  }
0xce: {  	[sflag:s25] =	ssyncset.done $0x0  }
0xcf: {  	[sflag:s25] =	ssyncadd.s32 $0xFFFFCE00  }
0xd0: {  	[spmem:s2] =	stream.indirect.scatter.add.f32 [tilespmem:s20], [sflag:$0x6], $0x80, s26, s8, $0xb8;
	[tilespmem:$0x1E200] =	vst v63  }
0xd1: {  	_ =	swait.ge [sflag:s28], $0x3200  }
0xd2: {  	s18 =	rddreg [dreg:$0x5];
	[sflag:s28] =	ssyncset.done $0x0  }
0xd3: {  	[sflag:s28] =	ssyncadd.s32 $0xFFFFCE00;
	s7 =	sadd.s32 $0x0, s18  }
0xd4: {  	[tilespmem:s3], [sflag:$0x7] =	stream.linear.gather [hbm4b:s7+s3], $0x100, $0x38;
	[tilespmem:$0x1E200] =	vst v63  }
0xd5: {  	_ =	swait.ge [sflag:s29], $0x100  }
0xd6: {  	[sflag:s29] =	ssyncset.done $0x0  }
0xd7: {  	[sflag:s29] =	ssyncadd.s32 $0xFFFFFF00  }
0xd8: {  	[tilespmem:s16], [sflag:$0x2] =	stream.indirect.gather [hbm4b:s1+s8], $0x80, s12, s8, $0xb8;
	[tilespmem:$0x1E200] =	vst v63  }
0xd9: {  	_ =	swait.ge [sflag:s17], $0x3200  }
0xda: {  	[sflag:s17] =	ssyncset.done $0x0  }
0xdb: {  	s22 =	simm.s32 $0x180;
	[sflag:s17] =	ssyncadd.s32 $0xFFFFCE00  }
0xdc: {  	[spmem:s2] =	stream.indirect.scatter.add.f32 [tilespmem:s6], [sflag:$0x4], $0x80, s22, s8, $0xb8;
	[tilespmem:$0x1E200] =	vst v63  }
0xdd: {  	_ =	swait.ge [sflag:s31], $0x3200  }
0xde: {  	s26 =	rddreg [dreg:$0x4];
	[sflag:s31] =	ssyncset.done $0x0  }
0xdf: {  	[sflag:s31] =	ssyncadd.s32 $0xFFFFCE00;
	s7 =	sadd.s32 $0x0, s26  }
0xe0: {  	[tilespmem:s9], [sflag:$0x9] =	stream.linear.gather [hbm4b:s7+s3], $0x100, $0x38;
	[tilespmem:$0x1E200] =	vst v63  }
0xe1: {  	_ =	swait.ge [sflag:s0], $0x100  }
0xe2: {  	[sflag:s0] =	ssyncset.done $0x0  }
0xe3: {  	[sflag:s0] =	ssyncadd.s32 $0xFFFFFF00  }
0xe4: {  	[tilespmem:s20], [sflag:$0x3] =	stream.indirect.gather [hbm4b:s1+s8], $0x80, s13, s8, $0xb8;
	[tilespmem:$0x1E200] =	vst v63  }
0xe5: {  	_ =	swait.ge [sflag:s21], $0x3200  }
0xe6: {  	s4 =	simm.s32 $0x80;
	[sflag:s21] =	ssyncset.done $0x0  }
0xe7: {  	s5 =	simm.s32 $0x480;
	s7 =	simm.s32 $0xC0;
	[sflag:s21] =	ssyncadd.s32 $0xFFFFCE00  }
.LBB2_4:
0xe8: {  	s18 =	simm.s32 $0x380  }
0xe9: {  	[spmem:s2] =	stream.indirect.scatter.add.f32 [tilespmem:s16], [sflag:$0x5], $0x80, s18, s8, $0xb8;
	[tilespmem:$0x1E200] =	vst v63  }
0xea: {  	_ =	swait.ge [sflag:s23], $0x3200  }
0xeb: {  	s18 =	smov.u32 s7;
	s22 =	rddreg [dreg:$0x6];
	[sflag:s23] =	ssyncset.done $0x0  }
0xec: {  	[sflag:s23] =	ssyncadd.s32 $0xFFFFCE00;
	s22 =	sadd.s32 s18, s22  }
0xed: {  	[tilespmem:s10], [sflag:$0xB] =	stream.linear.gather [hbm4b:s22+s3], $0x100, $0x38;
	[tilespmem:$0x1E200] =	vst v63  }
0xee: {  	_ =	swait.ge [sflag:s14], $0x100  }
0xef: {  	[sflag:s14] =	ssyncset.done $0x0  }
0xf0: {  	[sflag:s14] =	ssyncadd.s32 $0xFFFFFF00  }
0xf1: {  	[tilespmem:s6], [sflag:$0x1] =	stream.indirect.gather [hbm4b:s1+s8], $0x80, s3, s8, $0xb8;
	[tilespmem:$0x1E200] =	vst v63  }
0xf2: {  	_ =	swait.ge [sflag:s25], $0x3200  }
0xf3: {  	[sflag:s25] =	ssyncset.done $0x0  }
0xf4: {  	s26 =	simm.s32 $0x580;
	[sflag:s25] =	ssyncadd.s32 $0xFFFFCE00  }
0xf5: {  	[spmem:s2] =	stream.indirect.scatter.add.f32 [tilespmem:s20], [sflag:$0x6], $0x80, s26, s8, $0xb8;
	[tilespmem:$0x1E200] =	vst v63  }
0xf6: {  	_ =	swait.ge [sflag:s28], $0x3200  }
0xf7: {  	[sflag:s28] =	ssyncset.done $0x0  }
0xf8: {  	s26 =	sadd.s32 $0x20, s22;
	[sflag:s28] =	ssyncadd.s32 $0xFFFFCE00  }
0xf9: {  	[tilespmem:s11], [sflag:$0x8] =	stream.linear.gather [hbm4b:s26+s3], $0x100, $0x38;
	[tilespmem:$0x1E200] =	vst v63  }
0xfa: {  	_ =	swait.ge [sflag:s15], $0x100  }
0xfb: {  	[sflag:s15] =	ssyncset.done $0x0  }
0xfc: {  	[sflag:s15] =	ssyncadd.s32 $0xFFFFFF00  }
0xfd: {  	[tilespmem:s16], [sflag:$0x2] =	stream.indirect.gather [hbm4b:s1+s8], $0x80, s9, s8, $0xb8;
	[tilespmem:$0x1E200] =	vst v63  }
0xfe: {  	_ =	swait.ge [sflag:s17], $0x3200  }
0xff: {  	[sflag:s17] =	ssyncset.done $0x0  }
0x100: {  	[sflag:s17] =	ssyncadd.s32 $0xFFFFCE00  }
0x101: {  	[spmem:s2] =	stream.indirect.scatter.add.f32 [tilespmem:s6], [sflag:$0x4], $0x80, s4, s8, $0xb8;
	[tilespmem:$0x1E200] =	vst v63  }
0x102: {  	_ =	swait.ge [sflag:s31], $0x3200  }
0x103: {  	s26 =	rddreg [dreg:$0x7];
	[sflag:s31] =	ssyncset.done $0x0  }
0x104: {  	[sflag:s31] =	ssyncadd.s32 $0xFFFFCE00;
	s26 =	sadd.s32 s18, s26  }
0x105: {  	[tilespmem:s12], [sflag:$0xA] =	stream.linear.gather [hbm4b:s26+s3], $0x100, $0x38;
	[tilespmem:$0x1E200] =	vst v63  }
0x106: {  	_ =	swait.ge [sflag:s19], $0x100  }
0x107: {  	[sflag:s19] =	ssyncset.done $0x0  }
0x108: {  	[sflag:s19] =	ssyncadd.s32 $0xFFFFFF00  }
0x109: {  	[tilespmem:s20], [sflag:$0x3] =	stream.indirect.gather [hbm4b:s1+s8], $0x80, s10, s8, $0xb8;
	[tilespmem:$0x1E200] =	vst v63  }
0x10a: {  	_ =	swait.ge [sflag:s21], $0x3200  }
0x10b: {  	[sflag:s21] =	ssyncset.done $0x0  }
0x10c: {  	s26 =	simm.s32 $0x280;
	[sflag:s21] =	ssyncadd.s32 $0xFFFFCE00  }
0x10d: {  	[spmem:s2] =	stream.indirect.scatter.add.f32 [tilespmem:s16], [sflag:$0x5], $0x80, s26, s8, $0xb8;
	[tilespmem:$0x1E200] =	vst v63  }
0x10e: {  	_ =	swait.ge [sflag:s23], $0x3200  }
0x10f: {  	[sflag:s23] =	ssyncset.done $0x0  }
0x110: {  	s22 =	sadd.s32 $0x60, s22;
	[sflag:s23] =	ssyncadd.s32 $0xFFFFCE00  }
0x111: {  	[tilespmem:s13], [sflag:$0xC] =	stream.linear.gather [hbm4b:s22+s3], $0x100, $0x38;
	[tilespmem:$0x1E200] =	vst v63  }
0x112: {  	_ =	swait.ge [sflag:s24], $0x100  }
0x113: {  	[sflag:s24] =	ssyncset.done $0x0  }
0x114: {  	[sflag:s24] =	ssyncadd.s32 $0xFFFFFF00  }
0x115: {  	[tilespmem:s6], [sflag:$0x1] =	stream.indirect.gather [hbm4b:s1+s8], $0x80, s11, s8, $0xb8;
	[tilespmem:$0x1E200] =	vst v63  }
0x116: {  	_ =	swait.ge [sflag:s25], $0x3200  }
0x117: {  	[sflag:s25] =	ssyncset.done $0x0  }
0x118: {  	[sflag:s25] =	ssyncadd.s32 $0xFFFFCE00  }
0x119: {  	[spmem:s2] =	stream.indirect.scatter.add.f32 [tilespmem:s20], [sflag:$0x6], $0x80, s5, s8, $0xb8;
	[tilespmem:$0x1E200] =	vst v63  }
0x11a: {  	_ =	swait.ge [sflag:s28], $0x3200  }
0x11b: {  	s22 =	rddreg [dreg:$0x5];
	[sflag:s28] =	ssyncset.done $0x0  }
0x11c: {  	[sflag:s28] =	ssyncadd.s32 $0xFFFFCE00;
	s22 =	sadd.s32 s18, s22  }
0x11d: {  	[tilespmem:s3], [sflag:$0x7] =	stream.linear.gather [hbm4b:s22+s3], $0x100, $0x38;
	[tilespmem:$0x1E200] =	vst v63  }
0x11e: {  	_ =	swait.ge [sflag:s29], $0x100  }
0x11f: {  	[sflag:s29] =	ssyncset.done $0x0  }
0x120: {  	[sflag:s29] =	ssyncadd.s32 $0xFFFFFF00  }
0x121: {  	[tilespmem:s16], [sflag:$0x2] =	stream.indirect.gather [hbm4b:s1+s8], $0x80, s12, s8, $0xb8;
	[tilespmem:$0x1E200] =	vst v63  }
0x122: {  	_ =	swait.ge [sflag:s17], $0x3200  }
0x123: {  	[sflag:s17] =	ssyncset.done $0x0  }
0x124: {  	[sflag:s17] =	ssyncadd.s32 $0xFFFFCE00  }
0x125: {  	[spmem:s2] =	stream.indirect.scatter.add.f32 [tilespmem:s6], [sflag:$0x4], $0x80, s30, s8, $0xb8;
	[tilespmem:$0x1E200] =	vst v63  }
0x126: {  	_ =	swait.ge [sflag:s31], $0x3200  }
0x127: {  	s22 =	rddreg [dreg:$0x4];
	[sflag:s31] =	ssyncset.done $0x0  }
0x128: {  	[sflag:s31] =	ssyncadd.s32 $0xFFFFCE00;
	s18 =	sadd.s32 s18, s22  }
0x129: {  	[tilespmem:s9], [sflag:$0x9] =	stream.linear.gather [hbm4b:s18+s3], $0x100, $0x38;
	[tilespmem:$0x1E200] =	vst v63  }
0x12a: {  	_ =	swait.ge [sflag:s0], $0x100  }
0x12b: {  	p0 =	sne.s32 s7, $0xA80;
	[sflag:s0] =	ssyncset.done $0x0  }
.Ltmp1:
0x12c: {  	[sflag:s0] =	ssyncadd.s32 $0xFFFFFF00;
	(pc) =	sbr.rel @p0 .LBB2_4-.Ltmp1, $4  }
0x12d: {  	[tilespmem:s20], [sflag:$0x3] =	stream.indirect.gather [hbm4b:s1+s8], $0x80, s13, s8, $0xb8;
	[tilespmem:$0x1E200] =	vst v63  }
0x12e: {  	_ =	swait.ge [sflag:s21], $0x3200  }
0x12f: {  	[sflag:s21] =	ssyncset.done $0x0  }
0x130: {  	s7 =	sadd.s32 $0xC0, s7;
	[sflag:s21] =	ssyncadd.s32 $0xFFFFCE00  }
0x131: {  	s7 =	simm.s32 $0x380  }
0x132: {  	[spmem:s2] =	stream.indirect.scatter.add.f32 [tilespmem:s16], [sflag:$0x5], $0x80, s7, s8, $0xb8;
	[tilespmem:$0x1E200] =	vst v63  }
0x133: {  	_ =	swait.ge [sflag:s23], $0x3200  }
0x134: {  	[sflag:s23] =	ssyncset.done $0x0  }
0x135: {  	s22 =	rddreg [dreg:$0x16];
	[sflag:s23] =	ssyncadd.s32 $0xFFFFCE00  }
0x136: {  	[tilespmem:s10], [sflag:$0xB] =	stream.linear.gather [hbm4b:s22+s3], $0x100, $0x38;
	[tilespmem:$0x1E200] =	vst v63  }
0x137: {  	_ =	swait.ge [sflag:s14], $0x100  }
0x138: {  	[sflag:s14] =	ssyncset.done $0x0  }
0x139: {  	[sflag:s14] =	ssyncadd.s32 $0xFFFFFF00  }
0x13a: {  	[tilespmem:s6], [sflag:$0x1] =	stream.indirect.gather [hbm4b:s1+s8], $0x80, s3, s8, $0xb8;
	[tilespmem:$0x1E200] =	vst v63  }
0x13b: {  	_ =	swait.ge [sflag:s25], $0x3200  }
0x13c: {  	[sflag:s25] =	ssyncset.done $0x0  }
0x13d: {  	s18 =	simm.s32 $0x580;
	[sflag:s25] =	ssyncadd.s32 $0xFFFFCE00  }
0x13e: {  	[spmem:s2] =	stream.indirect.scatter.add.f32 [tilespmem:s20], [sflag:$0x6], $0x80, s18, s8, $0xb8;
	[tilespmem:$0x1E200] =	vst v63  }
0x13f: {  	_ =	swait.ge [sflag:s28], $0x3200  }
0x140: {  	[sflag:s28] =	ssyncset.done $0x0  }
0x141: {  	s22 =	rddreg [dreg:$0x17];
	[sflag:s28] =	ssyncadd.s32 $0xFFFFCE00  }
0x142: {  	[tilespmem:s11], [sflag:$0x8] =	stream.linear.gather [hbm4b:s22+s3], $0x100, $0x38;
	[tilespmem:$0x1E200] =	vst v63  }
0x143: {  	_ =	swait.ge [sflag:s15], $0x100  }
0x144: {  	[sflag:s15] =	ssyncset.done $0x0  }
0x145: {  	[sflag:s15] =	ssyncadd.s32 $0xFFFFFF00  }
0x146: {  	[tilespmem:s16], [sflag:$0x2] =	stream.indirect.gather [hbm4b:s1+s8], $0x80, s9, s8, $0xb8;
	[tilespmem:$0x1E200] =	vst v63  }
0x147: {  	_ =	swait.ge [sflag:s17], $0x3200  }
0x148: {  	[sflag:s17] =	ssyncset.done $0x0  }
0x149: {  	[sflag:s17] =	ssyncadd.s32 $0xFFFFCE00  }
0x14a: {  	[spmem:s2] =	stream.indirect.scatter.add.f32 [tilespmem:s6], [sflag:$0x4], $0x80, s4, s8, $0xb8;
	[tilespmem:$0x1E200] =	vst v63  }
0x14b: {  	_ =	swait.ge [sflag:s31], $0x3200  }
0x14c: {  	[sflag:s31] =	ssyncset.done $0x0  }
0x14d: {  	[sflag:s31] =	ssyncadd.s32 $0xFFFFCE00  }
0x14e: {  	_ =	swait.ge [sflag:s19], $0x100  }
0x14f: {  	[sflag:s19] =	ssyncset.done $0x0  }
0x150: {  	[sflag:s19] =	ssyncadd.s32 $0xFFFFFF00  }
0x151: {  	[tilespmem:s20], [sflag:$0x3] =	stream.indirect.gather [hbm4b:s1+s8], $0x80, s10, s8, $0xb8;
	[tilespmem:$0x1E200] =	vst v63  }
0x152: {  	_ =	swait.ge [sflag:s21], $0x3200  }
0x153: {  	[sflag:s21] =	ssyncset.done $0x0  }
0x154: {  	[sflag:s21] =	ssyncadd.s32 $0xFFFFCE00  }
0x155: {  	[spmem:s2] =	stream.indirect.scatter.add.f32 [tilespmem:s16], [sflag:$0x5], $0x80, s26, s8, $0xb8;
	[tilespmem:$0x1E200] =	vst v63  }
0x156: {  	_ =	swait.ge [sflag:s23], $0x3200  }
0x157: {  	[sflag:s23] =	ssyncset.done $0x0  }
0x158: {  	[sflag:s23] =	ssyncadd.s32 $0xFFFFCE00  }
0x159: {  	_ =	swait.ge [sflag:s24], $0x100  }
0x15a: {  	[sflag:s24] =	ssyncset.done $0x0  }
0x15b: {  	[sflag:s24] =	ssyncadd.s32 $0xFFFFFF00  }
0x15c: {  	[tilespmem:s6], [sflag:$0x1] =	stream.indirect.gather [hbm4b:s1+s8], $0x80, s11, s8, $0xb8;
	[tilespmem:$0x1E200] =	vst v63  }
0x15d: {  	_ =	swait.ge [sflag:s25], $0x3200  }
0x15e: {  	[sflag:s25] =	ssyncset.done $0x0  }
0x15f: {  	[sflag:s25] =	ssyncadd.s32 $0xFFFFCE00  }
0x160: {  	[spmem:s2] =	stream.indirect.scatter.add.f32 [tilespmem:s20], [sflag:$0x6], $0x80, s5, s8, $0xb8;
	[tilespmem:$0x1E200] =	vst v63  }
0x161: {  	_ =	swait.ge [sflag:s17], $0x3200  }
0x162: {  	[sflag:s17] =	ssyncset.done $0x0  }
0x163: {  	[sflag:s17] =	ssyncadd.s32 $0xFFFFCE00  }
0x164: {  	[spmem:s2] =	stream.indirect.scatter.add.f32 [tilespmem:s6], [sflag:$0x4], $0x80, s30, s8, $0xb8;
	[tilespmem:$0x1E200] =	vst v63  }
0x165: {  	_ =	swait.ge [sflag:s23], $0x3200  }
0x166: {  	[sflag:s23] =	ssyncset.done $0x0  }
0x167: {  	[sflag:s23] =	ssyncadd.s32 $0xFFFFCE00  }
0x168: {  	_ =	swait.ge [sflag:s28], $0x3200  }
0x169: {  	[sflag:s28] =	ssyncset.done $0x0  }
0x16a: {  	[sflag:s28] =	ssyncadd.s32 $0xFFFFCE00  }
0x16b: {  	_ =	swait.ge [sflag:s31], $0x3200  }
0x16c: {  	[sflag:s31] =	ssyncset.done $0x0  }
0x16d: {  	[sflag:s31] =	ssyncadd.s32 $0xFFFFCE00  }
0x16e: {  	s26 =	stileid.u32;
	[bflag:$0x0] =	sbarrier.arrive $0xFFFF  }
0x16f: {  	s7 =	sshll.u32 s26, $0x6;
	s26 =	simm.s32 $0xD;
	s18 =	rddreg [dreg:$0x8]  }
0x170: {  	s7 =	sor.u32 $0x1C0D, s7;
	s22 =	rddreg [dreg:$0x10];
	s18 =	sshrl.u32 s18, $0x3  }
0x171: {  	[hbm:s22], [sflag:s7] =	dma.local [spmem:s18], $0x800  }
0x172: {  	_ =	swait.ge [sflag:s26], $0x800  }
0x173: {  	[sflag:s26] =	ssyncset.done $0x0;
	s4 =	rddreg [dreg:$0x11]  }
0x174: {  	s5 =	rddreg [dreg:$0x19];
	[sflag:s26] =	ssyncadd.s32 $0xFFFFF800  }
0x175: {  	[hbm:s4], [sflag:s7] =	dma.local [spmem:s5], $0x800  }
0x176: {  	_ =	swait.ge [sflag:s26], $0x800  }
0x177: {  	[sflag:s26] =	ssyncset.done $0x0;
	s4 =	rddreg [dreg:$0x12]  }
0x178: {  	s5 =	rddreg [dreg:$0x1a];
	[sflag:s26] =	ssyncadd.s32 $0xFFFFF800  }
0x179: {  	[hbm:s4], [sflag:s7] =	dma.local [spmem:s5], $0x800  }
0x17a: {  	_ =	swait.ge [sflag:s26], $0x800  }
0x17b: {  	[sflag:s26] =	ssyncset.done $0x0;
	s4 =	rddreg [dreg:$0x13]  }
0x17c: {  	s5 =	rddreg [dreg:$0x1b];
	[sflag:s26] =	ssyncadd.s32 $0xFFFFF800  }
0x17d: {  	[hbm:s4], [sflag:s7] =	dma.local [spmem:s5], $0x800  }
0x17e: {  	_ =	swait.ge [sflag:s26], $0x800  }
0x17f: {  	[sflag:s26] =	ssyncset.done $0x0;
	s4 =	rddreg [dreg:$0x14]  }
0x180: {  	s5 =	rddreg [dreg:$0x1c];
	[sflag:s26] =	ssyncadd.s32 $0xFFFFF800  }
0x181: {  	[hbm:s4], [sflag:s7] =	dma.local [spmem:s5], $0x800  }
0x182: {  	_ =	swait.ge [sflag:s26], $0x800  }
0x183: {  	s18 =	sld [smem:$0x7F9];
	_ =	sdelay $0x2  }
0x184: {  	s22 =	rddreg [dreg:$0x18];
	s4 =	sadd.s32 $0x1, s18  }
0x185: {  	p0 =	sne.s32 s4, s22  }
.Ltmp2:
0x186: {  	_ = 	snop;
	(pc) =	sbr.rel @p0 .LBB2_1-.Ltmp2, $3  }
0x187: {  	_ =	sdelay $0x1  }
0x188: {  	[sflag:s26] =	ssyncset.done $0x0  }
0x189: {  	[sflag:s26] =	ssyncadd.s32 $0xFFFFF800  }
0x18a: {  	_ =	sfence.sel $0x180000  }
0x18b: {  	[bflag:$0x0] =	sbarrier.arrive $0xFFFF  }
0x18c: {  	_ =	strace $0x9000004A  }
0x18d: {  	s0 =	stileid.u32;
	[bflag:$0x2] =	sbarrier.arrive $0xFFFF  }
0x18e: {  	p0 =	sne.s32 s0, $0x0;
	s0 =	rddreg [dreg:$0x3]  }
0x18f: {  	s0 =	sadd.s32 @!p0 $0x100000, s0  }
0x190: {  	[sflag:s0] =	ssyncadd.tile.s32 @!p0 $0x1;
	_ =	shalt  }
.Lfunc_end2:
_tile_overlayer_lowered:
.L_overlay_start_2:
0x191: {  	(tag) =	ssettag $0x2  }
0x192: {  	s0 =	rddreg [dreg:$0x0];
	s2 =	stileid.u32  }
0x193: {  	s1 =	rddreg [dreg:$0x1];
	p0 =	sne.s32 s2, $0x0  }
0x194: {  	s3 =	rddreg [dreg:$0x2];
	[bflag:$0x3] =	sbarrier.arrive $0xFFFF;
	s2 =	simm.s32 @!p0 $0x1C0D  }
0x195: {  	[timem:s3], [sflag:s2] =	dma.local @!p0 [hbm:s0], s1  }
0x196: {  	s0 =	simm.s32 @!p0 $0xD  }
0x197: {  	_ =	swait.ge @!p0 [sflag:s0], s1  }
0x198: {  	s1 =	ssub.s32 @!p0 $0x0, s1;
	[sflag:s0] =	ssyncset.done @!p0 $0x0  }
0x199: {  	[sflag:s0] =	ssyncadd.s32 @!p0 s1  }
0x19a: {  	[bflag:$0x3] =	sbarrier.arrive $0xFFFF  }
0x19b: {  	_ =	shalt  }

</sc_bundles>
